<compile_context>
chip_gen: v7x
topology: tpu7x:2x2x1
jax: 0.10.2.dev20260603
libtpu: 0.0.44.dev20260713+nightly
codegen_flags: <defaults>
</compile_context>

<pallas_src>
import functools

import jax
import jax.numpy as jnp
from jax import lax
from jax.experimental import pallas as pl
from jax.experimental.pallas import tpu as pltpu
from jax.experimental.pallas import tpu_sc as plsc

N = 10000
E = 160000
CH = 256
HALF = 128
NPAD = 10240
EPAD = 163840
CHUNK = 128
ROWB = 2000
GRP = 8

_SQRT_HALF = 0.7071067811865476


def _gelu(v):
    return 0.5 * v * (1.0 + lax.erf(v * _SQRT_HALF))



def _embed_msg_body(x_ref, we_ref, be_ref, w1_ref, b1_ref, out_ref):
    h = jnp.dot(x_ref[...], we_ref[...], preferred_element_type=jnp.float32)
    h = h + be_ref[...]
    w1 = w1_ref[...]
    b1 = b1_ref[...]
    for c in range(2):
        t = jnp.dot(h, w1[:, c * HALF:(c + 1) * HALF],
                    preferred_element_type=jnp.float32) + b1[:, c * HALF:(c + 1) * HALF]
        out_ref[c] = _gelu(t)


def _embed_msg(x, we, be, w1, b1):
    grid = (N // ROWB,)
    return pl.pallas_call(
        _embed_msg_body,
        grid=grid,
        in_specs=[
            pl.BlockSpec((ROWB, x.shape[1]), lambda i: (i, 0)),
            pl.BlockSpec((x.shape[1], CH), lambda i: (0, 0)),
            pl.BlockSpec((1, CH), lambda i: (0, 0)),
            pl.BlockSpec((CH, CH), lambda i: (0, 0)),
            pl.BlockSpec((1, CH), lambda i: (0, 0)),
        ],
        out_specs=pl.BlockSpec((2, ROWB, HALF), lambda i: (0, i, 0)),
        out_shape=jax.ShapeDtypeStruct((2, N, HALF), jnp.float32),
    )(x, we, be, w1, b1)


def _upd_msg_body(agg_ref, inv_ref, w2_ref, b2_ref, w1_ref, b1_ref, out_ref):
    a = jnp.concatenate([agg_ref[0], agg_ref[1]], axis=1) * inv_ref[...]
    u = jnp.dot(a, w2_ref[...], preferred_element_type=jnp.float32) + b2_ref[...]
    u = _gelu(u)
    w1 = w1_ref[...]
    b1 = b1_ref[...]
    for c in range(2):
        t = jnp.dot(u, w1[:, c * HALF:(c + 1) * HALF],
                    preferred_element_type=jnp.float32) + b1[:, c * HALF:(c + 1) * HALF]
        out_ref[c] = _gelu(t)


def _upd_msg(agg, invd, w2, b2, w1, b1):
    grid = (N // ROWB,)
    return pl.pallas_call(
        _upd_msg_body,
        grid=grid,
        in_specs=[
            pl.BlockSpec((2, ROWB, HALF), lambda i: (0, i, 0)),
            pl.BlockSpec((ROWB, 1), lambda i: (i, 0)),
            pl.BlockSpec((CH, CH), lambda i: (0, 0)),
            pl.BlockSpec((1, CH), lambda i: (0, 0)),
            pl.BlockSpec((CH, CH), lambda i: (0, 0)),
            pl.BlockSpec((1, CH), lambda i: (0, 0)),
        ],
        out_specs=pl.BlockSpec((2, ROWB, HALF), lambda i: (0, i, 0)),
        out_shape=jax.ShapeDtypeStruct((2, N, HALF), jnp.float32),
    )(agg, invd, w2, b2, w1, b1)


def _final_body(agg_ref, inv_ref, w2_ref, b2_ref, out_ref):
    a = jnp.concatenate([agg_ref[0], agg_ref[1]], axis=1) * inv_ref[...]
    u = jnp.dot(a, w2_ref[...], preferred_element_type=jnp.float32) + b2_ref[...]
    u = _gelu(u)
    out_ref[...] = jnp.sum(u, axis=1, keepdims=True) * (1.0 / CH)


def _final(agg, invd, w2, b2):
    grid = (N // ROWB,)
    return pl.pallas_call(
        _final_body,
        grid=grid,
        in_specs=[
            pl.BlockSpec((2, ROWB, HALF), lambda i: (0, i, 0)),
            pl.BlockSpec((ROWB, 1), lambda i: (i, 0)),
            pl.BlockSpec((CH, CH), lambda i: (0, 0)),
            pl.BlockSpec((1, CH), lambda i: (0, 0)),
        ],
        out_specs=pl.BlockSpec((ROWB, 1), lambda i: (i, 0)),
        out_shape=jax.ShapeDtypeStruct((N, 1), jnp.float32),
    )(agg, invd, w2, b2)



@functools.cache
def _make_agg_kernel():
    mesh = plsc.VectorSubcoreMesh(core_axis_name="c", subcore_axis_name="s")
    return functools.partial(
        pl.kernel,
        out_type=jax.ShapeDtypeStruct((2, NPAD, HALF), jnp.float32),
        mesh=mesh,
        scratch_types=[
            pltpu.VMEM((GRP, CHUNK), jnp.int32),
            pltpu.VMEM((GRP, CHUNK), jnp.int32),
            pltpu.VMEM((CHUNK, HALF), jnp.float32),
            pltpu.VMEM((CHUNK, HALF), jnp.float32),
            pltpu.VMEM_SHARED((NPAD, HALF), jnp.float32),
            pltpu.SemaphoreType.DMA,
            pltpu.SemaphoreType.DMA,
        ],
    )(_agg_body)


def _agg_body(t_hbm, srcofs_hbm, dst_hbm, zeros_hbm, out_hbm,
              src_v, dst_v, rows_a, rows_b, acc_sh, sem_a, sem_b):
    c = lax.axis_index("c")
    s = lax.axis_index("s")
    nch = EPAD // CHUNK // 16

    @pl.when(s == 0)
    def _zero():
        pltpu.sync_copy(zeros_hbm, acc_sh)

    plsc.subcore_barrier()
    base = s * nch

    def gather_start(k, rows, sem):
        pltpu.make_async_copy(t_hbm.at[src_v.at[k]], rows, sem).start()

    def gather_wait(k, rows, sem):
        pltpu.make_async_copy(t_hbm.at[src_v.at[k]], rows, sem).wait()

    def group(g, carry):
        gb = base + g * GRP
        pltpu.sync_copy(srcofs_hbm.at[c, pl.ds(gb, GRP)], src_v)
        pltpu.sync_copy(dst_hbm.at[pl.ds(gb, GRP)], dst_v)
        gather_start(0, rows_a, sem_a)
        for j in range(GRP):
            rows, sem = (rows_a, sem_a) if j % 2 == 0 else (rows_b, sem_b)
            nrows, nsem = (rows_b, sem_b) if j % 2 == 0 else (rows_a, sem_a)
            if j + 1 < GRP:
                gather_start(j + 1, nrows, nsem)
            gather_wait(j, rows, sem)
            pltpu.sync_copy(rows, acc_sh.at[dst_v.at[j]], add=True)
        return carry

    lax.fori_loop(0, nch // GRP, group, 0)
    plsc.subcore_barrier()
    rpt = NPAD // 16
    pltpu.sync_copy(acc_sh.at[pl.ds(s * rpt, rpt)],
                    out_hbm.at[c, pl.ds(s * rpt, rpt)])


@functools.cache
def _make_deg_kernel():
    mesh = plsc.VectorSubcoreMesh(core_axis_name="c", subcore_axis_name="s")
    return functools.partial(
        pl.kernel,
        out_type=jax.ShapeDtypeStruct((2, NPAD, HALF), jnp.float32),
        mesh=mesh,
        scratch_types=[
            pltpu.VMEM((EPAD // CHUNK // 32, CHUNK), jnp.int32),
            pltpu.VMEM((CHUNK, HALF), jnp.float32),
            pltpu.VMEM_SHARED((NPAD, HALF), jnp.float32),
        ],
    )(_deg_body)


def _deg_body(dst_hbm, ones_hbm, zeros_hbm, out_hbm,
              dst_v, ones_v, acc_sh):
    c = lax.axis_index("c")
    s = lax.axis_index("s")
    pltpu.sync_copy(ones_hbm, ones_v)

    @pl.when(s == 0)
    def _zero():
        pltpu.sync_copy(zeros_hbm, acc_sh)

    plsc.subcore_barrier()

    nch = EPAD // CHUNK // 32
    base = (c * 16 + s) * nch
    pltpu.sync_copy(dst_hbm.at[pl.ds(base, nch)], dst_v)

    def body(k, carry):
        pltpu.sync_copy(ones_v, acc_sh.at[dst_v.at[k]], add=True)
        return carry

    lax.fori_loop(0, nch, body, 0)
    plsc.subcore_barrier()
    rpt = NPAD // 16
    pltpu.sync_copy(acc_sh.at[pl.ds(s * rpt, rpt)],
                    out_hbm.at[c, pl.ds(s * rpt, rpt)])



def kernel(x, edge_index, W_embed, b_embed, W1, b1, W2, b2):
    src = edge_index[0].astype(jnp.int32)
    dst = edge_index[1].astype(jnp.int32)
    pad = EPAD - E
    src_p = jnp.concatenate([src, jnp.zeros((pad,), jnp.int32)])
    dst_p = jnp.concatenate([dst, jnp.full((pad,), N, jnp.int32)])
    srcofs = jnp.concatenate([src_p, src_p + N]).reshape(2, EPAD // CHUNK, CHUNK)
    dst_r = dst_p.reshape(EPAD // CHUNK, CHUNK)

    zeros_full = jnp.zeros((NPAD, HALF), jnp.float32)
    ones_deg = jnp.ones((CHUNK, HALF), jnp.float32)

    be = b_embed.reshape(1, CH)
    b1r = b1.reshape(-1, 1, CH)
    b2r = b2.reshape(-1, 1, CH)

    degp = _make_deg_kernel()(dst_r, ones_deg, zeros_full)
    deg = jnp.maximum(degp[0, :N, 0] + degp[1, :N, 0], 1.0)
    invd = (1.0 / deg).reshape(N, 1)
    t = _embed_msg(x, W_embed, be, W1[0], b1r[0])
    for l in range(4):
        agg = _make_agg_kernel()(t.reshape(2 * N, HALF), srcofs, dst_r, zeros_full)
        if l < 3:
            t = _upd_msg(agg, invd, W2[l], b2r[l], W1[l + 1], b1r[l + 1])
        else:
            out = _final(agg, invd, W2[3], b2r[3])
    return out.reshape(N)

# --- scband reference (transcript-rebuilt; emitter-appended) ---
"""Pipeline reference for scband-conductivity-predictor-48120813584643 (READ-ONLY COPY).

The authoritative reference and input builder live on the scoring server;
editing this copy changes nothing except your own understanding.
"""

import jax, jax.numpy as jnp
import numpy as np

N_NODES = 10000
N_EDGES = 160000
IN_DIM = 118
CH = 256
N_LAYERS = 4


def setup_inputs(seed: int = 0) -> dict:
    key = jax.random.key(seed)
    ks = jax.random.split(key, 10)
    x = jax.random.normal(ks[0], (N_NODES, IN_DIM), dtype=jnp.float32)
    edge_index = jax.random.randint(ks[1], (2, N_EDGES), 0, N_NODES, dtype=jnp.int64 if jax.config.jax_enable_x64 else jnp.int32)
    W_embed = jax.random.normal(ks[2], (IN_DIM, CH), dtype=jnp.float32) * (1.0 / np.sqrt(IN_DIM))
    b_embed = jnp.zeros((CH,), dtype=jnp.float32)
    W1 = jax.random.normal(ks[3], (N_LAYERS, CH, CH), dtype=jnp.float32) * (1.0 / np.sqrt(CH))
    b1 = jnp.zeros((N_LAYERS, CH), dtype=jnp.float32)
    W2 = jax.random.normal(ks[4], (N_LAYERS, CH, CH), dtype=jnp.float32) * (1.0 / np.sqrt(CH))
    b2 = jnp.zeros((N_LAYERS, CH), dtype=jnp.float32)
    return {"x": x, "edge_index": edge_index, "W_embed": W_embed, "b_embed": b_embed,
            "W1": W1, "b1": b1, "W2": W2, "b2": b2}


def reference(x, edge_index, W_embed, b_embed, W1, b1, W2, b2):
    # ConductivityPredictor.forward (eval mode: dropout = identity)
    src = edge_index[0]
    dst = edge_index[1]
    n = x.shape[0]
    h = x @ W_embed + b_embed  # node_embed
    ones = jnp.ones((src.shape[0],), dtype=h.dtype)
    deg = jax.ops.segment_sum(ones, dst, num_segments=n)
    deg = jnp.maximum(deg, 1.0)[:, None]
    for l in range(N_LAYERS):
        # message: dense1(x_j) -> gelu (exact, matching torch default)
        m = h[src] @ W1[l] + b1[l]
        m = jax.nn.gelu(m, approximate=False)
        # aggr: mean over incoming edges per destination node
        agg = jax.ops.segment_sum(m, dst, num_segments=n) / deg
        # update: dense2 -> gelu
        h = jax.nn.gelu(agg @ W2[l] + b2[l], approximate=False)
    return jnp.mean(h, axis=1)

if __name__ == "__main__":
    import jax
    _d = setup_inputs()
    print(jax.jit(kernel)(*tuple(_d.values())))

</pallas_src>

<mosaic_0001>
#map = affine_map<(d0, d1) -> (0, 0)>
#map1 = affine_map<(d0, d1) -> (0, 0, 0)>
module attributes {stable_mosaic.version = 14 : i64} {
  func.func @_deg_body(%arg0: i32, %arg1: i32, %arg2: memref<1280x128xi32, #tpu.memory_space<hbm>>, %arg3: memref<128x128xf32, #tpu.memory_space<hbm>>, %arg4: memref<10240x128xf32, #tpu.memory_space<hbm>>, %arg5: memref<2x10240x128xf32, #tpu.memory_space<hbm>>, %arg6: memref<40x128xi32, #tpu.memory_space<vmem>>, %arg7: memref<128x128xf32, #tpu.memory_space<vmem>>, %arg8: memref<10240x128xf32, #tpu.memory_space<vmem_shared>>) attributes {dimension_semantics = [#tpu.dimension_semantics<core_parallel>, #tpu.dimension_semantics<subcore_parallel>], iteration_bounds = array<i64: 2, 16>, scalar_prefetch = 0 : i64, scratch_operands = 3 : i64, tpu.core_type = #tpu.core_type<sc_vector_subcore>, window_params = [{transform_indices = #map}, {transform_indices = #map}, {transform_indices = #map}, {transform_indices = #map1}]} {
    "tpu.region"() ({
      %run_scoped3A = tpu.sem_alloc : memref<!tpu.dma_semaphore, #tpu.memory_space<semaphore_mem>>
      tpu.enqueue_dma source(%arg3 : memref<128x128xf32, #tpu.memory_space<hbm>>) target(%arg7 : memref<128x128xf32, #tpu.memory_space<vmem>>) target_semaphore(%run_scoped3A : memref<!tpu.dma_semaphore, #tpu.memory_space<semaphore_mem>>)
      tpu.wait_dma2 semaphore(%run_scoped3A : memref<!tpu.dma_semaphore, #tpu.memory_space<semaphore_mem>>) src(%arg3 : memref<128x128xf32, #tpu.memory_space<hbm>>) dst(%arg7 : memref<128x128xf32, #tpu.memory_space<vmem>>)
      tpu.yield
    }) : () -> ()
    %eq3A = arith.constant 0 : i32
    %eq3A_0 = arith.cmpi eq, %arg1, %eq3A : i32
    %convert_element_type3A = arith.extui %eq3A_0 : i1 to i32
    %cond3A = arith.constant 0 : i32
    %cond3A_1 = arith.cmpi ne, %convert_element_type3A, %cond3A : i32
    scf.if %cond3A_1 {
      "tpu.region"() ({
        %run_scoped3A = tpu.sem_alloc : memref<!tpu.dma_semaphore, #tpu.memory_space<semaphore_mem>>
        tpu.enqueue_dma source(%arg4 : memref<10240x128xf32, #tpu.memory_space<hbm>>) target(%arg8 : memref<10240x128xf32, #tpu.memory_space<vmem_shared>>) target_semaphore(%run_scoped3A : memref<!tpu.dma_semaphore, #tpu.memory_space<semaphore_mem>>)
        tpu.wait_dma2 semaphore(%run_scoped3A : memref<!tpu.dma_semaphore, #tpu.memory_space<semaphore_mem>>) src(%arg4 : memref<10240x128xf32, #tpu.memory_space<hbm>>) dst(%arg8 : memref<10240x128xf32, #tpu.memory_space<vmem_shared>>)
        tpu.yield
      }) : () -> ()
    } else {
    }
    %barrier3A = arith.constant 0 : index
    tpu.barrier barrier_id(%barrier3A)
    %mul3A = arith.constant 16 : i32
    %mul3A_2 = arith.muli %arg0, %mul3A : i32
    %add3A = arith.addi %mul3A_2, %arg1 : i32
    %mul3A_3 = arith.constant 40 : i32
    %mul3A_4 = arith.muli %add3A, %mul3A_3 : i32
    "tpu.region"() ({
      %run_scoped3A = tpu.sem_alloc : memref<!tpu.dma_semaphore, #tpu.memory_space<semaphore_mem>>
      %dma_start3A = arith.constant 0 : i32
      %dma_start3A_15 = tpu.memref_slice %arg2[%mul3A_4, %dma_start3A] : memref<1280x128xi32, #tpu.memory_space<hbm>> -> memref<40x128xi32, #tpu.memory_space<hbm>>
      %dma_start3A_16 = arith.constant 0 : i32
      %dma_start3A_17 = tpu.memref_slice %arg2[%mul3A_4, %dma_start3A_16] : memref<1280x128xi32, #tpu.memory_space<hbm>> -> memref<40x128xi32, #tpu.memory_space<hbm>>
      tpu.enqueue_dma source(%dma_start3A_17 : memref<40x128xi32, #tpu.memory_space<hbm>>) target(%arg6 : memref<40x128xi32, #tpu.memory_space<vmem>>) target_semaphore(%run_scoped3A : memref<!tpu.dma_semaphore, #tpu.memory_space<semaphore_mem>>)
      %dma_wait3A = arith.constant 0 : i32
      %dma_wait3A_18 = tpu.memref_slice %arg2[%mul3A_4, %dma_wait3A] : memref<1280x128xi32, #tpu.memory_space<hbm>> -> memref<40x128xi32, #tpu.memory_space<hbm>>
      %dma_wait3A_19 = arith.constant 0 : i32
      %dma_wait3A_20 = tpu.memref_slice %arg2[%mul3A_4, %dma_wait3A_19] : memref<1280x128xi32, #tpu.memory_space<hbm>> -> memref<40x128xi32, #tpu.memory_space<hbm>>
      tpu.wait_dma2 semaphore(%run_scoped3A : memref<!tpu.dma_semaphore, #tpu.memory_space<semaphore_mem>>) src(%dma_wait3A_20 : memref<40x128xi32, #tpu.memory_space<hbm>>) dst(%arg6 : memref<40x128xi32, #tpu.memory_space<vmem>>)
      tpu.yield
    }) : () -> ()
    %scan3A = arith.constant 0 : i32
    %scan3A_5 = arith.constant 0 : i32
    %scan3A_6 = arith.constant 40 : i32
    %scan3A_7 = arith.addi %scan3A_5, %scan3A_6 : i32
    %scan3A_8 = arith.constant 1 : i32
    scf.for %scan3A_15 = %scan3A_5 to %scan3A_7 step %scan3A_8  : i32 {
      "tpu.region"() ({
        %run_scoped3A = tpu.sem_alloc : memref<!tpu.dma_semaphore, #tpu.memory_space<semaphore_mem>>
        %dma_start3A = arith.constant 0 : i32
        %dma_start3A_16 = tpu.memref_slice %arg6[%scan3A_15, %dma_start3A] : memref<40x128xi32, #tpu.memory_space<vmem>> -> memref<1x128xi32, #tpu.memory_space<vmem>>
        %dma_start3A_17 = tpu.memref_squeeze %dma_start3A_16 : memref<1x128xi32, #tpu.memory_space<vmem>> -> memref<128xi32, #tpu.memory_space<vmem>>
        %dma_start3A_18 = arith.constant 0 : i32
        %dma_start3A_19 = arith.constant 0 : i32
        %dma_start3A_20 = tpu.memref_slice %arg8[%dma_start3A_18, %dma_start3A_19] : memref<10240x128xf32, #tpu.memory_space<vmem_shared>> -> memref<10240x128xf32, #tpu.memory_space<vmem_shared>>
        tpu.enqueue_indirect_dma source(%arg7 : memref<128x128xf32, #tpu.memory_space<vmem>>) target(%dma_start3A_20 : memref<10240x128xf32, #tpu.memory_space<vmem_shared>>) offsets(%dma_start3A_17 : memref<128xi32, #tpu.memory_space<vmem>>) semaphore(%run_scoped3A : memref<!tpu.dma_semaphore, #tpu.memory_space<semaphore_mem>>) {add = true}
        %dma_wait3A = arith.constant 0 : i32
        %dma_wait3A_21 = tpu.memref_slice %arg6[%scan3A_15, %dma_wait3A] : memref<40x128xi32, #tpu.memory_space<vmem>> -> memref<1x128xi32, #tpu.memory_space<vmem>>
        %dma_wait3A_22 = tpu.memref_squeeze %dma_wait3A_21 : memref<1x128xi32, #tpu.memory_space<vmem>> -> memref<128xi32, #tpu.memory_space<vmem>>
        %dma_wait3A_23 = arith.constant 0 : i32
        %dma_wait3A_24 = arith.constant 0 : i32
        %dma_wait3A_25 = tpu.memref_slice %arg8[%dma_wait3A_23, %dma_wait3A_24] : memref<10240x128xf32, #tpu.memory_space<vmem_shared>> -> memref<10240x128xf32, #tpu.memory_space<vmem_shared>>
        tpu.wait_indirect_dma semaphore(%run_scoped3A : memref<!tpu.dma_semaphore, #tpu.memory_space<semaphore_mem>>) src(%arg7 : memref<128x128xf32, #tpu.memory_space<vmem>>) dst(%dma_wait3A_25 : memref<10240x128xf32, #tpu.memory_space<vmem_shared>>)
        tpu.yield
      }) : () -> ()
    }
    %scan3A_9 = arith.constant 40 : i32
    %barrier3A_10 = arith.constant 0 : index
    tpu.barrier barrier_id(%barrier3A_10)
    %mul3A_11 = arith.constant 640 : i32
    %mul3A_12 = arith.muli %arg1, %mul3A_11 : i32
    %mul3A_13 = arith.constant 640 : i32
    %mul3A_14 = arith.muli %arg1, %mul3A_13 : i32
    "tpu.region"() ({
      %run_scoped3A = tpu.sem_alloc : memref<!tpu.dma_semaphore, #tpu.memory_space<semaphore_mem>>
      %dma_start3A = arith.constant 0 : i32
      %dma_start3A_15 = tpu.memref_slice %arg5[%arg0, %mul3A_14, %dma_start3A] : memref<2x10240x128xf32, #tpu.memory_space<hbm>> -> memref<1x640x128xf32, #tpu.memory_space<hbm>>
      %dma_start3A_16 = tpu.memref_squeeze %dma_start3A_15 : memref<1x640x128xf32, #tpu.memory_space<hbm>> -> memref<640x128xf32, #tpu.memory_space<hbm>>
      %dma_start3A_17 = arith.constant 0 : i32
      %dma_start3A_18 = tpu.memref_slice %arg8[%mul3A_12, %dma_start3A_17] : memref<10240x128xf32, #tpu.memory_space<vmem_shared>> -> memref<640x128xf32, #tpu.memory_space<vmem_shared>>
      tpu.enqueue_dma source(%dma_start3A_18 : memref<640x128xf32, #tpu.memory_space<vmem_shared>>) target(%dma_start3A_16 : memref<640x128xf32, #tpu.memory_space<hbm>>) target_semaphore(%run_scoped3A : memref<!tpu.dma_semaphore, #tpu.memory_space<semaphore_mem>>)
      %dma_wait3A = arith.constant 0 : i32
      %dma_wait3A_19 = tpu.memref_slice %arg5[%arg0, %mul3A_14, %dma_wait3A] : memref<2x10240x128xf32, #tpu.memory_space<hbm>> -> memref<1x640x128xf32, #tpu.memory_space<hbm>>
      %dma_wait3A_20 = tpu.memref_squeeze %dma_wait3A_19 : memref<1x640x128xf32, #tpu.memory_space<hbm>> -> memref<640x128xf32, #tpu.memory_space<hbm>>
      %dma_wait3A_21 = arith.constant 0 : i32
      %dma_wait3A_22 = tpu.memref_slice %arg8[%mul3A_12, %dma_wait3A_21] : memref<10240x128xf32, #tpu.memory_space<vmem_shared>> -> memref<640x128xf32, #tpu.memory_space<vmem_shared>>
      tpu.wait_dma2 semaphore(%run_scoped3A : memref<!tpu.dma_semaphore, #tpu.memory_space<semaphore_mem>>) src(%dma_wait3A_22 : memref<640x128xf32, #tpu.memory_space<vmem_shared>>) dst(%dma_wait3A_20 : memref<640x128xf32, #tpu.memory_space<hbm>>)
      tpu.yield
    }) : () -> ()
    return
  }
}

#map = affine_map<(d0, d1) -> (0, 0)>
#map1 = affine_map<(d0, d1) -> (0, 0, 0)>
module attributes {stable_mosaic.version = 14 : i64} {
  func.func @_agg_body(%arg0: i32, %arg1: i32, %arg2: memref<20000x128xf32, #tpu.memory_space<hbm>>, %arg3: memref<2x1280x128xi32, #tpu.memory_space<hbm>>, %arg4: memref<1280x128xi32, #tpu.memory_space<hbm>>, %arg5: memref<10240x128xf32, #tpu.memory_space<hbm>>, %arg6: memref<2x10240x128xf32, #tpu.memory_space<hbm>>, %arg7: memref<8x128xi32, #tpu.memory_space<vmem>>, %arg8: memref<8x128xi32, #tpu.memory_space<vmem>>, %arg9: memref<128x128xf32, #tpu.memory_space<vmem>>, %arg10: memref<128x128xf32, #tpu.memory_space<vmem>>, %arg11: memref<10240x128xf32, #tpu.memory_space<vmem_shared>>, %arg12: memref<!tpu.dma_semaphore, #tpu.memory_space<semaphore_mem>>, %arg13: memref<!tpu.dma_semaphore, #tpu.memory_space<semaphore_mem>>) attributes {dimension_semantics = [#tpu.dimension_semantics<core_parallel>, #tpu.dimension_semantics<subcore_parallel>], iteration_bounds = array<i64: 2, 16>, scalar_prefetch = 0 : i64, scratch_operands = 7 : i64, tpu.core_type = #tpu.core_type<sc_vector_subcore>, window_params = [{transform_indices = #map}, {transform_indices = #map1}, {transform_indices = #map}, {transform_indices = #map}, {transform_indices = #map1}]} {
    %eq3A = arith.constant 0 : i32
    %eq3A_0 = arith.cmpi eq, %arg1, %eq3A : i32
    %convert_element_type3A = arith.extui %eq3A_0 : i1 to i32
    %cond3A = arith.constant 0 : i32
    %cond3A_1 = arith.cmpi ne, %convert_element_type3A, %cond3A : i32
    scf.if %cond3A_1 {
      "tpu.region"() ({
        %run_scoped3A = tpu.sem_alloc : memref<!tpu.dma_semaphore, #tpu.memory_space<semaphore_mem>>
        tpu.enqueue_dma source(%arg5 : memref<10240x128xf32, #tpu.memory_space<hbm>>) target(%arg11 : memref<10240x128xf32, #tpu.memory_space<vmem_shared>>) target_semaphore(%run_scoped3A : memref<!tpu.dma_semaphore, #tpu.memory_space<semaphore_mem>>)
        tpu.wait_dma2 semaphore(%run_scoped3A : memref<!tpu.dma_semaphore, #tpu.memory_space<semaphore_mem>>) src(%arg5 : memref<10240x128xf32, #tpu.memory_space<hbm>>) dst(%arg11 : memref<10240x128xf32, #tpu.memory_space<vmem_shared>>)
        tpu.yield
      }) : () -> ()
    } else {
    }
    %barrier3A = arith.constant 0 : index
    tpu.barrier barrier_id(%barrier3A)
    %mul3A = arith.constant 80 : i32
    %mul3A_2 = arith.muli %arg1, %mul3A : i32
    %scan3A = arith.constant 0 : i32
    %scan3A_3 = arith.constant 0 : i32
    %scan3A_4 = arith.constant 10 : i32
    %scan3A_5 = arith.addi %scan3A_3, %scan3A_4 : i32
    %scan3A_6 = arith.constant 1 : i32
    scf.for %scan3A_13 = %scan3A_3 to %scan3A_5 step %scan3A_6  : i32 {
      %mul3A_14 = arith.constant 8 : i32
      %mul3A_15 = arith.muli %scan3A_13, %mul3A_14 : i32
      %add3A = arith.addi %mul3A_2, %mul3A_15 : i32
      "tpu.region"() ({
        %run_scoped3A_133 = tpu.sem_alloc : memref<!tpu.dma_semaphore, #tpu.memory_space<semaphore_mem>>
        %dma_start3A_134 = arith.constant 0 : i32
        %dma_start3A_135 = tpu.memref_slice %arg3[%arg0, %add3A, %dma_start3A_134] : memref<2x1280x128xi32, #tpu.memory_space<hbm>> -> memref<1x8x128xi32, #tpu.memory_space<hbm>>
        %dma_start3A_136 = tpu.memref_squeeze %dma_start3A_135 : memref<1x8x128xi32, #tpu.memory_space<hbm>> -> memref<8x128xi32, #tpu.memory_space<hbm>>
        %dma_start3A_137 = arith.constant 0 : i32
        %dma_start3A_138 = tpu.memref_slice %arg3[%arg0, %add3A, %dma_start3A_137] : memref<2x1280x128xi32, #tpu.memory_space<hbm>> -> memref<1x8x128xi32, #tpu.memory_space<hbm>>
        %dma_start3A_139 = tpu.memref_squeeze %dma_start3A_138 : memref<1x8x128xi32, #tpu.memory_space<hbm>> -> memref<8x128xi32, #tpu.memory_space<hbm>>
        tpu.enqueue_dma source(%dma_start3A_139 : memref<8x128xi32, #tpu.memory_space<hbm>>) target(%arg7 : memref<8x128xi32, #tpu.memory_space<vmem>>) target_semaphore(%run_scoped3A_133 : memref<!tpu.dma_semaphore, #tpu.memory_space<semaphore_mem>>)
        %dma_wait3A_140 = arith.constant 0 : i32
        %dma_wait3A_141 = tpu.memref_slice %arg3[%arg0, %add3A, %dma_wait3A_140] : memref<2x1280x128xi32, #tpu.memory_space<hbm>> -> memref<1x8x128xi32, #tpu.memory_space<hbm>>
        %dma_wait3A_142 = tpu.memref_squeeze %dma_wait3A_141 : memref<1x8x128xi32, #tpu.memory_space<hbm>> -> memref<8x128xi32, #tpu.memory_space<hbm>>
        %dma_wait3A_143 = arith.constant 0 : i32
        %dma_wait3A_144 = tpu.memref_slice %arg3[%arg0, %add3A, %dma_wait3A_143] : memref<2x1280x128xi32, #tpu.memory_space<hbm>> -> memref<1x8x128xi32, #tpu.memory_space<hbm>>
        %dma_wait3A_145 = tpu.memref_squeeze %dma_wait3A_144 : memref<1x8x128xi32, #tpu.memory_space<hbm>> -> memref<8x128xi32, #tpu.memory_space<hbm>>
        tpu.wait_dma2 semaphore(%run_scoped3A_133 : memref<!tpu.dma_semaphore, #tpu.memory_space<semaphore_mem>>) src(%dma_wait3A_145 : memref<8x128xi32, #tpu.memory_space<hbm>>) dst(%arg7 : memref<8x128xi32, #tpu.memory_space<vmem>>)
        tpu.yield
      }) : () -> ()
      "tpu.region"() ({
        %run_scoped3A_133 = tpu.sem_alloc : memref<!tpu.dma_semaphore, #tpu.memory_space<semaphore_mem>>
        %dma_start3A_134 = arith.constant 0 : i32
        %dma_start3A_135 = tpu.memref_slice %arg4[%add3A, %dma_start3A_134] : memref<1280x128xi32, #tpu.memory_space<hbm>> -> memref<8x128xi32, #tpu.memory_space<hbm>>
        %dma_start3A_136 = arith.constant 0 : i32
        %dma_start3A_137 = tpu.memref_slice %arg4[%add3A, %dma_start3A_136] : memref<1280x128xi32, #tpu.memory_space<hbm>> -> memref<8x128xi32, #tpu.memory_space<hbm>>
        tpu.enqueue_dma source(%dma_start3A_137 : memref<8x128xi32, #tpu.memory_space<hbm>>) target(%arg8 : memref<8x128xi32, #tpu.memory_space<vmem>>) target_semaphore(%run_scoped3A_133 : memref<!tpu.dma_semaphore, #tpu.memory_space<semaphore_mem>>)
        %dma_wait3A_138 = arith.constant 0 : i32
        %dma_wait3A_139 = tpu.memref_slice %arg4[%add3A, %dma_wait3A_138] : memref<1280x128xi32, #tpu.memory_space<hbm>> -> memref<8x128xi32, #tpu.memory_space<hbm>>
        %dma_wait3A_140 = arith.constant 0 : i32
        %dma_wait3A_141 = tpu.memref_slice %arg4[%add3A, %dma_wait3A_140] : memref<1280x128xi32, #tpu.memory_space<hbm>> -> memref<8x128xi32, #tpu.memory_space<hbm>>
        tpu.wait_dma2 semaphore(%run_scoped3A_133 : memref<!tpu.dma_semaphore, #tpu.memory_space<semaphore_mem>>) src(%dma_wait3A_141 : memref<8x128xi32, #tpu.memory_space<hbm>>) dst(%arg8 : memref<8x128xi32, #tpu.memory_space<vmem>>)
        tpu.yield
      }) : () -> ()
      %dma_start3A = arith.constant 0 : i32
      %dma_start3A_16 = arith.constant 0 : i32
      %dma_start3A_17 = tpu.memref_slice %arg7[%dma_start3A, %dma_start3A_16] : memref<8x128xi32, #tpu.memory_space<vmem>> -> memref<1x128xi32, #tpu.memory_space<vmem>>
      %dma_start3A_18 = tpu.memref_squeeze %dma_start3A_17 : memref<1x128xi32, #tpu.memory_space<vmem>> -> memref<128xi32, #tpu.memory_space<vmem>>
      %dma_start3A_19 = arith.constant 0 : i32
      %dma_start3A_20 = arith.constant 0 : i32
      %dma_start3A_21 = tpu.memref_slice %arg2[%dma_start3A_19, %dma_start3A_20] : memref<20000x128xf32, #tpu.memory_space<hbm>> -> memref<20000x128xf32, #tpu.memory_space<hbm>>
      tpu.enqueue_indirect_dma source(%dma_start3A_21 : memref<20000x128xf32, #tpu.memory_space<hbm>>) target(%arg9 : memref<128x128xf32, #tpu.memory_space<vmem>>) offsets(%dma_start3A_18 : memref<128xi32, #tpu.memory_space<vmem>>) semaphore(%arg12 : memref<!tpu.dma_semaphore, #tpu.memory_space<semaphore_mem>>)
      %dma_start3A_22 = arith.constant 1 : i32
      %dma_start3A_23 = arith.constant 0 : i32
      %dma_start3A_24 = tpu.memref_slice %arg7[%dma_start3A_22, %dma_start3A_23] : memref<8x128xi32, #tpu.memory_space<vmem>> -> memref<1x128xi32, #tpu.memory_space<vmem>>
      %dma_start3A_25 = tpu.memref_squeeze %dma_start3A_24 : memref<1x128xi32, #tpu.memory_space<vmem>> -> memref<128xi32, #tpu.memory_space<vmem>>
      %dma_start3A_26 = arith.constant 0 : i32
      %dma_start3A_27 = arith.constant 0 : i32
      %dma_start3A_28 = tpu.memref_slice %arg2[%dma_start3A_26, %dma_start3A_27] : memref<20000x128xf32, #tpu.memory_space<hbm>> -> memref<20000x128xf32, #tpu.memory_space<hbm>>
      tpu.enqueue_indirect_dma source(%dma_start3A_28 : memref<20000x128xf32, #tpu.memory_space<hbm>>) target(%arg10 : memref<128x128xf32, #tpu.memory_space<vmem>>) offsets(%dma_start3A_25 : memref<128xi32, #tpu.memory_space<vmem>>) semaphore(%arg13 : memref<!tpu.dma_semaphore, #tpu.memory_space<semaphore_mem>>)
      %dma_wait3A = arith.constant 0 : i32
      %dma_wait3A_29 = arith.constant 0 : i32
      %dma_wait3A_30 = tpu.memref_slice %arg7[%dma_wait3A, %dma_wait3A_29] : memref<8x128xi32, #tpu.memory_space<vmem>> -> memref<1x128xi32, #tpu.memory_space<vmem>>
      %dma_wait3A_31 = tpu.memref_squeeze %dma_wait3A_30 : memref<1x128xi32, #tpu.memory_space<vmem>> -> memref<128xi32, #tpu.memory_space<vmem>>
      %dma_wait3A_32 = arith.constant 0 : i32
      %dma_wait3A_33 = arith.constant 0 : i32
      %dma_wait3A_34 = tpu.memref_slice %arg2[%dma_wait3A_32, %dma_wait3A_33] : memref<20000x128xf32, #tpu.memory_space<hbm>> -> memref<20000x128xf32, #tpu.memory_space<hbm>>
      tpu.wait_indirect_dma semaphore(%arg12 : memref<!tpu.dma_semaphore, #tpu.memory_space<semaphore_mem>>) src(%dma_wait3A_34 : memref<20000x128xf32, #tpu.memory_space<hbm>>) dst(%arg9 : memref<128x128xf32, #tpu.memory_space<vmem>>)
      %run_scoped3A = arith.constant 0 : i32
      "tpu.region"() ({
        %run_scoped3A_133 = tpu.sem_alloc : memref<!tpu.dma_semaphore, #tpu.memory_space<semaphore_mem>>
        %dma_start3A_134 = arith.constant 0 : i32
        %dma_start3A_135 = tpu.memref_slice %arg8[%run_scoped3A, %dma_start3A_134] : memref<8x128xi32, #tpu.memory_space<vmem>> -> memref<1x128xi32, #tpu.memory_space<vmem>>
        %dma_start3A_136 = tpu.memref_squeeze %dma_start3A_135 : memref<1x128xi32, #tpu.memory_space<vmem>> -> memref<128xi32, #tpu.memory_space<vmem>>
        %dma_start3A_137 = arith.constant 0 : i32
        %dma_start3A_138 = arith.constant 0 : i32
        %dma_start3A_139 = tpu.memref_slice %arg11[%dma_start3A_137, %dma_start3A_138] : memref<10240x128xf32, #tpu.memory_space<vmem_shared>> -> memref<10240x128xf32, #tpu.memory_space<vmem_shared>>
        tpu.enqueue_indirect_dma source(%arg9 : memref<128x128xf32, #tpu.memory_space<vmem>>) target(%dma_start3A_139 : memref<10240x128xf32, #tpu.memory_space<vmem_shared>>) offsets(%dma_start3A_136 : memref<128xi32, #tpu.memory_space<vmem>>) semaphore(%run_scoped3A_133 : memref<!tpu.dma_semaphore, #tpu.memory_space<semaphore_mem>>) {add = true}
        %dma_wait3A_140 = arith.constant 0 : i32
        %dma_wait3A_141 = tpu.memref_slice %arg8[%run_scoped3A, %dma_wait3A_140] : memref<8x128xi32, #tpu.memory_space<vmem>> -> memref<1x128xi32, #tpu.memory_space<vmem>>
        %dma_wait3A_142 = tpu.memref_squeeze %dma_wait3A_141 : memref<1x128xi32, #tpu.memory_space<vmem>> -> memref<128xi32, #tpu.memory_space<vmem>>
        %dma_wait3A_143 = arith.constant 0 : i32
        %dma_wait3A_144 = arith.constant 0 : i32
        %dma_wait3A_145 = tpu.memref_slice %arg11[%dma_wait3A_143, %dma_wait3A_144] : memref<10240x128xf32, #tpu.memory_space<vmem_shared>> -> memref<10240x128xf32, #tpu.memory_space<vmem_shared>>
        tpu.wait_indirect_dma semaphore(%run_scoped3A_133 : memref<!tpu.dma_semaphore, #tpu.memory_space<semaphore_mem>>) src(%arg9 : memref<128x128xf32, #tpu.memory_space<vmem>>) dst(%dma_wait3A_145 : memref<10240x128xf32, #tpu.memory_space<vmem_shared>>)
        tpu.yield
      }) : () -> ()
      %dma_start3A_35 = arith.constant 2 : i32
      %dma_start3A_36 = arith.constant 0 : i32
      %dma_start3A_37 = tpu.memref_slice %arg7[%dma_start3A_35, %dma_start3A_36] : memref<8x128xi32, #tpu.memory_space<vmem>> -> memref<1x128xi32, #tpu.memory_space<vmem>>
      %dma_start3A_38 = tpu.memref_squeeze %dma_start3A_37 : memref<1x128xi32, #tpu.memory_space<vmem>> -> memref<128xi32, #tpu.memory_space<vmem>>
      %dma_start3A_39 = arith.constant 0 : i32
      %dma_start3A_40 = arith.constant 0 : i32
      %dma_start3A_41 = tpu.memref_slice %arg2[%dma_start3A_39, %dma_start3A_40] : memref<20000x128xf32, #tpu.memory_space<hbm>> -> memref<20000x128xf32, #tpu.memory_space<hbm>>
      tpu.enqueue_indirect_dma source(%dma_start3A_41 : memref<20000x128xf32, #tpu.memory_space<hbm>>) target(%arg9 : memref<128x128xf32, #tpu.memory_space<vmem>>) offsets(%dma_start3A_38 : memref<128xi32, #tpu.memory_space<vmem>>) semaphore(%arg12 : memref<!tpu.dma_semaphore, #tpu.memory_space<semaphore_mem>>)
      %dma_wait3A_42 = arith.constant 1 : i32
      %dma_wait3A_43 = arith.constant 0 : i32
      %dma_wait3A_44 = tpu.memref_slice %arg7[%dma_wait3A_42, %dma_wait3A_43] : memref<8x128xi32, #tpu.memory_space<vmem>> -> memref<1x128xi32, #tpu.memory_space<vmem>>
      %dma_wait3A_45 = tpu.memref_squeeze %dma_wait3A_44 : memref<1x128xi32, #tpu.memory_space<vmem>> -> memref<128xi32, #tpu.memory_space<vmem>>
      %dma_wait3A_46 = arith.constant 0 : i32
      %dma_wait3A_47 = arith.constant 0 : i32
      %dma_wait3A_48 = tpu.memref_slice %arg2[%dma_wait3A_46, %dma_wait3A_47] : memref<20000x128xf32, #tpu.memory_space<hbm>> -> memref<20000x128xf32, #tpu.memory_space<hbm>>
      tpu.wait_indirect_dma semaphore(%arg13 : memref<!tpu.dma_semaphore, #tpu.memory_space<semaphore_mem>>) src(%dma_wait3A_48 : memref<20000x128xf32, #tpu.memory_space<hbm>>) dst(%arg10 : memref<128x128xf32, #tpu.memory_space<vmem>>)
      %run_scoped3A_49 = arith.constant 1 : i32
      "tpu.region"() ({
        %run_scoped3A_133 = tpu.sem_alloc : memref<!tpu.dma_semaphore, #tpu.memory_space<semaphore_mem>>
        %dma_start3A_134 = arith.constant 0 : i32
        %dma_start3A_135 = tpu.memref_slice %arg8[%run_scoped3A_49, %dma_start3A_134] : memref<8x128xi32, #tpu.memory_space<vmem>> -> memref<1x128xi32, #tpu.memory_space<vmem>>
        %dma_start3A_136 = tpu.memref_squeeze %dma_start3A_135 : memref<1x128xi32, #tpu.memory_space<vmem>> -> memref<128xi32, #tpu.memory_space<vmem>>
        %dma_start3A_137 = arith.constant 0 : i32
        %dma_start3A_138 = arith.constant 0 : i32
        %dma_start3A_139 = tpu.memref_slice %arg11[%dma_start3A_137, %dma_start3A_138] : memref<10240x128xf32, #tpu.memory_space<vmem_shared>> -> memref<10240x128xf32, #tpu.memory_space<vmem_shared>>
        tpu.enqueue_indirect_dma source(%arg10 : memref<128x128xf32, #tpu.memory_space<vmem>>) target(%dma_start3A_139 : memref<10240x128xf32, #tpu.memory_space<vmem_shared>>) offsets(%dma_start3A_136 : memref<128xi32, #tpu.memory_space<vmem>>) semaphore(%run_scoped3A_133 : memref<!tpu.dma_semaphore, #tpu.memory_space<semaphore_mem>>) {add = true}
        %dma_wait3A_140 = arith.constant 0 : i32
        %dma_wait3A_141 = tpu.memref_slice %arg8[%run_scoped3A_49, %dma_wait3A_140] : memref<8x128xi32, #tpu.memory_space<vmem>> -> memref<1x128xi32, #tpu.memory_space<vmem>>
        %dma_wait3A_142 = tpu.memref_squeeze %dma_wait3A_141 : memref<1x128xi32, #tpu.memory_space<vmem>> -> memref<128xi32, #tpu.memory_space<vmem>>
        %dma_wait3A_143 = arith.constant 0 : i32
        %dma_wait3A_144 = arith.constant 0 : i32
        %dma_wait3A_145 = tpu.memref_slice %arg11[%dma_wait3A_143, %dma_wait3A_144] : memref<10240x128xf32, #tpu.memory_space<vmem_shared>> -> memref<10240x128xf32, #tpu.memory_space<vmem_shared>>
        tpu.wait_indirect_dma semaphore(%run_scoped3A_133 : memref<!tpu.dma_semaphore, #tpu.memory_space<semaphore_mem>>) src(%arg10 : memref<128x128xf32, #tpu.memory_space<vmem>>) dst(%dma_wait3A_145 : memref<10240x128xf32, #tpu.memory_space<vmem_shared>>)
        tpu.yield
      }) : () -> ()
      %dma_start3A_50 = arith.constant 3 : i32
      %dma_start3A_51 = arith.constant 0 : i32
      %dma_start3A_52 = tpu.memref_slice %arg7[%dma_start3A_50, %dma_start3A_51] : memref<8x128xi32, #tpu.memory_space<vmem>> -> memref<1x128xi32, #tpu.memory_space<vmem>>
      %dma_start3A_53 = tpu.memref_squeeze %dma_start3A_52 : memref<1x128xi32, #tpu.memory_space<vmem>> -> memref<128xi32, #tpu.memory_space<vmem>>
      %dma_start3A_54 = arith.constant 0 : i32
      %dma_start3A_55 = arith.constant 0 : i32
      %dma_start3A_56 = tpu.memref_slice %arg2[%dma_start3A_54, %dma_start3A_55] : memref<20000x128xf32, #tpu.memory_space<hbm>> -> memref<20000x128xf32, #tpu.memory_space<hbm>>
      tpu.enqueue_indirect_dma source(%dma_start3A_56 : memref<20000x128xf32, #tpu.memory_space<hbm>>) target(%arg10 : memref<128x128xf32, #tpu.memory_space<vmem>>) offsets(%dma_start3A_53 : memref<128xi32, #tpu.memory_space<vmem>>) semaphore(%arg13 : memref<!tpu.dma_semaphore, #tpu.memory_space<semaphore_mem>>)
      %dma_wait3A_57 = arith.constant 2 : i32
      %dma_wait3A_58 = arith.constant 0 : i32
      %dma_wait3A_59 = tpu.memref_slice %arg7[%dma_wait3A_57, %dma_wait3A_58] : memref<8x128xi32, #tpu.memory_space<vmem>> -> memref<1x128xi32, #tpu.memory_space<vmem>>
      %dma_wait3A_60 = tpu.memref_squeeze %dma_wait3A_59 : memref<1x128xi32, #tpu.memory_space<vmem>> -> memref<128xi32, #tpu.memory_space<vmem>>
      %dma_wait3A_61 = arith.constant 0 : i32
      %dma_wait3A_62 = arith.constant 0 : i32
      %dma_wait3A_63 = tpu.memref_slice %arg2[%dma_wait3A_61, %dma_wait3A_62] : memref<20000x128xf32, #tpu.memory_space<hbm>> -> memref<20000x128xf32, #tpu.memory_space<hbm>>
      tpu.wait_indirect_dma semaphore(%arg12 : memref<!tpu.dma_semaphore, #tpu.memory_space<semaphore_mem>>) src(%dma_wait3A_63 : memref<20000x128xf32, #tpu.memory_space<hbm>>) dst(%arg9 : memref<128x128xf32, #tpu.memory_space<vmem>>)
      %run_scoped3A_64 = arith.constant 2 : i32
      "tpu.region"() ({
        %run_scoped3A_133 = tpu.sem_alloc : memref<!tpu.dma_semaphore, #tpu.memory_space<semaphore_mem>>
        %dma_start3A_134 = arith.constant 0 : i32
        %dma_start3A_135 = tpu.memref_slice %arg8[%run_scoped3A_64, %dma_start3A_134] : memref<8x128xi32, #tpu.memory_space<vmem>> -> memref<1x128xi32, #tpu.memory_space<vmem>>
        %dma_start3A_136 = tpu.memref_squeeze %dma_start3A_135 : memref<1x128xi32, #tpu.memory_space<vmem>> -> memref<128xi32, #tpu.memory_space<vmem>>
        %dma_start3A_137 = arith.constant 0 : i32
        %dma_start3A_138 = arith.constant 0 : i32
        %dma_start3A_139 = tpu.memref_slice %arg11[%dma_start3A_137, %dma_start3A_138] : memref<10240x128xf32, #tpu.memory_space<vmem_shared>> -> memref<10240x128xf32, #tpu.memory_space<vmem_shared>>
        tpu.enqueue_indirect_dma source(%arg9 : memref<128x128xf32, #tpu.memory_space<vmem>>) target(%dma_start3A_139 : memref<10240x128xf32, #tpu.memory_space<vmem_shared>>) offsets(%dma_start3A_136 : memref<128xi32, #tpu.memory_space<vmem>>) semaphore(%run_scoped3A_133 : memref<!tpu.dma_semaphore, #tpu.memory_space<semaphore_mem>>) {add = true}
        %dma_wait3A_140 = arith.constant 0 : i32
        %dma_wait3A_141 = tpu.memref_slice %arg8[%run_scoped3A_64, %dma_wait3A_140] : memref<8x128xi32, #tpu.memory_space<vmem>> -> memref<1x128xi32, #tpu.memory_space<vmem>>
        %dma_wait3A_142 = tpu.memref_squeeze %dma_wait3A_141 : memref<1x128xi32, #tpu.memory_space<vmem>> -> memref<128xi32, #tpu.memory_space<vmem>>
        %dma_wait3A_143 = arith.constant 0 : i32
        %dma_wait3A_144 = arith.constant 0 : i32
        %dma_wait3A_145 = tpu.memref_slice %arg11[%dma_wait3A_143, %dma_wait3A_144] : memref<10240x128xf32, #tpu.memory_space<vmem_shared>> -> memref<10240x128xf32, #tpu.memory_space<vmem_shared>>
        tpu.wait_indirect_dma semaphore(%run_scoped3A_133 : memref<!tpu.dma_semaphore, #tpu.memory_space<semaphore_mem>>) src(%arg9 : memref<128x128xf32, #tpu.memory_space<vmem>>) dst(%dma_wait3A_145 : memref<10240x128xf32, #tpu.memory_space<vmem_shared>>)
        tpu.yield
      }) : () -> ()
      %dma_start3A_65 = arith.constant 4 : i32
      %dma_start3A_66 = arith.constant 0 : i32
      %dma_start3A_67 = tpu.memref_slice %arg7[%dma_start3A_65, %dma_start3A_66] : memref<8x128xi32, #tpu.memory_space<vmem>> -> memref<1x128xi32, #tpu.memory_space<vmem>>
      %dma_start3A_68 = tpu.memref_squeeze %dma_start3A_67 : memref<1x128xi32, #tpu.memory_space<vmem>> -> memref<128xi32, #tpu.memory_space<vmem>>
      %dma_start3A_69 = arith.constant 0 : i32
      %dma_start3A_70 = arith.constant 0 : i32
      %dma_start3A_71 = tpu.memref_slice %arg2[%dma_start3A_69, %dma_start3A_70] : memref<20000x128xf32, #tpu.memory_space<hbm>> -> memref<20000x128xf32, #tpu.memory_space<hbm>>
      tpu.enqueue_indirect_dma source(%dma_start3A_71 : memref<20000x128xf32, #tpu.memory_space<hbm>>) target(%arg9 : memref<128x128xf32, #tpu.memory_space<vmem>>) offsets(%dma_start3A_68 : memref<128xi32, #tpu.memory_space<vmem>>) semaphore(%arg12 : memref<!tpu.dma_semaphore, #tpu.memory_space<semaphore_mem>>)
      %dma_wait3A_72 = arith.constant 3 : i32
      %dma_wait3A_73 = arith.constant 0 : i32
      %dma_wait3A_74 = tpu.memref_slice %arg7[%dma_wait3A_72, %dma_wait3A_73] : memref<8x128xi32, #tpu.memory_space<vmem>> -> memref<1x128xi32, #tpu.memory_space<vmem>>
      %dma_wait3A_75 = tpu.memref_squeeze %dma_wait3A_74 : memref<1x128xi32, #tpu.memory_space<vmem>> -> memref<128xi32, #tpu.memory_space<vmem>>
      %dma_wait3A_76 = arith.constant 0 : i32
      %dma_wait3A_77 = arith.constant 0 : i32
      %dma_wait3A_78 = tpu.memref_slice %arg2[%dma_wait3A_76, %dma_wait3A_77] : memref<20000x128xf32, #tpu.memory_space<hbm>> -> memref<20000x128xf32, #tpu.memory_space<hbm>>
      tpu.wait_indirect_dma semaphore(%arg13 : memref<!tpu.dma_semaphore, #tpu.memory_space<semaphore_mem>>) src(%dma_wait3A_78 : memref<20000x128xf32, #tpu.memory_space<hbm>>) dst(%arg10 : memref<128x128xf32, #tpu.memory_space<vmem>>)
      %run_scoped3A_79 = arith.constant 3 : i32
      "tpu.region"() ({
        %run_scoped3A_133 = tpu.sem_alloc : memref<!tpu.dma_semaphore, #tpu.memory_space<semaphore_mem>>
        %dma_start3A_134 = arith.constant 0 : i32
        %dma_start3A_135 = tpu.memref_slice %arg8[%run_scoped3A_79, %dma_start3A_134] : memref<8x128xi32, #tpu.memory_space<vmem>> -> memref<1x128xi32, #tpu.memory_space<vmem>>
        %dma_start3A_136 = tpu.memref_squeeze %dma_start3A_135 : memref<1x128xi32, #tpu.memory_space<vmem>> -> memref<128xi32, #tpu.memory_space<vmem>>
        %dma_start3A_137 = arith.constant 0 : i32
        %dma_start3A_138 = arith.constant 0 : i32
        %dma_start3A_139 = tpu.memref_slice %arg11[%dma_start3A_137, %dma_start3A_138] : memref<10240x128xf32, #tpu.memory_space<vmem_shared>> -> memref<10240x128xf32, #tpu.memory_space<vmem_shared>>
        tpu.enqueue_indirect_dma source(%arg10 : memref<128x128xf32, #tpu.memory_space<vmem>>) target(%dma_start3A_139 : memref<10240x128xf32, #tpu.memory_space<vmem_shared>>) offsets(%dma_start3A_136 : memref<128xi32, #tpu.memory_space<vmem>>) semaphore(%run_scoped3A_133 : memref<!tpu.dma_semaphore, #tpu.memory_space<semaphore_mem>>) {add = true}
        %dma_wait3A_140 = arith.constant 0 : i32
        %dma_wait3A_141 = tpu.memref_slice %arg8[%run_scoped3A_79, %dma_wait3A_140] : memref<8x128xi32, #tpu.memory_space<vmem>> -> memref<1x128xi32, #tpu.memory_space<vmem>>
        %dma_wait3A_142 = tpu.memref_squeeze %dma_wait3A_141 : memref<1x128xi32, #tpu.memory_space<vmem>> -> memref<128xi32, #tpu.memory_space<vmem>>
        %dma_wait3A_143 = arith.constant 0 : i32
        %dma_wait3A_144 = arith.constant 0 : i32
        %dma_wait3A_145 = tpu.memref_slice %arg11[%dma_wait3A_143, %dma_wait3A_144] : memref<10240x128xf32, #tpu.memory_space<vmem_shared>> -> memref<10240x128xf32, #tpu.memory_space<vmem_shared>>
        tpu.wait_indirect_dma semaphore(%run_scoped3A_133 : memref<!tpu.dma_semaphore, #tpu.memory_space<semaphore_mem>>) src(%arg10 : memref<128x128xf32, #tpu.memory_space<vmem>>) dst(%dma_wait3A_145 : memref<10240x128xf32, #tpu.memory_space<vmem_shared>>)
        tpu.yield
      }) : () -> ()
      %dma_start3A_80 = arith.constant 5 : i32
      %dma_start3A_81 = arith.constant 0 : i32
      %dma_start3A_82 = tpu.memref_slice %arg7[%dma_start3A_80, %dma_start3A_81] : memref<8x128xi32, #tpu.memory_space<vmem>> -> memref<1x128xi32, #tpu.memory_space<vmem>>
      %dma_start3A_83 = tpu.memref_squeeze %dma_start3A_82 : memref<1x128xi32, #tpu.memory_space<vmem>> -> memref<128xi32, #tpu.memory_space<vmem>>
      %dma_start3A_84 = arith.constant 0 : i32
      %dma_start3A_85 = arith.constant 0 : i32
      %dma_start3A_86 = tpu.memref_slice %arg2[%dma_start3A_84, %dma_start3A_85] : memref<20000x128xf32, #tpu.memory_space<hbm>> -> memref<20000x128xf32, #tpu.memory_space<hbm>>
      tpu.enqueue_indirect_dma source(%dma_start3A_86 : memref<20000x128xf32, #tpu.memory_space<hbm>>) target(%arg10 : memref<128x128xf32, #tpu.memory_space<vmem>>) offsets(%dma_start3A_83 : memref<128xi32, #tpu.memory_space<vmem>>) semaphore(%arg13 : memref<!tpu.dma_semaphore, #tpu.memory_space<semaphore_mem>>)
      %dma_wait3A_87 = arith.constant 4 : i32
      %dma_wait3A_88 = arith.constant 0 : i32
      %dma_wait3A_89 = tpu.memref_slice %arg7[%dma_wait3A_87, %dma_wait3A_88] : memref<8x128xi32, #tpu.memory_space<vmem>> -> memref<1x128xi32, #tpu.memory_space<vmem>>
      %dma_wait3A_90 = tpu.memref_squeeze %dma_wait3A_89 : memref<1x128xi32, #tpu.memory_space<vmem>> -> memref<128xi32, #tpu.memory_space<vmem>>
      %dma_wait3A_91 = arith.constant 0 : i32
      %dma_wait3A_92 = arith.constant 0 : i32
      %dma_wait3A_93 = tpu.memref_slice %arg2[%dma_wait3A_91, %dma_wait3A_92] : memref<20000x128xf32, #tpu.memory_space<hbm>> -> memref<20000x128xf32, #tpu.memory_space<hbm>>
      tpu.wait_indirect_dma semaphore(%arg12 : memref<!tpu.dma_semaphore, #tpu.memory_space<semaphore_mem>>) src(%dma_wait3A_93 : memref<20000x128xf32, #tpu.memory_space<hbm>>) dst(%arg9 : memref<128x128xf32, #tpu.memory_space<vmem>>)
      %run_scoped3A_94 = arith.constant 4 : i32
      "tpu.region"() ({
        %run_scoped3A_133 = tpu.sem_alloc : memref<!tpu.dma_semaphore, #tpu.memory_space<semaphore_mem>>
        %dma_start3A_134 = arith.constant 0 : i32
        %dma_start3A_135 = tpu.memref_slice %arg8[%run_scoped3A_94, %dma_start3A_134] : memref<8x128xi32, #tpu.memory_space<vmem>> -> memref<1x128xi32, #tpu.memory_space<vmem>>
        %dma_start3A_136 = tpu.memref_squeeze %dma_start3A_135 : memref<1x128xi32, #tpu.memory_space<vmem>> -> memref<128xi32, #tpu.memory_space<vmem>>
        %dma_start3A_137 = arith.constant 0 : i32
        %dma_start3A_138 = arith.constant 0 : i32
        %dma_start3A_139 = tpu.memref_slice %arg11[%dma_start3A_137, %dma_start3A_138] : memref<10240x128xf32, #tpu.memory_space<vmem_shared>> -> memref<10240x128xf32, #tpu.memory_space<vmem_shared>>
        tpu.enqueue_indirect_dma source(%arg9 : memref<128x128xf32, #tpu.memory_space<vmem>>) target(%dma_start3A_139 : memref<10240x128xf32, #tpu.memory_space<vmem_shared>>) offsets(%dma_start3A_136 : memref<128xi32, #tpu.memory_space<vmem>>) semaphore(%run_scoped3A_133 : memref<!tpu.dma_semaphore, #tpu.memory_space<semaphore_mem>>) {add = true}
        %dma_wait3A_140 = arith.constant 0 : i32
        %dma_wait3A_141 = tpu.memref_slice %arg8[%run_scoped3A_94, %dma_wait3A_140] : memref<8x128xi32, #tpu.memory_space<vmem>> -> memref<1x128xi32, #tpu.memory_space<vmem>>
        %dma_wait3A_142 = tpu.memref_squeeze %dma_wait3A_141 : memref<1x128xi32, #tpu.memory_space<vmem>> -> memref<128xi32, #tpu.memory_space<vmem>>
        %dma_wait3A_143 = arith.constant 0 : i32
        %dma_wait3A_144 = arith.constant 0 : i32
        %dma_wait3A_145 = tpu.memref_slice %arg11[%dma_wait3A_143, %dma_wait3A_144] : memref<10240x128xf32, #tpu.memory_space<vmem_shared>> -> memref<10240x128xf32, #tpu.memory_space<vmem_shared>>
        tpu.wait_indirect_dma semaphore(%run_scoped3A_133 : memref<!tpu.dma_semaphore, #tpu.memory_space<semaphore_mem>>) src(%arg9 : memref<128x128xf32, #tpu.memory_space<vmem>>) dst(%dma_wait3A_145 : memref<10240x128xf32, #tpu.memory_space<vmem_shared>>)
        tpu.yield
      }) : () -> ()
      %dma_start3A_95 = arith.constant 6 : i32
      %dma_start3A_96 = arith.constant 0 : i32
      %dma_start3A_97 = tpu.memref_slice %arg7[%dma_start3A_95, %dma_start3A_96] : memref<8x128xi32, #tpu.memory_space<vmem>> -> memref<1x128xi32, #tpu.memory_space<vmem>>
      %dma_start3A_98 = tpu.memref_squeeze %dma_start3A_97 : memref<1x128xi32, #tpu.memory_space<vmem>> -> memref<128xi32, #tpu.memory_space<vmem>>
      %dma_start3A_99 = arith.constant 0 : i32
      %dma_start3A_100 = arith.constant 0 : i32
      %dma_start3A_101 = tpu.memref_slice %arg2[%dma_start3A_99, %dma_start3A_100] : memref<20000x128xf32, #tpu.memory_space<hbm>> -> memref<20000x128xf32, #tpu.memory_space<hbm>>
      tpu.enqueue_indirect_dma source(%dma_start3A_101 : memref<20000x128xf32, #tpu.memory_space<hbm>>) target(%arg9 : memref<128x128xf32, #tpu.memory_space<vmem>>) offsets(%dma_start3A_98 : memref<128xi32, #tpu.memory_space<vmem>>) semaphore(%arg12 : memref<!tpu.dma_semaphore, #tpu.memory_space<semaphore_mem>>)
      %dma_wait3A_102 = arith.constant 5 : i32
      %dma_wait3A_103 = arith.constant 0 : i32
      %dma_wait3A_104 = tpu.memref_slice %arg7[%dma_wait3A_102, %dma_wait3A_103] : memref<8x128xi32, #tpu.memory_space<vmem>> -> memref<1x128xi32, #tpu.memory_space<vmem>>
      %dma_wait3A_105 = tpu.memref_squeeze %dma_wait3A_104 : memref<1x128xi32, #tpu.memory_space<vmem>> -> memref<128xi32, #tpu.memory_space<vmem>>
      %dma_wait3A_106 = arith.constant 0 : i32
      %dma_wait3A_107 = arith.constant 0 : i32
      %dma_wait3A_108 = tpu.memref_slice %arg2[%dma_wait3A_106, %dma_wait3A_107] : memref<20000x128xf32, #tpu.memory_space<hbm>> -> memref<20000x128xf32, #tpu.memory_space<hbm>>
      tpu.wait_indirect_dma semaphore(%arg13 : memref<!tpu.dma_semaphore, #tpu.memory_space<semaphore_mem>>) src(%dma_wait3A_108 : memref<20000x128xf32, #tpu.memory_space<hbm>>) dst(%arg10 : memref<128x128xf32, #tpu.memory_space<vmem>>)
      %run_scoped3A_109 = arith.constant 5 : i32
      "tpu.region"() ({
        %run_scoped3A_133 = tpu.sem_alloc : memref<!tpu.dma_semaphore, #tpu.memory_space<semaphore_mem>>
        %dma_start3A_134 = arith.constant 0 : i32
        %dma_start3A_135 = tpu.memref_slice %arg8[%run_scoped3A_109, %dma_start3A_134] : memref<8x128xi32, #tpu.memory_space<vmem>> -> memref<1x128xi32, #tpu.memory_space<vmem>>
        %dma_start3A_136 = tpu.memref_squeeze %dma_start3A_135 : memref<1x128xi32, #tpu.memory_space<vmem>> -> memref<128xi32, #tpu.memory_space<vmem>>
        %dma_start3A_137 = arith.constant 0 : i32
        %dma_start3A_138 = arith.constant 0 : i32
        %dma_start3A_139 = tpu.memref_slice %arg11[%dma_start3A_137, %dma_start3A_138] : memref<10240x128xf32, #tpu.memory_space<vmem_shared>> -> memref<10240x128xf32, #tpu.memory_space<vmem_shared>>
        tpu.enqueue_indirect_dma source(%arg10 : memref<128x128xf32, #tpu.memory_space<vmem>>) target(%dma_start3A_139 : memref<10240x128xf32, #tpu.memory_space<vmem_shared>>) offsets(%dma_start3A_136 : memref<128xi32, #tpu.memory_space<vmem>>) semaphore(%run_scoped3A_133 : memref<!tpu.dma_semaphore, #tpu.memory_space<semaphore_mem>>) {add = true}
        %dma_wait3A_140 = arith.constant 0 : i32
        %dma_wait3A_141 = tpu.memref_slice %arg8[%run_scoped3A_109, %dma_wait3A_140] : memref<8x128xi32, #tpu.memory_space<vmem>> -> memref<1x128xi32, #tpu.memory_space<vmem>>
        %dma_wait3A_142 = tpu.memref_squeeze %dma_wait3A_141 : memref<1x128xi32, #tpu.memory_space<vmem>> -> memref<128xi32, #tpu.memory_space<vmem>>
        %dma_wait3A_143 = arith.constant 0 : i32
        %dma_wait3A_144 = arith.constant 0 : i32
        %dma_wait3A_145 = tpu.memref_slice %arg11[%dma_wait3A_143, %dma_wait3A_144] : memref<10240x128xf32, #tpu.memory_space<vmem_shared>> -> memref<10240x128xf32, #tpu.memory_space<vmem_shared>>
        tpu.wait_indirect_dma semaphore(%run_scoped3A_133 : memref<!tpu.dma_semaphore, #tpu.memory_space<semaphore_mem>>) src(%arg10 : memref<128x128xf32, #tpu.memory_space<vmem>>) dst(%dma_wait3A_145 : memref<10240x128xf32, #tpu.memory_space<vmem_shared>>)
        tpu.yield
      }) : () -> ()
      %dma_start3A_110 = arith.constant 7 : i32
      %dma_start3A_111 = arith.constant 0 : i32
      %dma_start3A_112 = tpu.memref_slice %arg7[%dma_start3A_110, %dma_start3A_111] : memref<8x128xi32, #tpu.memory_space<vmem>> -> memref<1x128xi32, #tpu.memory_space<vmem>>
      %dma_start3A_113 = tpu.memref_squeeze %dma_start3A_112 : memref<1x128xi32, #tpu.memory_space<vmem>> -> memref<128xi32, #tpu.memory_space<vmem>>
      %dma_start3A_114 = arith.constant 0 : i32
      %dma_start3A_115 = arith.constant 0 : i32
      %dma_start3A_116 = tpu.memref_slice %arg2[%dma_start3A_114, %dma_start3A_115] : memref<20000x128xf32, #tpu.memory_space<hbm>> -> memref<20000x128xf32, #tpu.memory_space<hbm>>
      tpu.enqueue_indirect_dma source(%dma_start3A_116 : memref<20000x128xf32, #tpu.memory_space<hbm>>) target(%arg10 : memref<128x128xf32, #tpu.memory_space<vmem>>) offsets(%dma_start3A_113 : memref<128xi32, #tpu.memory_space<vmem>>) semaphore(%arg13 : memref<!tpu.dma_semaphore, #tpu.memory_space<semaphore_mem>>)
      %dma_wait3A_117 = arith.constant 6 : i32
      %dma_wait3A_118 = arith.constant 0 : i32
      %dma_wait3A_119 = tpu.memref_slice %arg7[%dma_wait3A_117, %dma_wait3A_118] : memref<8x128xi32, #tpu.memory_space<vmem>> -> memref<1x128xi32, #tpu.memory_space<vmem>>
      %dma_wait3A_120 = tpu.memref_squeeze %dma_wait3A_119 : memref<1x128xi32, #tpu.memory_space<vmem>> -> memref<128xi32, #tpu.memory_space<vmem>>
      %dma_wait3A_121 = arith.constant 0 : i32
      %dma_wait3A_122 = arith.constant 0 : i32
      %dma_wait3A_123 = tpu.memref_slice %arg2[%dma_wait3A_121, %dma_wait3A_122] : memref<20000x128xf32, #tpu.memory_space<hbm>> -> memref<20000x128xf32, #tpu.memory_space<hbm>>
      tpu.wait_indirect_dma semaphore(%arg12 : memref<!tpu.dma_semaphore, #tpu.memory_space<semaphore_mem>>) src(%dma_wait3A_123 : memref<20000x128xf32, #tpu.memory_space<hbm>>) dst(%arg9 : memref<128x128xf32, #tpu.memory_space<vmem>>)
      %run_scoped3A_124 = arith.constant 6 : i32
      "tpu.region"() ({
        %run_scoped3A_133 = tpu.sem_alloc : memref<!tpu.dma_semaphore, #tpu.memory_space<semaphore_mem>>
        %dma_start3A_134 = arith.constant 0 : i32
        %dma_start3A_135 = tpu.memref_slice %arg8[%run_scoped3A_124, %dma_start3A_134] : memref<8x128xi32, #tpu.memory_space<vmem>> -> memref<1x128xi32, #tpu.memory_space<vmem>>
        %dma_start3A_136 = tpu.memref_squeeze %dma_start3A_135 : memref<1x128xi32, #tpu.memory_space<vmem>> -> memref<128xi32, #tpu.memory_space<vmem>>
        %dma_start3A_137 = arith.constant 0 : i32
        %dma_start3A_138 = arith.constant 0 : i32
        %dma_start3A_139 = tpu.memref_slice %arg11[%dma_start3A_137, %dma_start3A_138] : memref<10240x128xf32, #tpu.memory_space<vmem_shared>> -> memref<10240x128xf32, #tpu.memory_space<vmem_shared>>
        tpu.enqueue_indirect_dma source(%arg9 : memref<128x128xf32, #tpu.memory_space<vmem>>) target(%dma_start3A_139 : memref<10240x128xf32, #tpu.memory_space<vmem_shared>>) offsets(%dma_start3A_136 : memref<128xi32, #tpu.memory_space<vmem>>) semaphore(%run_scoped3A_133 : memref<!tpu.dma_semaphore, #tpu.memory_space<semaphore_mem>>) {add = true}
        %dma_wait3A_140 = arith.constant 0 : i32
        %dma_wait3A_141 = tpu.memref_slice %arg8[%run_scoped3A_124, %dma_wait3A_140] : memref<8x128xi32, #tpu.memory_space<vmem>> -> memref<1x128xi32, #tpu.memory_space<vmem>>
        %dma_wait3A_142 = tpu.memref_squeeze %dma_wait3A_141 : memref<1x128xi32, #tpu.memory_space<vmem>> -> memref<128xi32, #tpu.memory_space<vmem>>
        %dma_wait3A_143 = arith.constant 0 : i32
        %dma_wait3A_144 = arith.constant 0 : i32
        %dma_wait3A_145 = tpu.memref_slice %arg11[%dma_wait3A_143, %dma_wait3A_144] : memref<10240x128xf32, #tpu.memory_space<vmem_shared>> -> memref<10240x128xf32, #tpu.memory_space<vmem_shared>>
        tpu.wait_indirect_dma semaphore(%run_scoped3A_133 : memref<!tpu.dma_semaphore, #tpu.memory_space<semaphore_mem>>) src(%arg9 : memref<128x128xf32, #tpu.memory_space<vmem>>) dst(%dma_wait3A_145 : memref<10240x128xf32, #tpu.memory_space<vmem_shared>>)
        tpu.yield
      }) : () -> ()
      %dma_wait3A_125 = arith.constant 7 : i32
      %dma_wait3A_126 = arith.constant 0 : i32
      %dma_wait3A_127 = tpu.memref_slice %arg7[%dma_wait3A_125, %dma_wait3A_126] : memref<8x128xi32, #tpu.memory_space<vmem>> -> memref<1x128xi32, #tpu.memory_space<vmem>>
      %dma_wait3A_128 = tpu.memref_squeeze %dma_wait3A_127 : memref<1x128xi32, #tpu.memory_space<vmem>> -> memref<128xi32, #tpu.memory_space<vmem>>
      %dma_wait3A_129 = arith.constant 0 : i32
      %dma_wait3A_130 = arith.constant 0 : i32
      %dma_wait3A_131 = tpu.memref_slice %arg2[%dma_wait3A_129, %dma_wait3A_130] : memref<20000x128xf32, #tpu.memory_space<hbm>> -> memref<20000x128xf32, #tpu.memory_space<hbm>>
      tpu.wait_indirect_dma semaphore(%arg13 : memref<!tpu.dma_semaphore, #tpu.memory_space<semaphore_mem>>) src(%dma_wait3A_131 : memref<20000x128xf32, #tpu.memory_space<hbm>>) dst(%arg10 : memref<128x128xf32, #tpu.memory_space<vmem>>)
      %run_scoped3A_132 = arith.constant 7 : i32
      "tpu.region"() ({
        %run_scoped3A_133 = tpu.sem_alloc : memref<!tpu.dma_semaphore, #tpu.memory_space<semaphore_mem>>
        %dma_start3A_134 = arith.constant 0 : i32
        %dma_start3A_135 = tpu.memref_slice %arg8[%run_scoped3A_132, %dma_start3A_134] : memref<8x128xi32, #tpu.memory_space<vmem>> -> memref<1x128xi32, #tpu.memory_space<vmem>>
        %dma_start3A_136 = tpu.memref_squeeze %dma_start3A_135 : memref<1x128xi32, #tpu.memory_space<vmem>> -> memref<128xi32, #tpu.memory_space<vmem>>
        %dma_start3A_137 = arith.constant 0 : i32
        %dma_start3A_138 = arith.constant 0 : i32
        %dma_start3A_139 = tpu.memref_slice %arg11[%dma_start3A_137, %dma_start3A_138] : memref<10240x128xf32, #tpu.memory_space<vmem_shared>> -> memref<10240x128xf32, #tpu.memory_space<vmem_shared>>
        tpu.enqueue_indirect_dma source(%arg10 : memref<128x128xf32, #tpu.memory_space<vmem>>) target(%dma_start3A_139 : memref<10240x128xf32, #tpu.memory_space<vmem_shared>>) offsets(%dma_start3A_136 : memref<128xi32, #tpu.memory_space<vmem>>) semaphore(%run_scoped3A_133 : memref<!tpu.dma_semaphore, #tpu.memory_space<semaphore_mem>>) {add = true}
        %dma_wait3A_140 = arith.constant 0 : i32
        %dma_wait3A_141 = tpu.memref_slice %arg8[%run_scoped3A_132, %dma_wait3A_140] : memref<8x128xi32, #tpu.memory_space<vmem>> -> memref<1x128xi32, #tpu.memory_space<vmem>>
        %dma_wait3A_142 = tpu.memref_squeeze %dma_wait3A_141 : memref<1x128xi32, #tpu.memory_space<vmem>> -> memref<128xi32, #tpu.memory_space<vmem>>
        %dma_wait3A_143 = arith.constant 0 : i32
        %dma_wait3A_144 = arith.constant 0 : i32
        %dma_wait3A_145 = tpu.memref_slice %arg11[%dma_wait3A_143, %dma_wait3A_144] : memref<10240x128xf32, #tpu.memory_space<vmem_shared>> -> memref<10240x128xf32, #tpu.memory_space<vmem_shared>>
        tpu.wait_indirect_dma semaphore(%run_scoped3A_133 : memref<!tpu.dma_semaphore, #tpu.memory_space<semaphore_mem>>) src(%arg10 : memref<128x128xf32, #tpu.memory_space<vmem>>) dst(%dma_wait3A_145 : memref<10240x128xf32, #tpu.memory_space<vmem_shared>>)
        tpu.yield
      }) : () -> ()
    }
    %scan3A_7 = arith.constant 10 : i32
    %barrier3A_8 = arith.constant 0 : index
    tpu.barrier barrier_id(%barrier3A_8)
    %mul3A_9 = arith.constant 640 : i32
    %mul3A_10 = arith.muli %arg1, %mul3A_9 : i32
    %mul3A_11 = arith.constant 640 : i32
    %mul3A_12 = arith.muli %arg1, %mul3A_11 : i32
    "tpu.region"() ({
      %run_scoped3A = tpu.sem_alloc : memref<!tpu.dma_semaphore, #tpu.memory_space<semaphore_mem>>
      %dma_start3A = arith.constant 0 : i32
      %dma_start3A_13 = tpu.memref_slice %arg6[%arg0, %mul3A_12, %dma_start3A] : memref<2x10240x128xf32, #tpu.memory_space<hbm>> -> memref<1x640x128xf32, #tpu.memory_space<hbm>>
      %dma_start3A_14 = tpu.memref_squeeze %dma_start3A_13 : memref<1x640x128xf32, #tpu.memory_space<hbm>> -> memref<640x128xf32, #tpu.memory_space<hbm>>
      %dma_start3A_15 = arith.constant 0 : i32
      %dma_start3A_16 = tpu.memref_slice %arg11[%mul3A_10, %dma_start3A_15] : memref<10240x128xf32, #tpu.memory_space<vmem_shared>> -> memref<640x128xf32, #tpu.memory_space<vmem_shared>>
      tpu.enqueue_dma source(%dma_start3A_16 : memref<640x128xf32, #tpu.memory_space<vmem_shared>>) target(%dma_start3A_14 : memref<640x128xf32, #tpu.memory_space<hbm>>) target_semaphore(%run_scoped3A : memref<!tpu.dma_semaphore, #tpu.memory_space<semaphore_mem>>)
      %dma_wait3A = arith.constant 0 : i32
      %dma_wait3A_17 = tpu.memref_slice %arg6[%arg0, %mul3A_12, %dma_wait3A] : memref<2x10240x128xf32, #tpu.memory_space<hbm>> -> memref<1x640x128xf32, #tpu.memory_space<hbm>>
      %dma_wait3A_18 = tpu.memref_squeeze %dma_wait3A_17 : memref<1x640x128xf32, #tpu.memory_space<hbm>> -> memref<640x128xf32, #tpu.memory_space<hbm>>
      %dma_wait3A_19 = arith.constant 0 : i32
      %dma_wait3A_20 = tpu.memref_slice %arg11[%mul3A_10, %dma_wait3A_19] : memref<10240x128xf32, #tpu.memory_space<vmem_shared>> -> memref<640x128xf32, #tpu.memory_space<vmem_shared>>
      tpu.wait_dma2 semaphore(%run_scoped3A : memref<!tpu.dma_semaphore, #tpu.memory_space<semaphore_mem>>) src(%dma_wait3A_20 : memref<640x128xf32, #tpu.memory_space<vmem_shared>>) dst(%dma_wait3A_18 : memref<640x128xf32, #tpu.memory_space<hbm>>)
      tpu.yield
    }) : () -> ()
    return
  }
}

#map = affine_map<(d0, d1) -> (0, 0)>
#map1 = affine_map<(d0, d1) -> (0, 0, 0)>
module attributes {stable_mosaic.version = 14 : i64} {
  func.func @_agg_body(%arg0: i32, %arg1: i32, %arg2: memref<20000x128xf32, #tpu.memory_space<hbm>>, %arg3: memref<2x1280x128xi32, #tpu.memory_space<hbm>>, %arg4: memref<1280x128xi32, #tpu.memory_space<hbm>>, %arg5: memref<10240x128xf32, #tpu.memory_space<hbm>>, %arg6: memref<2x10240x128xf32, #tpu.memory_space<hbm>>, %arg7: memref<8x128xi32, #tpu.memory_space<vmem>>, %arg8: memref<8x128xi32, #tpu.memory_space<vmem>>, %arg9: memref<128x128xf32, #tpu.memory_space<vmem>>, %arg10: memref<128x128xf32, #tpu.memory_space<vmem>>, %arg11: memref<10240x128xf32, #tpu.memory_space<vmem_shared>>, %arg12: memref<!tpu.dma_semaphore, #tpu.memory_space<semaphore_mem>>, %arg13: memref<!tpu.dma_semaphore, #tpu.memory_space<semaphore_mem>>) attributes {dimension_semantics = [#tpu.dimension_semantics<core_parallel>, #tpu.dimension_semantics<subcore_parallel>], iteration_bounds = array<i64: 2, 16>, scalar_prefetch = 0 : i64, scratch_operands = 7 : i64, tpu.core_type = #tpu.core_type<sc_vector_subcore>, window_params = [{transform_indices = #map}, {transform_indices = #map1}, {transform_indices = #map}, {transform_indices = #map}, {transform_indices = #map1}]} {
    %eq3A = arith.constant 0 : i32
    %eq3A_0 = arith.cmpi eq, %arg1, %eq3A : i32
    %convert_element_type3A = arith.extui %eq3A_0 : i1 to i32
    %cond3A = arith.constant 0 : i32
    %cond3A_1 = arith.cmpi ne, %convert_element_type3A, %cond3A : i32
    scf.if %cond3A_1 {
      "tpu.region"() ({
        %run_scoped3A = tpu.sem_alloc : memref<!tpu.dma_semaphore, #tpu.memory_space<semaphore_mem>>
        tpu.enqueue_dma source(%arg5 : memref<10240x128xf32, #tpu.memory_space<hbm>>) target(%arg11 : memref<10240x128xf32, #tpu.memory_space<vmem_shared>>) target_semaphore(%run_scoped3A : memref<!tpu.dma_semaphore, #tpu.memory_space<semaphore_mem>>)
        tpu.wait_dma2 semaphore(%run_scoped3A : memref<!tpu.dma_semaphore, #tpu.memory_space<semaphore_mem>>) src(%arg5 : memref<10240x128xf32, #tpu.memory_space<hbm>>) dst(%arg11 : memref<10240x128xf32, #tpu.memory_space<vmem_shared>>)
        tpu.yield
      }) : () -> ()
    } else {
    }
    %barrier3A = arith.constant 0 : index
    tpu.barrier barrier_id(%barrier3A)
    %mul3A = arith.constant 80 : i32
    %mul3A_2 = arith.muli %arg1, %mul3A : i32
    %scan3A = arith.constant 0 : i32
    %scan3A_3 = arith.constant 0 : i32
    %scan3A_4 = arith.constant 10 : i32
    %scan3A_5 = arith.addi %scan3A_3, %scan3A_4 : i32
    %scan3A_6 = arith.constant 1 : i32
    scf.for %scan3A_13 = %scan3A_3 to %scan3A_5 step %scan3A_6  : i32 {
      %mul3A_14 = arith.constant 8 : i32
      %mul3A_15 = arith.muli %scan3A_13, %mul3A_14 : i32
      %add3A = arith.addi %mul3A_2, %mul3A_15 : i32
      "tpu.region"() ({
        %run_scoped3A_133 = tpu.sem_alloc : memref<!tpu.dma_semaphore, #tpu.memory_space<semaphore_mem>>
        %dma_start3A_134 = arith.constant 0 : i32
        %dma_start3A_135 = tpu.memref_slice %arg3[%arg0, %add3A, %dma_start3A_134] : memref<2x1280x128xi32, #tpu.memory_space<hbm>> -> memref<1x8x128xi32, #tpu.memory_space<hbm>>
        %dma_start3A_136 = tpu.memref_squeeze %dma_start3A_135 : memref<1x8x128xi32, #tpu.memory_space<hbm>> -> memref<8x128xi32, #tpu.memory_space<hbm>>
        %dma_start3A_137 = arith.constant 0 : i32
        %dma_start3A_138 = tpu.memref_slice %arg3[%arg0, %add3A, %dma_start3A_137] : memref<2x1280x128xi32, #tpu.memory_space<hbm>> -> memref<1x8x128xi32, #tpu.memory_space<hbm>>
        %dma_start3A_139 = tpu.memref_squeeze %dma_start3A_138 : memref<1x8x128xi32, #tpu.memory_space<hbm>> -> memref<8x128xi32, #tpu.memory_space<hbm>>
        tpu.enqueue_dma source(%dma_start3A_139 : memref<8x128xi32, #tpu.memory_space<hbm>>) target(%arg7 : memref<8x128xi32, #tpu.memory_space<vmem>>) target_semaphore(%run_scoped3A_133 : memref<!tpu.dma_semaphore, #tpu.memory_space<semaphore_mem>>)
        %dma_wait3A_140 = arith.constant 0 : i32
        %dma_wait3A_141 = tpu.memref_slice %arg3[%arg0, %add3A, %dma_wait3A_140] : memref<2x1280x128xi32, #tpu.memory_space<hbm>> -> memref<1x8x128xi32, #tpu.memory_space<hbm>>
        %dma_wait3A_142 = tpu.memref_squeeze %dma_wait3A_141 : memref<1x8x128xi32, #tpu.memory_space<hbm>> -> memref<8x128xi32, #tpu.memory_space<hbm>>
        %dma_wait3A_143 = arith.constant 0 : i32
        %dma_wait3A_144 = tpu.memref_slice %arg3[%arg0, %add3A, %dma_wait3A_143] : memref<2x1280x128xi32, #tpu.memory_space<hbm>> -> memref<1x8x128xi32, #tpu.memory_space<hbm>>
        %dma_wait3A_145 = tpu.memref_squeeze %dma_wait3A_144 : memref<1x8x128xi32, #tpu.memory_space<hbm>> -> memref<8x128xi32, #tpu.memory_space<hbm>>
        tpu.wait_dma2 semaphore(%run_scoped3A_133 : memref<!tpu.dma_semaphore, #tpu.memory_space<semaphore_mem>>) src(%dma_wait3A_145 : memref<8x128xi32, #tpu.memory_space<hbm>>) dst(%arg7 : memref<8x128xi32, #tpu.memory_space<vmem>>)
        tpu.yield
      }) : () -> ()
      "tpu.region"() ({
        %run_scoped3A_133 = tpu.sem_alloc : memref<!tpu.dma_semaphore, #tpu.memory_space<semaphore_mem>>
        %dma_start3A_134 = arith.constant 0 : i32
        %dma_start3A_135 = tpu.memref_slice %arg4[%add3A, %dma_start3A_134] : memref<1280x128xi32, #tpu.memory_space<hbm>> -> memref<8x128xi32, #tpu.memory_space<hbm>>
        %dma_start3A_136 = arith.constant 0 : i32
        %dma_start3A_137 = tpu.memref_slice %arg4[%add3A, %dma_start3A_136] : memref<1280x128xi32, #tpu.memory_space<hbm>> -> memref<8x128xi32, #tpu.memory_space<hbm>>
        tpu.enqueue_dma source(%dma_start3A_137 : memref<8x128xi32, #tpu.memory_space<hbm>>) target(%arg8 : memref<8x128xi32, #tpu.memory_space<vmem>>) target_semaphore(%run_scoped3A_133 : memref<!tpu.dma_semaphore, #tpu.memory_space<semaphore_mem>>)
        %dma_wait3A_138 = arith.constant 0 : i32
        %dma_wait3A_139 = tpu.memref_slice %arg4[%add3A, %dma_wait3A_138] : memref<1280x128xi32, #tpu.memory_space<hbm>> -> memref<8x128xi32, #tpu.memory_space<hbm>>
        %dma_wait3A_140 = arith.constant 0 : i32
        %dma_wait3A_141 = tpu.memref_slice %arg4[%add3A, %dma_wait3A_140] : memref<1280x128xi32, #tpu.memory_space<hbm>> -> memref<8x128xi32, #tpu.memory_space<hbm>>
        tpu.wait_dma2 semaphore(%run_scoped3A_133 : memref<!tpu.dma_semaphore, #tpu.memory_space<semaphore_mem>>) src(%dma_wait3A_141 : memref<8x128xi32, #tpu.memory_space<hbm>>) dst(%arg8 : memref<8x128xi32, #tpu.memory_space<vmem>>)
        tpu.yield
      }) : () -> ()
      %dma_start3A = arith.constant 0 : i32
      %dma_start3A_16 = arith.constant 0 : i32
      %dma_start3A_17 = tpu.memref_slice %arg7[%dma_start3A, %dma_start3A_16] : memref<8x128xi32, #tpu.memory_space<vmem>> -> memref<1x128xi32, #tpu.memory_space<vmem>>
      %dma_start3A_18 = tpu.memref_squeeze %dma_start3A_17 : memref<1x128xi32, #tpu.memory_space<vmem>> -> memref<128xi32, #tpu.memory_space<vmem>>
      %dma_start3A_19 = arith.constant 0 : i32
      %dma_start3A_20 = arith.constant 0 : i32
      %dma_start3A_21 = tpu.memref_slice %arg2[%dma_start3A_19, %dma_start3A_20] : memref<20000x128xf32, #tpu.memory_space<hbm>> -> memref<20000x128xf32, #tpu.memory_space<hbm>>
      tpu.enqueue_indirect_dma source(%dma_start3A_21 : memref<20000x128xf32, #tpu.memory_space<hbm>>) target(%arg9 : memref<128x128xf32, #tpu.memory_space<vmem>>) offsets(%dma_start3A_18 : memref<128xi32, #tpu.memory_space<vmem>>) semaphore(%arg12 : memref<!tpu.dma_semaphore, #tpu.memory_space<semaphore_mem>>)
      %dma_start3A_22 = arith.constant 1 : i32
      %dma_start3A_23 = arith.constant 0 : i32
      %dma_start3A_24 = tpu.memref_slice %arg7[%dma_start3A_22, %dma_start3A_23] : memref<8x128xi32, #tpu.memory_space<vmem>> -> memref<1x128xi32, #tpu.memory_space<vmem>>
      %dma_start3A_25 = tpu.memref_squeeze %dma_start3A_24 : memref<1x128xi32, #tpu.memory_space<vmem>> -> memref<128xi32, #tpu.memory_space<vmem>>
      %dma_start3A_26 = arith.constant 0 : i32
      %dma_start3A_27 = arith.constant 0 : i32
      %dma_start3A_28 = tpu.memref_slice %arg2[%dma_start3A_26, %dma_start3A_27] : memref<20000x128xf32, #tpu.memory_space<hbm>> -> memref<20000x128xf32, #tpu.memory_space<hbm>>
      tpu.enqueue_indirect_dma source(%dma_start3A_28 : memref<20000x128xf32, #tpu.memory_space<hbm>>) target(%arg10 : memref<128x128xf32, #tpu.memory_space<vmem>>) offsets(%dma_start3A_25 : memref<128xi32, #tpu.memory_space<vmem>>) semaphore(%arg13 : memref<!tpu.dma_semaphore, #tpu.memory_space<semaphore_mem>>)
      %dma_wait3A = arith.constant 0 : i32
      %dma_wait3A_29 = arith.constant 0 : i32
      %dma_wait3A_30 = tpu.memref_slice %arg7[%dma_wait3A, %dma_wait3A_29] : memref<8x128xi32, #tpu.memory_space<vmem>> -> memref<1x128xi32, #tpu.memory_space<vmem>>
      %dma_wait3A_31 = tpu.memref_squeeze %dma_wait3A_30 : memref<1x128xi32, #tpu.memory_space<vmem>> -> memref<128xi32, #tpu.memory_space<vmem>>
      %dma_wait3A_32 = arith.constant 0 : i32
      %dma_wait3A_33 = arith.constant 0 : i32
      %dma_wait3A_34 = tpu.memref_slice %arg2[%dma_wait3A_32, %dma_wait3A_33] : memref<20000x128xf32, #tpu.memory_space<hbm>> -> memref<20000x128xf32, #tpu.memory_space<hbm>>
      tpu.wait_indirect_dma semaphore(%arg12 : memref<!tpu.dma_semaphore, #tpu.memory_space<semaphore_mem>>) src(%dma_wait3A_34 : memref<20000x128xf32, #tpu.memory_space<hbm>>) dst(%arg9 : memref<128x128xf32, #tpu.memory_space<vmem>>)
      %run_scoped3A = arith.constant 0 : i32
      "tpu.region"() ({
        %run_scoped3A_133 = tpu.sem_alloc : memref<!tpu.dma_semaphore, #tpu.memory_space<semaphore_mem>>
        %dma_start3A_134 = arith.constant 0 : i32
        %dma_start3A_135 = tpu.memref_slice %arg8[%run_scoped3A, %dma_start3A_134] : memref<8x128xi32, #tpu.memory_space<vmem>> -> memref<1x128xi32, #tpu.memory_space<vmem>>
        %dma_start3A_136 = tpu.memref_squeeze %dma_start3A_135 : memref<1x128xi32, #tpu.memory_space<vmem>> -> memref<128xi32, #tpu.memory_space<vmem>>
        %dma_start3A_137 = arith.constant 0 : i32
        %dma_start3A_138 = arith.constant 0 : i32
        %dma_start3A_139 = tpu.memref_slice %arg11[%dma_start3A_137, %dma_start3A_138] : memref<10240x128xf32, #tpu.memory_space<vmem_shared>> -> memref<10240x128xf32, #tpu.memory_space<vmem_shared>>
        tpu.enqueue_indirect_dma source(%arg9 : memref<128x128xf32, #tpu.memory_space<vmem>>) target(%dma_start3A_139 : memref<10240x128xf32, #tpu.memory_space<vmem_shared>>) offsets(%dma_start3A_136 : memref<128xi32, #tpu.memory_space<vmem>>) semaphore(%run_scoped3A_133 : memref<!tpu.dma_semaphore, #tpu.memory_space<semaphore_mem>>) {add = true}
        %dma_wait3A_140 = arith.constant 0 : i32
        %dma_wait3A_141 = tpu.memref_slice %arg8[%run_scoped3A, %dma_wait3A_140] : memref<8x128xi32, #tpu.memory_space<vmem>> -> memref<1x128xi32, #tpu.memory_space<vmem>>
        %dma_wait3A_142 = tpu.memref_squeeze %dma_wait3A_141 : memref<1x128xi32, #tpu.memory_space<vmem>> -> memref<128xi32, #tpu.memory_space<vmem>>
        %dma_wait3A_143 = arith.constant 0 : i32
        %dma_wait3A_144 = arith.constant 0 : i32
        %dma_wait3A_145 = tpu.memref_slice %arg11[%dma_wait3A_143, %dma_wait3A_144] : memref<10240x128xf32, #tpu.memory_space<vmem_shared>> -> memref<10240x128xf32, #tpu.memory_space<vmem_shared>>
        tpu.wait_indirect_dma semaphore(%run_scoped3A_133 : memref<!tpu.dma_semaphore, #tpu.memory_space<semaphore_mem>>) src(%arg9 : memref<128x128xf32, #tpu.memory_space<vmem>>) dst(%dma_wait3A_145 : memref<10240x128xf32, #tpu.memory_space<vmem_shared>>)
        tpu.yield
      }) : () -> ()
      %dma_start3A_35 = arith.constant 2 : i32
      %dma_start3A_36 = arith.constant 0 : i32
      %dma_start3A_37 = tpu.memref_slice %arg7[%dma_start3A_35, %dma_start3A_36] : memref<8x128xi32, #tpu.memory_space<vmem>> -> memref<1x128xi32, #tpu.memory_space<vmem>>
      %dma_start3A_38 = tpu.memref_squeeze %dma_start3A_37 : memref<1x128xi32, #tpu.memory_space<vmem>> -> memref<128xi32, #tpu.memory_space<vmem>>
      %dma_start3A_39 = arith.constant 0 : i32
      %dma_start3A_40 = arith.constant 0 : i32
      %dma_start3A_41 = tpu.memref_slice %arg2[%dma_start3A_39, %dma_start3A_40] : memref<20000x128xf32, #tpu.memory_space<hbm>> -> memref<20000x128xf32, #tpu.memory_space<hbm>>
      tpu.enqueue_indirect_dma source(%dma_start3A_41 : memref<20000x128xf32, #tpu.memory_space<hbm>>) target(%arg9 : memref<128x128xf32, #tpu.memory_space<vmem>>) offsets(%dma_start3A_38 : memref<128xi32, #tpu.memory_space<vmem>>) semaphore(%arg12 : memref<!tpu.dma_semaphore, #tpu.memory_space<semaphore_mem>>)
      %dma_wait3A_42 = arith.constant 1 : i32
      %dma_wait3A_43 = arith.constant 0 : i32
      %dma_wait3A_44 = tpu.memref_slice %arg7[%dma_wait3A_42, %dma_wait3A_43] : memref<8x128xi32, #tpu.memory_space<vmem>> -> memref<1x128xi32, #tpu.memory_space<vmem>>
      %dma_wait3A_45 = tpu.memref_squeeze %dma_wait3A_44 : memref<1x128xi32, #tpu.memory_space<vmem>> -> memref<128xi32, #tpu.memory_space<vmem>>
      %dma_wait3A_46 = arith.constant 0 : i32
      %dma_wait3A_47 = arith.constant 0 : i32
      %dma_wait3A_48 = tpu.memref_slice %arg2[%dma_wait3A_46, %dma_wait3A_47] : memref<20000x128xf32, #tpu.memory_space<hbm>> -> memref<20000x128xf32, #tpu.memory_space<hbm>>
      tpu.wait_indirect_dma semaphore(%arg13 : memref<!tpu.dma_semaphore, #tpu.memory_space<semaphore_mem>>) src(%dma_wait3A_48 : memref<20000x128xf32, #tpu.memory_space<hbm>>) dst(%arg10 : memref<128x128xf32, #tpu.memory_space<vmem>>)
      %run_scoped3A_49 = arith.constant 1 : i32
      "tpu.region"() ({
        %run_scoped3A_133 = tpu.sem_alloc : memref<!tpu.dma_semaphore, #tpu.memory_space<semaphore_mem>>
        %dma_start3A_134 = arith.constant 0 : i32
        %dma_start3A_135 = tpu.memref_slice %arg8[%run_scoped3A_49, %dma_start3A_134] : memref<8x128xi32, #tpu.memory_space<vmem>> -> memref<1x128xi32, #tpu.memory_space<vmem>>
        %dma_start3A_136 = tpu.memref_squeeze %dma_start3A_135 : memref<1x128xi32, #tpu.memory_space<vmem>> -> memref<128xi32, #tpu.memory_space<vmem>>
        %dma_start3A_137 = arith.constant 0 : i32
        %dma_start3A_138 = arith.constant 0 : i32
        %dma_start3A_139 = tpu.memref_slice %arg11[%dma_start3A_137, %dma_start3A_138] : memref<10240x128xf32, #tpu.memory_space<vmem_shared>> -> memref<10240x128xf32, #tpu.memory_space<vmem_shared>>
        tpu.enqueue_indirect_dma source(%arg10 : memref<128x128xf32, #tpu.memory_space<vmem>>) target(%dma_start3A_139 : memref<10240x128xf32, #tpu.memory_space<vmem_shared>>) offsets(%dma_start3A_136 : memref<128xi32, #tpu.memory_space<vmem>>) semaphore(%run_scoped3A_133 : memref<!tpu.dma_semaphore, #tpu.memory_space<semaphore_mem>>) {add = true}
        %dma_wait3A_140 = arith.constant 0 : i32
        %dma_wait3A_141 = tpu.memref_slice %arg8[%run_scoped3A_49, %dma_wait3A_140] : memref<8x128xi32, #tpu.memory_space<vmem>> -> memref<1x128xi32, #tpu.memory_space<vmem>>
        %dma_wait3A_142 = tpu.memref_squeeze %dma_wait3A_141 : memref<1x128xi32, #tpu.memory_space<vmem>> -> memref<128xi32, #tpu.memory_space<vmem>>
        %dma_wait3A_143 = arith.constant 0 : i32
        %dma_wait3A_144 = arith.constant 0 : i32
        %dma_wait3A_145 = tpu.memref_slice %arg11[%dma_wait3A_143, %dma_wait3A_144] : memref<10240x128xf32, #tpu.memory_space<vmem_shared>> -> memref<10240x128xf32, #tpu.memory_space<vmem_shared>>
        tpu.wait_indirect_dma semaphore(%run_scoped3A_133 : memref<!tpu.dma_semaphore, #tpu.memory_space<semaphore_mem>>) src(%arg10 : memref<128x128xf32, #tpu.memory_space<vmem>>) dst(%dma_wait3A_145 : memref<10240x128xf32, #tpu.memory_space<vmem_shared>>)
        tpu.yield
      }) : () -> ()
      %dma_start3A_50 = arith.constant 3 : i32
      %dma_start3A_51 = arith.constant 0 : i32
      %dma_start3A_52 = tpu.memref_slice %arg7[%dma_start3A_50, %dma_start3A_51] : memref<8x128xi32, #tpu.memory_space<vmem>> -> memref<1x128xi32, #tpu.memory_space<vmem>>
      %dma_start3A_53 = tpu.memref_squeeze %dma_start3A_52 : memref<1x128xi32, #tpu.memory_space<vmem>> -> memref<128xi32, #tpu.memory_space<vmem>>
      %dma_start3A_54 = arith.constant 0 : i32
      %dma_start3A_55 = arith.constant 0 : i32
      %dma_start3A_56 = tpu.memref_slice %arg2[%dma_start3A_54, %dma_start3A_55] : memref<20000x128xf32, #tpu.memory_space<hbm>> -> memref<20000x128xf32, #tpu.memory_space<hbm>>
      tpu.enqueue_indirect_dma source(%dma_start3A_56 : memref<20000x128xf32, #tpu.memory_space<hbm>>) target(%arg10 : memref<128x128xf32, #tpu.memory_space<vmem>>) offsets(%dma_start3A_53 : memref<128xi32, #tpu.memory_space<vmem>>) semaphore(%arg13 : memref<!tpu.dma_semaphore, #tpu.memory_space<semaphore_mem>>)
      %dma_wait3A_57 = arith.constant 2 : i32
      %dma_wait3A_58 = arith.constant 0 : i32
      %dma_wait3A_59 = tpu.memref_slice %arg7[%dma_wait3A_57, %dma_wait3A_58] : memref<8x128xi32, #tpu.memory_space<vmem>> -> memref<1x128xi32, #tpu.memory_space<vmem>>
      %dma_wait3A_60 = tpu.memref_squeeze %dma_wait3A_59 : memref<1x128xi32, #tpu.memory_space<vmem>> -> memref<128xi32, #tpu.memory_space<vmem>>
      %dma_wait3A_61 = arith.constant 0 : i32
      %dma_wait3A_62 = arith.constant 0 : i32
      %dma_wait3A_63 = tpu.memref_slice %arg2[%dma_wait3A_61, %dma_wait3A_62] : memref<20000x128xf32, #tpu.memory_space<hbm>> -> memref<20000x128xf32, #tpu.memory_space<hbm>>
      tpu.wait_indirect_dma semaphore(%arg12 : memref<!tpu.dma_semaphore, #tpu.memory_space<semaphore_mem>>) src(%dma_wait3A_63 : memref<20000x128xf32, #tpu.memory_space<hbm>>) dst(%arg9 : memref<128x128xf32, #tpu.memory_space<vmem>>)
      %run_scoped3A_64 = arith.constant 2 : i32
      "tpu.region"() ({
        %run_scoped3A_133 = tpu.sem_alloc : memref<!tpu.dma_semaphore, #tpu.memory_space<semaphore_mem>>
        %dma_start3A_134 = arith.constant 0 : i32
        %dma_start3A_135 = tpu.memref_slice %arg8[%run_scoped3A_64, %dma_start3A_134] : memref<8x128xi32, #tpu.memory_space<vmem>> -> memref<1x128xi32, #tpu.memory_space<vmem>>
        %dma_start3A_136 = tpu.memref_squeeze %dma_start3A_135 : memref<1x128xi32, #tpu.memory_space<vmem>> -> memref<128xi32, #tpu.memory_space<vmem>>
        %dma_start3A_137 = arith.constant 0 : i32
        %dma_start3A_138 = arith.constant 0 : i32
        %dma_start3A_139 = tpu.memref_slice %arg11[%dma_start3A_137, %dma_start3A_138] : memref<10240x128xf32, #tpu.memory_space<vmem_shared>> -> memref<10240x128xf32, #tpu.memory_space<vmem_shared>>
        tpu.enqueue_indirect_dma source(%arg9 : memref<128x128xf32, #tpu.memory_space<vmem>>) target(%dma_start3A_139 : memref<10240x128xf32, #tpu.memory_space<vmem_shared>>) offsets(%dma_start3A_136 : memref<128xi32, #tpu.memory_space<vmem>>) semaphore(%run_scoped3A_133 : memref<!tpu.dma_semaphore, #tpu.memory_space<semaphore_mem>>) {add = true}
        %dma_wait3A_140 = arith.constant 0 : i32
        %dma_wait3A_141 = tpu.memref_slice %arg8[%run_scoped3A_64, %dma_wait3A_140] : memref<8x128xi32, #tpu.memory_space<vmem>> -> memref<1x128xi32, #tpu.memory_space<vmem>>
        %dma_wait3A_142 = tpu.memref_squeeze %dma_wait3A_141 : memref<1x128xi32, #tpu.memory_space<vmem>> -> memref<128xi32, #tpu.memory_space<vmem>>
        %dma_wait3A_143 = arith.constant 0 : i32
        %dma_wait3A_144 = arith.constant 0 : i32
        %dma_wait3A_145 = tpu.memref_slice %arg11[%dma_wait3A_143, %dma_wait3A_144] : memref<10240x128xf32, #tpu.memory_space<vmem_shared>> -> memref<10240x128xf32, #tpu.memory_space<vmem_shared>>
        tpu.wait_indirect_dma semaphore(%run_scoped3A_133 : memref<!tpu.dma_semaphore, #tpu.memory_space<semaphore_mem>>) src(%arg9 : memref<128x128xf32, #tpu.memory_space<vmem>>) dst(%dma_wait3A_145 : memref<10240x128xf32, #tpu.memory_space<vmem_shared>>)
        tpu.yield
      }) : () -> ()
      %dma_start3A_65 = arith.constant 4 : i32
      %dma_start3A_66 = arith.constant 0 : i32
      %dma_start3A_67 = tpu.memref_slice %arg7[%dma_start3A_65, %dma_start3A_66] : memref<8x128xi32, #tpu.memory_space<vmem>> -> memref<1x128xi32, #tpu.memory_space<vmem>>
      %dma_start3A_68 = tpu.memref_squeeze %dma_start3A_67 : memref<1x128xi32, #tpu.memory_space<vmem>> -> memref<128xi32, #tpu.memory_space<vmem>>
      %dma_start3A_69 = arith.constant 0 : i32
      %dma_start3A_70 = arith.constant 0 : i32
      %dma_start3A_71 = tpu.memref_slice %arg2[%dma_start3A_69, %dma_start3A_70] : memref<20000x128xf32, #tpu.memory_space<hbm>> -> memref<20000x128xf32, #tpu.memory_space<hbm>>
      tpu.enqueue_indirect_dma source(%dma_start3A_71 : memref<20000x128xf32, #tpu.memory_space<hbm>>) target(%arg9 : memref<128x128xf32, #tpu.memory_space<vmem>>) offsets(%dma_start3A_68 : memref<128xi32, #tpu.memory_space<vmem>>) semaphore(%arg12 : memref<!tpu.dma_semaphore, #tpu.memory_space<semaphore_mem>>)
      %dma_wait3A_72 = arith.constant 3 : i32
      %dma_wait3A_73 = arith.constant 0 : i32
      %dma_wait3A_74 = tpu.memref_slice %arg7[%dma_wait3A_72, %dma_wait3A_73] : memref<8x128xi32, #tpu.memory_space<vmem>> -> memref<1x128xi32, #tpu.memory_space<vmem>>
      %dma_wait3A_75 = tpu.memref_squeeze %dma_wait3A_74 : memref<1x128xi32, #tpu.memory_space<vmem>> -> memref<128xi32, #tpu.memory_space<vmem>>
      %dma_wait3A_76 = arith.constant 0 : i32
      %dma_wait3A_77 = arith.constant 0 : i32
      %dma_wait3A_78 = tpu.memref_slice %arg2[%dma_wait3A_76, %dma_wait3A_77] : memref<20000x128xf32, #tpu.memory_space<hbm>> -> memref<20000x128xf32, #tpu.memory_space<hbm>>
      tpu.wait_indirect_dma semaphore(%arg13 : memref<!tpu.dma_semaphore, #tpu.memory_space<semaphore_mem>>) src(%dma_wait3A_78 : memref<20000x128xf32, #tpu.memory_space<hbm>>) dst(%arg10 : memref<128x128xf32, #tpu.memory_space<vmem>>)
      %run_scoped3A_79 = arith.constant 3 : i32
      "tpu.region"() ({
        %run_scoped3A_133 = tpu.sem_alloc : memref<!tpu.dma_semaphore, #tpu.memory_space<semaphore_mem>>
        %dma_start3A_134 = arith.constant 0 : i32
        %dma_start3A_135 = tpu.memref_slice %arg8[%run_scoped3A_79, %dma_start3A_134] : memref<8x128xi32, #tpu.memory_space<vmem>> -> memref<1x128xi32, #tpu.memory_space<vmem>>
        %dma_start3A_136 = tpu.memref_squeeze %dma_start3A_135 : memref<1x128xi32, #tpu.memory_space<vmem>> -> memref<128xi32, #tpu.memory_space<vmem>>
        %dma_start3A_137 = arith.constant 0 : i32
        %dma_start3A_138 = arith.constant 0 : i32
        %dma_start3A_139 = tpu.memref_slice %arg11[%dma_start3A_137, %dma_start3A_138] : memref<10240x128xf32, #tpu.memory_space<vmem_shared>> -> memref<10240x128xf32, #tpu.memory_space<vmem_shared>>
        tpu.enqueue_indirect_dma source(%arg10 : memref<128x128xf32, #tpu.memory_space<vmem>>) target(%dma_start3A_139 : memref<10240x128xf32, #tpu.memory_space<vmem_shared>>) offsets(%dma_start3A_136 : memref<128xi32, #tpu.memory_space<vmem>>) semaphore(%run_scoped3A_133 : memref<!tpu.dma_semaphore, #tpu.memory_space<semaphore_mem>>) {add = true}
        %dma_wait3A_140 = arith.constant 0 : i32
        %dma_wait3A_141 = tpu.memref_slice %arg8[%run_scoped3A_79, %dma_wait3A_140] : memref<8x128xi32, #tpu.memory_space<vmem>> -> memref<1x128xi32, #tpu.memory_space<vmem>>
        %dma_wait3A_142 = tpu.memref_squeeze %dma_wait3A_141 : memref<1x128xi32, #tpu.memory_space<vmem>> -> memref<128xi32, #tpu.memory_space<vmem>>
        %dma_wait3A_143 = arith.constant 0 : i32
        %dma_wait3A_144 = arith.constant 0 : i32
        %dma_wait3A_145 = tpu.memref_slice %arg11[%dma_wait3A_143, %dma_wait3A_144] : memref<10240x128xf32, #tpu.memory_space<vmem_shared>> -> memref<10240x128xf32, #tpu.memory_space<vmem_shared>>
        tpu.wait_indirect_dma semaphore(%run_scoped3A_133 : memref<!tpu.dma_semaphore, #tpu.memory_space<semaphore_mem>>) src(%arg10 : memref<128x128xf32, #tpu.memory_space<vmem>>) dst(%dma_wait3A_145 : memref<10240x128xf32, #tpu.memory_space<vmem_shared>>)
        tpu.yield
      }) : () -> ()
      %dma_start3A_80 = arith.constant 5 : i32
      %dma_start3A_81 = arith.constant 0 : i32
      %dma_start3A_82 = tpu.memref_slice %arg7[%dma_start3A_80, %dma_start3A_81] : memref<8x128xi32, #tpu.memory_space<vmem>> -> memref<1x128xi32, #tpu.memory_space<vmem>>
      %dma_start3A_83 = tpu.memref_squeeze %dma_start3A_82 : memref<1x128xi32, #tpu.memory_space<vmem>> -> memref<128xi32, #tpu.memory_space<vmem>>
      %dma_start3A_84 = arith.constant 0 : i32
      %dma_start3A_85 = arith.constant 0 : i32
      %dma_start3A_86 = tpu.memref_slice %arg2[%dma_start3A_84, %dma_start3A_85] : memref<20000x128xf32, #tpu.memory_space<hbm>> -> memref<20000x128xf32, #tpu.memory_space<hbm>>
      tpu.enqueue_indirect_dma source(%dma_start3A_86 : memref<20000x128xf32, #tpu.memory_space<hbm>>) target(%arg10 : memref<128x128xf32, #tpu.memory_space<vmem>>) offsets(%dma_start3A_83 : memref<128xi32, #tpu.memory_space<vmem>>) semaphore(%arg13 : memref<!tpu.dma_semaphore, #tpu.memory_space<semaphore_mem>>)
      %dma_wait3A_87 = arith.constant 4 : i32
      %dma_wait3A_88 = arith.constant 0 : i32
      %dma_wait3A_89 = tpu.memref_slice %arg7[%dma_wait3A_87, %dma_wait3A_88] : memref<8x128xi32, #tpu.memory_space<vmem>> -> memref<1x128xi32, #tpu.memory_space<vmem>>
      %dma_wait3A_90 = tpu.memref_squeeze %dma_wait3A_89 : memref<1x128xi32, #tpu.memory_space<vmem>> -> memref<128xi32, #tpu.memory_space<vmem>>
      %dma_wait3A_91 = arith.constant 0 : i32
      %dma_wait3A_92 = arith.constant 0 : i32
      %dma_wait3A_93 = tpu.memref_slice %arg2[%dma_wait3A_91, %dma_wait3A_92] : memref<20000x128xf32, #tpu.memory_space<hbm>> -> memref<20000x128xf32, #tpu.memory_space<hbm>>
      tpu.wait_indirect_dma semaphore(%arg12 : memref<!tpu.dma_semaphore, #tpu.memory_space<semaphore_mem>>) src(%dma_wait3A_93 : memref<20000x128xf32, #tpu.memory_space<hbm>>) dst(%arg9 : memref<128x128xf32, #tpu.memory_space<vmem>>)
      %run_scoped3A_94 = arith.constant 4 : i32
      "tpu.region"() ({
        %run_scoped3A_133 = tpu.sem_alloc : memref<!tpu.dma_semaphore, #tpu.memory_space<semaphore_mem>>
        %dma_start3A_134 = arith.constant 0 : i32
        %dma_start3A_135 = tpu.memref_slice %arg8[%run_scoped3A_94, %dma_start3A_134] : memref<8x128xi32, #tpu.memory_space<vmem>> -> memref<1x128xi32, #tpu.memory_space<vmem>>
        %dma_start3A_136 = tpu.memref_squeeze %dma_start3A_135 : memref<1x128xi32, #tpu.memory_space<vmem>> -> memref<128xi32, #tpu.memory_space<vmem>>
        %dma_start3A_137 = arith.constant 0 : i32
        %dma_start3A_138 = arith.constant 0 : i32
        %dma_start3A_139 = tpu.memref_slice %arg11[%dma_start3A_137, %dma_start3A_138] : memref<10240x128xf32, #tpu.memory_space<vmem_shared>> -> memref<10240x128xf32, #tpu.memory_space<vmem_shared>>
        tpu.enqueue_indirect_dma source(%arg9 : memref<128x128xf32, #tpu.memory_space<vmem>>) target(%dma_start3A_139 : memref<10240x128xf32, #tpu.memory_space<vmem_shared>>) offsets(%dma_start3A_136 : memref<128xi32, #tpu.memory_space<vmem>>) semaphore(%run_scoped3A_133 : memref<!tpu.dma_semaphore, #tpu.memory_space<semaphore_mem>>) {add = true}
        %dma_wait3A_140 = arith.constant 0 : i32
        %dma_wait3A_141 = tpu.memref_slice %arg8[%run_scoped3A_94, %dma_wait3A_140] : memref<8x128xi32, #tpu.memory_space<vmem>> -> memref<1x128xi32, #tpu.memory_space<vmem>>
        %dma_wait3A_142 = tpu.memref_squeeze %dma_wait3A_141 : memref<1x128xi32, #tpu.memory_space<vmem>> -> memref<128xi32, #tpu.memory_space<vmem>>
        %dma_wait3A_143 = arith.constant 0 : i32
        %dma_wait3A_144 = arith.constant 0 : i32
        %dma_wait3A_145 = tpu.memref_slice %arg11[%dma_wait3A_143, %dma_wait3A_144] : memref<10240x128xf32, #tpu.memory_space<vmem_shared>> -> memref<10240x128xf32, #tpu.memory_space<vmem_shared>>
        tpu.wait_indirect_dma semaphore(%run_scoped3A_133 : memref<!tpu.dma_semaphore, #tpu.memory_space<semaphore_mem>>) src(%arg9 : memref<128x128xf32, #tpu.memory_space<vmem>>) dst(%dma_wait3A_145 : memref<10240x128xf32, #tpu.memory_space<vmem_shared>>)
        tpu.yield
      }) : () -> ()
      %dma_start3A_95 = arith.constant 6 : i32
      %dma_start3A_96 = arith.constant 0 : i32
      %dma_start3A_97 = tpu.memref_slice %arg7[%dma_start3A_95, %dma_start3A_96] : memref<8x128xi32, #tpu.memory_space<vmem>> -> memref<1x128xi32, #tpu.memory_space<vmem>>
      %dma_start3A_98 = tpu.memref_squeeze %dma_start3A_97 : memref<1x128xi32, #tpu.memory_space<vmem>> -> memref<128xi32, #tpu.memory_space<vmem>>
      %dma_start3A_99 = arith.constant 0 : i32
      %dma_start3A_100 = arith.constant 0 : i32
      %dma_start3A_101 = tpu.memref_slice %arg2[%dma_start3A_99, %dma_start3A_100] : memref<20000x128xf32, #tpu.memory_space<hbm>> -> memref<20000x128xf32, #tpu.memory_space<hbm>>
      tpu.enqueue_indirect_dma source(%dma_start3A_101 : memref<20000x128xf32, #tpu.memory_space<hbm>>) target(%arg9 : memref<128x128xf32, #tpu.memory_space<vmem>>) offsets(%dma_start3A_98 : memref<128xi32, #tpu.memory_space<vmem>>) semaphore(%arg12 : memref<!tpu.dma_semaphore, #tpu.memory_space<semaphore_mem>>)
      %dma_wait3A_102 = arith.constant 5 : i32
      %dma_wait3A_103 = arith.constant 0 : i32
      %dma_wait3A_104 = tpu.memref_slice %arg7[%dma_wait3A_102, %dma_wait3A_103] : memref<8x128xi32, #tpu.memory_space<vmem>> -> memref<1x128xi32, #tpu.memory_space<vmem>>
      %dma_wait3A_105 = tpu.memref_squeeze %dma_wait3A_104 : memref<1x128xi32, #tpu.memory_space<vmem>> -> memref<128xi32, #tpu.memory_space<vmem>>
      %dma_wait3A_106 = arith.constant 0 : i32
      %dma_wait3A_107 = arith.constant 0 : i32
      %dma_wait3A_108 = tpu.memref_slice %arg2[%dma_wait3A_106, %dma_wait3A_107] : memref<20000x128xf32, #tpu.memory_space<hbm>> -> memref<20000x128xf32, #tpu.memory_space<hbm>>
      tpu.wait_indirect_dma semaphore(%arg13 : memref<!tpu.dma_semaphore, #tpu.memory_space<semaphore_mem>>) src(%dma_wait3A_108 : memref<20000x128xf32, #tpu.memory_space<hbm>>) dst(%arg10 : memref<128x128xf32, #tpu.memory_space<vmem>>)
      %run_scoped3A_109 = arith.constant 5 : i32
      "tpu.region"() ({
        %run_scoped3A_133 = tpu.sem_alloc : memref<!tpu.dma_semaphore, #tpu.memory_space<semaphore_mem>>
        %dma_start3A_134 = arith.constant 0 : i32
        %dma_start3A_135 = tpu.memref_slice %arg8[%run_scoped3A_109, %dma_start3A_134] : memref<8x128xi32, #tpu.memory_space<vmem>> -> memref<1x128xi32, #tpu.memory_space<vmem>>
        %dma_start3A_136 = tpu.memref_squeeze %dma_start3A_135 : memref<1x128xi32, #tpu.memory_space<vmem>> -> memref<128xi32, #tpu.memory_space<vmem>>
        %dma_start3A_137 = arith.constant 0 : i32
        %dma_start3A_138 = arith.constant 0 : i32
        %dma_start3A_139 = tpu.memref_slice %arg11[%dma_start3A_137, %dma_start3A_138] : memref<10240x128xf32, #tpu.memory_space<vmem_shared>> -> memref<10240x128xf32, #tpu.memory_space<vmem_shared>>
        tpu.enqueue_indirect_dma source(%arg10 : memref<128x128xf32, #tpu.memory_space<vmem>>) target(%dma_start3A_139 : memref<10240x128xf32, #tpu.memory_space<vmem_shared>>) offsets(%dma_start3A_136 : memref<128xi32, #tpu.memory_space<vmem>>) semaphore(%run_scoped3A_133 : memref<!tpu.dma_semaphore, #tpu.memory_space<semaphore_mem>>) {add = true}
        %dma_wait3A_140 = arith.constant 0 : i32
        %dma_wait3A_141 = tpu.memref_slice %arg8[%run_scoped3A_109, %dma_wait3A_140] : memref<8x128xi32, #tpu.memory_space<vmem>> -> memref<1x128xi32, #tpu.memory_space<vmem>>
        %dma_wait3A_142 = tpu.memref_squeeze %dma_wait3A_141 : memref<1x128xi32, #tpu.memory_space<vmem>> -> memref<128xi32, #tpu.memory_space<vmem>>
        %dma_wait3A_143 = arith.constant 0 : i32
        %dma_wait3A_144 = arith.constant 0 : i32
        %dma_wait3A_145 = tpu.memref_slice %arg11[%dma_wait3A_143, %dma_wait3A_144] : memref<10240x128xf32, #tpu.memory_space<vmem_shared>> -> memref<10240x128xf32, #tpu.memory_space<vmem_shared>>
        tpu.wait_indirect_dma semaphore(%run_scoped3A_133 : memref<!tpu.dma_semaphore, #tpu.memory_space<semaphore_mem>>) src(%arg10 : memref<128x128xf32, #tpu.memory_space<vmem>>) dst(%dma_wait3A_145 : memref<10240x128xf32, #tpu.memory_space<vmem_shared>>)
        tpu.yield
      }) : () -> ()
      %dma_start3A_110 = arith.constant 7 : i32
      %dma_start3A_111 = arith.constant 0 : i32
      %dma_start3A_112 = tpu.memref_slice %arg7[%dma_start3A_110, %dma_start3A_111] : memref<8x128xi32, #tpu.memory_space<vmem>> -> memref<1x128xi32, #tpu.memory_space<vmem>>
      %dma_start3A_113 = tpu.memref_squeeze %dma_start3A_112 : memref<1x128xi32, #tpu.memory_space<vmem>> -> memref<128xi32, #tpu.memory_space<vmem>>
      %dma_start3A_114 = arith.constant 0 : i32
      %dma_start3A_115 = arith.constant 0 : i32
      %dma_start3A_116 = tpu.memref_slice %arg2[%dma_start3A_114, %dma_start3A_115] : memref<20000x128xf32, #tpu.memory_space<hbm>> -> memref<20000x128xf32, #tpu.memory_space<hbm>>
      tpu.enqueue_indirect_dma source(%dma_start3A_116 : memref<20000x128xf32, #tpu.memory_space<hbm>>) target(%arg10 : memref<128x128xf32, #tpu.memory_space<vmem>>) offsets(%dma_start3A_113 : memref<128xi32, #tpu.memory_space<vmem>>) semaphore(%arg13 : memref<!tpu.dma_semaphore, #tpu.memory_space<semaphore_mem>>)
      %dma_wait3A_117 = arith.constant 6 : i32
      %dma_wait3A_118 = arith.constant 0 : i32
      %dma_wait3A_119 = tpu.memref_slice %arg7[%dma_wait3A_117, %dma_wait3A_118] : memref<8x128xi32, #tpu.memory_space<vmem>> -> memref<1x128xi32, #tpu.memory_space<vmem>>
      %dma_wait3A_120 = tpu.memref_squeeze %dma_wait3A_119 : memref<1x128xi32, #tpu.memory_space<vmem>> -> memref<128xi32, #tpu.memory_space<vmem>>
      %dma_wait3A_121 = arith.constant 0 : i32
      %dma_wait3A_122 = arith.constant 0 : i32
      %dma_wait3A_123 = tpu.memref_slice %arg2[%dma_wait3A_121, %dma_wait3A_122] : memref<20000x128xf32, #tpu.memory_space<hbm>> -> memref<20000x128xf32, #tpu.memory_space<hbm>>
      tpu.wait_indirect_dma semaphore(%arg12 : memref<!tpu.dma_semaphore, #tpu.memory_space<semaphore_mem>>) src(%dma_wait3A_123 : memref<20000x128xf32, #tpu.memory_space<hbm>>) dst(%arg9 : memref<128x128xf32, #tpu.memory_space<vmem>>)
      %run_scoped3A_124 = arith.constant 6 : i32
      "tpu.region"() ({
        %run_scoped3A_133 = tpu.sem_alloc : memref<!tpu.dma_semaphore, #tpu.memory_space<semaphore_mem>>
        %dma_start3A_134 = arith.constant 0 : i32
        %dma_start3A_135 = tpu.memref_slice %arg8[%run_scoped3A_124, %dma_start3A_134] : memref<8x128xi32, #tpu.memory_space<vmem>> -> memref<1x128xi32, #tpu.memory_space<vmem>>
        %dma_start3A_136 = tpu.memref_squeeze %dma_start3A_135 : memref<1x128xi32, #tpu.memory_space<vmem>> -> memref<128xi32, #tpu.memory_space<vmem>>
        %dma_start3A_137 = arith.constant 0 : i32
        %dma_start3A_138 = arith.constant 0 : i32
        %dma_start3A_139 = tpu.memref_slice %arg11[%dma_start3A_137, %dma_start3A_138] : memref<10240x128xf32, #tpu.memory_space<vmem_shared>> -> memref<10240x128xf32, #tpu.memory_space<vmem_shared>>
        tpu.enqueue_indirect_dma source(%arg9 : memref<128x128xf32, #tpu.memory_space<vmem>>) target(%dma_start3A_139 : memref<10240x128xf32, #tpu.memory_space<vmem_shared>>) offsets(%dma_start3A_136 : memref<128xi32, #tpu.memory_space<vmem>>) semaphore(%run_scoped3A_133 : memref<!tpu.dma_semaphore, #tpu.memory_space<semaphore_mem>>) {add = true}
        %dma_wait3A_140 = arith.constant 0 : i32
        %dma_wait3A_141 = tpu.memref_slice %arg8[%run_scoped3A_124, %dma_wait3A_140] : memref<8x128xi32, #tpu.memory_space<vmem>> -> memref<1x128xi32, #tpu.memory_space<vmem>>
        %dma_wait3A_142 = tpu.memref_squeeze %dma_wait3A_141 : memref<1x128xi32, #tpu.memory_space<vmem>> -> memref<128xi32, #tpu.memory_space<vmem>>
        %dma_wait3A_143 = arith.constant 0 : i32
        %dma_wait3A_144 = arith.constant 0 : i32
        %dma_wait3A_145 = tpu.memref_slice %arg11[%dma_wait3A_143, %dma_wait3A_144] : memref<10240x128xf32, #tpu.memory_space<vmem_shared>> -> memref<10240x128xf32, #tpu.memory_space<vmem_shared>>
        tpu.wait_indirect_dma semaphore(%run_scoped3A_133 : memref<!tpu.dma_semaphore, #tpu.memory_space<semaphore_mem>>) src(%arg9 : memref<128x128xf32, #tpu.memory_space<vmem>>) dst(%dma_wait3A_145 : memref<10240x128xf32, #tpu.memory_space<vmem_shared>>)
        tpu.yield
      }) : () -> ()
      %dma_wait3A_125 = arith.constant 7 : i32
      %dma_wait3A_126 = arith.constant 0 : i32
      %dma_wait3A_127 = tpu.memref_slice %arg7[%dma_wait3A_125, %dma_wait3A_126] : memref<8x128xi32, #tpu.memory_space<vmem>> -> memref<1x128xi32, #tpu.memory_space<vmem>>
      %dma_wait3A_128 = tpu.memref_squeeze %dma_wait3A_127 : memref<1x128xi32, #tpu.memory_space<vmem>> -> memref<128xi32, #tpu.memory_space<vmem>>
      %dma_wait3A_129 = arith.constant 0 : i32
      %dma_wait3A_130 = arith.constant 0 : i32
      %dma_wait3A_131 = tpu.memref_slice %arg2[%dma_wait3A_129, %dma_wait3A_130] : memref<20000x128xf32, #tpu.memory_space<hbm>> -> memref<20000x128xf32, #tpu.memory_space<hbm>>
      tpu.wait_indirect_dma semaphore(%arg13 : memref<!tpu.dma_semaphore, #tpu.memory_space<semaphore_mem>>) src(%dma_wait3A_131 : memref<20000x128xf32, #tpu.memory_space<hbm>>) dst(%arg10 : memref<128x128xf32, #tpu.memory_space<vmem>>)
      %run_scoped3A_132 = arith.constant 7 : i32
      "tpu.region"() ({
        %run_scoped3A_133 = tpu.sem_alloc : memref<!tpu.dma_semaphore, #tpu.memory_space<semaphore_mem>>
        %dma_start3A_134 = arith.constant 0 : i32
        %dma_start3A_135 = tpu.memref_slice %arg8[%run_scoped3A_132, %dma_start3A_134] : memref<8x128xi32, #tpu.memory_space<vmem>> -> memref<1x128xi32, #tpu.memory_space<vmem>>
        %dma_start3A_136 = tpu.memref_squeeze %dma_start3A_135 : memref<1x128xi32, #tpu.memory_space<vmem>> -> memref<128xi32, #tpu.memory_space<vmem>>
        %dma_start3A_137 = arith.constant 0 : i32
        %dma_start3A_138 = arith.constant 0 : i32
        %dma_start3A_139 = tpu.memref_slice %arg11[%dma_start3A_137, %dma_start3A_138] : memref<10240x128xf32, #tpu.memory_space<vmem_shared>> -> memref<10240x128xf32, #tpu.memory_space<vmem_shared>>
        tpu.enqueue_indirect_dma source(%arg10 : memref<128x128xf32, #tpu.memory_space<vmem>>) target(%dma_start3A_139 : memref<10240x128xf32, #tpu.memory_space<vmem_shared>>) offsets(%dma_start3A_136 : memref<128xi32, #tpu.memory_space<vmem>>) semaphore(%run_scoped3A_133 : memref<!tpu.dma_semaphore, #tpu.memory_space<semaphore_mem>>) {add = true}
        %dma_wait3A_140 = arith.constant 0 : i32
        %dma_wait3A_141 = tpu.memref_slice %arg8[%run_scoped3A_132, %dma_wait3A_140] : memref<8x128xi32, #tpu.memory_space<vmem>> -> memref<1x128xi32, #tpu.memory_space<vmem>>
        %dma_wait3A_142 = tpu.memref_squeeze %dma_wait3A_141 : memref<1x128xi32, #tpu.memory_space<vmem>> -> memref<128xi32, #tpu.memory_space<vmem>>
        %dma_wait3A_143 = arith.constant 0 : i32
        %dma_wait3A_144 = arith.constant 0 : i32
        %dma_wait3A_145 = tpu.memref_slice %arg11[%dma_wait3A_143, %dma_wait3A_144] : memref<10240x128xf32, #tpu.memory_space<vmem_shared>> -> memref<10240x128xf32, #tpu.memory_space<vmem_shared>>
        tpu.wait_indirect_dma semaphore(%run_scoped3A_133 : memref<!tpu.dma_semaphore, #tpu.memory_space<semaphore_mem>>) src(%arg10 : memref<128x128xf32, #tpu.memory_space<vmem>>) dst(%dma_wait3A_145 : memref<10240x128xf32, #tpu.memory_space<vmem_shared>>)
        tpu.yield
      }) : () -> ()
    }
    %scan3A_7 = arith.constant 10 : i32
    %barrier3A_8 = arith.constant 0 : index
    tpu.barrier barrier_id(%barrier3A_8)
    %mul3A_9 = arith.constant 640 : i32
    %mul3A_10 = arith.muli %arg1, %mul3A_9 : i32
    %mul3A_11 = arith.constant 640 : i32
    %mul3A_12 = arith.muli %arg1, %mul3A_11 : i32
    "tpu.region"() ({
      %run_scoped3A = tpu.sem_alloc : memref<!tpu.dma_semaphore, #tpu.memory_space<semaphore_mem>>
      %dma_start3A = arith.constant 0 : i32
      %dma_start3A_13 = tpu.memref_slice %arg6[%arg0, %mul3A_12, %dma_start3A] : memref<2x10240x128xf32, #tpu.memory_space<hbm>> -> memref<1x640x128xf32, #tpu.memory_space<hbm>>
      %dma_start3A_14 = tpu.memref_squeeze %dma_start3A_13 : memref<1x640x128xf32, #tpu.memory_space<hbm>> -> memref<640x128xf32, #tpu.memory_space<hbm>>
      %dma_start3A_15 = arith.constant 0 : i32
      %dma_start3A_16 = tpu.memref_slice %arg11[%mul3A_10, %dma_start3A_15] : memref<10240x128xf32, #tpu.memory_space<vmem_shared>> -> memref<640x128xf32, #tpu.memory_space<vmem_shared>>
      tpu.enqueue_dma source(%dma_start3A_16 : memref<640x128xf32, #tpu.memory_space<vmem_shared>>) target(%dma_start3A_14 : memref<640x128xf32, #tpu.memory_space<hbm>>) target_semaphore(%run_scoped3A : memref<!tpu.dma_semaphore, #tpu.memory_space<semaphore_mem>>)
      %dma_wait3A = arith.constant 0 : i32
      %dma_wait3A_17 = tpu.memref_slice %arg6[%arg0, %mul3A_12, %dma_wait3A] : memref<2x10240x128xf32, #tpu.memory_space<hbm>> -> memref<1x640x128xf32, #tpu.memory_space<hbm>>
      %dma_wait3A_18 = tpu.memref_squeeze %dma_wait3A_17 : memref<1x640x128xf32, #tpu.memory_space<hbm>> -> memref<640x128xf32, #tpu.memory_space<hbm>>
      %dma_wait3A_19 = arith.constant 0 : i32
      %dma_wait3A_20 = tpu.memref_slice %arg11[%mul3A_10, %dma_wait3A_19] : memref<10240x128xf32, #tpu.memory_space<vmem_shared>> -> memref<640x128xf32, #tpu.memory_space<vmem_shared>>
      tpu.wait_dma2 semaphore(%run_scoped3A : memref<!tpu.dma_semaphore, #tpu.memory_space<semaphore_mem>>) src(%dma_wait3A_20 : memref<640x128xf32, #tpu.memory_space<vmem_shared>>) dst(%dma_wait3A_18 : memref<640x128xf32, #tpu.memory_space<hbm>>)
      tpu.yield
    }) : () -> ()
    return
  }
}

#map = affine_map<(d0, d1) -> (0, 0)>
#map1 = affine_map<(d0, d1) -> (0, 0, 0)>
module attributes {stable_mosaic.version = 14 : i64} {
  func.func @_agg_body(%arg0: i32, %arg1: i32, %arg2: memref<20000x128xf32, #tpu.memory_space<hbm>>, %arg3: memref<2x1280x128xi32, #tpu.memory_space<hbm>>, %arg4: memref<1280x128xi32, #tpu.memory_space<hbm>>, %arg5: memref<10240x128xf32, #tpu.memory_space<hbm>>, %arg6: memref<2x10240x128xf32, #tpu.memory_space<hbm>>, %arg7: memref<8x128xi32, #tpu.memory_space<vmem>>, %arg8: memref<8x128xi32, #tpu.memory_space<vmem>>, %arg9: memref<128x128xf32, #tpu.memory_space<vmem>>, %arg10: memref<128x128xf32, #tpu.memory_space<vmem>>, %arg11: memref<10240x128xf32, #tpu.memory_space<vmem_shared>>, %arg12: memref<!tpu.dma_semaphore, #tpu.memory_space<semaphore_mem>>, %arg13: memref<!tpu.dma_semaphore, #tpu.memory_space<semaphore_mem>>) attributes {dimension_semantics = [#tpu.dimension_semantics<core_parallel>, #tpu.dimension_semantics<subcore_parallel>], iteration_bounds = array<i64: 2, 16>, scalar_prefetch = 0 : i64, scratch_operands = 7 : i64, tpu.core_type = #tpu.core_type<sc_vector_subcore>, window_params = [{transform_indices = #map}, {transform_indices = #map1}, {transform_indices = #map}, {transform_indices = #map}, {transform_indices = #map1}]} {
    %eq3A = arith.constant 0 : i32
    %eq3A_0 = arith.cmpi eq, %arg1, %eq3A : i32
    %convert_element_type3A = arith.extui %eq3A_0 : i1 to i32
    %cond3A = arith.constant 0 : i32
    %cond3A_1 = arith.cmpi ne, %convert_element_type3A, %cond3A : i32
    scf.if %cond3A_1 {
      "tpu.region"() ({
        %run_scoped3A = tpu.sem_alloc : memref<!tpu.dma_semaphore, #tpu.memory_space<semaphore_mem>>
        tpu.enqueue_dma source(%arg5 : memref<10240x128xf32, #tpu.memory_space<hbm>>) target(%arg11 : memref<10240x128xf32, #tpu.memory_space<vmem_shared>>) target_semaphore(%run_scoped3A : memref<!tpu.dma_semaphore, #tpu.memory_space<semaphore_mem>>)
        tpu.wait_dma2 semaphore(%run_scoped3A : memref<!tpu.dma_semaphore, #tpu.memory_space<semaphore_mem>>) src(%arg5 : memref<10240x128xf32, #tpu.memory_space<hbm>>) dst(%arg11 : memref<10240x128xf32, #tpu.memory_space<vmem_shared>>)
        tpu.yield
      }) : () -> ()
    } else {
    }
    %barrier3A = arith.constant 0 : index
    tpu.barrier barrier_id(%barrier3A)
    %mul3A = arith.constant 80 : i32
    %mul3A_2 = arith.muli %arg1, %mul3A : i32
    %scan3A = arith.constant 0 : i32
    %scan3A_3 = arith.constant 0 : i32
    %scan3A_4 = arith.constant 10 : i32
    %scan3A_5 = arith.addi %scan3A_3, %scan3A_4 : i32
    %scan3A_6 = arith.constant 1 : i32
    scf.for %scan3A_13 = %scan3A_3 to %scan3A_5 step %scan3A_6  : i32 {
      %mul3A_14 = arith.constant 8 : i32
      %mul3A_15 = arith.muli %scan3A_13, %mul3A_14 : i32
      %add3A = arith.addi %mul3A_2, %mul3A_15 : i32
      "tpu.region"() ({
        %run_scoped3A_133 = tpu.sem_alloc : memref<!tpu.dma_semaphore, #tpu.memory_space<semaphore_mem>>
        %dma_start3A_134 = arith.constant 0 : i32
        %dma_start3A_135 = tpu.memref_slice %arg3[%arg0, %add3A, %dma_start3A_134] : memref<2x1280x128xi32, #tpu.memory_space<hbm>> -> memref<1x8x128xi32, #tpu.memory_space<hbm>>
        %dma_start3A_136 = tpu.memref_squeeze %dma_start3A_135 : memref<1x8x128xi32, #tpu.memory_space<hbm>> -> memref<8x128xi32, #tpu.memory_space<hbm>>
        %dma_start3A_137 = arith.constant 0 : i32
        %dma_start3A_138 = tpu.memref_slice %arg3[%arg0, %add3A, %dma_start3A_137] : memref<2x1280x128xi32, #tpu.memory_space<hbm>> -> memref<1x8x128xi32, #tpu.memory_space<hbm>>
        %dma_start3A_139 = tpu.memref_squeeze %dma_start3A_138 : memref<1x8x128xi32, #tpu.memory_space<hbm>> -> memref<8x128xi32, #tpu.memory_space<hbm>>
        tpu.enqueue_dma source(%dma_start3A_139 : memref<8x128xi32, #tpu.memory_space<hbm>>) target(%arg7 : memref<8x128xi32, #tpu.memory_space<vmem>>) target_semaphore(%run_scoped3A_133 : memref<!tpu.dma_semaphore, #tpu.memory_space<semaphore_mem>>)
        %dma_wait3A_140 = arith.constant 0 : i32
        %dma_wait3A_141 = tpu.memref_slice %arg3[%arg0, %add3A, %dma_wait3A_140] : memref<2x1280x128xi32, #tpu.memory_space<hbm>> -> memref<1x8x128xi32, #tpu.memory_space<hbm>>
        %dma_wait3A_142 = tpu.memref_squeeze %dma_wait3A_141 : memref<1x8x128xi32, #tpu.memory_space<hbm>> -> memref<8x128xi32, #tpu.memory_space<hbm>>
        %dma_wait3A_143 = arith.constant 0 : i32
        %dma_wait3A_144 = tpu.memref_slice %arg3[%arg0, %add3A, %dma_wait3A_143] : memref<2x1280x128xi32, #tpu.memory_space<hbm>> -> memref<1x8x128xi32, #tpu.memory_space<hbm>>
        %dma_wait3A_145 = tpu.memref_squeeze %dma_wait3A_144 : memref<1x8x128xi32, #tpu.memory_space<hbm>> -> memref<8x128xi32, #tpu.memory_space<hbm>>
        tpu.wait_dma2 semaphore(%run_scoped3A_133 : memref<!tpu.dma_semaphore, #tpu.memory_space<semaphore_mem>>) src(%dma_wait3A_145 : memref<8x128xi32, #tpu.memory_space<hbm>>) dst(%arg7 : memref<8x128xi32, #tpu.memory_space<vmem>>)
        tpu.yield
      }) : () -> ()
      "tpu.region"() ({
        %run_scoped3A_133 = tpu.sem_alloc : memref<!tpu.dma_semaphore, #tpu.memory_space<semaphore_mem>>
        %dma_start3A_134 = arith.constant 0 : i32
        %dma_start3A_135 = tpu.memref_slice %arg4[%add3A, %dma_start3A_134] : memref<1280x128xi32, #tpu.memory_space<hbm>> -> memref<8x128xi32, #tpu.memory_space<hbm>>
        %dma_start3A_136 = arith.constant 0 : i32
        %dma_start3A_137 = tpu.memref_slice %arg4[%add3A, %dma_start3A_136] : memref<1280x128xi32, #tpu.memory_space<hbm>> -> memref<8x128xi32, #tpu.memory_space<hbm>>
        tpu.enqueue_dma source(%dma_start3A_137 : memref<8x128xi32, #tpu.memory_space<hbm>>) target(%arg8 : memref<8x128xi32, #tpu.memory_space<vmem>>) target_semaphore(%run_scoped3A_133 : memref<!tpu.dma_semaphore, #tpu.memory_space<semaphore_mem>>)
        %dma_wait3A_138 = arith.constant 0 : i32
        %dma_wait3A_139 = tpu.memref_slice %arg4[%add3A, %dma_wait3A_138] : memref<1280x128xi32, #tpu.memory_space<hbm>> -> memref<8x128xi32, #tpu.memory_space<hbm>>
        %dma_wait3A_140 = arith.constant 0 : i32
        %dma_wait3A_141 = tpu.memref_slice %arg4[%add3A, %dma_wait3A_140] : memref<1280x128xi32, #tpu.memory_space<hbm>> -> memref<8x128xi32, #tpu.memory_space<hbm>>
        tpu.wait_dma2 semaphore(%run_scoped3A_133 : memref<!tpu.dma_semaphore, #tpu.memory_space<semaphore_mem>>) src(%dma_wait3A_141 : memref<8x128xi32, #tpu.memory_space<hbm>>) dst(%arg8 : memref<8x128xi32, #tpu.memory_space<vmem>>)
        tpu.yield
      }) : () -> ()
      %dma_start3A = arith.constant 0 : i32
      %dma_start3A_16 = arith.constant 0 : i32
      %dma_start3A_17 = tpu.memref_slice %arg7[%dma_start3A, %dma_start3A_16] : memref<8x128xi32, #tpu.memory_space<vmem>> -> memref<1x128xi32, #tpu.memory_space<vmem>>
      %dma_start3A_18 = tpu.memref_squeeze %dma_start3A_17 : memref<1x128xi32, #tpu.memory_space<vmem>> -> memref<128xi32, #tpu.memory_space<vmem>>
      %dma_start3A_19 = arith.constant 0 : i32
      %dma_start3A_20 = arith.constant 0 : i32
      %dma_start3A_21 = tpu.memref_slice %arg2[%dma_start3A_19, %dma_start3A_20] : memref<20000x128xf32, #tpu.memory_space<hbm>> -> memref<20000x128xf32, #tpu.memory_space<hbm>>
      tpu.enqueue_indirect_dma source(%dma_start3A_21 : memref<20000x128xf32, #tpu.memory_space<hbm>>) target(%arg9 : memref<128x128xf32, #tpu.memory_space<vmem>>) offsets(%dma_start3A_18 : memref<128xi32, #tpu.memory_space<vmem>>) semaphore(%arg12 : memref<!tpu.dma_semaphore, #tpu.memory_space<semaphore_mem>>)
      %dma_start3A_22 = arith.constant 1 : i32
      %dma_start3A_23 = arith.constant 0 : i32
      %dma_start3A_24 = tpu.memref_slice %arg7[%dma_start3A_22, %dma_start3A_23] : memref<8x128xi32, #tpu.memory_space<vmem>> -> memref<1x128xi32, #tpu.memory_space<vmem>>
      %dma_start3A_25 = tpu.memref_squeeze %dma_start3A_24 : memref<1x128xi32, #tpu.memory_space<vmem>> -> memref<128xi32, #tpu.memory_space<vmem>>
      %dma_start3A_26 = arith.constant 0 : i32
      %dma_start3A_27 = arith.constant 0 : i32
      %dma_start3A_28 = tpu.memref_slice %arg2[%dma_start3A_26, %dma_start3A_27] : memref<20000x128xf32, #tpu.memory_space<hbm>> -> memref<20000x128xf32, #tpu.memory_space<hbm>>
      tpu.enqueue_indirect_dma source(%dma_start3A_28 : memref<20000x128xf32, #tpu.memory_space<hbm>>) target(%arg10 : memref<128x128xf32, #tpu.memory_space<vmem>>) offsets(%dma_start3A_25 : memref<128xi32, #tpu.memory_space<vmem>>) semaphore(%arg13 : memref<!tpu.dma_semaphore, #tpu.memory_space<semaphore_mem>>)
      %dma_wait3A = arith.constant 0 : i32
      %dma_wait3A_29 = arith.constant 0 : i32
      %dma_wait3A_30 = tpu.memref_slice %arg7[%dma_wait3A, %dma_wait3A_29] : memref<8x128xi32, #tpu.memory_space<vmem>> -> memref<1x128xi32, #tpu.memory_space<vmem>>
      %dma_wait3A_31 = tpu.memref_squeeze %dma_wait3A_30 : memref<1x128xi32, #tpu.memory_space<vmem>> -> memref<128xi32, #tpu.memory_space<vmem>>
      %dma_wait3A_32 = arith.constant 0 : i32
      %dma_wait3A_33 = arith.constant 0 : i32
      %dma_wait3A_34 = tpu.memref_slice %arg2[%dma_wait3A_32, %dma_wait3A_33] : memref<20000x128xf32, #tpu.memory_space<hbm>> -> memref<20000x128xf32, #tpu.memory_space<hbm>>
      tpu.wait_indirect_dma semaphore(%arg12 : memref<!tpu.dma_semaphore, #tpu.memory_space<semaphore_mem>>) src(%dma_wait3A_34 : memref<20000x128xf32, #tpu.memory_space<hbm>>) dst(%arg9 : memref<128x128xf32, #tpu.memory_space<vmem>>)
      %run_scoped3A = arith.constant 0 : i32
      "tpu.region"() ({
        %run_scoped3A_133 = tpu.sem_alloc : memref<!tpu.dma_semaphore, #tpu.memory_space<semaphore_mem>>
        %dma_start3A_134 = arith.constant 0 : i32
        %dma_start3A_135 = tpu.memref_slice %arg8[%run_scoped3A, %dma_start3A_134] : memref<8x128xi32, #tpu.memory_space<vmem>> -> memref<1x128xi32, #tpu.memory_space<vmem>>
        %dma_start3A_136 = tpu.memref_squeeze %dma_start3A_135 : memref<1x128xi32, #tpu.memory_space<vmem>> -> memref<128xi32, #tpu.memory_space<vmem>>
        %dma_start3A_137 = arith.constant 0 : i32
        %dma_start3A_138 = arith.constant 0 : i32
        %dma_start3A_139 = tpu.memref_slice %arg11[%dma_start3A_137, %dma_start3A_138] : memref<10240x128xf32, #tpu.memory_space<vmem_shared>> -> memref<10240x128xf32, #tpu.memory_space<vmem_shared>>
        tpu.enqueue_indirect_dma source(%arg9 : memref<128x128xf32, #tpu.memory_space<vmem>>) target(%dma_start3A_139 : memref<10240x128xf32, #tpu.memory_space<vmem_shared>>) offsets(%dma_start3A_136 : memref<128xi32, #tpu.memory_space<vmem>>) semaphore(%run_scoped3A_133 : memref<!tpu.dma_semaphore, #tpu.memory_space<semaphore_mem>>) {add = true}
        %dma_wait3A_140 = arith.constant 0 : i32
        %dma_wait3A_141 = tpu.memref_slice %arg8[%run_scoped3A, %dma_wait3A_140] : memref<8x128xi32, #tpu.memory_space<vmem>> -> memref<1x128xi32, #tpu.memory_space<vmem>>
        %dma_wait3A_142 = tpu.memref_squeeze %dma_wait3A_141 : memref<1x128xi32, #tpu.memory_space<vmem>> -> memref<128xi32, #tpu.memory_space<vmem>>
        %dma_wait3A_143 = arith.constant 0 : i32
        %dma_wait3A_144 = arith.constant 0 : i32
        %dma_wait3A_145 = tpu.memref_slice %arg11[%dma_wait3A_143, %dma_wait3A_144] : memref<10240x128xf32, #tpu.memory_space<vmem_shared>> -> memref<10240x128xf32, #tpu.memory_space<vmem_shared>>
        tpu.wait_indirect_dma semaphore(%run_scoped3A_133 : memref<!tpu.dma_semaphore, #tpu.memory_space<semaphore_mem>>) src(%arg9 : memref<128x128xf32, #tpu.memory_space<vmem>>) dst(%dma_wait3A_145 : memref<10240x128xf32, #tpu.memory_space<vmem_shared>>)
        tpu.yield
      }) : () -> ()
      %dma_start3A_35 = arith.constant 2 : i32
      %dma_start3A_36 = arith.constant 0 : i32
      %dma_start3A_37 = tpu.memref_slice %arg7[%dma_start3A_35, %dma_start3A_36] : memref<8x128xi32, #tpu.memory_space<vmem>> -> memref<1x128xi32, #tpu.memory_space<vmem>>
      %dma_start3A_38 = tpu.memref_squeeze %dma_start3A_37 : memref<1x128xi32, #tpu.memory_space<vmem>> -> memref<128xi32, #tpu.memory_space<vmem>>
      %dma_start3A_39 = arith.constant 0 : i32
      %dma_start3A_40 = arith.constant 0 : i32
      %dma_start3A_41 = tpu.memref_slice %arg2[%dma_start3A_39, %dma_start3A_40] : memref<20000x128xf32, #tpu.memory_space<hbm>> -> memref<20000x128xf32, #tpu.memory_space<hbm>>
      tpu.enqueue_indirect_dma source(%dma_start3A_41 : memref<20000x128xf32, #tpu.memory_space<hbm>>) target(%arg9 : memref<128x128xf32, #tpu.memory_space<vmem>>) offsets(%dma_start3A_38 : memref<128xi32, #tpu.memory_space<vmem>>) semaphore(%arg12 : memref<!tpu.dma_semaphore, #tpu.memory_space<semaphore_mem>>)
      %dma_wait3A_42 = arith.constant 1 : i32
      %dma_wait3A_43 = arith.constant 0 : i32
      %dma_wait3A_44 = tpu.memref_slice %arg7[%dma_wait3A_42, %dma_wait3A_43] : memref<8x128xi32, #tpu.memory_space<vmem>> -> memref<1x128xi32, #tpu.memory_space<vmem>>
      %dma_wait3A_45 = tpu.memref_squeeze %dma_wait3A_44 : memref<1x128xi32, #tpu.memory_space<vmem>> -> memref<128xi32, #tpu.memory_space<vmem>>
      %dma_wait3A_46 = arith.constant 0 : i32
      %dma_wait3A_47 = arith.constant 0 : i32
      %dma_wait3A_48 = tpu.memref_slice %arg2[%dma_wait3A_46, %dma_wait3A_47] : memref<20000x128xf32, #tpu.memory_space<hbm>> -> memref<20000x128xf32, #tpu.memory_space<hbm>>
      tpu.wait_indirect_dma semaphore(%arg13 : memref<!tpu.dma_semaphore, #tpu.memory_space<semaphore_mem>>) src(%dma_wait3A_48 : memref<20000x128xf32, #tpu.memory_space<hbm>>) dst(%arg10 : memref<128x128xf32, #tpu.memory_space<vmem>>)
      %run_scoped3A_49 = arith.constant 1 : i32
      "tpu.region"() ({
        %run_scoped3A_133 = tpu.sem_alloc : memref<!tpu.dma_semaphore, #tpu.memory_space<semaphore_mem>>
        %dma_start3A_134 = arith.constant 0 : i32
        %dma_start3A_135 = tpu.memref_slice %arg8[%run_scoped3A_49, %dma_start3A_134] : memref<8x128xi32, #tpu.memory_space<vmem>> -> memref<1x128xi32, #tpu.memory_space<vmem>>
        %dma_start3A_136 = tpu.memref_squeeze %dma_start3A_135 : memref<1x128xi32, #tpu.memory_space<vmem>> -> memref<128xi32, #tpu.memory_space<vmem>>
        %dma_start3A_137 = arith.constant 0 : i32
        %dma_start3A_138 = arith.constant 0 : i32
        %dma_start3A_139 = tpu.memref_slice %arg11[%dma_start3A_137, %dma_start3A_138] : memref<10240x128xf32, #tpu.memory_space<vmem_shared>> -> memref<10240x128xf32, #tpu.memory_space<vmem_shared>>
        tpu.enqueue_indirect_dma source(%arg10 : memref<128x128xf32, #tpu.memory_space<vmem>>) target(%dma_start3A_139 : memref<10240x128xf32, #tpu.memory_space<vmem_shared>>) offsets(%dma_start3A_136 : memref<128xi32, #tpu.memory_space<vmem>>) semaphore(%run_scoped3A_133 : memref<!tpu.dma_semaphore, #tpu.memory_space<semaphore_mem>>) {add = true}
        %dma_wait3A_140 = arith.constant 0 : i32
        %dma_wait3A_141 = tpu.memref_slice %arg8[%run_scoped3A_49, %dma_wait3A_140] : memref<8x128xi32, #tpu.memory_space<vmem>> -> memref<1x128xi32, #tpu.memory_space<vmem>>
        %dma_wait3A_142 = tpu.memref_squeeze %dma_wait3A_141 : memref<1x128xi32, #tpu.memory_space<vmem>> -> memref<128xi32, #tpu.memory_space<vmem>>
        %dma_wait3A_143 = arith.constant 0 : i32
        %dma_wait3A_144 = arith.constant 0 : i32
        %dma_wait3A_145 = tpu.memref_slice %arg11[%dma_wait3A_143, %dma_wait3A_144] : memref<10240x128xf32, #tpu.memory_space<vmem_shared>> -> memref<10240x128xf32, #tpu.memory_space<vmem_shared>>
        tpu.wait_indirect_dma semaphore(%run_scoped3A_133 : memref<!tpu.dma_semaphore, #tpu.memory_space<semaphore_mem>>) src(%arg10 : memref<128x128xf32, #tpu.memory_space<vmem>>) dst(%dma_wait3A_145 : memref<10240x128xf32, #tpu.memory_space<vmem_shared>>)
        tpu.yield
      }) : () -> ()
      %dma_start3A_50 = arith.constant 3 : i32
      %dma_start3A_51 = arith.constant 0 : i32
      %dma_start3A_52 = tpu.memref_slice %arg7[%dma_start3A_50, %dma_start3A_51] : memref<8x128xi32, #tpu.memory_space<vmem>> -> memref<1x128xi32, #tpu.memory_space<vmem>>
      %dma_start3A_53 = tpu.memref_squeeze %dma_start3A_52 : memref<1x128xi32, #tpu.memory_space<vmem>> -> memref<128xi32, #tpu.memory_space<vmem>>
      %dma_start3A_54 = arith.constant 0 : i32
      %dma_start3A_55 = arith.constant 0 : i32
      %dma_start3A_56 = tpu.memref_slice %arg2[%dma_start3A_54, %dma_start3A_55] : memref<20000x128xf32, #tpu.memory_space<hbm>> -> memref<20000x128xf32, #tpu.memory_space<hbm>>
      tpu.enqueue_indirect_dma source(%dma_start3A_56 : memref<20000x128xf32, #tpu.memory_space<hbm>>) target(%arg10 : memref<128x128xf32, #tpu.memory_space<vmem>>) offsets(%dma_start3A_53 : memref<128xi32, #tpu.memory_space<vmem>>) semaphore(%arg13 : memref<!tpu.dma_semaphore, #tpu.memory_space<semaphore_mem>>)
      %dma_wait3A_57 = arith.constant 2 : i32
      %dma_wait3A_58 = arith.constant 0 : i32
      %dma_wait3A_59 = tpu.memref_slice %arg7[%dma_wait3A_57, %dma_wait3A_58] : memref<8x128xi32, #tpu.memory_space<vmem>> -> memref<1x128xi32, #tpu.memory_space<vmem>>
      %dma_wait3A_60 = tpu.memref_squeeze %dma_wait3A_59 : memref<1x128xi32, #tpu.memory_space<vmem>> -> memref<128xi32, #tpu.memory_space<vmem>>
      %dma_wait3A_61 = arith.constant 0 : i32
      %dma_wait3A_62 = arith.constant 0 : i32
      %dma_wait3A_63 = tpu.memref_slice %arg2[%dma_wait3A_61, %dma_wait3A_62] : memref<20000x128xf32, #tpu.memory_space<hbm>> -> memref<20000x128xf32, #tpu.memory_space<hbm>>
      tpu.wait_indirect_dma semaphore(%arg12 : memref<!tpu.dma_semaphore, #tpu.memory_space<semaphore_mem>>) src(%dma_wait3A_63 : memref<20000x128xf32, #tpu.memory_space<hbm>>) dst(%arg9 : memref<128x128xf32, #tpu.memory_space<vmem>>)
      %run_scoped3A_64 = arith.constant 2 : i32
      "tpu.region"() ({
        %run_scoped3A_133 = tpu.sem_alloc : memref<!tpu.dma_semaphore, #tpu.memory_space<semaphore_mem>>
        %dma_start3A_134 = arith.constant 0 : i32
        %dma_start3A_135 = tpu.memref_slice %arg8[%run_scoped3A_64, %dma_start3A_134] : memref<8x128xi32, #tpu.memory_space<vmem>> -> memref<1x128xi32, #tpu.memory_space<vmem>>
        %dma_start3A_136 = tpu.memref_squeeze %dma_start3A_135 : memref<1x128xi32, #tpu.memory_space<vmem>> -> memref<128xi32, #tpu.memory_space<vmem>>
        %dma_start3A_137 = arith.constant 0 : i32
        %dma_start3A_138 = arith.constant 0 : i32
        %dma_start3A_139 = tpu.memref_slice %arg11[%dma_start3A_137, %dma_start3A_138] : memref<10240x128xf32, #tpu.memory_space<vmem_shared>> -> memref<10240x128xf32, #tpu.memory_space<vmem_shared>>
        tpu.enqueue_indirect_dma source(%arg9 : memref<128x128xf32, #tpu.memory_space<vmem>>) target(%dma_start3A_139 : memref<10240x128xf32, #tpu.memory_space<vmem_shared>>) offsets(%dma_start3A_136 : memref<128xi32, #tpu.memory_space<vmem>>) semaphore(%run_scoped3A_133 : memref<!tpu.dma_semaphore, #tpu.memory_space<semaphore_mem>>) {add = true}
        %dma_wait3A_140 = arith.constant 0 : i32
        %dma_wait3A_141 = tpu.memref_slice %arg8[%run_scoped3A_64, %dma_wait3A_140] : memref<8x128xi32, #tpu.memory_space<vmem>> -> memref<1x128xi32, #tpu.memory_space<vmem>>
        %dma_wait3A_142 = tpu.memref_squeeze %dma_wait3A_141 : memref<1x128xi32, #tpu.memory_space<vmem>> -> memref<128xi32, #tpu.memory_space<vmem>>
        %dma_wait3A_143 = arith.constant 0 : i32
        %dma_wait3A_144 = arith.constant 0 : i32
        %dma_wait3A_145 = tpu.memref_slice %arg11[%dma_wait3A_143, %dma_wait3A_144] : memref<10240x128xf32, #tpu.memory_space<vmem_shared>> -> memref<10240x128xf32, #tpu.memory_space<vmem_shared>>
        tpu.wait_indirect_dma semaphore(%run_scoped3A_133 : memref<!tpu.dma_semaphore, #tpu.memory_space<semaphore_mem>>) src(%arg9 : memref<128x128xf32, #tpu.memory_space<vmem>>) dst(%dma_wait3A_145 : memref<10240x128xf32, #tpu.memory_space<vmem_shared>>)
        tpu.yield
      }) : () -> ()
      %dma_start3A_65 = arith.constant 4 : i32
      %dma_start3A_66 = arith.constant 0 : i32
      %dma_start3A_67 = tpu.memref_slice %arg7[%dma_start3A_65, %dma_start3A_66] : memref<8x128xi32, #tpu.memory_space<vmem>> -> memref<1x128xi32, #tpu.memory_space<vmem>>
      %dma_start3A_68 = tpu.memref_squeeze %dma_start3A_67 : memref<1x128xi32, #tpu.memory_space<vmem>> -> memref<128xi32, #tpu.memory_space<vmem>>
      %dma_start3A_69 = arith.constant 0 : i32
      %dma_start3A_70 = arith.constant 0 : i32
      %dma_start3A_71 = tpu.memref_slice %arg2[%dma_start3A_69, %dma_start3A_70] : memref<20000x128xf32, #tpu.memory_space<hbm>> -> memref<20000x128xf32, #tpu.memory_space<hbm>>
      tpu.enqueue_indirect_dma source(%dma_start3A_71 : memref<20000x128xf32, #tpu.memory_space<hbm>>) target(%arg9 : memref<128x128xf32, #tpu.memory_space<vmem>>) offsets(%dma_start3A_68 : memref<128xi32, #tpu.memory_space<vmem>>) semaphore(%arg12 : memref<!tpu.dma_semaphore, #tpu.memory_space<semaphore_mem>>)
      %dma_wait3A_72 = arith.constant 3 : i32
      %dma_wait3A_73 = arith.constant 0 : i32
      %dma_wait3A_74 = tpu.memref_slice %arg7[%dma_wait3A_72, %dma_wait3A_73] : memref<8x128xi32, #tpu.memory_space<vmem>> -> memref<1x128xi32, #tpu.memory_space<vmem>>
      %dma_wait3A_75 = tpu.memref_squeeze %dma_wait3A_74 : memref<1x128xi32, #tpu.memory_space<vmem>> -> memref<128xi32, #tpu.memory_space<vmem>>
      %dma_wait3A_76 = arith.constant 0 : i32
      %dma_wait3A_77 = arith.constant 0 : i32
      %dma_wait3A_78 = tpu.memref_slice %arg2[%dma_wait3A_76, %dma_wait3A_77] : memref<20000x128xf32, #tpu.memory_space<hbm>> -> memref<20000x128xf32, #tpu.memory_space<hbm>>
      tpu.wait_indirect_dma semaphore(%arg13 : memref<!tpu.dma_semaphore, #tpu.memory_space<semaphore_mem>>) src(%dma_wait3A_78 : memref<20000x128xf32, #tpu.memory_space<hbm>>) dst(%arg10 : memref<128x128xf32, #tpu.memory_space<vmem>>)
      %run_scoped3A_79 = arith.constant 3 : i32
      "tpu.region"() ({
        %run_scoped3A_133 = tpu.sem_alloc : memref<!tpu.dma_semaphore, #tpu.memory_space<semaphore_mem>>
        %dma_start3A_134 = arith.constant 0 : i32
        %dma_start3A_135 = tpu.memref_slice %arg8[%run_scoped3A_79, %dma_start3A_134] : memref<8x128xi32, #tpu.memory_space<vmem>> -> memref<1x128xi32, #tpu.memory_space<vmem>>
        %dma_start3A_136 = tpu.memref_squeeze %dma_start3A_135 : memref<1x128xi32, #tpu.memory_space<vmem>> -> memref<128xi32, #tpu.memory_space<vmem>>
        %dma_start3A_137 = arith.constant 0 : i32
        %dma_start3A_138 = arith.constant 0 : i32
        %dma_start3A_139 = tpu.memref_slice %arg11[%dma_start3A_137, %dma_start3A_138] : memref<10240x128xf32, #tpu.memory_space<vmem_shared>> -> memref<10240x128xf32, #tpu.memory_space<vmem_shared>>
        tpu.enqueue_indirect_dma source(%arg10 : memref<128x128xf32, #tpu.memory_space<vmem>>) target(%dma_start3A_139 : memref<10240x128xf32, #tpu.memory_space<vmem_shared>>) offsets(%dma_start3A_136 : memref<128xi32, #tpu.memory_space<vmem>>) semaphore(%run_scoped3A_133 : memref<!tpu.dma_semaphore, #tpu.memory_space<semaphore_mem>>) {add = true}
        %dma_wait3A_140 = arith.constant 0 : i32
        %dma_wait3A_141 = tpu.memref_slice %arg8[%run_scoped3A_79, %dma_wait3A_140] : memref<8x128xi32, #tpu.memory_space<vmem>> -> memref<1x128xi32, #tpu.memory_space<vmem>>
        %dma_wait3A_142 = tpu.memref_squeeze %dma_wait3A_141 : memref<1x128xi32, #tpu.memory_space<vmem>> -> memref<128xi32, #tpu.memory_space<vmem>>
        %dma_wait3A_143 = arith.constant 0 : i32
        %dma_wait3A_144 = arith.constant 0 : i32
        %dma_wait3A_145 = tpu.memref_slice %arg11[%dma_wait3A_143, %dma_wait3A_144] : memref<10240x128xf32, #tpu.memory_space<vmem_shared>> -> memref<10240x128xf32, #tpu.memory_space<vmem_shared>>
        tpu.wait_indirect_dma semaphore(%run_scoped3A_133 : memref<!tpu.dma_semaphore, #tpu.memory_space<semaphore_mem>>) src(%arg10 : memref<128x128xf32, #tpu.memory_space<vmem>>) dst(%dma_wait3A_145 : memref<10240x128xf32, #tpu.memory_space<vmem_shared>>)
        tpu.yield
      }) : () -> ()
      %dma_start3A_80 = arith.constant 5 : i32
      %dma_start3A_81 = arith.constant 0 : i32
      %dma_start3A_82 = tpu.memref_slice %arg7[%dma_start3A_80, %dma_start3A_81] : memref<8x128xi32, #tpu.memory_space<vmem>> -> memref<1x128xi32, #tpu.memory_space<vmem>>
      %dma_start3A_83 = tpu.memref_squeeze %dma_start3A_82 : memref<1x128xi32, #tpu.memory_space<vmem>> -> memref<128xi32, #tpu.memory_space<vmem>>
      %dma_start3A_84 = arith.constant 0 : i32
      %dma_start3A_85 = arith.constant 0 : i32
      %dma_start3A_86 = tpu.memref_slice %arg2[%dma_start3A_84, %dma_start3A_85] : memref<20000x128xf32, #tpu.memory_space<hbm>> -> memref<20000x128xf32, #tpu.memory_space<hbm>>
      tpu.enqueue_indirect_dma source(%dma_start3A_86 : memref<20000x128xf32, #tpu.memory_space<hbm>>) target(%arg10 : memref<128x128xf32, #tpu.memory_space<vmem>>) offsets(%dma_start3A_83 : memref<128xi32, #tpu.memory_space<vmem>>) semaphore(%arg13 : memref<!tpu.dma_semaphore, #tpu.memory_space<semaphore_mem>>)
      %dma_wait3A_87 = arith.constant 4 : i32
      %dma_wait3A_88 = arith.constant 0 : i32
      %dma_wait3A_89 = tpu.memref_slice %arg7[%dma_wait3A_87, %dma_wait3A_88] : memref<8x128xi32, #tpu.memory_space<vmem>> -> memref<1x128xi32, #tpu.memory_space<vmem>>
      %dma_wait3A_90 = tpu.memref_squeeze %dma_wait3A_89 : memref<1x128xi32, #tpu.memory_space<vmem>> -> memref<128xi32, #tpu.memory_space<vmem>>
      %dma_wait3A_91 = arith.constant 0 : i32
      %dma_wait3A_92 = arith.constant 0 : i32
      %dma_wait3A_93 = tpu.memref_slice %arg2[%dma_wait3A_91, %dma_wait3A_92] : memref<20000x128xf32, #tpu.memory_space<hbm>> -> memref<20000x128xf32, #tpu.memory_space<hbm>>
      tpu.wait_indirect_dma semaphore(%arg12 : memref<!tpu.dma_semaphore, #tpu.memory_space<semaphore_mem>>) src(%dma_wait3A_93 : memref<20000x128xf32, #tpu.memory_space<hbm>>) dst(%arg9 : memref<128x128xf32, #tpu.memory_space<vmem>>)
      %run_scoped3A_94 = arith.constant 4 : i32
      "tpu.region"() ({
        %run_scoped3A_133 = tpu.sem_alloc : memref<!tpu.dma_semaphore, #tpu.memory_space<semaphore_mem>>
        %dma_start3A_134 = arith.constant 0 : i32
        %dma_start3A_135 = tpu.memref_slice %arg8[%run_scoped3A_94, %dma_start3A_134] : memref<8x128xi32, #tpu.memory_space<vmem>> -> memref<1x128xi32, #tpu.memory_space<vmem>>
        %dma_start3A_136 = tpu.memref_squeeze %dma_start3A_135 : memref<1x128xi32, #tpu.memory_space<vmem>> -> memref<128xi32, #tpu.memory_space<vmem>>
        %dma_start3A_137 = arith.constant 0 : i32
        %dma_start3A_138 = arith.constant 0 : i32
        %dma_start3A_139 = tpu.memref_slice %arg11[%dma_start3A_137, %dma_start3A_138] : memref<10240x128xf32, #tpu.memory_space<vmem_shared>> -> memref<10240x128xf32, #tpu.memory_space<vmem_shared>>
        tpu.enqueue_indirect_dma source(%arg9 : memref<128x128xf32, #tpu.memory_space<vmem>>) target(%dma_start3A_139 : memref<10240x128xf32, #tpu.memory_space<vmem_shared>>) offsets(%dma_start3A_136 : memref<128xi32, #tpu.memory_space<vmem>>) semaphore(%run_scoped3A_133 : memref<!tpu.dma_semaphore, #tpu.memory_space<semaphore_mem>>) {add = true}
        %dma_wait3A_140 = arith.constant 0 : i32
        %dma_wait3A_141 = tpu.memref_slice %arg8[%run_scoped3A_94, %dma_wait3A_140] : memref<8x128xi32, #tpu.memory_space<vmem>> -> memref<1x128xi32, #tpu.memory_space<vmem>>
        %dma_wait3A_142 = tpu.memref_squeeze %dma_wait3A_141 : memref<1x128xi32, #tpu.memory_space<vmem>> -> memref<128xi32, #tpu.memory_space<vmem>>
        %dma_wait3A_143 = arith.constant 0 : i32
        %dma_wait3A_144 = arith.constant 0 : i32
        %dma_wait3A_145 = tpu.memref_slice %arg11[%dma_wait3A_143, %dma_wait3A_144] : memref<10240x128xf32, #tpu.memory_space<vmem_shared>> -> memref<10240x128xf32, #tpu.memory_space<vmem_shared>>
        tpu.wait_indirect_dma semaphore(%run_scoped3A_133 : memref<!tpu.dma_semaphore, #tpu.memory_space<semaphore_mem>>) src(%arg9 : memref<128x128xf32, #tpu.memory_space<vmem>>) dst(%dma_wait3A_145 : memref<10240x128xf32, #tpu.memory_space<vmem_shared>>)
        tpu.yield
      }) : () -> ()
      %dma_start3A_95 = arith.constant 6 : i32
      %dma_start3A_96 = arith.constant 0 : i32
      %dma_start3A_97 = tpu.memref_slice %arg7[%dma_start3A_95, %dma_start3A_96] : memref<8x128xi32, #tpu.memory_space<vmem>> -> memref<1x128xi32, #tpu.memory_space<vmem>>
      %dma_start3A_98 = tpu.memref_squeeze %dma_start3A_97 : memref<1x128xi32, #tpu.memory_space<vmem>> -> memref<128xi32, #tpu.memory_space<vmem>>
      %dma_start3A_99 = arith.constant 0 : i32
      %dma_start3A_100 = arith.constant 0 : i32
      %dma_start3A_101 = tpu.memref_slice %arg2[%dma_start3A_99, %dma_start3A_100] : memref<20000x128xf32, #tpu.memory_space<hbm>> -> memref<20000x128xf32, #tpu.memory_space<hbm>>
      tpu.enqueue_indirect_dma source(%dma_start3A_101 : memref<20000x128xf32, #tpu.memory_space<hbm>>) target(%arg9 : memref<128x128xf32, #tpu.memory_space<vmem>>) offsets(%dma_start3A_98 : memref<128xi32, #tpu.memory_space<vmem>>) semaphore(%arg12 : memref<!tpu.dma_semaphore, #tpu.memory_space<semaphore_mem>>)
      %dma_wait3A_102 = arith.constant 5 : i32
      %dma_wait3A_103 = arith.constant 0 : i32
      %dma_wait3A_104 = tpu.memref_slice %arg7[%dma_wait3A_102, %dma_wait3A_103] : memref<8x128xi32, #tpu.memory_space<vmem>> -> memref<1x128xi32, #tpu.memory_space<vmem>>
      %dma_wait3A_105 = tpu.memref_squeeze %dma_wait3A_104 : memref<1x128xi32, #tpu.memory_space<vmem>> -> memref<128xi32, #tpu.memory_space<vmem>>
      %dma_wait3A_106 = arith.constant 0 : i32
      %dma_wait3A_107 = arith.constant 0 : i32
      %dma_wait3A_108 = tpu.memref_slice %arg2[%dma_wait3A_106, %dma_wait3A_107] : memref<20000x128xf32, #tpu.memory_space<hbm>> -> memref<20000x128xf32, #tpu.memory_space<hbm>>
      tpu.wait_indirect_dma semaphore(%arg13 : memref<!tpu.dma_semaphore, #tpu.memory_space<semaphore_mem>>) src(%dma_wait3A_108 : memref<20000x128xf32, #tpu.memory_space<hbm>>) dst(%arg10 : memref<128x128xf32, #tpu.memory_space<vmem>>)
      %run_scoped3A_109 = arith.constant 5 : i32
      "tpu.region"() ({
        %run_scoped3A_133 = tpu.sem_alloc : memref<!tpu.dma_semaphore, #tpu.memory_space<semaphore_mem>>
        %dma_start3A_134 = arith.constant 0 : i32
        %dma_start3A_135 = tpu.memref_slice %arg8[%run_scoped3A_109, %dma_start3A_134] : memref<8x128xi32, #tpu.memory_space<vmem>> -> memref<1x128xi32, #tpu.memory_space<vmem>>
        %dma_start3A_136 = tpu.memref_squeeze %dma_start3A_135 : memref<1x128xi32, #tpu.memory_space<vmem>> -> memref<128xi32, #tpu.memory_space<vmem>>
        %dma_start3A_137 = arith.constant 0 : i32
        %dma_start3A_138 = arith.constant 0 : i32
        %dma_start3A_139 = tpu.memref_slice %arg11[%dma_start3A_137, %dma_start3A_138] : memref<10240x128xf32, #tpu.memory_space<vmem_shared>> -> memref<10240x128xf32, #tpu.memory_space<vmem_shared>>
        tpu.enqueue_indirect_dma source(%arg10 : memref<128x128xf32, #tpu.memory_space<vmem>>) target(%dma_start3A_139 : memref<10240x128xf32, #tpu.memory_space<vmem_shared>>) offsets(%dma_start3A_136 : memref<128xi32, #tpu.memory_space<vmem>>) semaphore(%run_scoped3A_133 : memref<!tpu.dma_semaphore, #tpu.memory_space<semaphore_mem>>) {add = true}
        %dma_wait3A_140 = arith.constant 0 : i32
        %dma_wait3A_141 = tpu.memref_slice %arg8[%run_scoped3A_109, %dma_wait3A_140] : memref<8x128xi32, #tpu.memory_space<vmem>> -> memref<1x128xi32, #tpu.memory_space<vmem>>
        %dma_wait3A_142 = tpu.memref_squeeze %dma_wait3A_141 : memref<1x128xi32, #tpu.memory_space<vmem>> -> memref<128xi32, #tpu.memory_space<vmem>>
        %dma_wait3A_143 = arith.constant 0 : i32
        %dma_wait3A_144 = arith.constant 0 : i32
        %dma_wait3A_145 = tpu.memref_slice %arg11[%dma_wait3A_143, %dma_wait3A_144] : memref<10240x128xf32, #tpu.memory_space<vmem_shared>> -> memref<10240x128xf32, #tpu.memory_space<vmem_shared>>
        tpu.wait_indirect_dma semaphore(%run_scoped3A_133 : memref<!tpu.dma_semaphore, #tpu.memory_space<semaphore_mem>>) src(%arg10 : memref<128x128xf32, #tpu.memory_space<vmem>>) dst(%dma_wait3A_145 : memref<10240x128xf32, #tpu.memory_space<vmem_shared>>)
        tpu.yield
      }) : () -> ()
      %dma_start3A_110 = arith.constant 7 : i32
      %dma_start3A_111 = arith.constant 0 : i32
      %dma_start3A_112 = tpu.memref_slice %arg7[%dma_start3A_110, %dma_start3A_111] : memref<8x128xi32, #tpu.memory_space<vmem>> -> memref<1x128xi32, #tpu.memory_space<vmem>>
      %dma_start3A_113 = tpu.memref_squeeze %dma_start3A_112 : memref<1x128xi32, #tpu.memory_space<vmem>> -> memref<128xi32, #tpu.memory_space<vmem>>
      %dma_start3A_114 = arith.constant 0 : i32
      %dma_start3A_115 = arith.constant 0 : i32
      %dma_start3A_116 = tpu.memref_slice %arg2[%dma_start3A_114, %dma_start3A_115] : memref<20000x128xf32, #tpu.memory_space<hbm>> -> memref<20000x128xf32, #tpu.memory_space<hbm>>
      tpu.enqueue_indirect_dma source(%dma_start3A_116 : memref<20000x128xf32, #tpu.memory_space<hbm>>) target(%arg10 : memref<128x128xf32, #tpu.memory_space<vmem>>) offsets(%dma_start3A_113 : memref<128xi32, #tpu.memory_space<vmem>>) semaphore(%arg13 : memref<!tpu.dma_semaphore, #tpu.memory_space<semaphore_mem>>)
      %dma_wait3A_117 = arith.constant 6 : i32
      %dma_wait3A_118 = arith.constant 0 : i32
      %dma_wait3A_119 = tpu.memref_slice %arg7[%dma_wait3A_117, %dma_wait3A_118] : memref<8x128xi32, #tpu.memory_space<vmem>> -> memref<1x128xi32, #tpu.memory_space<vmem>>
      %dma_wait3A_120 = tpu.memref_squeeze %dma_wait3A_119 : memref<1x128xi32, #tpu.memory_space<vmem>> -> memref<128xi32, #tpu.memory_space<vmem>>
      %dma_wait3A_121 = arith.constant 0 : i32
      %dma_wait3A_122 = arith.constant 0 : i32
      %dma_wait3A_123 = tpu.memref_slice %arg2[%dma_wait3A_121, %dma_wait3A_122] : memref<20000x128xf32, #tpu.memory_space<hbm>> -> memref<20000x128xf32, #tpu.memory_space<hbm>>
      tpu.wait_indirect_dma semaphore(%arg12 : memref<!tpu.dma_semaphore, #tpu.memory_space<semaphore_mem>>) src(%dma_wait3A_123 : memref<20000x128xf32, #tpu.memory_space<hbm>>) dst(%arg9 : memref<128x128xf32, #tpu.memory_space<vmem>>)
      %run_scoped3A_124 = arith.constant 6 : i32
      "tpu.region"() ({
        %run_scoped3A_133 = tpu.sem_alloc : memref<!tpu.dma_semaphore, #tpu.memory_space<semaphore_mem>>
        %dma_start3A_134 = arith.constant 0 : i32
        %dma_start3A_135 = tpu.memref_slice %arg8[%run_scoped3A_124, %dma_start3A_134] : memref<8x128xi32, #tpu.memory_space<vmem>> -> memref<1x128xi32, #tpu.memory_space<vmem>>
        %dma_start3A_136 = tpu.memref_squeeze %dma_start3A_135 : memref<1x128xi32, #tpu.memory_space<vmem>> -> memref<128xi32, #tpu.memory_space<vmem>>
        %dma_start3A_137 = arith.constant 0 : i32
        %dma_start3A_138 = arith.constant 0 : i32
        %dma_start3A_139 = tpu.memref_slice %arg11[%dma_start3A_137, %dma_start3A_138] : memref<10240x128xf32, #tpu.memory_space<vmem_shared>> -> memref<10240x128xf32, #tpu.memory_space<vmem_shared>>
        tpu.enqueue_indirect_dma source(%arg9 : memref<128x128xf32, #tpu.memory_space<vmem>>) target(%dma_start3A_139 : memref<10240x128xf32, #tpu.memory_space<vmem_shared>>) offsets(%dma_start3A_136 : memref<128xi32, #tpu.memory_space<vmem>>) semaphore(%run_scoped3A_133 : memref<!tpu.dma_semaphore, #tpu.memory_space<semaphore_mem>>) {add = true}
        %dma_wait3A_140 = arith.constant 0 : i32
        %dma_wait3A_141 = tpu.memref_slice %arg8[%run_scoped3A_124, %dma_wait3A_140] : memref<8x128xi32, #tpu.memory_space<vmem>> -> memref<1x128xi32, #tpu.memory_space<vmem>>
        %dma_wait3A_142 = tpu.memref_squeeze %dma_wait3A_141 : memref<1x128xi32, #tpu.memory_space<vmem>> -> memref<128xi32, #tpu.memory_space<vmem>>
        %dma_wait3A_143 = arith.constant 0 : i32
        %dma_wait3A_144 = arith.constant 0 : i32
        %dma_wait3A_145 = tpu.memref_slice %arg11[%dma_wait3A_143, %dma_wait3A_144] : memref<10240x128xf32, #tpu.memory_space<vmem_shared>> -> memref<10240x128xf32, #tpu.memory_space<vmem_shared>>
        tpu.wait_indirect_dma semaphore(%run_scoped3A_133 : memref<!tpu.dma_semaphore, #tpu.memory_space<semaphore_mem>>) src(%arg9 : memref<128x128xf32, #tpu.memory_space<vmem>>) dst(%dma_wait3A_145 : memref<10240x128xf32, #tpu.memory_space<vmem_shared>>)
        tpu.yield
      }) : () -> ()
      %dma_wait3A_125 = arith.constant 7 : i32
      %dma_wait3A_126 = arith.constant 0 : i32
      %dma_wait3A_127 = tpu.memref_slice %arg7[%dma_wait3A_125, %dma_wait3A_126] : memref<8x128xi32, #tpu.memory_space<vmem>> -> memref<1x128xi32, #tpu.memory_space<vmem>>
      %dma_wait3A_128 = tpu.memref_squeeze %dma_wait3A_127 : memref<1x128xi32, #tpu.memory_space<vmem>> -> memref<128xi32, #tpu.memory_space<vmem>>
      %dma_wait3A_129 = arith.constant 0 : i32
      %dma_wait3A_130 = arith.constant 0 : i32
      %dma_wait3A_131 = tpu.memref_slice %arg2[%dma_wait3A_129, %dma_wait3A_130] : memref<20000x128xf32, #tpu.memory_space<hbm>> -> memref<20000x128xf32, #tpu.memory_space<hbm>>
      tpu.wait_indirect_dma semaphore(%arg13 : memref<!tpu.dma_semaphore, #tpu.memory_space<semaphore_mem>>) src(%dma_wait3A_131 : memref<20000x128xf32, #tpu.memory_space<hbm>>) dst(%arg10 : memref<128x128xf32, #tpu.memory_space<vmem>>)
      %run_scoped3A_132 = arith.constant 7 : i32
      "tpu.region"() ({
        %run_scoped3A_133 = tpu.sem_alloc : memref<!tpu.dma_semaphore, #tpu.memory_space<semaphore_mem>>
        %dma_start3A_134 = arith.constant 0 : i32
        %dma_start3A_135 = tpu.memref_slice %arg8[%run_scoped3A_132, %dma_start3A_134] : memref<8x128xi32, #tpu.memory_space<vmem>> -> memref<1x128xi32, #tpu.memory_space<vmem>>
        %dma_start3A_136 = tpu.memref_squeeze %dma_start3A_135 : memref<1x128xi32, #tpu.memory_space<vmem>> -> memref<128xi32, #tpu.memory_space<vmem>>
        %dma_start3A_137 = arith.constant 0 : i32
        %dma_start3A_138 = arith.constant 0 : i32
        %dma_start3A_139 = tpu.memref_slice %arg11[%dma_start3A_137, %dma_start3A_138] : memref<10240x128xf32, #tpu.memory_space<vmem_shared>> -> memref<10240x128xf32, #tpu.memory_space<vmem_shared>>
        tpu.enqueue_indirect_dma source(%arg10 : memref<128x128xf32, #tpu.memory_space<vmem>>) target(%dma_start3A_139 : memref<10240x128xf32, #tpu.memory_space<vmem_shared>>) offsets(%dma_start3A_136 : memref<128xi32, #tpu.memory_space<vmem>>) semaphore(%run_scoped3A_133 : memref<!tpu.dma_semaphore, #tpu.memory_space<semaphore_mem>>) {add = true}
        %dma_wait3A_140 = arith.constant 0 : i32
        %dma_wait3A_141 = tpu.memref_slice %arg8[%run_scoped3A_132, %dma_wait3A_140] : memref<8x128xi32, #tpu.memory_space<vmem>> -> memref<1x128xi32, #tpu.memory_space<vmem>>
        %dma_wait3A_142 = tpu.memref_squeeze %dma_wait3A_141 : memref<1x128xi32, #tpu.memory_space<vmem>> -> memref<128xi32, #tpu.memory_space<vmem>>
        %dma_wait3A_143 = arith.constant 0 : i32
        %dma_wait3A_144 = arith.constant 0 : i32
        %dma_wait3A_145 = tpu.memref_slice %arg11[%dma_wait3A_143, %dma_wait3A_144] : memref<10240x128xf32, #tpu.memory_space<vmem_shared>> -> memref<10240x128xf32, #tpu.memory_space<vmem_shared>>
        tpu.wait_indirect_dma semaphore(%run_scoped3A_133 : memref<!tpu.dma_semaphore, #tpu.memory_space<semaphore_mem>>) src(%arg10 : memref<128x128xf32, #tpu.memory_space<vmem>>) dst(%dma_wait3A_145 : memref<10240x128xf32, #tpu.memory_space<vmem_shared>>)
        tpu.yield
      }) : () -> ()
    }
    %scan3A_7 = arith.constant 10 : i32
    %barrier3A_8 = arith.constant 0 : index
    tpu.barrier barrier_id(%barrier3A_8)
    %mul3A_9 = arith.constant 640 : i32
    %mul3A_10 = arith.muli %arg1, %mul3A_9 : i32
    %mul3A_11 = arith.constant 640 : i32
    %mul3A_12 = arith.muli %arg1, %mul3A_11 : i32
    "tpu.region"() ({
      %run_scoped3A = tpu.sem_alloc : memref<!tpu.dma_semaphore, #tpu.memory_space<semaphore_mem>>
      %dma_start3A = arith.constant 0 : i32
      %dma_start3A_13 = tpu.memref_slice %arg6[%arg0, %mul3A_12, %dma_start3A] : memref<2x10240x128xf32, #tpu.memory_space<hbm>> -> memref<1x640x128xf32, #tpu.memory_space<hbm>>
      %dma_start3A_14 = tpu.memref_squeeze %dma_start3A_13 : memref<1x640x128xf32, #tpu.memory_space<hbm>> -> memref<640x128xf32, #tpu.memory_space<hbm>>
      %dma_start3A_15 = arith.constant 0 : i32
      %dma_start3A_16 = tpu.memref_slice %arg11[%mul3A_10, %dma_start3A_15] : memref<10240x128xf32, #tpu.memory_space<vmem_shared>> -> memref<640x128xf32, #tpu.memory_space<vmem_shared>>
      tpu.enqueue_dma source(%dma_start3A_16 : memref<640x128xf32, #tpu.memory_space<vmem_shared>>) target(%dma_start3A_14 : memref<640x128xf32, #tpu.memory_space<hbm>>) target_semaphore(%run_scoped3A : memref<!tpu.dma_semaphore, #tpu.memory_space<semaphore_mem>>)
      %dma_wait3A = arith.constant 0 : i32
      %dma_wait3A_17 = tpu.memref_slice %arg6[%arg0, %mul3A_12, %dma_wait3A] : memref<2x10240x128xf32, #tpu.memory_space<hbm>> -> memref<1x640x128xf32, #tpu.memory_space<hbm>>
      %dma_wait3A_18 = tpu.memref_squeeze %dma_wait3A_17 : memref<1x640x128xf32, #tpu.memory_space<hbm>> -> memref<640x128xf32, #tpu.memory_space<hbm>>
      %dma_wait3A_19 = arith.constant 0 : i32
      %dma_wait3A_20 = tpu.memref_slice %arg11[%mul3A_10, %dma_wait3A_19] : memref<10240x128xf32, #tpu.memory_space<vmem_shared>> -> memref<640x128xf32, #tpu.memory_space<vmem_shared>>
      tpu.wait_dma2 semaphore(%run_scoped3A : memref<!tpu.dma_semaphore, #tpu.memory_space<semaphore_mem>>) src(%dma_wait3A_20 : memref<640x128xf32, #tpu.memory_space<vmem_shared>>) dst(%dma_wait3A_18 : memref<640x128xf32, #tpu.memory_space<hbm>>)
      tpu.yield
    }) : () -> ()
    return
  }
}

#map = affine_map<(d0, d1) -> (0, 0)>
#map1 = affine_map<(d0, d1) -> (0, 0, 0)>
module attributes {stable_mosaic.version = 14 : i64} {
  func.func @_agg_body(%arg0: i32, %arg1: i32, %arg2: memref<20000x128xf32, #tpu.memory_space<hbm>>, %arg3: memref<2x1280x128xi32, #tpu.memory_space<hbm>>, %arg4: memref<1280x128xi32, #tpu.memory_space<hbm>>, %arg5: memref<10240x128xf32, #tpu.memory_space<hbm>>, %arg6: memref<2x10240x128xf32, #tpu.memory_space<hbm>>, %arg7: memref<8x128xi32, #tpu.memory_space<vmem>>, %arg8: memref<8x128xi32, #tpu.memory_space<vmem>>, %arg9: memref<128x128xf32, #tpu.memory_space<vmem>>, %arg10: memref<128x128xf32, #tpu.memory_space<vmem>>, %arg11: memref<10240x128xf32, #tpu.memory_space<vmem_shared>>, %arg12: memref<!tpu.dma_semaphore, #tpu.memory_space<semaphore_mem>>, %arg13: memref<!tpu.dma_semaphore, #tpu.memory_space<semaphore_mem>>) attributes {dimension_semantics = [#tpu.dimension_semantics<core_parallel>, #tpu.dimension_semantics<subcore_parallel>], iteration_bounds = array<i64: 2, 16>, scalar_prefetch = 0 : i64, scratch_operands = 7 : i64, tpu.core_type = #tpu.core_type<sc_vector_subcore>, window_params = [{transform_indices = #map}, {transform_indices = #map1}, {transform_indices = #map}, {transform_indices = #map}, {transform_indices = #map1}]} {
    %eq3A = arith.constant 0 : i32
    %eq3A_0 = arith.cmpi eq, %arg1, %eq3A : i32
    %convert_element_type3A = arith.extui %eq3A_0 : i1 to i32
    %cond3A = arith.constant 0 : i32
    %cond3A_1 = arith.cmpi ne, %convert_element_type3A, %cond3A : i32
    scf.if %cond3A_1 {
      "tpu.region"() ({
        %run_scoped3A = tpu.sem_alloc : memref<!tpu.dma_semaphore, #tpu.memory_space<semaphore_mem>>
        tpu.enqueue_dma source(%arg5 : memref<10240x128xf32, #tpu.memory_space<hbm>>) target(%arg11 : memref<10240x128xf32, #tpu.memory_space<vmem_shared>>) target_semaphore(%run_scoped3A : memref<!tpu.dma_semaphore, #tpu.memory_space<semaphore_mem>>)
        tpu.wait_dma2 semaphore(%run_scoped3A : memref<!tpu.dma_semaphore, #tpu.memory_space<semaphore_mem>>) src(%arg5 : memref<10240x128xf32, #tpu.memory_space<hbm>>) dst(%arg11 : memref<10240x128xf32, #tpu.memory_space<vmem_shared>>)
        tpu.yield
      }) : () -> ()
    } else {
    }
    %barrier3A = arith.constant 0 : index
    tpu.barrier barrier_id(%barrier3A)
    %mul3A = arith.constant 80 : i32
    %mul3A_2 = arith.muli %arg1, %mul3A : i32
    %scan3A = arith.constant 0 : i32
    %scan3A_3 = arith.constant 0 : i32
    %scan3A_4 = arith.constant 10 : i32
    %scan3A_5 = arith.addi %scan3A_3, %scan3A_4 : i32
    %scan3A_6 = arith.constant 1 : i32
    scf.for %scan3A_13 = %scan3A_3 to %scan3A_5 step %scan3A_6  : i32 {
      %mul3A_14 = arith.constant 8 : i32
      %mul3A_15 = arith.muli %scan3A_13, %mul3A_14 : i32
      %add3A = arith.addi %mul3A_2, %mul3A_15 : i32
      "tpu.region"() ({
        %run_scoped3A_133 = tpu.sem_alloc : memref<!tpu.dma_semaphore, #tpu.memory_space<semaphore_mem>>
        %dma_start3A_134 = arith.constant 0 : i32
        %dma_start3A_135 = tpu.memref_slice %arg3[%arg0, %add3A, %dma_start3A_134] : memref<2x1280x128xi32, #tpu.memory_space<hbm>> -> memref<1x8x128xi32, #tpu.memory_space<hbm>>
        %dma_start3A_136 = tpu.memref_squeeze %dma_start3A_135 : memref<1x8x128xi32, #tpu.memory_space<hbm>> -> memref<8x128xi32, #tpu.memory_space<hbm>>
        %dma_start3A_137 = arith.constant 0 : i32
        %dma_start3A_138 = tpu.memref_slice %arg3[%arg0, %add3A, %dma_start3A_137] : memref<2x1280x128xi32, #tpu.memory_space<hbm>> -> memref<1x8x128xi32, #tpu.memory_space<hbm>>
        %dma_start3A_139 = tpu.memref_squeeze %dma_start3A_138 : memref<1x8x128xi32, #tpu.memory_space<hbm>> -> memref<8x128xi32, #tpu.memory_space<hbm>>
        tpu.enqueue_dma source(%dma_start3A_139 : memref<8x128xi32, #tpu.memory_space<hbm>>) target(%arg7 : memref<8x128xi32, #tpu.memory_space<vmem>>) target_semaphore(%run_scoped3A_133 : memref<!tpu.dma_semaphore, #tpu.memory_space<semaphore_mem>>)
        %dma_wait3A_140 = arith.constant 0 : i32
        %dma_wait3A_141 = tpu.memref_slice %arg3[%arg0, %add3A, %dma_wait3A_140] : memref<2x1280x128xi32, #tpu.memory_space<hbm>> -> memref<1x8x128xi32, #tpu.memory_space<hbm>>
        %dma_wait3A_142 = tpu.memref_squeeze %dma_wait3A_141 : memref<1x8x128xi32, #tpu.memory_space<hbm>> -> memref<8x128xi32, #tpu.memory_space<hbm>>
        %dma_wait3A_143 = arith.constant 0 : i32
        %dma_wait3A_144 = tpu.memref_slice %arg3[%arg0, %add3A, %dma_wait3A_143] : memref<2x1280x128xi32, #tpu.memory_space<hbm>> -> memref<1x8x128xi32, #tpu.memory_space<hbm>>
        %dma_wait3A_145 = tpu.memref_squeeze %dma_wait3A_144 : memref<1x8x128xi32, #tpu.memory_space<hbm>> -> memref<8x128xi32, #tpu.memory_space<hbm>>
        tpu.wait_dma2 semaphore(%run_scoped3A_133 : memref<!tpu.dma_semaphore, #tpu.memory_space<semaphore_mem>>) src(%dma_wait3A_145 : memref<8x128xi32, #tpu.memory_space<hbm>>) dst(%arg7 : memref<8x128xi32, #tpu.memory_space<vmem>>)
        tpu.yield
      }) : () -> ()
      "tpu.region"() ({
        %run_scoped3A_133 = tpu.sem_alloc : memref<!tpu.dma_semaphore, #tpu.memory_space<semaphore_mem>>
        %dma_start3A_134 = arith.constant 0 : i32
        %dma_start3A_135 = tpu.memref_slice %arg4[%add3A, %dma_start3A_134] : memref<1280x128xi32, #tpu.memory_space<hbm>> -> memref<8x128xi32, #tpu.memory_space<hbm>>
        %dma_start3A_136 = arith.constant 0 : i32
        %dma_start3A_137 = tpu.memref_slice %arg4[%add3A, %dma_start3A_136] : memref<1280x128xi32, #tpu.memory_space<hbm>> -> memref<8x128xi32, #tpu.memory_space<hbm>>
        tpu.enqueue_dma source(%dma_start3A_137 : memref<8x128xi32, #tpu.memory_space<hbm>>) target(%arg8 : memref<8x128xi32, #tpu.memory_space<vmem>>) target_semaphore(%run_scoped3A_133 : memref<!tpu.dma_semaphore, #tpu.memory_space<semaphore_mem>>)
        %dma_wait3A_138 = arith.constant 0 : i32
        %dma_wait3A_139 = tpu.memref_slice %arg4[%add3A, %dma_wait3A_138] : memref<1280x128xi32, #tpu.memory_space<hbm>> -> memref<8x128xi32, #tpu.memory_space<hbm>>
        %dma_wait3A_140 = arith.constant 0 : i32
        %dma_wait3A_141 = tpu.memref_slice %arg4[%add3A, %dma_wait3A_140] : memref<1280x128xi32, #tpu.memory_space<hbm>> -> memref<8x128xi32, #tpu.memory_space<hbm>>
        tpu.wait_dma2 semaphore(%run_scoped3A_133 : memref<!tpu.dma_semaphore, #tpu.memory_space<semaphore_mem>>) src(%dma_wait3A_141 : memref<8x128xi32, #tpu.memory_space<hbm>>) dst(%arg8 : memref<8x128xi32, #tpu.memory_space<vmem>>)
        tpu.yield
      }) : () -> ()
      %dma_start3A = arith.constant 0 : i32
      %dma_start3A_16 = arith.constant 0 : i32
      %dma_start3A_17 = tpu.memref_slice %arg7[%dma_start3A, %dma_start3A_16] : memref<8x128xi32, #tpu.memory_space<vmem>> -> memref<1x128xi32, #tpu.memory_space<vmem>>
      %dma_start3A_18 = tpu.memref_squeeze %dma_start3A_17 : memref<1x128xi32, #tpu.memory_space<vmem>> -> memref<128xi32, #tpu.memory_space<vmem>>
      %dma_start3A_19 = arith.constant 0 : i32
      %dma_start3A_20 = arith.constant 0 : i32
      %dma_start3A_21 = tpu.memref_slice %arg2[%dma_start3A_19, %dma_start3A_20] : memref<20000x128xf32, #tpu.memory_space<hbm>> -> memref<20000x128xf32, #tpu.memory_space<hbm>>
      tpu.enqueue_indirect_dma source(%dma_start3A_21 : memref<20000x128xf32, #tpu.memory_space<hbm>>) target(%arg9 : memref<128x128xf32, #tpu.memory_space<vmem>>) offsets(%dma_start3A_18 : memref<128xi32, #tpu.memory_space<vmem>>) semaphore(%arg12 : memref<!tpu.dma_semaphore, #tpu.memory_space<semaphore_mem>>)
      %dma_start3A_22 = arith.constant 1 : i32
      %dma_start3A_23 = arith.constant 0 : i32
      %dma_start3A_24 = tpu.memref_slice %arg7[%dma_start3A_22, %dma_start3A_23] : memref<8x128xi32, #tpu.memory_space<vmem>> -> memref<1x128xi32, #tpu.memory_space<vmem>>
      %dma_start3A_25 = tpu.memref_squeeze %dma_start3A_24 : memref<1x128xi32, #tpu.memory_space<vmem>> -> memref<128xi32, #tpu.memory_space<vmem>>
      %dma_start3A_26 = arith.constant 0 : i32
      %dma_start3A_27 = arith.constant 0 : i32
      %dma_start3A_28 = tpu.memref_slice %arg2[%dma_start3A_26, %dma_start3A_27] : memref<20000x128xf32, #tpu.memory_space<hbm>> -> memref<20000x128xf32, #tpu.memory_space<hbm>>
      tpu.enqueue_indirect_dma source(%dma_start3A_28 : memref<20000x128xf32, #tpu.memory_space<hbm>>) target(%arg10 : memref<128x128xf32, #tpu.memory_space<vmem>>) offsets(%dma_start3A_25 : memref<128xi32, #tpu.memory_space<vmem>>) semaphore(%arg13 : memref<!tpu.dma_semaphore, #tpu.memory_space<semaphore_mem>>)
      %dma_wait3A = arith.constant 0 : i32
      %dma_wait3A_29 = arith.constant 0 : i32
      %dma_wait3A_30 = tpu.memref_slice %arg7[%dma_wait3A, %dma_wait3A_29] : memref<8x128xi32, #tpu.memory_space<vmem>> -> memref<1x128xi32, #tpu.memory_space<vmem>>
      %dma_wait3A_31 = tpu.memref_squeeze %dma_wait3A_30 : memref<1x128xi32, #tpu.memory_space<vmem>> -> memref<128xi32, #tpu.memory_space<vmem>>
      %dma_wait3A_32 = arith.constant 0 : i32
      %dma_wait3A_33 = arith.constant 0 : i32
      %dma_wait3A_34 = tpu.memref_slice %arg2[%dma_wait3A_32, %dma_wait3A_33] : memref<20000x128xf32, #tpu.memory_space<hbm>> -> memref<20000x128xf32, #tpu.memory_space<hbm>>
      tpu.wait_indirect_dma semaphore(%arg12 : memref<!tpu.dma_semaphore, #tpu.memory_space<semaphore_mem>>) src(%dma_wait3A_34 : memref<20000x128xf32, #tpu.memory_space<hbm>>) dst(%arg9 : memref<128x128xf32, #tpu.memory_space<vmem>>)
      %run_scoped3A = arith.constant 0 : i32
      "tpu.region"() ({
        %run_scoped3A_133 = tpu.sem_alloc : memref<!tpu.dma_semaphore, #tpu.memory_space<semaphore_mem>>
        %dma_start3A_134 = arith.constant 0 : i32
        %dma_start3A_135 = tpu.memref_slice %arg8[%run_scoped3A, %dma_start3A_134] : memref<8x128xi32, #tpu.memory_space<vmem>> -> memref<1x128xi32, #tpu.memory_space<vmem>>
        %dma_start3A_136 = tpu.memref_squeeze %dma_start3A_135 : memref<1x128xi32, #tpu.memory_space<vmem>> -> memref<128xi32, #tpu.memory_space<vmem>>
        %dma_start3A_137 = arith.constant 0 : i32
        %dma_start3A_138 = arith.constant 0 : i32
        %dma_start3A_139 = tpu.memref_slice %arg11[%dma_start3A_137, %dma_start3A_138] : memref<10240x128xf32, #tpu.memory_space<vmem_shared>> -> memref<10240x128xf32, #tpu.memory_space<vmem_shared>>
        tpu.enqueue_indirect_dma source(%arg9 : memref<128x128xf32, #tpu.memory_space<vmem>>) target(%dma_start3A_139 : memref<10240x128xf32, #tpu.memory_space<vmem_shared>>) offsets(%dma_start3A_136 : memref<128xi32, #tpu.memory_space<vmem>>) semaphore(%run_scoped3A_133 : memref<!tpu.dma_semaphore, #tpu.memory_space<semaphore_mem>>) {add = true}
        %dma_wait3A_140 = arith.constant 0 : i32
        %dma_wait3A_141 = tpu.memref_slice %arg8[%run_scoped3A, %dma_wait3A_140] : memref<8x128xi32, #tpu.memory_space<vmem>> -> memref<1x128xi32, #tpu.memory_space<vmem>>
        %dma_wait3A_142 = tpu.memref_squeeze %dma_wait3A_141 : memref<1x128xi32, #tpu.memory_space<vmem>> -> memref<128xi32, #tpu.memory_space<vmem>>
        %dma_wait3A_143 = arith.constant 0 : i32
        %dma_wait3A_144 = arith.constant 0 : i32
        %dma_wait3A_145 = tpu.memref_slice %arg11[%dma_wait3A_143, %dma_wait3A_144] : memref<10240x128xf32, #tpu.memory_space<vmem_shared>> -> memref<10240x128xf32, #tpu.memory_space<vmem_shared>>
        tpu.wait_indirect_dma semaphore(%run_scoped3A_133 : memref<!tpu.dma_semaphore, #tpu.memory_space<semaphore_mem>>) src(%arg9 : memref<128x128xf32, #tpu.memory_space<vmem>>) dst(%dma_wait3A_145 : memref<10240x128xf32, #tpu.memory_space<vmem_shared>>)
        tpu.yield
      }) : () -> ()
      %dma_start3A_35 = arith.constant 2 : i32
      %dma_start3A_36 = arith.constant 0 : i32
      %dma_start3A_37 = tpu.memref_slice %arg7[%dma_start3A_35, %dma_start3A_36] : memref<8x128xi32, #tpu.memory_space<vmem>> -> memref<1x128xi32, #tpu.memory_space<vmem>>
      %dma_start3A_38 = tpu.memref_squeeze %dma_start3A_37 : memref<1x128xi32, #tpu.memory_space<vmem>> -> memref<128xi32, #tpu.memory_space<vmem>>
      %dma_start3A_39 = arith.constant 0 : i32
      %dma_start3A_40 = arith.constant 0 : i32
      %dma_start3A_41 = tpu.memref_slice %arg2[%dma_start3A_39, %dma_start3A_40] : memref<20000x128xf32, #tpu.memory_space<hbm>> -> memref<20000x128xf32, #tpu.memory_space<hbm>>
      tpu.enqueue_indirect_dma source(%dma_start3A_41 : memref<20000x128xf32, #tpu.memory_space<hbm>>) target(%arg9 : memref<128x128xf32, #tpu.memory_space<vmem>>) offsets(%dma_start3A_38 : memref<128xi32, #tpu.memory_space<vmem>>) semaphore(%arg12 : memref<!tpu.dma_semaphore, #tpu.memory_space<semaphore_mem>>)
      %dma_wait3A_42 = arith.constant 1 : i32
      %dma_wait3A_43 = arith.constant 0 : i32
      %dma_wait3A_44 = tpu.memref_slice %arg7[%dma_wait3A_42, %dma_wait3A_43] : memref<8x128xi32, #tpu.memory_space<vmem>> -> memref<1x128xi32, #tpu.memory_space<vmem>>
      %dma_wait3A_45 = tpu.memref_squeeze %dma_wait3A_44 : memref<1x128xi32, #tpu.memory_space<vmem>> -> memref<128xi32, #tpu.memory_space<vmem>>
      %dma_wait3A_46 = arith.constant 0 : i32
      %dma_wait3A_47 = arith.constant 0 : i32
      %dma_wait3A_48 = tpu.memref_slice %arg2[%dma_wait3A_46, %dma_wait3A_47] : memref<20000x128xf32, #tpu.memory_space<hbm>> -> memref<20000x128xf32, #tpu.memory_space<hbm>>
      tpu.wait_indirect_dma semaphore(%arg13 : memref<!tpu.dma_semaphore, #tpu.memory_space<semaphore_mem>>) src(%dma_wait3A_48 : memref<20000x128xf32, #tpu.memory_space<hbm>>) dst(%arg10 : memref<128x128xf32, #tpu.memory_space<vmem>>)
      %run_scoped3A_49 = arith.constant 1 : i32
      "tpu.region"() ({
        %run_scoped3A_133 = tpu.sem_alloc : memref<!tpu.dma_semaphore, #tpu.memory_space<semaphore_mem>>
        %dma_start3A_134 = arith.constant 0 : i32
        %dma_start3A_135 = tpu.memref_slice %arg8[%run_scoped3A_49, %dma_start3A_134] : memref<8x128xi32, #tpu.memory_space<vmem>> -> memref<1x128xi32, #tpu.memory_space<vmem>>
        %dma_start3A_136 = tpu.memref_squeeze %dma_start3A_135 : memref<1x128xi32, #tpu.memory_space<vmem>> -> memref<128xi32, #tpu.memory_space<vmem>>
        %dma_start3A_137 = arith.constant 0 : i32
        %dma_start3A_138 = arith.constant 0 : i32
        %dma_start3A_139 = tpu.memref_slice %arg11[%dma_start3A_137, %dma_start3A_138] : memref<10240x128xf32, #tpu.memory_space<vmem_shared>> -> memref<10240x128xf32, #tpu.memory_space<vmem_shared>>
        tpu.enqueue_indirect_dma source(%arg10 : memref<128x128xf32, #tpu.memory_space<vmem>>) target(%dma_start3A_139 : memref<10240x128xf32, #tpu.memory_space<vmem_shared>>) offsets(%dma_start3A_136 : memref<128xi32, #tpu.memory_space<vmem>>) semaphore(%run_scoped3A_133 : memref<!tpu.dma_semaphore, #tpu.memory_space<semaphore_mem>>) {add = true}
        %dma_wait3A_140 = arith.constant 0 : i32
        %dma_wait3A_141 = tpu.memref_slice %arg8[%run_scoped3A_49, %dma_wait3A_140] : memref<8x128xi32, #tpu.memory_space<vmem>> -> memref<1x128xi32, #tpu.memory_space<vmem>>
        %dma_wait3A_142 = tpu.memref_squeeze %dma_wait3A_141 : memref<1x128xi32, #tpu.memory_space<vmem>> -> memref<128xi32, #tpu.memory_space<vmem>>
        %dma_wait3A_143 = arith.constant 0 : i32
        %dma_wait3A_144 = arith.constant 0 : i32
        %dma_wait3A_145 = tpu.memref_slice %arg11[%dma_wait3A_143, %dma_wait3A_144] : memref<10240x128xf32, #tpu.memory_space<vmem_shared>> -> memref<10240x128xf32, #tpu.memory_space<vmem_shared>>
        tpu.wait_indirect_dma semaphore(%run_scoped3A_133 : memref<!tpu.dma_semaphore, #tpu.memory_space<semaphore_mem>>) src(%arg10 : memref<128x128xf32, #tpu.memory_space<vmem>>) dst(%dma_wait3A_145 : memref<10240x128xf32, #tpu.memory_space<vmem_shared>>)
        tpu.yield
      }) : () -> ()
      %dma_start3A_50 = arith.constant 3 : i32
      %dma_start3A_51 = arith.constant 0 : i32
      %dma_start3A_52 = tpu.memref_slice %arg7[%dma_start3A_50, %dma_start3A_51] : memref<8x128xi32, #tpu.memory_space<vmem>> -> memref<1x128xi32, #tpu.memory_space<vmem>>
      %dma_start3A_53 = tpu.memref_squeeze %dma_start3A_52 : memref<1x128xi32, #tpu.memory_space<vmem>> -> memref<128xi32, #tpu.memory_space<vmem>>
      %dma_start3A_54 = arith.constant 0 : i32
      %dma_start3A_55 = arith.constant 0 : i32
      %dma_start3A_56 = tpu.memref_slice %arg2[%dma_start3A_54, %dma_start3A_55] : memref<20000x128xf32, #tpu.memory_space<hbm>> -> memref<20000x128xf32, #tpu.memory_space<hbm>>
      tpu.enqueue_indirect_dma source(%dma_start3A_56 : memref<20000x128xf32, #tpu.memory_space<hbm>>) target(%arg10 : memref<128x128xf32, #tpu.memory_space<vmem>>) offsets(%dma_start3A_53 : memref<128xi32, #tpu.memory_space<vmem>>) semaphore(%arg13 : memref<!tpu.dma_semaphore, #tpu.memory_space<semaphore_mem>>)
      %dma_wait3A_57 = arith.constant 2 : i32
      %dma_wait3A_58 = arith.constant 0 : i32
      %dma_wait3A_59 = tpu.memref_slice %arg7[%dma_wait3A_57, %dma_wait3A_58] : memref<8x128xi32, #tpu.memory_space<vmem>> -> memref<1x128xi32, #tpu.memory_space<vmem>>
      %dma_wait3A_60 = tpu.memref_squeeze %dma_wait3A_59 : memref<1x128xi32, #tpu.memory_space<vmem>> -> memref<128xi32, #tpu.memory_space<vmem>>
      %dma_wait3A_61 = arith.constant 0 : i32
      %dma_wait3A_62 = arith.constant 0 : i32
      %dma_wait3A_63 = tpu.memref_slice %arg2[%dma_wait3A_61, %dma_wait3A_62] : memref<20000x128xf32, #tpu.memory_space<hbm>> -> memref<20000x128xf32, #tpu.memory_space<hbm>>
      tpu.wait_indirect_dma semaphore(%arg12 : memref<!tpu.dma_semaphore, #tpu.memory_space<semaphore_mem>>) src(%dma_wait3A_63 : memref<20000x128xf32, #tpu.memory_space<hbm>>) dst(%arg9 : memref<128x128xf32, #tpu.memory_space<vmem>>)
      %run_scoped3A_64 = arith.constant 2 : i32
      "tpu.region"() ({
        %run_scoped3A_133 = tpu.sem_alloc : memref<!tpu.dma_semaphore, #tpu.memory_space<semaphore_mem>>
        %dma_start3A_134 = arith.constant 0 : i32
        %dma_start3A_135 = tpu.memref_slice %arg8[%run_scoped3A_64, %dma_start3A_134] : memref<8x128xi32, #tpu.memory_space<vmem>> -> memref<1x128xi32, #tpu.memory_space<vmem>>
        %dma_start3A_136 = tpu.memref_squeeze %dma_start3A_135 : memref<1x128xi32, #tpu.memory_space<vmem>> -> memref<128xi32, #tpu.memory_space<vmem>>
        %dma_start3A_137 = arith.constant 0 : i32
        %dma_start3A_138 = arith.constant 0 : i32
        %dma_start3A_139 = tpu.memref_slice %arg11[%dma_start3A_137, %dma_start3A_138] : memref<10240x128xf32, #tpu.memory_space<vmem_shared>> -> memref<10240x128xf32, #tpu.memory_space<vmem_shared>>
        tpu.enqueue_indirect_dma source(%arg9 : memref<128x128xf32, #tpu.memory_space<vmem>>) target(%dma_start3A_139 : memref<10240x128xf32, #tpu.memory_space<vmem_shared>>) offsets(%dma_start3A_136 : memref<128xi32, #tpu.memory_space<vmem>>) semaphore(%run_scoped3A_133 : memref<!tpu.dma_semaphore, #tpu.memory_space<semaphore_mem>>) {add = true}
        %dma_wait3A_140 = arith.constant 0 : i32
        %dma_wait3A_141 = tpu.memref_slice %arg8[%run_scoped3A_64, %dma_wait3A_140] : memref<8x128xi32, #tpu.memory_space<vmem>> -> memref<1x128xi32, #tpu.memory_space<vmem>>
        %dma_wait3A_142 = tpu.memref_squeeze %dma_wait3A_141 : memref<1x128xi32, #tpu.memory_space<vmem>> -> memref<128xi32, #tpu.memory_space<vmem>>
        %dma_wait3A_143 = arith.constant 0 : i32
        %dma_wait3A_144 = arith.constant 0 : i32
        %dma_wait3A_145 = tpu.memref_slice %arg11[%dma_wait3A_143, %dma_wait3A_144] : memref<10240x128xf32, #tpu.memory_space<vmem_shared>> -> memref<10240x128xf32, #tpu.memory_space<vmem_shared>>
        tpu.wait_indirect_dma semaphore(%run_scoped3A_133 : memref<!tpu.dma_semaphore, #tpu.memory_space<semaphore_mem>>) src(%arg9 : memref<128x128xf32, #tpu.memory_space<vmem>>) dst(%dma_wait3A_145 : memref<10240x128xf32, #tpu.memory_space<vmem_shared>>)
        tpu.yield
      }) : () -> ()
      %dma_start3A_65 = arith.constant 4 : i32
      %dma_start3A_66 = arith.constant 0 : i32
      %dma_start3A_67 = tpu.memref_slice %arg7[%dma_start3A_65, %dma_start3A_66] : memref<8x128xi32, #tpu.memory_space<vmem>> -> memref<1x128xi32, #tpu.memory_space<vmem>>
      %dma_start3A_68 = tpu.memref_squeeze %dma_start3A_67 : memref<1x128xi32, #tpu.memory_space<vmem>> -> memref<128xi32, #tpu.memory_space<vmem>>
      %dma_start3A_69 = arith.constant 0 : i32
      %dma_start3A_70 = arith.constant 0 : i32
      %dma_start3A_71 = tpu.memref_slice %arg2[%dma_start3A_69, %dma_start3A_70] : memref<20000x128xf32, #tpu.memory_space<hbm>> -> memref<20000x128xf32, #tpu.memory_space<hbm>>
      tpu.enqueue_indirect_dma source(%dma_start3A_71 : memref<20000x128xf32, #tpu.memory_space<hbm>>) target(%arg9 : memref<128x128xf32, #tpu.memory_space<vmem>>) offsets(%dma_start3A_68 : memref<128xi32, #tpu.memory_space<vmem>>) semaphore(%arg12 : memref<!tpu.dma_semaphore, #tpu.memory_space<semaphore_mem>>)
      %dma_wait3A_72 = arith.constant 3 : i32
      %dma_wait3A_73 = arith.constant 0 : i32
      %dma_wait3A_74 = tpu.memref_slice %arg7[%dma_wait3A_72, %dma_wait3A_73] : memref<8x128xi32, #tpu.memory_space<vmem>> -> memref<1x128xi32, #tpu.memory_space<vmem>>
      %dma_wait3A_75 = tpu.memref_squeeze %dma_wait3A_74 : memref<1x128xi32, #tpu.memory_space<vmem>> -> memref<128xi32, #tpu.memory_space<vmem>>
      %dma_wait3A_76 = arith.constant 0 : i32
      %dma_wait3A_77 = arith.constant 0 : i32
      %dma_wait3A_78 = tpu.memref_slice %arg2[%dma_wait3A_76, %dma_wait3A_77] : memref<20000x128xf32, #tpu.memory_space<hbm>> -> memref<20000x128xf32, #tpu.memory_space<hbm>>
      tpu.wait_indirect_dma semaphore(%arg13 : memref<!tpu.dma_semaphore, #tpu.memory_space<semaphore_mem>>) src(%dma_wait3A_78 : memref<20000x128xf32, #tpu.memory_space<hbm>>) dst(%arg10 : memref<128x128xf32, #tpu.memory_space<vmem>>)
      %run_scoped3A_79 = arith.constant 3 : i32
      "tpu.region"() ({
        %run_scoped3A_133 = tpu.sem_alloc : memref<!tpu.dma_semaphore, #tpu.memory_space<semaphore_mem>>
        %dma_start3A_134 = arith.constant 0 : i32
        %dma_start3A_135 = tpu.memref_slice %arg8[%run_scoped3A_79, %dma_start3A_134] : memref<8x128xi32, #tpu.memory_space<vmem>> -> memref<1x128xi32, #tpu.memory_space<vmem>>
        %dma_start3A_136 = tpu.memref_squeeze %dma_start3A_135 : memref<1x128xi32, #tpu.memory_space<vmem>> -> memref<128xi32, #tpu.memory_space<vmem>>
        %dma_start3A_137 = arith.constant 0 : i32
        %dma_start3A_138 = arith.constant 0 : i32
        %dma_start3A_139 = tpu.memref_slice %arg11[%dma_start3A_137, %dma_start3A_138] : memref<10240x128xf32, #tpu.memory_space<vmem_shared>> -> memref<10240x128xf32, #tpu.memory_space<vmem_shared>>
        tpu.enqueue_indirect_dma source(%arg10 : memref<128x128xf32, #tpu.memory_space<vmem>>) target(%dma_start3A_139 : memref<10240x128xf32, #tpu.memory_space<vmem_shared>>) offsets(%dma_start3A_136 : memref<128xi32, #tpu.memory_space<vmem>>) semaphore(%run_scoped3A_133 : memref<!tpu.dma_semaphore, #tpu.memory_space<semaphore_mem>>) {add = true}
        %dma_wait3A_140 = arith.constant 0 : i32
        %dma_wait3A_141 = tpu.memref_slice %arg8[%run_scoped3A_79, %dma_wait3A_140] : memref<8x128xi32, #tpu.memory_space<vmem>> -> memref<1x128xi32, #tpu.memory_space<vmem>>
        %dma_wait3A_142 = tpu.memref_squeeze %dma_wait3A_141 : memref<1x128xi32, #tpu.memory_space<vmem>> -> memref<128xi32, #tpu.memory_space<vmem>>
        %dma_wait3A_143 = arith.constant 0 : i32
        %dma_wait3A_144 = arith.constant 0 : i32
        %dma_wait3A_145 = tpu.memref_slice %arg11[%dma_wait3A_143, %dma_wait3A_144] : memref<10240x128xf32, #tpu.memory_space<vmem_shared>> -> memref<10240x128xf32, #tpu.memory_space<vmem_shared>>
        tpu.wait_indirect_dma semaphore(%run_scoped3A_133 : memref<!tpu.dma_semaphore, #tpu.memory_space<semaphore_mem>>) src(%arg10 : memref<128x128xf32, #tpu.memory_space<vmem>>) dst(%dma_wait3A_145 : memref<10240x128xf32, #tpu.memory_space<vmem_shared>>)
        tpu.yield
      }) : () -> ()
      %dma_start3A_80 = arith.constant 5 : i32
      %dma_start3A_81 = arith.constant 0 : i32
      %dma_start3A_82 = tpu.memref_slice %arg7[%dma_start3A_80, %dma_start3A_81] : memref<8x128xi32, #tpu.memory_space<vmem>> -> memref<1x128xi32, #tpu.memory_space<vmem>>
      %dma_start3A_83 = tpu.memref_squeeze %dma_start3A_82 : memref<1x128xi32, #tpu.memory_space<vmem>> -> memref<128xi32, #tpu.memory_space<vmem>>
      %dma_start3A_84 = arith.constant 0 : i32
      %dma_start3A_85 = arith.constant 0 : i32
      %dma_start3A_86 = tpu.memref_slice %arg2[%dma_start3A_84, %dma_start3A_85] : memref<20000x128xf32, #tpu.memory_space<hbm>> -> memref<20000x128xf32, #tpu.memory_space<hbm>>
      tpu.enqueue_indirect_dma source(%dma_start3A_86 : memref<20000x128xf32, #tpu.memory_space<hbm>>) target(%arg10 : memref<128x128xf32, #tpu.memory_space<vmem>>) offsets(%dma_start3A_83 : memref<128xi32, #tpu.memory_space<vmem>>) semaphore(%arg13 : memref<!tpu.dma_semaphore, #tpu.memory_space<semaphore_mem>>)
      %dma_wait3A_87 = arith.constant 4 : i32
      %dma_wait3A_88 = arith.constant 0 : i32
      %dma_wait3A_89 = tpu.memref_slice %arg7[%dma_wait3A_87, %dma_wait3A_88] : memref<8x128xi32, #tpu.memory_space<vmem>> -> memref<1x128xi32, #tpu.memory_space<vmem>>
      %dma_wait3A_90 = tpu.memref_squeeze %dma_wait3A_89 : memref<1x128xi32, #tpu.memory_space<vmem>> -> memref<128xi32, #tpu.memory_space<vmem>>
      %dma_wait3A_91 = arith.constant 0 : i32
      %dma_wait3A_92 = arith.constant 0 : i32
      %dma_wait3A_93 = tpu.memref_slice %arg2[%dma_wait3A_91, %dma_wait3A_92] : memref<20000x128xf32, #tpu.memory_space<hbm>> -> memref<20000x128xf32, #tpu.memory_space<hbm>>
      tpu.wait_indirect_dma semaphore(%arg12 : memref<!tpu.dma_semaphore, #tpu.memory_space<semaphore_mem>>) src(%dma_wait3A_93 : memref<20000x128xf32, #tpu.memory_space<hbm>>) dst(%arg9 : memref<128x128xf32, #tpu.memory_space<vmem>>)
      %run_scoped3A_94 = arith.constant 4 : i32
      "tpu.region"() ({
        %run_scoped3A_133 = tpu.sem_alloc : memref<!tpu.dma_semaphore, #tpu.memory_space<semaphore_mem>>
        %dma_start3A_134 = arith.constant 0 : i32
        %dma_start3A_135 = tpu.memref_slice %arg8[%run_scoped3A_94, %dma_start3A_134] : memref<8x128xi32, #tpu.memory_space<vmem>> -> memref<1x128xi32, #tpu.memory_space<vmem>>
        %dma_start3A_136 = tpu.memref_squeeze %dma_start3A_135 : memref<1x128xi32, #tpu.memory_space<vmem>> -> memref<128xi32, #tpu.memory_space<vmem>>
        %dma_start3A_137 = arith.constant 0 : i32
        %dma_start3A_138 = arith.constant 0 : i32
        %dma_start3A_139 = tpu.memref_slice %arg11[%dma_start3A_137, %dma_start3A_138] : memref<10240x128xf32, #tpu.memory_space<vmem_shared>> -> memref<10240x128xf32, #tpu.memory_space<vmem_shared>>
        tpu.enqueue_indirect_dma source(%arg9 : memref<128x128xf32, #tpu.memory_space<vmem>>) target(%dma_start3A_139 : memref<10240x128xf32, #tpu.memory_space<vmem_shared>>) offsets(%dma_start3A_136 : memref<128xi32, #tpu.memory_space<vmem>>) semaphore(%run_scoped3A_133 : memref<!tpu.dma_semaphore, #tpu.memory_space<semaphore_mem>>) {add = true}
        %dma_wait3A_140 = arith.constant 0 : i32
        %dma_wait3A_141 = tpu.memref_slice %arg8[%run_scoped3A_94, %dma_wait3A_140] : memref<8x128xi32, #tpu.memory_space<vmem>> -> memref<1x128xi32, #tpu.memory_space<vmem>>
        %dma_wait3A_142 = tpu.memref_squeeze %dma_wait3A_141 : memref<1x128xi32, #tpu.memory_space<vmem>> -> memref<128xi32, #tpu.memory_space<vmem>>
        %dma_wait3A_143 = arith.constant 0 : i32
        %dma_wait3A_144 = arith.constant 0 : i32
        %dma_wait3A_145 = tpu.memref_slice %arg11[%dma_wait3A_143, %dma_wait3A_144] : memref<10240x128xf32, #tpu.memory_space<vmem_shared>> -> memref<10240x128xf32, #tpu.memory_space<vmem_shared>>
        tpu.wait_indirect_dma semaphore(%run_scoped3A_133 : memref<!tpu.dma_semaphore, #tpu.memory_space<semaphore_mem>>) src(%arg9 : memref<128x128xf32, #tpu.memory_space<vmem>>) dst(%dma_wait3A_145 : memref<10240x128xf32, #tpu.memory_space<vmem_shared>>)
        tpu.yield
      }) : () -> ()
      %dma_start3A_95 = arith.constant 6 : i32
      %dma_start3A_96 = arith.constant 0 : i32
      %dma_start3A_97 = tpu.memref_slice %arg7[%dma_start3A_95, %dma_start3A_96] : memref<8x128xi32, #tpu.memory_space<vmem>> -> memref<1x128xi32, #tpu.memory_space<vmem>>
      %dma_start3A_98 = tpu.memref_squeeze %dma_start3A_97 : memref<1x128xi32, #tpu.memory_space<vmem>> -> memref<128xi32, #tpu.memory_space<vmem>>
      %dma_start3A_99 = arith.constant 0 : i32
      %dma_start3A_100 = arith.constant 0 : i32
      %dma_start3A_101 = tpu.memref_slice %arg2[%dma_start3A_99, %dma_start3A_100] : memref<20000x128xf32, #tpu.memory_space<hbm>> -> memref<20000x128xf32, #tpu.memory_space<hbm>>
      tpu.enqueue_indirect_dma source(%dma_start3A_101 : memref<20000x128xf32, #tpu.memory_space<hbm>>) target(%arg9 : memref<128x128xf32, #tpu.memory_space<vmem>>) offsets(%dma_start3A_98 : memref<128xi32, #tpu.memory_space<vmem>>) semaphore(%arg12 : memref<!tpu.dma_semaphore, #tpu.memory_space<semaphore_mem>>)
      %dma_wait3A_102 = arith.constant 5 : i32
      %dma_wait3A_103 = arith.constant 0 : i32
      %dma_wait3A_104 = tpu.memref_slice %arg7[%dma_wait3A_102, %dma_wait3A_103] : memref<8x128xi32, #tpu.memory_space<vmem>> -> memref<1x128xi32, #tpu.memory_space<vmem>>
      %dma_wait3A_105 = tpu.memref_squeeze %dma_wait3A_104 : memref<1x128xi32, #tpu.memory_space<vmem>> -> memref<128xi32, #tpu.memory_space<vmem>>
      %dma_wait3A_106 = arith.constant 0 : i32
      %dma_wait3A_107 = arith.constant 0 : i32
      %dma_wait3A_108 = tpu.memref_slice %arg2[%dma_wait3A_106, %dma_wait3A_107] : memref<20000x128xf32, #tpu.memory_space<hbm>> -> memref<20000x128xf32, #tpu.memory_space<hbm>>
      tpu.wait_indirect_dma semaphore(%arg13 : memref<!tpu.dma_semaphore, #tpu.memory_space<semaphore_mem>>) src(%dma_wait3A_108 : memref<20000x128xf32, #tpu.memory_space<hbm>>) dst(%arg10 : memref<128x128xf32, #tpu.memory_space<vmem>>)
      %run_scoped3A_109 = arith.constant 5 : i32
      "tpu.region"() ({
        %run_scoped3A_133 = tpu.sem_alloc : memref<!tpu.dma_semaphore, #tpu.memory_space<semaphore_mem>>
        %dma_start3A_134 = arith.constant 0 : i32
        %dma_start3A_135 = tpu.memref_slice %arg8[%run_scoped3A_109, %dma_start3A_134] : memref<8x128xi32, #tpu.memory_space<vmem>> -> memref<1x128xi32, #tpu.memory_space<vmem>>
        %dma_start3A_136 = tpu.memref_squeeze %dma_start3A_135 : memref<1x128xi32, #tpu.memory_space<vmem>> -> memref<128xi32, #tpu.memory_space<vmem>>
        %dma_start3A_137 = arith.constant 0 : i32
        %dma_start3A_138 = arith.constant 0 : i32
        %dma_start3A_139 = tpu.memref_slice %arg11[%dma_start3A_137, %dma_start3A_138] : memref<10240x128xf32, #tpu.memory_space<vmem_shared>> -> memref<10240x128xf32, #tpu.memory_space<vmem_shared>>
        tpu.enqueue_indirect_dma source(%arg10 : memref<128x128xf32, #tpu.memory_space<vmem>>) target(%dma_start3A_139 : memref<10240x128xf32, #tpu.memory_space<vmem_shared>>) offsets(%dma_start3A_136 : memref<128xi32, #tpu.memory_space<vmem>>) semaphore(%run_scoped3A_133 : memref<!tpu.dma_semaphore, #tpu.memory_space<semaphore_mem>>) {add = true}
        %dma_wait3A_140 = arith.constant 0 : i32
        %dma_wait3A_141 = tpu.memref_slice %arg8[%run_scoped3A_109, %dma_wait3A_140] : memref<8x128xi32, #tpu.memory_space<vmem>> -> memref<1x128xi32, #tpu.memory_space<vmem>>
        %dma_wait3A_142 = tpu.memref_squeeze %dma_wait3A_141 : memref<1x128xi32, #tpu.memory_space<vmem>> -> memref<128xi32, #tpu.memory_space<vmem>>
        %dma_wait3A_143 = arith.constant 0 : i32
        %dma_wait3A_144 = arith.constant 0 : i32
        %dma_wait3A_145 = tpu.memref_slice %arg11[%dma_wait3A_143, %dma_wait3A_144] : memref<10240x128xf32, #tpu.memory_space<vmem_shared>> -> memref<10240x128xf32, #tpu.memory_space<vmem_shared>>
        tpu.wait_indirect_dma semaphore(%run_scoped3A_133 : memref<!tpu.dma_semaphore, #tpu.memory_space<semaphore_mem>>) src(%arg10 : memref<128x128xf32, #tpu.memory_space<vmem>>) dst(%dma_wait3A_145 : memref<10240x128xf32, #tpu.memory_space<vmem_shared>>)
        tpu.yield
      }) : () -> ()
      %dma_start3A_110 = arith.constant 7 : i32
      %dma_start3A_111 = arith.constant 0 : i32
      %dma_start3A_112 = tpu.memref_slice %arg7[%dma_start3A_110, %dma_start3A_111] : memref<8x128xi32, #tpu.memory_space<vmem>> -> memref<1x128xi32, #tpu.memory_space<vmem>>
      %dma_start3A_113 = tpu.memref_squeeze %dma_start3A_112 : memref<1x128xi32, #tpu.memory_space<vmem>> -> memref<128xi32, #tpu.memory_space<vmem>>
      %dma_start3A_114 = arith.constant 0 : i32
      %dma_start3A_115 = arith.constant 0 : i32
      %dma_start3A_116 = tpu.memref_slice %arg2[%dma_start3A_114, %dma_start3A_115] : memref<20000x128xf32, #tpu.memory_space<hbm>> -> memref<20000x128xf32, #tpu.memory_space<hbm>>
      tpu.enqueue_indirect_dma source(%dma_start3A_116 : memref<20000x128xf32, #tpu.memory_space<hbm>>) target(%arg10 : memref<128x128xf32, #tpu.memory_space<vmem>>) offsets(%dma_start3A_113 : memref<128xi32, #tpu.memory_space<vmem>>) semaphore(%arg13 : memref<!tpu.dma_semaphore, #tpu.memory_space<semaphore_mem>>)
      %dma_wait3A_117 = arith.constant 6 : i32
      %dma_wait3A_118 = arith.constant 0 : i32
      %dma_wait3A_119 = tpu.memref_slice %arg7[%dma_wait3A_117, %dma_wait3A_118] : memref<8x128xi32, #tpu.memory_space<vmem>> -> memref<1x128xi32, #tpu.memory_space<vmem>>
      %dma_wait3A_120 = tpu.memref_squeeze %dma_wait3A_119 : memref<1x128xi32, #tpu.memory_space<vmem>> -> memref<128xi32, #tpu.memory_space<vmem>>
      %dma_wait3A_121 = arith.constant 0 : i32
      %dma_wait3A_122 = arith.constant 0 : i32
      %dma_wait3A_123 = tpu.memref_slice %arg2[%dma_wait3A_121, %dma_wait3A_122] : memref<20000x128xf32, #tpu.memory_space<hbm>> -> memref<20000x128xf32, #tpu.memory_space<hbm>>
      tpu.wait_indirect_dma semaphore(%arg12 : memref<!tpu.dma_semaphore, #tpu.memory_space<semaphore_mem>>) src(%dma_wait3A_123 : memref<20000x128xf32, #tpu.memory_space<hbm>>) dst(%arg9 : memref<128x128xf32, #tpu.memory_space<vmem>>)
      %run_scoped3A_124 = arith.constant 6 : i32
      "tpu.region"() ({
        %run_scoped3A_133 = tpu.sem_alloc : memref<!tpu.dma_semaphore, #tpu.memory_space<semaphore_mem>>
        %dma_start3A_134 = arith.constant 0 : i32
        %dma_start3A_135 = tpu.memref_slice %arg8[%run_scoped3A_124, %dma_start3A_134] : memref<8x128xi32, #tpu.memory_space<vmem>> -> memref<1x128xi32, #tpu.memory_space<vmem>>
        %dma_start3A_136 = tpu.memref_squeeze %dma_start3A_135 : memref<1x128xi32, #tpu.memory_space<vmem>> -> memref<128xi32, #tpu.memory_space<vmem>>
        %dma_start3A_137 = arith.constant 0 : i32
        %dma_start3A_138 = arith.constant 0 : i32
        %dma_start3A_139 = tpu.memref_slice %arg11[%dma_start3A_137, %dma_start3A_138] : memref<10240x128xf32, #tpu.memory_space<vmem_shared>> -> memref<10240x128xf32, #tpu.memory_space<vmem_shared>>
        tpu.enqueue_indirect_dma source(%arg9 : memref<128x128xf32, #tpu.memory_space<vmem>>) target(%dma_start3A_139 : memref<10240x128xf32, #tpu.memory_space<vmem_shared>>) offsets(%dma_start3A_136 : memref<128xi32, #tpu.memory_space<vmem>>) semaphore(%run_scoped3A_133 : memref<!tpu.dma_semaphore, #tpu.memory_space<semaphore_mem>>) {add = true}
        %dma_wait3A_140 = arith.constant 0 : i32
        %dma_wait3A_141 = tpu.memref_slice %arg8[%run_scoped3A_124, %dma_wait3A_140] : memref<8x128xi32, #tpu.memory_space<vmem>> -> memref<1x128xi32, #tpu.memory_space<vmem>>
        %dma_wait3A_142 = tpu.memref_squeeze %dma_wait3A_141 : memref<1x128xi32, #tpu.memory_space<vmem>> -> memref<128xi32, #tpu.memory_space<vmem>>
        %dma_wait3A_143 = arith.constant 0 : i32
        %dma_wait3A_144 = arith.constant 0 : i32
        %dma_wait3A_145 = tpu.memref_slice %arg11[%dma_wait3A_143, %dma_wait3A_144] : memref<10240x128xf32, #tpu.memory_space<vmem_shared>> -> memref<10240x128xf32, #tpu.memory_space<vmem_shared>>
        tpu.wait_indirect_dma semaphore(%run_scoped3A_133 : memref<!tpu.dma_semaphore, #tpu.memory_space<semaphore_mem>>) src(%arg9 : memref<128x128xf32, #tpu.memory_space<vmem>>) dst(%dma_wait3A_145 : memref<10240x128xf32, #tpu.memory_space<vmem_shared>>)
        tpu.yield
      }) : () -> ()
      %dma_wait3A_125 = arith.constant 7 : i32
      %dma_wait3A_126 = arith.constant 0 : i32
      %dma_wait3A_127 = tpu.memref_slice %arg7[%dma_wait3A_125, %dma_wait3A_126] : memref<8x128xi32, #tpu.memory_space<vmem>> -> memref<1x128xi32, #tpu.memory_space<vmem>>
      %dma_wait3A_128 = tpu.memref_squeeze %dma_wait3A_127 : memref<1x128xi32, #tpu.memory_space<vmem>> -> memref<128xi32, #tpu.memory_space<vmem>>
      %dma_wait3A_129 = arith.constant 0 : i32
      %dma_wait3A_130 = arith.constant 0 : i32
      %dma_wait3A_131 = tpu.memref_slice %arg2[%dma_wait3A_129, %dma_wait3A_130] : memref<20000x128xf32, #tpu.memory_space<hbm>> -> memref<20000x128xf32, #tpu.memory_space<hbm>>
      tpu.wait_indirect_dma semaphore(%arg13 : memref<!tpu.dma_semaphore, #tpu.memory_space<semaphore_mem>>) src(%dma_wait3A_131 : memref<20000x128xf32, #tpu.memory_space<hbm>>) dst(%arg10 : memref<128x128xf32, #tpu.memory_space<vmem>>)
      %run_scoped3A_132 = arith.constant 7 : i32
      "tpu.region"() ({
        %run_scoped3A_133 = tpu.sem_alloc : memref<!tpu.dma_semaphore, #tpu.memory_space<semaphore_mem>>
        %dma_start3A_134 = arith.constant 0 : i32
        %dma_start3A_135 = tpu.memref_slice %arg8[%run_scoped3A_132, %dma_start3A_134] : memref<8x128xi32, #tpu.memory_space<vmem>> -> memref<1x128xi32, #tpu.memory_space<vmem>>
        %dma_start3A_136 = tpu.memref_squeeze %dma_start3A_135 : memref<1x128xi32, #tpu.memory_space<vmem>> -> memref<128xi32, #tpu.memory_space<vmem>>
        %dma_start3A_137 = arith.constant 0 : i32
        %dma_start3A_138 = arith.constant 0 : i32
        %dma_start3A_139 = tpu.memref_slice %arg11[%dma_start3A_137, %dma_start3A_138] : memref<10240x128xf32, #tpu.memory_space<vmem_shared>> -> memref<10240x128xf32, #tpu.memory_space<vmem_shared>>
        tpu.enqueue_indirect_dma source(%arg10 : memref<128x128xf32, #tpu.memory_space<vmem>>) target(%dma_start3A_139 : memref<10240x128xf32, #tpu.memory_space<vmem_shared>>) offsets(%dma_start3A_136 : memref<128xi32, #tpu.memory_space<vmem>>) semaphore(%run_scoped3A_133 : memref<!tpu.dma_semaphore, #tpu.memory_space<semaphore_mem>>) {add = true}
        %dma_wait3A_140 = arith.constant 0 : i32
        %dma_wait3A_141 = tpu.memref_slice %arg8[%run_scoped3A_132, %dma_wait3A_140] : memref<8x128xi32, #tpu.memory_space<vmem>> -> memref<1x128xi32, #tpu.memory_space<vmem>>
        %dma_wait3A_142 = tpu.memref_squeeze %dma_wait3A_141 : memref<1x128xi32, #tpu.memory_space<vmem>> -> memref<128xi32, #tpu.memory_space<vmem>>
        %dma_wait3A_143 = arith.constant 0 : i32
        %dma_wait3A_144 = arith.constant 0 : i32
        %dma_wait3A_145 = tpu.memref_slice %arg11[%dma_wait3A_143, %dma_wait3A_144] : memref<10240x128xf32, #tpu.memory_space<vmem_shared>> -> memref<10240x128xf32, #tpu.memory_space<vmem_shared>>
        tpu.wait_indirect_dma semaphore(%run_scoped3A_133 : memref<!tpu.dma_semaphore, #tpu.memory_space<semaphore_mem>>) src(%arg10 : memref<128x128xf32, #tpu.memory_space<vmem>>) dst(%dma_wait3A_145 : memref<10240x128xf32, #tpu.memory_space<vmem_shared>>)
        tpu.yield
      }) : () -> ()
    }
    %scan3A_7 = arith.constant 10 : i32
    %barrier3A_8 = arith.constant 0 : index
    tpu.barrier barrier_id(%barrier3A_8)
    %mul3A_9 = arith.constant 640 : i32
    %mul3A_10 = arith.muli %arg1, %mul3A_9 : i32
    %mul3A_11 = arith.constant 640 : i32
    %mul3A_12 = arith.muli %arg1, %mul3A_11 : i32
    "tpu.region"() ({
      %run_scoped3A = tpu.sem_alloc : memref<!tpu.dma_semaphore, #tpu.memory_space<semaphore_mem>>
      %dma_start3A = arith.constant 0 : i32
      %dma_start3A_13 = tpu.memref_slice %arg6[%arg0, %mul3A_12, %dma_start3A] : memref<2x10240x128xf32, #tpu.memory_space<hbm>> -> memref<1x640x128xf32, #tpu.memory_space<hbm>>
      %dma_start3A_14 = tpu.memref_squeeze %dma_start3A_13 : memref<1x640x128xf32, #tpu.memory_space<hbm>> -> memref<640x128xf32, #tpu.memory_space<hbm>>
      %dma_start3A_15 = arith.constant 0 : i32
      %dma_start3A_16 = tpu.memref_slice %arg11[%mul3A_10, %dma_start3A_15] : memref<10240x128xf32, #tpu.memory_space<vmem_shared>> -> memref<640x128xf32, #tpu.memory_space<vmem_shared>>
      tpu.enqueue_dma source(%dma_start3A_16 : memref<640x128xf32, #tpu.memory_space<vmem_shared>>) target(%dma_start3A_14 : memref<640x128xf32, #tpu.memory_space<hbm>>) target_semaphore(%run_scoped3A : memref<!tpu.dma_semaphore, #tpu.memory_space<semaphore_mem>>)
      %dma_wait3A = arith.constant 0 : i32
      %dma_wait3A_17 = tpu.memref_slice %arg6[%arg0, %mul3A_12, %dma_wait3A] : memref<2x10240x128xf32, #tpu.memory_space<hbm>> -> memref<1x640x128xf32, #tpu.memory_space<hbm>>
      %dma_wait3A_18 = tpu.memref_squeeze %dma_wait3A_17 : memref<1x640x128xf32, #tpu.memory_space<hbm>> -> memref<640x128xf32, #tpu.memory_space<hbm>>
      %dma_wait3A_19 = arith.constant 0 : i32
      %dma_wait3A_20 = tpu.memref_slice %arg11[%mul3A_10, %dma_wait3A_19] : memref<10240x128xf32, #tpu.memory_space<vmem_shared>> -> memref<640x128xf32, #tpu.memory_space<vmem_shared>>
      tpu.wait_dma2 semaphore(%run_scoped3A : memref<!tpu.dma_semaphore, #tpu.memory_space<semaphore_mem>>) src(%dma_wait3A_20 : memref<640x128xf32, #tpu.memory_space<vmem_shared>>) dst(%dma_wait3A_18 : memref<640x128xf32, #tpu.memory_space<hbm>>)
      tpu.yield
    }) : () -> ()
    return
  }
}

module attributes {stable_mosaic.version = 14 : i64} {
  func.func @_embed_msg_body(%arg0: i32, %arg1: memref<2000x118xf32, #tpu.memory_space<vmem>>, %arg2: memref<118x256xf32, #tpu.memory_space<vmem>>, %arg3: memref<1x256xf32, #tpu.memory_space<vmem>>, %arg4: memref<256x256xf32, #tpu.memory_space<vmem>>, %arg5: memref<1x256xf32, #tpu.memory_space<vmem>>, %arg6: memref<2x2000x128xf32, #tpu.memory_space<vmem>>) attributes {dimension_semantics = [#tpu.dimension_semantics<arbitrary>], iteration_bounds = array<i64: 5>, scalar_prefetch = 0 : i64, scratch_operands = 0 : i64, tpu.core_type = #tpu.core_type<tc>, window_params = [{transform_indices = @transform_0, window_bounds = array<i64: 2000, 118>}, {pipeline_mode = #tpu.pipeline_mode<synchronous>, transform_indices = @transform_1, window_bounds = array<i64: 118, 256>}, {pipeline_mode = #tpu.pipeline_mode<synchronous>, transform_indices = @transform_2, window_bounds = array<i64: 1, 256>}, {pipeline_mode = #tpu.pipeline_mode<synchronous>, transform_indices = @transform_3, window_bounds = array<i64: 256, 256>}, {pipeline_mode = #tpu.pipeline_mode<synchronous>, transform_indices = @transform_4, window_bounds = array<i64: 1, 256>}, {transform_indices = @transform_5, window_bounds = array<i64: 2, 2000, 128>}]} {
    %get3A = arith.constant 0 : index
    %get3A_0 = arith.constant 0 : index
    %get3A_1 = vector.load %arg1[%get3A, %get3A_0] : memref<2000x118xf32, #tpu.memory_space<vmem>>, vector<2000x118xf32>
    %get3A_2 = arith.constant 0 : index
    %get3A_3 = arith.constant 0 : index
    %get3A_4 = vector.load %arg2[%get3A_2, %get3A_3] : memref<118x256xf32, #tpu.memory_space<vmem>>, vector<118x256xf32>
    %dot_general3A = arith.constant dense<0.000000e+00> : vector<2000x256xf32>
    %dot_general3A_5 = tpu.matmul %get3A_1, %get3A_4, %dot_general3A {dimension_numbers = #tpu.dot_dimension_numbers<[1], [0], [0], [1], [0, 0, 1, 1], [], []>, transpose_lhs_hint = false} : vector<2000x118xf32>, vector<118x256xf32>, vector<2000x256xf32> -> vector<2000x256xf32>
    %get3A_6 = arith.constant 0 : index
    %get3A_7 = arith.constant 0 : index
    %get3A_8 = vector.load %arg3[%get3A_6, %get3A_7] : memref<1x256xf32, #tpu.memory_space<vmem>>, vector<1x256xf32>
    %add3A = vector.broadcast %get3A_8 : vector<1x256xf32> to vector<2000x256xf32>
    %add3A_9 = arith.addf %dot_general3A_5, %add3A : vector<2000x256xf32>
    %get3A_10 = arith.constant 0 : index
    %get3A_11 = arith.constant 0 : index
    %get3A_12 = vector.load %arg4[%get3A_10, %get3A_11] : memref<256x256xf32, #tpu.memory_space<vmem>>, vector<256x256xf32>
    %get3A_13 = arith.constant 0 : index
    %get3A_14 = arith.constant 0 : index
    %get3A_15 = vector.load %arg5[%get3A_13, %get3A_14] : memref<1x256xf32, #tpu.memory_space<vmem>>, vector<1x256xf32>
    %slice3A = vector.extract_strided_slice %get3A_12 {offsets = [0, 0], sizes = [256, 128], strides = [1, 1]} : vector<256x256xf32> to vector<256x128xf32>
    %dot_general3A_16 = arith.constant dense<0.000000e+00> : vector<2000x128xf32>
    %dot_general3A_17 = tpu.matmul %add3A_9, %slice3A, %dot_general3A_16 {dimension_numbers = #tpu.dot_dimension_numbers<[1], [0], [0], [1], [0, 0, 1, 1], [], []>, transpose_lhs_hint = false} : vector<2000x256xf32>, vector<256x128xf32>, vector<2000x128xf32> -> vector<2000x128xf32>
    %slice3A_18 = vector.extract_strided_slice %get3A_15 {offsets = [0, 0], sizes = [1, 128], strides = [1, 1]} : vector<1x256xf32> to vector<1x128xf32>
    %add3A_19 = vector.broadcast %slice3A_18 : vector<1x128xf32> to vector<2000x128xf32>
    %add3A_20 = arith.addf %dot_general3A_17, %add3A_19 : vector<2000x128xf32>
    %mul3A = arith.constant 5.000000e-01 : f32
    %mul3A_21 = vector.broadcast %mul3A : f32 to vector<2000x128xf32>
    %mul3A_22 = arith.mulf %mul3A_21, %add3A_20 : vector<2000x128xf32>
    %mul3A_23 = arith.constant 0.707106769 : f32
    %mul3A_24 = vector.broadcast %mul3A_23 : f32 to vector<2000x128xf32>
    %mul3A_25 = arith.mulf %add3A_20, %mul3A_24 : vector<2000x128xf32>
    %erf3A = math.erf %mul3A_25 : vector<2000x128xf32>
    %add3A_26 = arith.constant 1.000000e+00 : f32
    %add3A_27 = vector.broadcast %add3A_26 : f32 to vector<2000x128xf32>
    %add3A_28 = arith.addf %add3A_27, %erf3A : vector<2000x128xf32>
    %mul3A_29 = arith.mulf %mul3A_22, %add3A_28 : vector<2000x128xf32>
    %swap3A = arith.constant 0 : index
    %swap3A_30 = arith.constant 0 : index
    %swap3A_31 = arith.constant 0 : index
    %swap3A_32 = vector.load %arg6[%swap3A, %swap3A_30, %swap3A_31] : memref<2x2000x128xf32, #tpu.memory_space<vmem>>, vector<1x2000x128xf32>
    %swap3A_33 = vector.shape_cast %swap3A_32 : vector<1x2000x128xf32> to vector<2000x128xf32>
    %swap3A_34 = vector.shape_cast %mul3A_29 : vector<2000x128xf32> to vector<1x2000x128xf32>
    tpu.vector_store %arg6[%swap3A, %swap3A_30, %swap3A_31], %swap3A_34 {strides = array<i32>} : memref<2x2000x128xf32, #tpu.memory_space<vmem>>, vector<1x2000x128xf32>,
    %slice3A_35 = vector.extract_strided_slice %get3A_12 {offsets = [0, 128], sizes = [256, 128], strides = [1, 1]} : vector<256x256xf32> to vector<256x128xf32>
    %dot_general3A_36 = arith.constant dense<0.000000e+00> : vector<2000x128xf32>
    %dot_general3A_37 = tpu.matmul %add3A_9, %slice3A_35, %dot_general3A_36 {dimension_numbers = #tpu.dot_dimension_numbers<[1], [0], [0], [1], [0, 0, 1, 1], [], []>, transpose_lhs_hint = false} : vector<2000x256xf32>, vector<256x128xf32>, vector<2000x128xf32> -> vector<2000x128xf32>
    %slice3A_38 = vector.extract_strided_slice %get3A_15 {offsets = [0, 128], sizes = [1, 128], strides = [1, 1]} : vector<1x256xf32> to vector<1x128xf32>
    %add3A_39 = vector.broadcast %slice3A_38 : vector<1x128xf32> to vector<2000x128xf32>
    %add3A_40 = arith.addf %dot_general3A_37, %add3A_39 : vector<2000x128xf32>
    %mul3A_41 = arith.constant 5.000000e-01 : f32
    %mul3A_42 = vector.broadcast %mul3A_41 : f32 to vector<2000x128xf32>
    %mul3A_43 = arith.mulf %mul3A_42, %add3A_40 : vector<2000x128xf32>
    %mul3A_44 = arith.constant 0.707106769 : f32
    %mul3A_45 = vector.broadcast %mul3A_44 : f32 to vector<2000x128xf32>
    %mul3A_46 = arith.mulf %add3A_40, %mul3A_45 : vector<2000x128xf32>
    %erf3A_47 = math.erf %mul3A_46 : vector<2000x128xf32>
    %add3A_48 = arith.constant 1.000000e+00 : f32
    %add3A_49 = vector.broadcast %add3A_48 : f32 to vector<2000x128xf32>
    %add3A_50 = arith.addf %add3A_49, %erf3A_47 : vector<2000x128xf32>
    %mul3A_51 = arith.mulf %mul3A_43, %add3A_50 : vector<2000x128xf32>
    %swap3A_52 = arith.constant 1 : index
    %swap3A_53 = arith.constant 0 : index
    %swap3A_54 = arith.constant 0 : index
    %swap3A_55 = vector.load %arg6[%swap3A_52, %swap3A_53, %swap3A_54] : memref<2x2000x128xf32, #tpu.memory_space<vmem>>, vector<1x2000x128xf32>
    %swap3A_56 = vector.shape_cast %swap3A_55 : vector<1x2000x128xf32> to vector<2000x128xf32>
    %swap3A_57 = vector.shape_cast %mul3A_51 : vector<2000x128xf32> to vector<1x2000x128xf32>
    tpu.vector_store %arg6[%swap3A_52, %swap3A_53, %swap3A_54], %swap3A_57 {strides = array<i32>} : memref<2x2000x128xf32, #tpu.memory_space<vmem>>, vector<1x2000x128xf32>,
    return
  }
  func.func @transform_0(%arg0: i32) -> (i32, i32) {
    %c0_i32 = arith.constant 0 : i32
    %c0_i32_0 = arith.constant 0 : i32
    return %arg0, %c0_i32 : i32, i32
  }
  func.func @transform_1(%arg0: i32) -> (i32, i32) {
    %c0_i32 = arith.constant 0 : i32
    %c0_i32_0 = arith.constant 0 : i32
    %c0_i32_1 = arith.constant 0 : i32
    return %c0_i32, %c0_i32_0 : i32, i32
  }
  func.func @transform_2(%arg0: i32) -> (i32, i32) {
    %c0_i32 = arith.constant 0 : i32
    %c0_i32_0 = arith.constant 0 : i32
    %c0_i32_1 = arith.constant 0 : i32
    return %c0_i32, %c0_i32_0 : i32, i32
  }
  func.func @transform_3(%arg0: i32) -> (i32, i32) {
    %c0_i32 = arith.constant 0 : i32
    %c0_i32_0 = arith.constant 0 : i32
    %c0_i32_1 = arith.constant 0 : i32
    return %c0_i32, %c0_i32_0 : i32, i32
  }
  func.func @transform_4(%arg0: i32) -> (i32, i32) {
    %c0_i32 = arith.constant 0 : i32
    %c0_i32_0 = arith.constant 0 : i32
    %c0_i32_1 = arith.constant 0 : i32
    return %c0_i32, %c0_i32_0 : i32, i32
  }
  func.func @transform_5(%arg0: i32) -> (i32, i32, i32) {
    %c0_i32 = arith.constant 0 : i32
    %c0_i32_0 = arith.constant 0 : i32
    %c0_i32_1 = arith.constant 0 : i32
    return %c0_i32, %arg0, %c0_i32_0 : i32, i32, i32
  }
}

module attributes {stable_mosaic.version = 14 : i64} {
  func.func @_upd_msg_body(%arg0: i32, %arg1: memref<2x2000x128xf32, #tpu.memory_space<vmem>>, %arg2: memref<2000x1xf32, #tpu.memory_space<vmem>>, %arg3: memref<256x256xf32, #tpu.memory_space<vmem>>, %arg4: memref<1x256xf32, #tpu.memory_space<vmem>>, %arg5: memref<256x256xf32, #tpu.memory_space<vmem>>, %arg6: memref<1x256xf32, #tpu.memory_space<vmem>>, %arg7: memref<2x2000x128xf32, #tpu.memory_space<vmem>>) attributes {dimension_semantics = [#tpu.dimension_semantics<arbitrary>], iteration_bounds = array<i64: 5>, scalar_prefetch = 0 : i64, scratch_operands = 0 : i64, tpu.core_type = #tpu.core_type<tc>, window_params = [{transform_indices = @transform_0, window_bounds = array<i64: 2, 2000, 128>}, {transform_indices = @transform_1, window_bounds = array<i64: 2000, 1>}, {pipeline_mode = #tpu.pipeline_mode<synchronous>, transform_indices = @transform_2, window_bounds = array<i64: 256, 256>}, {pipeline_mode = #tpu.pipeline_mode<synchronous>, transform_indices = @transform_3, window_bounds = array<i64: 1, 256>}, {pipeline_mode = #tpu.pipeline_mode<synchronous>, transform_indices = @transform_4, window_bounds = array<i64: 256, 256>}, {pipeline_mode = #tpu.pipeline_mode<synchronous>, transform_indices = @transform_5, window_bounds = array<i64: 1, 256>}, {transform_indices = @transform_6, window_bounds = array<i64: 2, 2000, 128>}]} {
    %get3A = arith.constant 0 : index
    %get3A_0 = arith.constant 0 : index
    %get3A_1 = arith.constant 0 : index
    %get3A_2 = vector.load %arg1[%get3A, %get3A_0, %get3A_1] : memref<2x2000x128xf32, #tpu.memory_space<vmem>>, vector<1x2000x128xf32>
    %get3A_3 = vector.shape_cast %get3A_2 : vector<1x2000x128xf32> to vector<2000x128xf32>
    %get3A_4 = arith.constant 1 : index
    %get3A_5 = arith.constant 0 : index
    %get3A_6 = arith.constant 0 : index
    %get3A_7 = vector.load %arg1[%get3A_4, %get3A_5, %get3A_6] : memref<2x2000x128xf32, #tpu.memory_space<vmem>>, vector<1x2000x128xf32>
    %get3A_8 = vector.shape_cast %get3A_7 : vector<1x2000x128xf32> to vector<2000x128xf32>
    %concatenate3A = tpu.concatenate %get3A_3, %get3A_8 in 1 : vector<2000x128xf32>, vector<2000x128xf32> -> vector<2000x256xf32>
    %get3A_9 = arith.constant 0 : index
    %get3A_10 = arith.constant 0 : index
    %get3A_11 = vector.load %arg2[%get3A_9, %get3A_10] : memref<2000x1xf32, #tpu.memory_space<vmem>>, vector<2000x1xf32>
    %mul3A = vector.broadcast %get3A_11 : vector<2000x1xf32> to vector<2000x256xf32>
    %mul3A_12 = arith.mulf %concatenate3A, %mul3A : vector<2000x256xf32>
    %get3A_13 = arith.constant 0 : index
    %get3A_14 = arith.constant 0 : index
    %get3A_15 = vector.load %arg3[%get3A_13, %get3A_14] : memref<256x256xf32, #tpu.memory_space<vmem>>, vector<256x256xf32>
    %dot_general3A = arith.constant dense<0.000000e+00> : vector<2000x256xf32>
    %dot_general3A_16 = tpu.matmul %mul3A_12, %get3A_15, %dot_general3A {dimension_numbers = #tpu.dot_dimension_numbers<[1], [0], [0], [1], [0, 0, 1, 1], [], []>, transpose_lhs_hint = false} : vector<2000x256xf32>, vector<256x256xf32>, vector<2000x256xf32> -> vector<2000x256xf32>
    %get3A_17 = arith.constant 0 : index
    %get3A_18 = arith.constant 0 : index
    %get3A_19 = vector.load %arg4[%get3A_17, %get3A_18] : memref<1x256xf32, #tpu.memory_space<vmem>>, vector<1x256xf32>
    %add3A = vector.broadcast %get3A_19 : vector<1x256xf32> to vector<2000x256xf32>
    %add3A_20 = arith.addf %dot_general3A_16, %add3A : vector<2000x256xf32>
    %mul3A_21 = arith.constant 5.000000e-01 : f32
    %mul3A_22 = vector.broadcast %mul3A_21 : f32 to vector<2000x256xf32>
    %mul3A_23 = arith.mulf %mul3A_22, %add3A_20 : vector<2000x256xf32>
    %mul3A_24 = arith.constant 0.707106769 : f32
    %mul3A_25 = vector.broadcast %mul3A_24 : f32 to vector<2000x256xf32>
    %mul3A_26 = arith.mulf %add3A_20, %mul3A_25 : vector<2000x256xf32>
    %erf3A = math.erf %mul3A_26 : vector<2000x256xf32>
    %add3A_27 = arith.constant 1.000000e+00 : f32
    %add3A_28 = vector.broadcast %add3A_27 : f32 to vector<2000x256xf32>
    %add3A_29 = arith.addf %add3A_28, %erf3A : vector<2000x256xf32>
    %mul3A_30 = arith.mulf %mul3A_23, %add3A_29 : vector<2000x256xf32>
    %get3A_31 = arith.constant 0 : index
    %get3A_32 = arith.constant 0 : index
    %get3A_33 = vector.load %arg5[%get3A_31, %get3A_32] : memref<256x256xf32, #tpu.memory_space<vmem>>, vector<256x256xf32>
    %get3A_34 = arith.constant 0 : index
    %get3A_35 = arith.constant 0 : index
    %get3A_36 = vector.load %arg6[%get3A_34, %get3A_35] : memref<1x256xf32, #tpu.memory_space<vmem>>, vector<1x256xf32>
    %slice3A = vector.extract_strided_slice %get3A_33 {offsets = [0, 0], sizes = [256, 128], strides = [1, 1]} : vector<256x256xf32> to vector<256x128xf32>
    %dot_general3A_37 = arith.constant dense<0.000000e+00> : vector<2000x128xf32>
    %dot_general3A_38 = tpu.matmul %mul3A_30, %slice3A, %dot_general3A_37 {dimension_numbers = #tpu.dot_dimension_numbers<[1], [0], [0], [1], [0, 0, 1, 1], [], []>, transpose_lhs_hint = false} : vector<2000x256xf32>, vector<256x128xf32>, vector<2000x128xf32> -> vector<2000x128xf32>
    %slice3A_39 = vector.extract_strided_slice %get3A_36 {offsets = [0, 0], sizes = [1, 128], strides = [1, 1]} : vector<1x256xf32> to vector<1x128xf32>
    %add3A_40 = vector.broadcast %slice3A_39 : vector<1x128xf32> to vector<2000x128xf32>
    %add3A_41 = arith.addf %dot_general3A_38, %add3A_40 : vector<2000x128xf32>
    %mul3A_42 = arith.constant 5.000000e-01 : f32
    %mul3A_43 = vector.broadcast %mul3A_42 : f32 to vector<2000x128xf32>
    %mul3A_44 = arith.mulf %mul3A_43, %add3A_41 : vector<2000x128xf32>
    %mul3A_45 = arith.constant 0.707106769 : f32
    %mul3A_46 = vector.broadcast %mul3A_45 : f32 to vector<2000x128xf32>
    %mul3A_47 = arith.mulf %add3A_41, %mul3A_46 : vector<2000x128xf32>
    %erf3A_48 = math.erf %mul3A_47 : vector<2000x128xf32>
    %add3A_49 = arith.constant 1.000000e+00 : f32
    %add3A_50 = vector.broadcast %add3A_49 : f32 to vector<2000x128xf32>
    %add3A_51 = arith.addf %add3A_50, %erf3A_48 : vector<2000x128xf32>
    %mul3A_52 = arith.mulf %mul3A_44, %add3A_51 : vector<2000x128xf32>
    %swap3A = arith.constant 0 : index
    %swap3A_53 = arith.constant 0 : index
    %swap3A_54 = arith.constant 0 : index
    %swap3A_55 = vector.load %arg7[%swap3A, %swap3A_53, %swap3A_54] : memref<2x2000x128xf32, #tpu.memory_space<vmem>>, vector<1x2000x128xf32>
    %swap3A_56 = vector.shape_cast %swap3A_55 : vector<1x2000x128xf32> to vector<2000x128xf32>
    %swap3A_57 = vector.shape_cast %mul3A_52 : vector<2000x128xf32> to vector<1x2000x128xf32>
    tpu.vector_store %arg7[%swap3A, %swap3A_53, %swap3A_54], %swap3A_57 {strides = array<i32>} : memref<2x2000x128xf32, #tpu.memory_space<vmem>>, vector<1x2000x128xf32>,
    %slice3A_58 = vector.extract_strided_slice %get3A_33 {offsets = [0, 128], sizes = [256, 128], strides = [1, 1]} : vector<256x256xf32> to vector<256x128xf32>
    %dot_general3A_59 = arith.constant dense<0.000000e+00> : vector<2000x128xf32>
    %dot_general3A_60 = tpu.matmul %mul3A_30, %slice3A_58, %dot_general3A_59 {dimension_numbers = #tpu.dot_dimension_numbers<[1], [0], [0], [1], [0, 0, 1, 1], [], []>, transpose_lhs_hint = false} : vector<2000x256xf32>, vector<256x128xf32>, vector<2000x128xf32> -> vector<2000x128xf32>
    %slice3A_61 = vector.extract_strided_slice %get3A_36 {offsets = [0, 128], sizes = [1, 128], strides = [1, 1]} : vector<1x256xf32> to vector<1x128xf32>
    %add3A_62 = vector.broadcast %slice3A_61 : vector<1x128xf32> to vector<2000x128xf32>
    %add3A_63 = arith.addf %dot_general3A_60, %add3A_62 : vector<2000x128xf32>
    %mul3A_64 = arith.constant 5.000000e-01 : f32
    %mul3A_65 = vector.broadcast %mul3A_64 : f32 to vector<2000x128xf32>
    %mul3A_66 = arith.mulf %mul3A_65, %add3A_63 : vector<2000x128xf32>
    %mul3A_67 = arith.constant 0.707106769 : f32
    %mul3A_68 = vector.broadcast %mul3A_67 : f32 to vector<2000x128xf32>
    %mul3A_69 = arith.mulf %add3A_63, %mul3A_68 : vector<2000x128xf32>
    %erf3A_70 = math.erf %mul3A_69 : vector<2000x128xf32>
    %add3A_71 = arith.constant 1.000000e+00 : f32
    %add3A_72 = vector.broadcast %add3A_71 : f32 to vector<2000x128xf32>
    %add3A_73 = arith.addf %add3A_72, %erf3A_70 : vector<2000x128xf32>
    %mul3A_74 = arith.mulf %mul3A_66, %add3A_73 : vector<2000x128xf32>
    %swap3A_75 = arith.constant 1 : index
    %swap3A_76 = arith.constant 0 : index
    %swap3A_77 = arith.constant 0 : index
    %swap3A_78 = vector.load %arg7[%swap3A_75, %swap3A_76, %swap3A_77] : memref<2x2000x128xf32, #tpu.memory_space<vmem>>, vector<1x2000x128xf32>
    %swap3A_79 = vector.shape_cast %swap3A_78 : vector<1x2000x128xf32> to vector<2000x128xf32>
    %swap3A_80 = vector.shape_cast %mul3A_74 : vector<2000x128xf32> to vector<1x2000x128xf32>
    tpu.vector_store %arg7[%swap3A_75, %swap3A_76, %swap3A_77], %swap3A_80 {strides = array<i32>} : memref<2x2000x128xf32, #tpu.memory_space<vmem>>, vector<1x2000x128xf32>,
    return
  }
  func.func @transform_0(%arg0: i32) -> (i32, i32, i32) {
    %c0_i32 = arith.constant 0 : i32
    %c0_i32_0 = arith.constant 0 : i32
    %c0_i32_1 = arith.constant 0 : i32
    return %c0_i32, %arg0, %c0_i32_0 : i32, i32, i32
  }
  func.func @transform_1(%arg0: i32) -> (i32, i32) {
    %c0_i32 = arith.constant 0 : i32
    %c0_i32_0 = arith.constant 0 : i32
    return %arg0, %c0_i32 : i32, i32
  }
  func.func @transform_2(%arg0: i32) -> (i32, i32) {
    %c0_i32 = arith.constant 0 : i32
    %c0_i32_0 = arith.constant 0 : i32
    %c0_i32_1 = arith.constant 0 : i32
    return %c0_i32, %c0_i32_0 : i32, i32
  }
  func.func @transform_3(%arg0: i32) -> (i32, i32) {
    %c0_i32 = arith.constant 0 : i32
    %c0_i32_0 = arith.constant 0 : i32
    %c0_i32_1 = arith.constant 0 : i32
    return %c0_i32, %c0_i32_0 : i32, i32
  }
  func.func @transform_4(%arg0: i32) -> (i32, i32) {
    %c0_i32 = arith.constant 0 : i32
    %c0_i32_0 = arith.constant 0 : i32
    %c0_i32_1 = arith.constant 0 : i32
    return %c0_i32, %c0_i32_0 : i32, i32
  }
  func.func @transform_5(%arg0: i32) -> (i32, i32) {
    %c0_i32 = arith.constant 0 : i32
    %c0_i32_0 = arith.constant 0 : i32
    %c0_i32_1 = arith.constant 0 : i32
    return %c0_i32, %c0_i32_0 : i32, i32
  }
  func.func @transform_6(%arg0: i32) -> (i32, i32, i32) {
    %c0_i32 = arith.constant 0 : i32
    %c0_i32_0 = arith.constant 0 : i32
    %c0_i32_1 = arith.constant 0 : i32
    return %c0_i32, %arg0, %c0_i32_0 : i32, i32, i32
  }
}

module attributes {stable_mosaic.version = 14 : i64} {
  func.func @_final_body(%arg0: i32, %arg1: memref<2x2000x128xf32, #tpu.memory_space<vmem>>, %arg2: memref<2000x1xf32, #tpu.memory_space<vmem>>, %arg3: memref<256x256xf32, #tpu.memory_space<vmem>>, %arg4: memref<1x256xf32, #tpu.memory_space<vmem>>, %arg5: memref<2000x1xf32, #tpu.memory_space<vmem>>) attributes {dimension_semantics = [#tpu.dimension_semantics<arbitrary>], iteration_bounds = array<i64: 5>, scalar_prefetch = 0 : i64, scratch_operands = 0 : i64, tpu.core_type = #tpu.core_type<tc>, window_params = [{transform_indices = @transform_0, window_bounds = array<i64: 2, 2000, 128>}, {transform_indices = @transform_1, window_bounds = array<i64: 2000, 1>}, {pipeline_mode = #tpu.pipeline_mode<synchronous>, transform_indices = @transform_2, window_bounds = array<i64: 256, 256>}, {pipeline_mode = #tpu.pipeline_mode<synchronous>, transform_indices = @transform_3, window_bounds = array<i64: 1, 256>}, {transform_indices = @transform_4, window_bounds = array<i64: 2000, 1>}]} {
    %get3A = arith.constant 0 : index
    %get3A_0 = arith.constant 0 : index
    %get3A_1 = arith.constant 0 : index
    %get3A_2 = vector.load %arg1[%get3A, %get3A_0, %get3A_1] : memref<2x2000x128xf32, #tpu.memory_space<vmem>>, vector<1x2000x128xf32>
    %get3A_3 = vector.shape_cast %get3A_2 : vector<1x2000x128xf32> to vector<2000x128xf32>
    %get3A_4 = arith.constant 1 : index
    %get3A_5 = arith.constant 0 : index
    %get3A_6 = arith.constant 0 : index
    %get3A_7 = vector.load %arg1[%get3A_4, %get3A_5, %get3A_6] : memref<2x2000x128xf32, #tpu.memory_space<vmem>>, vector<1x2000x128xf32>
    %get3A_8 = vector.shape_cast %get3A_7 : vector<1x2000x128xf32> to vector<2000x128xf32>
    %concatenate3A = tpu.concatenate %get3A_3, %get3A_8 in 1 : vector<2000x128xf32>, vector<2000x128xf32> -> vector<2000x256xf32>
    %get3A_9 = arith.constant 0 : index
    %get3A_10 = arith.constant 0 : index
    %get3A_11 = vector.load %arg2[%get3A_9, %get3A_10] : memref<2000x1xf32, #tpu.memory_space<vmem>>, vector<2000x1xf32>
    %mul3A = vector.broadcast %get3A_11 : vector<2000x1xf32> to vector<2000x256xf32>
    %mul3A_12 = arith.mulf %concatenate3A, %mul3A : vector<2000x256xf32>
    %get3A_13 = arith.constant 0 : index
    %get3A_14 = arith.constant 0 : index
    %get3A_15 = vector.load %arg3[%get3A_13, %get3A_14] : memref<256x256xf32, #tpu.memory_space<vmem>>, vector<256x256xf32>
    %dot_general3A = arith.constant dense<0.000000e+00> : vector<2000x256xf32>
    %dot_general3A_16 = tpu.matmul %mul3A_12, %get3A_15, %dot_general3A {dimension_numbers = #tpu.dot_dimension_numbers<[1], [0], [0], [1], [0, 0, 1, 1], [], []>, transpose_lhs_hint = false} : vector<2000x256xf32>, vector<256x256xf32>, vector<2000x256xf32> -> vector<2000x256xf32>
    %get3A_17 = arith.constant 0 : index
    %get3A_18 = arith.constant 0 : index
    %get3A_19 = vector.load %arg4[%get3A_17, %get3A_18] : memref<1x256xf32, #tpu.memory_space<vmem>>, vector<1x256xf32>
    %add3A = vector.broadcast %get3A_19 : vector<1x256xf32> to vector<2000x256xf32>
    %add3A_20 = arith.addf %dot_general3A_16, %add3A : vector<2000x256xf32>
    %mul3A_21 = arith.constant 5.000000e-01 : f32
    %mul3A_22 = vector.broadcast %mul3A_21 : f32 to vector<2000x256xf32>
    %mul3A_23 = arith.mulf %mul3A_22, %add3A_20 : vector<2000x256xf32>
    %mul3A_24 = arith.constant 0.707106769 : f32
    %mul3A_25 = vector.broadcast %mul3A_24 : f32 to vector<2000x256xf32>
    %mul3A_26 = arith.mulf %add3A_20, %mul3A_25 : vector<2000x256xf32>
    %erf3A = math.erf %mul3A_26 : vector<2000x256xf32>
    %add3A_27 = arith.constant 1.000000e+00 : f32
    %add3A_28 = vector.broadcast %add3A_27 : f32 to vector<2000x256xf32>
    %add3A_29 = arith.addf %add3A_28, %erf3A : vector<2000x256xf32>
    %mul3A_30 = arith.mulf %mul3A_23, %add3A_29 : vector<2000x256xf32>
    %reduce_sum3A = arith.constant dense<0.000000e+00> : vector<2000xf32>
    %reduce_sum3A_31 = vector.multi_reduction <add>, %mul3A_30, %reduce_sum3A [1] : vector<2000x256xf32> to vector<2000xf32>
    %broadcast_in_dim3A = vector.shape_cast %reduce_sum3A_31 : vector<2000xf32> to vector<2000x1xf32>
    %mul3A_32 = arith.constant 3.906250e-03 : f32
    %mul3A_33 = vector.broadcast %mul3A_32 : f32 to vector<2000x1xf32>
    %mul3A_34 = arith.mulf %broadcast_in_dim3A, %mul3A_33 : vector<2000x1xf32>
    %swap3A = arith.constant 0 : index
    %swap3A_35 = arith.constant 0 : index
    %swap3A_36 = vector.load %arg5[%swap3A, %swap3A_35] : memref<2000x1xf32, #tpu.memory_space<vmem>>, vector<2000x1xf32>
    tpu.vector_store %arg5[%swap3A, %swap3A_35], %mul3A_34 {strides = array<i32>} : memref<2000x1xf32, #tpu.memory_space<vmem>>, vector<2000x1xf32>,
    return
  }
  func.func @transform_0(%arg0: i32) -> (i32, i32, i32) {
    %c0_i32 = arith.constant 0 : i32
    %c0_i32_0 = arith.constant 0 : i32
    %c0_i32_1 = arith.constant 0 : i32
    return %c0_i32, %arg0, %c0_i32_0 : i32, i32, i32
  }
  func.func @transform_1(%arg0: i32) -> (i32, i32) {
    %c0_i32 = arith.constant 0 : i32
    %c0_i32_0 = arith.constant 0 : i32
    return %arg0, %c0_i32 : i32, i32
  }
  func.func @transform_2(%arg0: i32) -> (i32, i32) {
    %c0_i32 = arith.constant 0 : i32
    %c0_i32_0 = arith.constant 0 : i32
    %c0_i32_1 = arith.constant 0 : i32
    return %c0_i32, %c0_i32_0 : i32, i32
  }
  func.func @transform_3(%arg0: i32) -> (i32, i32) {
    %c0_i32 = arith.constant 0 : i32
    %c0_i32_0 = arith.constant 0 : i32
    %c0_i32_1 = arith.constant 0 : i32
    return %c0_i32, %c0_i32_0 : i32, i32
  }
  func.func @transform_4(%arg0: i32) -> (i32, i32) {
    %c0_i32 = arith.constant 0 : i32
    %c0_i32_0 = arith.constant 0 : i32
    return %arg0, %c0_i32 : i32, i32
  }
}

</mosaic_0001>

<sc_bundles>
// kernel: kernel.12.cloned.1.call-start
scs
__scs_entry_jumppad:
0x0: {  	(pc) =	sbr.rel $0x88, $3  }
0x1: {  	(tag) =	ssettag $0x0;
	lr =	simm.s32 $0x1  }
0x2: {  	[smem:$0x3F99] =	sst lr;
	_ =	strace $0xD0000000  }
0x3: {  	_ = 	snop  }
0x4: {  	_ = 	snop  }
0x5: {  	_ = 	snop  }
0x6: {  	_ = 	snop  }
0x7: {  	_ = 	snop  }
__scs_overlays_trampoline_lowered:
0x8: {  	[smem:$0x3FA8] =	sst s0  }
0x9: {  	[smem:$0x3FA9] =	sst s1  }
0xa: {  	[smem:$0x3FAA] =	sst s2  }
0xb: {  	[smem:$0x3FAB] =	sst s3  }
0xc: {  	[smem:$0x3FAC] =	sst s4  }
0xd: {  	[smem:$0x3FAD] =	sst s5  }
0xe: {  	[smem:$0x3FAE] =	sst s6  }
0xf: {  	[smem:$0x3FAF] =	sst s7  }
0x10: {  	[smem:$0x3FB0] =	sst s8  }
0x11: {  	[smem:$0x3FB1] =	sst s9;
	s0 =	simm.s32 @!p0 $0x0  }
0x12: {  	s1 =	sld [smem:$0x3F97];
	s0 =	simm.s32 @p0 $0x1  }
0x13: {  	[smem:$0x3FB2] =	sst s0;
	s0 =	simm.s32 @!p1 $0x0  }
0x14: {  	s2 =	sld [smem:$0x3F96];
	s0 =	simm.s32 @p1 $0x1  }
0x15: {  	[smem:$0x3FB3] =	sst s0;
	s0 =	simm.s32 @!p2 $0x0  }
0x16: {  	s3 =	sld [smem:$0x3FDB];
	s0 =	simm.s32 @p2 $0x1  }
0x17: {  	s4 =	simm.s32 $0x1BF5;
	[smem:$0x3FB5] =	sst s0  }
0x18: {  	s0 =	sld [smem:$0x3F98];
	_ =	swait.ge [sflag:s4], $0x0  }
0x19: {  	s7 =	sld [smem:$0x3F99]  }
0x1a: {  	s8 =	sadd.s32 $0xFFFFE003, lr  }
0x1b: {  	s9 =	sadd.s32 $0xFFFFFEF7, lr;
	s5 =	simm.s32 $0xFFFFFFFF;
	p2 =	slt.u32 s8, $0xFFFFF086  }
0x1c: {  	p1 =	slt.u32 s9, $0xF7A;
	s5 =	simm.s32 @!p2 $0x0  }
0x1d: {  	s5 =	simm.s32 @p1 $0x1;
	p0 =	seq.s32 s7, s2  }
0x1e: {  	s7 =	smul.u32 @!p0 $0xF7A, s2;
	p2 =	seq.s32 @!p0 s5, $0x0  }
0x1f: {  	s9 =	smul.u32 $0xF7A, s1;
	s8 =	simm.s32 @!p0 $0x1BF5;
	p2 =	por !p2, p0  }
0x20: {  	[sflag:s8] =	ssyncset.s32 @!p0 $0xFFFFF086;
	s6 =	sadd.s32 @!p0 s3, s7;
	s7 =	simm.s32 @!p0 $0x108  }
0x21: {  	s3 =	sadd.s32 s3, s9;
	s6 =	sadd.s32 @!p0 $0x88, s6;
	s7 =	simm.s32 @p2 $0x1082  }
0x22: {  	[simem:s7], [sflag:s8] =	dma.local @!p0 [hbm:s6], $0xF7A  }
0x23: {  	s9 =	sor.u32 $0xD0000000, s2;
	s6 =	simm.s32 $0x108;
	_ =	swait.ge @!p0 [sflag:s8], $0x0  }
0x24: {  	s3 =	sadd.s32 $0x88, s3;
	s6 =	simm.s32 @!p1 $0x1082;
	[sflag:s4] =	ssyncset.s32 $0xFFFFF086  }
0x25: {  	[simem:s6], [sflag:s4] =	dma.local [hbm:s3], $0xF7A  }
0x26: {  	[smem:$0x3F99] =	sst s1;
	(tag) =	ssettag s2;
	_ =	strace s9  }
0x27: {  	s1 =	sld [smem:$0x3FA9]  }
0x28: {  	s2 =	sld [smem:$0x3FAA]  }
0x29: {  	s4 =	sld [smem:$0x3FAC]  }
0x2a: {  	p0 =	seq.s32 s5, $0x0;
	s5 =	sld [smem:$0x3FAD]  }
0x2b: {  	s6 =	sld [smem:$0x3FAE]  }
0x2c: {  	s7 =	sld [smem:$0x3FAF]  }
0x2d: {  	s3 =	simm.s32 $0x108;
	s8 =	sld [smem:$0x3FB0]  }
0x2e: {  	s3 =	simm.s32 @!p0 $0x1082;
	s9 =	sld [smem:$0x3FB1]  }
0x2f: {  	lr =	sadd.s32 s0, s3;
	s0 =	sld [smem:$0x3FA8]  }
0x30: {  	s3 =	sld [smem:$0x3FAB]  }
0x31: {  	[smem:$0x3FB4] =	sst s10  }
0x32: {  	s10 =	sld [smem:$0x3FB2];
	_ =	sdelay $0x3  }
0x33: {  	p0 =	seq.s32 s10, $0x1;
	s10 =	sld [smem:$0x3FB4];
	_ =	sdelay $0x3  }
0x34: {  	[smem:$0x3FB4] =	sst s10  }
0x35: {  	s10 =	sld [smem:$0x3FB3];
	_ =	sdelay $0x3  }
0x36: {  	p1 =	seq.s32 s10, $0x1;
	s10 =	sld [smem:$0x3FB4];
	_ =	sdelay $0x3  }
0x37: {  	[smem:$0x3FB4] =	sst s10  }
0x38: {  	s10 =	sld [smem:$0x3FB5]  }
0x39: {  	_ = 	snop;
	(pc) =	sbr.ind lr, $3  }
0x3a: {  	_ = 	snop  }
0x3b: {  	_ = 	snop  }
0x3c: {  	p2 =	seq.s32 s10, $0x1;
	s10 =	sld [smem:$0x3FB4]  }
0x3d: {  	_ =	shalt  }
0x3e: {  	_ =	shalt  }
0x3f: {  	_ =	shalt  }
0x40: {  	_ =	shalt  }
0x41: {  	_ =	shalt  }
0x42: {  	_ =	shalt  }
0x43: {  	_ =	shalt  }
0x44: {  	_ =	shalt  }
0x45: {  	_ =	shalt  }
0x46: {  	_ =	shalt  }
0x47: {  	_ =	shalt  }
0x48: {  	_ =	shalt  }
0x49: {  	_ =	shalt  }
0x4a: {  	_ =	shalt  }
0x4b: {  	_ =	shalt  }
0x4c: {  	_ =	shalt  }
0x4d: {  	_ =	shalt  }
0x4e: {  	_ =	shalt  }
0x4f: {  	_ =	shalt  }
0x50: {  	_ =	shalt  }
0x51: {  	_ =	shalt  }
0x52: {  	_ =	shalt  }
0x53: {  	_ =	shalt  }
0x54: {  	_ =	shalt  }
0x55: {  	_ =	shalt  }
0x56: {  	_ =	shalt  }
0x57: {  	_ =	shalt  }
0x58: {  	_ =	shalt  }
0x59: {  	_ =	shalt  }
0x5a: {  	_ =	shalt  }
0x5b: {  	_ =	shalt  }
0x5c: {  	_ =	shalt  }
0x5d: {  	_ =	shalt  }
0x5e: {  	_ =	shalt  }
0x5f: {  	_ =	shalt  }
0x60: {  	_ =	shalt  }
0x61: {  	_ =	shalt  }
0x62: {  	_ =	shalt  }
0x63: {  	_ =	shalt  }
0x64: {  	_ =	shalt  }
0x65: {  	_ =	shalt  }
0x66: {  	_ =	shalt  }
0x67: {  	_ =	shalt  }
0x68: {  	_ =	shalt  }
0x69: {  	_ =	shalt  }
0x6a: {  	_ =	shalt  }
0x6b: {  	_ =	shalt  }
0x6c: {  	_ =	shalt  }
0x6d: {  	_ =	shalt  }
0x6e: {  	_ =	shalt  }
0x6f: {  	_ =	shalt  }
0x70: {  	_ =	shalt  }
0x71: {  	_ =	shalt  }
0x72: {  	_ =	shalt  }
0x73: {  	_ =	shalt  }
0x74: {  	_ =	shalt  }
0x75: {  	_ =	shalt  }
0x76: {  	_ =	shalt  }
0x77: {  	_ =	shalt  }
0x78: {  	_ =	shalt  }
0x79: {  	_ =	shalt  }
0x7a: {  	_ =	shalt  }
0x7b: {  	_ =	shalt  }
0x7c: {  	_ =	shalt  }
0x7d: {  	_ =	shalt  }
0x7e: {  	_ =	shalt  }
0x7f: {  	_ =	shalt  }
0x80: {  	_ =	shalt  }
0x81: {  	_ =	shalt  }
0x82: {  	_ =	shalt  }
0x83: {  	_ =	shalt  }
0x84: {  	_ =	shalt  }
0x85: {  	_ =	shalt  }
0x86: {  	_ =	shalt  }
0x87: {  	_ =	shalt  }
.Lfunc_end0:
.L_simem_size_0:
called_computation_lowered:
.L_overlay_start_0:
0x88: {  	s2 =	sld [smem:$0x3FD9]  }
0x89: {  	s3 =	sld [smem:$0x3FFE];
	_ =	sdelay $0x1  }
0x8a: {  	s1 =	srdreg.scid  }
0x8b: {  	s0 =	sand.u32 $0x1, s1  }
0x8c: {  	s16 =	sshll.u32 s0, $0xA;
	s2 =	sadd.s32 s3, s2  }
0x8d: {  	s2 =	sadd.s32 s2, s16  }
0x8e: {  	[smem:$0x3FC0] =	sst s2  }
0x8f: {  	_ = 	snop  }
0x90: {  	(tm) =	ssettm $0x1  }
0x91: {  	s17 =	sld [smem:$0x3FFB];
	_ =	sdelay $0x3  }
0x92: {  	_ =	strace s17  }
0x93: {  	s2 =	sld [smem:$0x3FFC];
	_ =	sdelay $0x3  }
0x94: {  	_ =	strace s2  }
0x95: {  	s2 =	sld [smem:$0x3FFD];
	_ =	sdelay $0x3  }
0x96: {  	_ =	strace s2  }
0x97: {  	_ =	strace $0x8FFFFFFF  }
0x98: {  	s18 =	sld [smem:$0x3FDB];
	_ =	sdelay $0x1  }
0x99: {  	s19 =	simm.s32 $_scs_section_size  }
0x9a: {  	s4 =	simm.s32 $_size__tile_overlayer_lowered;
	s5 =	simm.s32 $_tile_overlayer_lowered  }
0x9b: {  	s22 =	simm.s32 $0x1BFF;
	s21 =	sshll.u32 s5, $0x1;
	s2 =	sadd.s32 s19, s18  }
0x9c: {  	s6 =	simm.s32 $0x0;
	s20 =	sshll.u32 s4, $0x1;
	s4 =	sadd.s32 s21, s2  }
0x9d: {  	[timem:s6], [sflag:s22] =	dma.local [hbm:s4], s20  }
0x9e: {  	_ =	swait.ge [sflag:s22], s20  }
0x9f: {  	s3 =	ssub.s32 $0x0, s20;
	[sflag:s22] =	ssyncset.done $0x0  }
0xa0: {  	[sflag:s22] =	ssyncadd.s32 s3;
	_ =	sdelay $0x1  }
0xa1: {  	s23 =	simm.s32 $0x1B8B  }
0xa2: {  	_ =	swait.ge [sflag:s23], $0x1  }
0xa3: {  	[sflag:s23] =	ssyncset.done $0x0  }
0xa4: {  	s25 =	simm.s32 $0x1B8E;
	s24 =	sld [smem:$0x3FFE];
	[sflag:s23] =	ssyncadd.s32 $0xFFFFFFFF  }
0xa5: {  	s26 =	simm.s32 $execute0_lowered;
	[smem:$0x3FD2] =	sst s25  }
0xa6: {  	s4 =	sshll.u32 s26, $0x1;
	_ =	strace $0x80000046;
	[dreg:$0x1] =	wrdreg $0xFFFFFFFF  }
0xa7: {  	s28 =	simm.s32 $_size_execute0_lowered;
	s2 =	sadd.s32 s2, s4;
	[dreg:$0x0] =	wrdreg $0x0  }
0xa8: {  	s4 =	sshll.u32 s28, $0x1;
	[dreg:$0x2] =	wrdreg s2  }
0xa9: {  	[dreg:$0x3] =	wrdreg s4  }
0xaa: {  	[dreg:$0x4] =	wrdreg $0xC0  }
0xab: {  	_ =	task [dreg:s6], $0x5FFFF  }
0xac: {  	[dreg:$0x1] =	wrdreg $0xFFFFFFFF  }
0xad: {  	[dreg:$0x0] =	wrdreg $0x60  }
0xae: {  	[dreg:$0x2] =	wrdreg s24  }
0xaf: {  	[dreg:$0x3] =	wrdreg $0x54000  }
0xb0: {  	[dreg:$0x4] =	wrdreg $0x9  }
0xb1: {  	_ =	task.clear_ibuf [dreg:s6], $0x5FFFF;
	_ =	strace $0x90000046  }
0xb2: {  	s29 =	simm.s32 $0x9;
	_ =	strace $0x80000048  }
0xb3: {  	_ =	swait.ge [sflag:s29], $0x1  }
0xb4: {  	[sflag:s29] =	ssyncadd.s32 $0xFFFFFFFF  }
0xb5: {  	_ =	strace $0x90000048  }
0xb6: {  	_ =	sfence  }
0xb7: {  	s30 =	sld [smem:$0x0];
	_ =	sdelay $0x2  }
0xb8: {  	s31 =	sshll.u32 s1, $0xD;
	s1 =	sshrl.u32 s1, $0x2  }
0xb9: {  	s3 =	sand.u32 $0x4000, s31;
	s1 =	sadd.s32 s1, s30  }
0xba: {  	s0 =	sor.u32 s3, s0;
	s1 =	sshll.u32 s1, $0x11  }
0xbb: {  	s0 =	sor.u32 s1, s0  }
0xbc: {  	s0 =	sadd.s32 $0x8F2B, s0  }
0xbd: {  	[sflag:s0] =	ssyncadd.remote.s32 $0x1  }
0xbe: {  	_ =	sfence.sel $0xFFFF  }
0xbf: {  	[dreg:$0x0] =	wrdreg $0xFFFFFFFF;
	(pc) =	sbr.abs _section_cstart, $3  }
0xc0: {  	[dreg:$0x1] =	wrdreg $0xFFFFFFFF  }
0xc1: {  	_ =	task.clear_ibuf [dreg:s6], $0x2FFFF;
	_ =	strace $0x9FFFFFFF  }
0xc2: {  	(tm) =	ssettm $0x7FFFFFFF  }
0xc3: {  	_ =	shalt  }
tec
execute0_lowered:
.L_overlay_start_1:
0x0: {  	(tag) =	ssettag $0x1  }
0x1: {  	s0 =	srdreg.scid;
	s5 =	rddreg [dreg:$0x0]  }
0x2: {  	s12 =	stileid.u32;
	s1 =	rddreg [dreg:$0x1];
	s2 =	simm.s32 $0x0  }
0x3: {  	s11 =	simm.s32 $0x80;
	s14 =	simm.s32 $0x0;
	s7 =	smul.u32 $0x14000, s12  }
0x4: {  	s4 =	sand.u32 $0x1, s0;
	[smem:$0x7FF] =	sst s2;
	s9 =	smul.u32 $0x50000, s12  }
0x5: {  	p0 =	sne.s32 s12, $0x0;
	s0 =	sshll.u32 s4, $0x4;
	s6 =	smul.u32 $0x140000, s4  }
0x6: {  	s29 =	ssub.s32 $0x2, s4;
	s4 =	sadd.s32 $0x8000, s5;
	s10 =	sshrl.u32 @!p0 s1, $0x3  }
0x7: {  	s0 =	sor.u32 s12, s0;
	s30 =	sshrl.u32 s29, $0x1;
	s31 =	sshrl.u32 s9, $0x2  }
0x8: {  	s9 =	simm.s32 $0x1;
	s12 =	sshll.u32 s12, $0x6;
	s3 =	smul.u32 $0x280, s0  }
0x9: {  	s0 =	rddreg [dreg:$0x2];
	_ =	strace $0x80000047;
	s6 =	sadd.s32 s7, s6  }
0xa: {  	s7 =	ssub.s32 s29, s30;
	s13 =	sadd.s32 s31, s1;
	s12 =	sor.u32 $0x1C01, s12  }
0xb: {  	s6 =	sshrl.u32 s6, $0x3;
	s7 =	smax.u32 s7, $0x1;
	s13 =	sshrl.u32 s13, $0x3  }
0xc: {  	s8 =	sadd.s32 s3, s5;
	s3 =	sadd.s32 $0x7800, s5;
	s6 =	sadd.s32 s6, s5  }
0xd: {  	s5 =	sadd.s32 $0x2800, s8;
	s6 =	sadd.s32 $0x30000, s6;
	s8 =	simm.s32 $0x1400  }
.LBB2_1:
0xe: {  	[tilespmem:s8], [sflag:$0x1] =	stream.linear.gather [hbm4b:s3+s2], $0x4000, $0x38;
	[tilespmem:$0x19400] =	vst v63  }
0xf: {  	_ =	swait.ge [sflag:s9], $0x4000  }
0x10: {  	[sflag:s9] =	ssyncset.done $0x0  }
0x11: {  	s15 =	simm.s32 @!p0 $0x1C01;
	[sflag:s9] =	ssyncadd.s32 $0xFFFFC000  }
0x12: {  	[spmem:s10], [sflag:s15] =	dma.local @!p0 [hbm:s4], $0x28000  }
0x13: {  	s15 =	simm.s32 @!p0 $0x1  }
0x14: {  	_ =	swait.ge @!p0 [sflag:s15], $0x28000  }
0x15: {  	[sflag:s15] =	ssyncset.done @!p0 $0x0  }
0x16: {  	[sflag:s15] =	ssyncadd.s32 @!p0 $0xFFFD8000  }
0x17: {  	[bflag:$0x0] =	sbarrier.arrive $0xFFFF  }
0x18: {  	[tilespmem:s2], [sflag:$0x1] =	stream.linear.gather [hbm4b:s5+s2], $0x1400, $0x38;
	[tilespmem:$0x19400] =	vst v63  }
0x19: {  	_ =	swait.ge [sflag:s9], $0x1400  }
0x1a: {  	[sflag:s9] =	ssyncset.done $0x0  }
0x1b: {  	s31 =	simm.s32 $0x0;
	[sflag:s9] =	ssyncadd.s32 $0xFFFFEC00  }
0x1c: {  	[spmem:s1] =	stream.indirect.scatter.add.f32 [tilespmem:s8], [sflag:$0x1], $0x80, s31, s11, $0xb8;
	[tilespmem:$0x19400] =	vst v63  }
0x1d: {  	_ =	swait.ge [sflag:s9], $0x4000  }
0x1e: {  	s15 =	simm.s32 $0x200;
	[sflag:s9] =	ssyncset.done $0x0  }
.LBB2_2:
0x1f: {  	s16 =	sshra.s32 s15, $0x2;
	[sflag:s9] =	ssyncadd.s32 $0xFFFFC000;
	p1 =	sne.s32 s15, $0x4E00  }
0x20: {  	[spmem:s1] =	stream.indirect.scatter.add.f32 [tilespmem:s8], [sflag:$0x1], $0x80, s16, s11, $0xb8;
	[tilespmem:$0x19400] =	vst v63  }
.Ltmp0:
0x21: {  	_ = 	snop;
	(pc) =	sbr.rel @p1 .LBB2_2-.Ltmp0, $4  }
0x22: {  	_ = 	snop  }
0x23: {  	s15 =	sadd.s32 $0x200, s15  }
0x24: {  	_ =	swait.ge [sflag:s9], $0x4000  }
0x25: {  	[sflag:s9] =	ssyncset.done $0x0  }
0x26: {  	s14 =	sadd.s32 $0x1, s14  }
0x27: {  	[sflag:s9] =	ssyncadd.s32 $0xFFFFC000;
	p1 =	sne.s32 s14, s7  }
.Ltmp1:
0x28: {  	[bflag:$0x0] =	sbarrier.arrive $0xFFFF;
	(pc) =	sbr.rel @p1 .LBB2_1-.Ltmp1, $4  }
0x29: {  	[hbm:s6], [sflag:s12] =	dma.local [spmem:s13], $0x2800  }
0x2a: {  	_ =	swait.ge [sflag:s9], $0x2800  }
0x2b: {  	[sflag:s9] =	ssyncset.done $0x0  }
0x2c: {  	[sflag:s9] =	ssyncadd.s32 $0xFFFFD800  }
0x2d: {  	_ =	sfence.sel $0x180000  }
0x2e: {  	[bflag:$0x0] =	sbarrier.arrive $0xFFFF  }
0x2f: {  	_ =	strace $0x90000047  }
0x30: {  	s0 =	sadd.s32 @!p0 $0x100000, s0;
	[bflag:$0x2] =	sbarrier.arrive $0xFFFF  }
0x31: {  	[sflag:s0] =	ssyncadd.tile.s32 @!p0 $0x1;
	_ =	shalt  }
.Lfunc_end2:
_tile_overlayer_lowered:
.L_overlay_start_2:
0x32: {  	(tag) =	ssettag $0x2  }
0x33: {  	s0 =	rddreg [dreg:$0x0];
	s2 =	stileid.u32  }
0x34: {  	s1 =	rddreg [dreg:$0x1];
	p0 =	sne.s32 s2, $0x0  }
0x35: {  	s3 =	rddreg [dreg:$0x2];
	[bflag:$0x3] =	sbarrier.arrive $0xFFFF;
	s2 =	simm.s32 @!p0 $0x1C01  }
0x36: {  	[timem:s3], [sflag:s2] =	dma.local @!p0 [hbm:s0], s1  }
0x37: {  	s0 =	simm.s32 @!p0 $0x1  }
0x38: {  	_ =	swait.ge @!p0 [sflag:s0], s1  }
0x39: {  	s1 =	ssub.s32 @!p0 $0x0, s1;
	[sflag:s0] =	ssyncset.done @!p0 $0x0  }
0x3a: {  	[sflag:s0] =	ssyncadd.s32 @!p0 s1  }
0x3b: {  	[bflag:$0x3] =	sbarrier.arrive $0xFFFF  }
0x3c: {  	_ =	shalt  }

// kernel: kernel.15.cloned.1.call-start
scs
__scs_entry_jumppad:
0x0: {  	(pc) =	sbr.rel $0x88, $3  }
0x1: {  	(tag) =	ssettag $0x0;
	lr =	simm.s32 $0x1  }
0x2: {  	[smem:$0x3F99] =	sst lr;
	_ =	strace $0xD0000000  }
0x3: {  	_ = 	snop  }
0x4: {  	_ = 	snop  }
0x5: {  	_ = 	snop  }
0x6: {  	_ = 	snop  }
0x7: {  	_ = 	snop  }
__scs_overlays_trampoline_lowered:
0x8: {  	[smem:$0x3FA8] =	sst s0  }
0x9: {  	[smem:$0x3FA9] =	sst s1  }
0xa: {  	[smem:$0x3FAA] =	sst s2  }
0xb: {  	[smem:$0x3FAB] =	sst s3  }
0xc: {  	[smem:$0x3FAC] =	sst s4  }
0xd: {  	[smem:$0x3FAD] =	sst s5  }
0xe: {  	[smem:$0x3FAE] =	sst s6  }
0xf: {  	[smem:$0x3FAF] =	sst s7  }
0x10: {  	[smem:$0x3FB0] =	sst s8  }
0x11: {  	[smem:$0x3FB1] =	sst s9;
	s0 =	simm.s32 @!p0 $0x0  }
0x12: {  	s1 =	sld [smem:$0x3F97];
	s0 =	simm.s32 @p0 $0x1  }
0x13: {  	[smem:$0x3FB2] =	sst s0;
	s0 =	simm.s32 @!p1 $0x0  }
0x14: {  	s2 =	sld [smem:$0x3F96];
	s0 =	simm.s32 @p1 $0x1  }
0x15: {  	[smem:$0x3FB3] =	sst s0;
	s0 =	simm.s32 @!p2 $0x0  }
0x16: {  	s3 =	sld [smem:$0x3FDB];
	s0 =	simm.s32 @p2 $0x1  }
0x17: {  	s4 =	simm.s32 $0x1BF5;
	[smem:$0x3FB5] =	sst s0  }
0x18: {  	s0 =	sld [smem:$0x3F98];
	_ =	swait.ge [sflag:s4], $0x0  }
0x19: {  	s7 =	sld [smem:$0x3F99]  }
0x1a: {  	s8 =	sadd.s32 $0xFFFFE003, lr  }
0x1b: {  	s9 =	sadd.s32 $0xFFFFFEF7, lr;
	s5 =	simm.s32 $0xFFFFFFFF;
	p2 =	slt.u32 s8, $0xFFFFF086  }
0x1c: {  	p1 =	slt.u32 s9, $0xF7A;
	s5 =	simm.s32 @!p2 $0x0  }
0x1d: {  	s5 =	simm.s32 @p1 $0x1;
	p0 =	seq.s32 s7, s2  }
0x1e: {  	s7 =	smul.u32 @!p0 $0xF7A, s2;
	p2 =	seq.s32 @!p0 s5, $0x0  }
0x1f: {  	s9 =	smul.u32 $0xF7A, s1;
	s8 =	simm.s32 @!p0 $0x1BF5;
	p2 =	por !p2, p0  }
0x20: {  	[sflag:s8] =	ssyncset.s32 @!p0 $0xFFFFF086;
	s6 =	sadd.s32 @!p0 s3, s7;
	s7 =	simm.s32 @!p0 $0x108  }
0x21: {  	s3 =	sadd.s32 s3, s9;
	s6 =	sadd.s32 @!p0 $0x88, s6;
	s7 =	simm.s32 @p2 $0x1082  }
0x22: {  	[simem:s7], [sflag:s8] =	dma.local @!p0 [hbm:s6], $0xF7A  }
0x23: {  	s9 =	sor.u32 $0xD0000000, s2;
	s6 =	simm.s32 $0x108;
	_ =	swait.ge @!p0 [sflag:s8], $0x0  }
0x24: {  	s3 =	sadd.s32 $0x88, s3;
	s6 =	simm.s32 @!p1 $0x1082;
	[sflag:s4] =	ssyncset.s32 $0xFFFFF086  }
0x25: {  	[simem:s6], [sflag:s4] =	dma.local [hbm:s3], $0xF7A  }
0x26: {  	[smem:$0x3F99] =	sst s1;
	(tag) =	ssettag s2;
	_ =	strace s9  }
0x27: {  	s1 =	sld [smem:$0x3FA9]  }
0x28: {  	s2 =	sld [smem:$0x3FAA]  }
0x29: {  	s4 =	sld [smem:$0x3FAC]  }
0x2a: {  	p0 =	seq.s32 s5, $0x0;
	s5 =	sld [smem:$0x3FAD]  }
0x2b: {  	s6 =	sld [smem:$0x3FAE]  }
0x2c: {  	s7 =	sld [smem:$0x3FAF]  }
0x2d: {  	s3 =	simm.s32 $0x108;
	s8 =	sld [smem:$0x3FB0]  }
0x2e: {  	s3 =	simm.s32 @!p0 $0x1082;
	s9 =	sld [smem:$0x3FB1]  }
0x2f: {  	lr =	sadd.s32 s0, s3;
	s0 =	sld [smem:$0x3FA8]  }
0x30: {  	s3 =	sld [smem:$0x3FAB]  }
0x31: {  	[smem:$0x3FB4] =	sst s10  }
0x32: {  	s10 =	sld [smem:$0x3FB2];
	_ =	sdelay $0x3  }
0x33: {  	p0 =	seq.s32 s10, $0x1;
	s10 =	sld [smem:$0x3FB4];
	_ =	sdelay $0x3  }
0x34: {  	[smem:$0x3FB4] =	sst s10  }
0x35: {  	s10 =	sld [smem:$0x3FB3];
	_ =	sdelay $0x3  }
0x36: {  	p1 =	seq.s32 s10, $0x1;
	s10 =	sld [smem:$0x3FB4];
	_ =	sdelay $0x3  }
0x37: {  	[smem:$0x3FB4] =	sst s10  }
0x38: {  	s10 =	sld [smem:$0x3FB5]  }
0x39: {  	_ = 	snop;
	(pc) =	sbr.ind lr, $3  }
0x3a: {  	_ = 	snop  }
0x3b: {  	_ = 	snop  }
0x3c: {  	p2 =	seq.s32 s10, $0x1;
	s10 =	sld [smem:$0x3FB4]  }
0x3d: {  	_ =	shalt  }
0x3e: {  	_ =	shalt  }
0x3f: {  	_ =	shalt  }
0x40: {  	_ =	shalt  }
0x41: {  	_ =	shalt  }
0x42: {  	_ =	shalt  }
0x43: {  	_ =	shalt  }
0x44: {  	_ =	shalt  }
0x45: {  	_ =	shalt  }
0x46: {  	_ =	shalt  }
0x47: {  	_ =	shalt  }
0x48: {  	_ =	shalt  }
0x49: {  	_ =	shalt  }
0x4a: {  	_ =	shalt  }
0x4b: {  	_ =	shalt  }
0x4c: {  	_ =	shalt  }
0x4d: {  	_ =	shalt  }
0x4e: {  	_ =	shalt  }
0x4f: {  	_ =	shalt  }
0x50: {  	_ =	shalt  }
0x51: {  	_ =	shalt  }
0x52: {  	_ =	shalt  }
0x53: {  	_ =	shalt  }
0x54: {  	_ =	shalt  }
0x55: {  	_ =	shalt  }
0x56: {  	_ =	shalt  }
0x57: {  	_ =	shalt  }
0x58: {  	_ =	shalt  }
0x59: {  	_ =	shalt  }
0x5a: {  	_ =	shalt  }
0x5b: {  	_ =	shalt  }
0x5c: {  	_ =	shalt  }
0x5d: {  	_ =	shalt  }
0x5e: {  	_ =	shalt  }
0x5f: {  	_ =	shalt  }
0x60: {  	_ =	shalt  }
0x61: {  	_ =	shalt  }
0x62: {  	_ =	shalt  }
0x63: {  	_ =	shalt  }
0x64: {  	_ =	shalt  }
0x65: {  	_ =	shalt  }
0x66: {  	_ =	shalt  }
0x67: {  	_ =	shalt  }
0x68: {  	_ =	shalt  }
0x69: {  	_ =	shalt  }
0x6a: {  	_ =	shalt  }
0x6b: {  	_ =	shalt  }
0x6c: {  	_ =	shalt  }
0x6d: {  	_ =	shalt  }
0x6e: {  	_ =	shalt  }
0x6f: {  	_ =	shalt  }
0x70: {  	_ =	shalt  }
0x71: {  	_ =	shalt  }
0x72: {  	_ =	shalt  }
0x73: {  	_ =	shalt  }
0x74: {  	_ =	shalt  }
0x75: {  	_ =	shalt  }
0x76: {  	_ =	shalt  }
0x77: {  	_ =	shalt  }
0x78: {  	_ =	shalt  }
0x79: {  	_ =	shalt  }
0x7a: {  	_ =	shalt  }
0x7b: {  	_ =	shalt  }
0x7c: {  	_ =	shalt  }
0x7d: {  	_ =	shalt  }
0x7e: {  	_ =	shalt  }
0x7f: {  	_ =	shalt  }
0x80: {  	_ =	shalt  }
0x81: {  	_ =	shalt  }
0x82: {  	_ =	shalt  }
0x83: {  	_ =	shalt  }
0x84: {  	_ =	shalt  }
0x85: {  	_ =	shalt  }
0x86: {  	_ =	shalt  }
0x87: {  	_ =	shalt  }
.Lfunc_end0:
.L_simem_size_0:
called_computation.1_lowered:
.L_overlay_start_0:
0x88: {  	s2 =	sld [smem:$0x3FD9]  }
0x89: {  	s3 =	sld [smem:$0x3FFE];
	_ =	sdelay $0x1  }
0x8a: {  	s1 =	srdreg.scid  }
0x8b: {  	s0 =	sand.u32 $0x1, s1  }
0x8c: {  	s17 =	sshll.u32 s0, $0xA;
	s2 =	sadd.s32 s3, s2  }
0x8d: {  	s2 =	sadd.s32 s2, s17  }
0x8e: {  	[smem:$0x3FC0] =	sst s2  }
0x8f: {  	_ = 	snop  }
0x90: {  	(tm) =	ssettm $0x1  }
0x91: {  	s18 =	sld [smem:$0x3FFB];
	_ =	sdelay $0x3  }
0x92: {  	_ =	strace s18  }
0x93: {  	s2 =	sld [smem:$0x3FFC];
	_ =	sdelay $0x3  }
0x94: {  	_ =	strace s2  }
0x95: {  	s2 =	sld [smem:$0x3FFD];
	_ =	sdelay $0x3  }
0x96: {  	_ =	strace s2  }
0x97: {  	_ =	strace $0x8FFFFFFF  }
0x98: {  	s19 =	sld [smem:$0x3FDB];
	_ =	sdelay $0x1  }
0x99: {  	s20 =	simm.s32 $_scs_section_size  }
0x9a: {  	s4 =	simm.s32 $_size__tile_overlayer_lowered;
	s5 =	simm.s32 $_tile_overlayer_lowered  }
0x9b: {  	s6 =	simm.s32 $0x1BFF;
	s21 =	sshll.u32 s5, $0x1;
	s3 =	sadd.s32 s20, s19  }
0x9c: {  	s22 =	simm.s32 $0x0;
	s4 =	sshll.u32 s4, $0x1;
	s5 =	sadd.s32 s21, s3  }
0x9d: {  	[timem:s22], [sflag:s6] =	dma.local [hbm:s5], s4  }
0x9e: {  	_ =	swait.ge [sflag:s6], s4  }
0x9f: {  	s4 =	ssub.s32 $0x0, s4;
	[sflag:s6] =	ssyncset.done $0x0  }
0xa0: {  	[sflag:s6] =	ssyncadd.s32 s4;
	_ =	sdelay $0x1  }
0xa1: {  	s23 =	simm.s32 $0x1B8B  }
0xa2: {  	_ =	swait.ge [sflag:s23], $0x1  }
0xa3: {  	[sflag:s23] =	ssyncset.done $0x0  }
0xa4: {  	[sflag:s23] =	ssyncadd.s32 $0xFFFFFFFF  }
0xa5: {  	s4 =	sld [smem:$0x0]  }
0xa6: {  	s5 =	sand.u32 $0xFFFFFFFE, s1  }
0xa7: {  	p0 =	sne.s32 s1, s5  }
0xa8: {  	s5 =	sshll.u32 @p0 s5, $0xE  }
0xa9: {  	s5 =	sadd.s32 @p0 $0x11B8D, s5;
	s6 =	sshll.u32 @p0 s4, $0x11  }
0xaa: {  	s5 =	sor.u32 @p0 s6, s5  }
0xab: {  	[sflag:s5] =	ssyncadd.remote.s32 @p0 $0x1;
	_ =	sdelay $0x1  }
0xac: {  	s5 =	simm.s32 @p0 $0x1B8D  }
0xad: {  	_ =	swait.eq @p0 [sflag:s5], $0x1  }
0xae: {  	[sflag:s5] =	ssyncadd.s32 @p0 $0xFFFFFFFF  }
0xaf: {  	s6 =	sshll.u32 @!p0 s1, $0xE  }
0xb0: {  	s6 =	sor.u32 @!p0 $0x4000, s6;
	s5 =	simm.s32 @!p0 $0x1B8D  }
0xb1: {  	s4 =	sshll.u32 @!p0 s4, $0x11;
	s6 =	sadd.s32 @!p0 $0x11B8D, s6;
	_ =	swait.eq @!p0 [sflag:s5], $0x1  }
0xb2: {  	s4 =	sor.u32 @!p0 s4, s6;
	[sflag:s5] =	ssyncadd.s32 @!p0 $0xFFFFFFFF  }
0xb3: {  	s25 =	simm.s32 $0x1B8E;
	s24 =	sld [smem:$0x3FFE];
	[sflag:s4] =	ssyncadd.remote.s32 @!p0 $0x1  }
0xb4: {  	s26 =	simm.s32 $execute0_lowered;
	[smem:$0x3FD2] =	sst s25  }
0xb5: {  	s5 =	sshll.u32 s26, $0x1;
	_ =	strace $0x80000049;
	[dreg:$0x1] =	wrdreg $0xFFFFFFFF  }
0xb6: {  	s28 =	simm.s32 $_size_execute0_lowered;
	s3 =	sadd.s32 s3, s5;
	[dreg:$0x0] =	wrdreg $0x0  }
0xb7: {  	s5 =	sshll.u32 s28, $0x1;
	[dreg:$0x2] =	wrdreg s3  }
0xb8: {  	[dreg:$0x3] =	wrdreg s5  }
0xb9: {  	[dreg:$0x4] =	wrdreg $0xC0  }
0xba: {  	_ =	task [dreg:s22], $0x5FFFF  }
0xbb: {  	[dreg:$0x1] =	wrdreg $0xFFFFFFFF  }
0xbc: {  	[dreg:$0x0] =	wrdreg $0x60  }
0xbd: {  	[dreg:$0x2] =	wrdreg s24  }
0xbe: {  	[dreg:$0x3] =	wrdreg $0x88000  }
0xbf: {  	[dreg:$0x4] =	wrdreg $0xA  }
0xc0: {  	_ =	task.clear_ibuf [dreg:s22], $0x5FFFF;
	_ =	strace $0x90000049  }
0xc1: {  	s29 =	simm.s32 $0xA;
	_ =	strace $0x8000004B  }
0xc2: {  	_ =	swait.ge [sflag:s29], $0x1  }
0xc3: {  	[sflag:s29] =	ssyncadd.s32 $0xFFFFFFFF  }
0xc4: {  	_ =	strace $0x9000004B  }
0xc5: {  	_ =	sfence  }
0xc6: {  	s30 =	sld [smem:$0x0];
	_ =	sdelay $0x2  }
0xc7: {  	s31 =	sshll.u32 s1, $0xD;
	s1 =	sshrl.u32 s1, $0x2  }
0xc8: {  	s4 =	sand.u32 $0x4000, s31;
	s1 =	sadd.s32 s1, s30  }
0xc9: {  	s0 =	sor.u32 s4, s0;
	s1 =	sshll.u32 s1, $0x11  }
0xca: {  	s0 =	sor.u32 s1, s0  }
0xcb: {  	s0 =	sadd.s32 $0x8F2B, s0  }
0xcc: {  	[sflag:s0] =	ssyncadd.remote.s32 $0x1  }
0xcd: {  	_ =	sfence.sel $0xFFFF  }
0xce: {  	[dreg:$0x0] =	wrdreg $0xFFFFFFFF;
	(pc) =	sbr.abs _section_cstart, $3  }
0xcf: {  	[dreg:$0x1] =	wrdreg $0xFFFFFFFF  }
0xd0: {  	_ =	task.clear_ibuf [dreg:s22], $0x2FFFF;
	_ =	strace $0x9FFFFFFF  }
0xd1: {  	(tm) =	ssettm $0x7FFFFFFF  }
tec
execute0_lowered:
.L_overlay_start_1:
0x0: {  	(tag) =	ssettag $0x1  }
0x1: {  	s0 =	srdreg.scid;
	s1 =	rddreg [dreg:$0x0]  }
0x2: {  	s9 =	stileid.u32;
	s2 =	rddreg [dreg:$0x1]  }
0x3: {  	s3 =	simm.s32 $0x0;
	s11 =	simm.s32 $0x3;
	s12 =	simm.s32 $0x400  }
0x4: {  	s13 =	simm.s32 $0x80;
	s14 =	simm.s32 $0x800;
	s15 =	simm.s32 $0x4800  }
0x5: {  	s16 =	simm.s32 $0x1;
	s17 =	simm.s32 $0x100;
	s18 =	simm.s32 $0x2  }
0x6: {  	s19 =	simm.s32 $0x480;
	s20 =	simm.s32 $0x180;
	s5 =	smul.u32 $0x2800, s9  }
0x7: {  	s21 =	simm.s32 $0x500;
	s28 =	simm.s32 $0x300;
	s6 =	smul.u32 $0x500, s9  }
0x8: {  	s29 =	simm.s32 $0x680;
	s30 =	simm.s32 $0x380;
	s8 =	smul.u32 $0x14000, s9  }
0x9: {  	s31 =	simm.s32 $0x700;
	s0 =	sand.u32 $0x1, s0;
	s23 =	smul.u32 $0x50000, s9  }
0xa: {  	[smem:$0x7FF] =	sst s3;
	s10 =	sadd.s32 $0x8000, s1;
	s4 =	smul.u32 $0x28000, s0  }
0xb: {  	p0 =	sne.s32 s9, $0x0;
	s22 =	smul.u32 $0x140000, s0;
	_ =	strace $0x8000004A  }
0xc: {  	[dreg:$0x3] =	wrdreg s10;
	s0 =	ssub.s32 $0x2, s0;
	s6 =	sadd.s32 s6, s1  }
0xd: {  	s24 =	sshrl.u32 s0, $0x1;
	s4 =	sadd.s32 s5, s4;
	s5 =	sadd.s32 s8, s22  }
0xe: {  	s8 =	sshrl.u32 s23, $0x2;
	s0 =	ssub.s32 s0, s24;
	s22 =	simm.s32 $0x200  }
0xf: {  	s23 =	simm.s32 $0x580;
	s24 =	simm.s32 $0x280;
	s7 =	sshrl.u32 s4, $0x3  }
0x10: {  	s4 =	sadd.s32 $0x80000, s1;
	s5 =	sshrl.u32 s5, $0x3;
	s25 =	sadd.s32 s8, s2  }
0x11: {  	s0 =	smax.u32 s0, $0x1;
	s8 =	sadd.s32 $0x2800, s6;
	s7 =	sadd.s32 s7, s1  }
0x12: {  	s1 =	sadd.s32 s5, s1;
	[dreg:$0x5] =	wrdreg s0;
	s0 =	sshrl.u32 @!p0 s2, $0x3  }
0x13: {  	s26 =	sshrl.u32 s25, $0x3;
	s1 =	sadd.s32 $0xD8200, s1;
	[dreg:$0x6] =	wrdreg s0  }
0x14: {  	s9 =	sadd.s32 $0xCE200, s7;
	[dreg:$0x7] =	wrdreg s26;
	s26 =	simm.s32 $0x600  }
0x15: {  	s0 =	simm.s32 $0x780;
	[dreg:$0x4] =	wrdreg s1;
	s1 =	simm.s32 $0x0  }
.LBB2_1:
0x16: {  	s6 =	rddreg [dreg:$0x3]  }
0x17: {  	s5 =	simm.s32 @!p0 $0x1C03;
	s7 =	rddreg [dreg:$0x6]  }
0x18: {  	[spmem:s7], [sflag:s5] =	dma.local @!p0 [hbm:s6], $0x28000  }
0x19: {  	s5 =	simm.s32 @!p0 $0x3  }
0x1a: {  	_ =	swait.ge @!p0 [sflag:s5], $0x28000  }
0x1b: {  	[sflag:s5] =	ssyncset.done @!p0 $0x0  }
0x1c: {  	[sflag:s5] =	ssyncadd.s32 @!p0 $0xFFFD8000  }
0x1d: {  	s10 =	sadd.s32 $0x0, s9;
	[bflag:$0x0] =	sbarrier.arrive $0xFFFF  }
0x1e: {  	[tilespmem:s3], [sflag:$0x3] =	stream.linear.gather [hbm4b:s10+s3], $0x400, $0x38;
	[tilespmem:$0x1C800] =	vst v63  }
0x1f: {  	_ =	swait.ge [sflag:s11], $0x400  }
0x20: {  	[sflag:s11] =	ssyncset.done $0x0  }
0x21: {  	s25 =	sadd.s32 $0x0, s8;
	[sflag:s11] =	ssyncadd.s32 $0xFFFFFC00  }
0x22: {  	[tilespmem:s12], [sflag:$0x3] =	stream.linear.gather [hbm4b:s25+s3], $0x400, $0x38;
	[tilespmem:$0x1C800] =	vst v63  }
0x23: {  	_ =	swait.ge [sflag:s11], $0x400  }
0x24: {  	[sflag:s11] =	ssyncset.done $0x0  }
0x25: {  	[sflag:s11] =	ssyncadd.s32 $0xFFFFFC00  }
0x26: {  	[tilespmem:s14], [sflag:$0x1] =	stream.indirect.gather [hbm4b:s4+s13], $0x80, s3, s13, $0xb8;
	[tilespmem:$0x1C800] =	vst v63  }
0x27: {  	_ = 	snop  }
0x28: {  	[tilespmem:s15], [sflag:$0x2] =	stream.indirect.gather [hbm4b:s4+s13], $0x80, s13, s13, $0xb8;
	[tilespmem:$0x1C800] =	vst v63  }
0x29: {  	_ =	swait.ge [sflag:s16], $0x4000  }
0x2a: {  	[sflag:s16] =	ssyncset.done $0x0  }
0x2b: {  	[sflag:s16] =	ssyncadd.s32 $0xFFFFC000  }
0x2c: {  	[spmem:s2] =	stream.indirect.scatter.add.f32 [tilespmem:s14], [sflag:$0x3], $0x80, s12, s13, $0xb8;
	[tilespmem:$0x1C800] =	vst v63  }
0x2d: {  	_ =	swait.ge [sflag:s11], $0x4000  }
0x2e: {  	[sflag:s11] =	ssyncset.done $0x0  }
0x2f: {  	[sflag:s11] =	ssyncadd.s32 $0xFFFFC000  }
0x30: {  	[tilespmem:s14], [sflag:$0x1] =	stream.indirect.gather [hbm4b:s4+s13], $0x80, s17, s13, $0xb8;
	[tilespmem:$0x1C800] =	vst v63  }
0x31: {  	_ =	swait.ge [sflag:s18], $0x4000  }
0x32: {  	[sflag:s18] =	ssyncset.done $0x0  }
0x33: {  	[sflag:s18] =	ssyncadd.s32 $0xFFFFC000  }
0x34: {  	[spmem:s2] =	stream.indirect.scatter.add.f32 [tilespmem:s15], [sflag:$0x3], $0x80, s19, s13, $0xb8;
	[tilespmem:$0x1C800] =	vst v63  }
0x35: {  	_ =	swait.ge [sflag:s11], $0x4000  }
0x36: {  	[sflag:s11] =	ssyncset.done $0x0  }
0x37: {  	[sflag:s11] =	ssyncadd.s32 $0xFFFFC000  }
0x38: {  	[tilespmem:s15], [sflag:$0x2] =	stream.indirect.gather [hbm4b:s4+s13], $0x80, s20, s13, $0xb8;
	[tilespmem:$0x1C800] =	vst v63  }
0x39: {  	_ =	swait.ge [sflag:s16], $0x4000  }
0x3a: {  	[sflag:s16] =	ssyncset.done $0x0  }
0x3b: {  	[sflag:s16] =	ssyncadd.s32 $0xFFFFC000  }
0x3c: {  	[spmem:s2] =	stream.indirect.scatter.add.f32 [tilespmem:s14], [sflag:$0x3], $0x80, s21, s13, $0xb8;
	[tilespmem:$0x1C800] =	vst v63  }
0x3d: {  	_ =	swait.ge [sflag:s11], $0x4000  }
0x3e: {  	[sflag:s11] =	ssyncset.done $0x0  }
0x3f: {  	[sflag:s11] =	ssyncadd.s32 $0xFFFFC000  }
0x40: {  	[tilespmem:s14], [sflag:$0x1] =	stream.indirect.gather [hbm4b:s4+s13], $0x80, s22, s13, $0xb8;
	[tilespmem:$0x1C800] =	vst v63  }
0x41: {  	_ =	swait.ge [sflag:s18], $0x4000  }
0x42: {  	[sflag:s18] =	ssyncset.done $0x0  }
0x43: {  	[sflag:s18] =	ssyncadd.s32 $0xFFFFC000  }
0x44: {  	[spmem:s2] =	stream.indirect.scatter.add.f32 [tilespmem:s15], [sflag:$0x3], $0x80, s23, s13, $0xb8;
	[tilespmem:$0x1C800] =	vst v63  }
0x45: {  	_ =	swait.ge [sflag:s11], $0x4000  }
0x46: {  	[sflag:s11] =	ssyncset.done $0x0  }
0x47: {  	[sflag:s11] =	ssyncadd.s32 $0xFFFFC000  }
0x48: {  	[tilespmem:s15], [sflag:$0x2] =	stream.indirect.gather [hbm4b:s4+s13], $0x80, s24, s13, $0xb8;
	[tilespmem:$0x1C800] =	vst v63  }
0x49: {  	_ =	swait.ge [sflag:s16], $0x4000  }
0x4a: {  	[sflag:s16] =	ssyncset.done $0x0  }
0x4b: {  	[sflag:s16] =	ssyncadd.s32 $0xFFFFC000  }
0x4c: {  	[spmem:s2] =	stream.indirect.scatter.add.f32 [tilespmem:s14], [sflag:$0x3], $0x80, s26, s13, $0xb8;
	[tilespmem:$0x1C800] =	vst v63  }
0x4d: {  	_ =	swait.ge [sflag:s11], $0x4000  }
0x4e: {  	[sflag:s11] =	ssyncset.done $0x0  }
0x4f: {  	[sflag:s11] =	ssyncadd.s32 $0xFFFFC000  }
0x50: {  	[tilespmem:s14], [sflag:$0x1] =	stream.indirect.gather [hbm4b:s4+s13], $0x80, s28, s13, $0xb8;
	[tilespmem:$0x1C800] =	vst v63  }
0x51: {  	_ =	swait.ge [sflag:s18], $0x4000  }
0x52: {  	[sflag:s18] =	ssyncset.done $0x0  }
0x53: {  	[sflag:s18] =	ssyncadd.s32 $0xFFFFC000  }
0x54: {  	[spmem:s2] =	stream.indirect.scatter.add.f32 [tilespmem:s15], [sflag:$0x3], $0x80, s29, s13, $0xb8;
	[tilespmem:$0x1C800] =	vst v63  }
0x55: {  	_ =	swait.ge [sflag:s11], $0x4000  }
0x56: {  	[sflag:s11] =	ssyncset.done $0x0  }
0x57: {  	[sflag:s11] =	ssyncadd.s32 $0xFFFFC000  }
0x58: {  	[tilespmem:s15], [sflag:$0x2] =	stream.indirect.gather [hbm4b:s4+s13], $0x80, s30, s13, $0xb8;
	[tilespmem:$0x1C800] =	vst v63  }
0x59: {  	_ =	swait.ge [sflag:s16], $0x4000  }
0x5a: {  	[sflag:s16] =	ssyncset.done $0x0  }
0x5b: {  	[sflag:s16] =	ssyncadd.s32 $0xFFFFC000  }
0x5c: {  	[spmem:s2] =	stream.indirect.scatter.add.f32 [tilespmem:s14], [sflag:$0x3], $0x80, s31, s13, $0xb8;
	[tilespmem:$0x1C800] =	vst v63  }
0x5d: {  	_ =	swait.ge [sflag:s11], $0x4000  }
0x5e: {  	[sflag:s11] =	ssyncset.done $0x0  }
0x5f: {  	[sflag:s11] =	ssyncadd.s32 $0xFFFFC000  }
0x60: {  	_ =	swait.ge [sflag:s18], $0x4000  }
0x61: {  	[sflag:s18] =	ssyncset.done $0x0  }
0x62: {  	[sflag:s18] =	ssyncadd.s32 $0xFFFFC000  }
0x63: {  	[spmem:s2] =	stream.indirect.scatter.add.f32 [tilespmem:s15], [sflag:$0x3], $0x80, s0, s13, $0xb8;
	[tilespmem:$0x1C800] =	vst v63  }
0x64: {  	_ =	swait.ge [sflag:s11], $0x4000  }
0x65: {  	s6 =	simm.s32 $0x100;
	s5 =	simm.s32 $0x80;
	[sflag:s11] =	ssyncset.done $0x0  }
.LBB2_2:
0x66: {  	s10 =	sadd.s32 s5, s9  }
0x67: {  	[sflag:s11] =	ssyncadd.s32 $0xFFFFC000;
	s25 =	smov.u32 s6;
	s7 =	sadd.s32 $0x80, s6  }
0x68: {  	[tilespmem:s3], [sflag:$0x3] =	stream.linear.gather [hbm4b:s10+s3], $0x400, $0x38;
	[tilespmem:$0x1C800] =	vst v63  }
0x69: {  	p1 =	sne.s32 s6, $0x480;
	_ =	swait.ge [sflag:s11], $0x400  }
0x6a: {  	[sflag:s11] =	ssyncset.done $0x0  }
0x6b: {  	s6 =	sadd.s32 s5, s8;
	s5 =	smov.u32 s25;
	[sflag:s11] =	ssyncadd.s32 $0xFFFFFC00  }
0x6c: {  	[tilespmem:s12], [sflag:$0x3] =	stream.linear.gather [hbm4b:s6+s3], $0x400, $0x38;
	[tilespmem:$0x1C800] =	vst v63  }
0x6d: {  	_ =	swait.ge [sflag:s11], $0x400  }
0x6e: {  	[sflag:s11] =	ssyncset.done $0x0  }
0x6f: {  	[sflag:s11] =	ssyncadd.s32 $0xFFFFFC00  }
0x70: {  	[tilespmem:s14], [sflag:$0x1] =	stream.indirect.gather [hbm4b:s4+s13], $0x80, s3, s13, $0xb8;
	[tilespmem:$0x1C800] =	vst v63  }
0x71: {  	_ = 	snop  }
0x72: {  	[tilespmem:s15], [sflag:$0x2] =	stream.indirect.gather [hbm4b:s4+s13], $0x80, s13, s13, $0xb8;
	[tilespmem:$0x1C800] =	vst v63  }
0x73: {  	_ =	swait.ge [sflag:s16], $0x4000  }
0x74: {  	[sflag:s16] =	ssyncset.done $0x0  }
0x75: {  	[sflag:s16] =	ssyncadd.s32 $0xFFFFC000  }
0x76: {  	[spmem:s2] =	stream.indirect.scatter.add.f32 [tilespmem:s14], [sflag:$0x3], $0x80, s12, s13, $0xb8;
	[tilespmem:$0x1C800] =	vst v63  }
0x77: {  	_ =	swait.ge [sflag:s11], $0x4000  }
0x78: {  	[sflag:s11] =	ssyncset.done $0x0  }
0x79: {  	[sflag:s11] =	ssyncadd.s32 $0xFFFFC000  }
0x7a: {  	[tilespmem:s14], [sflag:$0x1] =	stream.indirect.gather [hbm4b:s4+s13], $0x80, s17, s13, $0xb8;
	[tilespmem:$0x1C800] =	vst v63  }
0x7b: {  	_ =	swait.ge [sflag:s18], $0x4000  }
0x7c: {  	[sflag:s18] =	ssyncset.done $0x0  }
0x7d: {  	[sflag:s18] =	ssyncadd.s32 $0xFFFFC000  }
0x7e: {  	[spmem:s2] =	stream.indirect.scatter.add.f32 [tilespmem:s15], [sflag:$0x3], $0x80, s19, s13, $0xb8;
	[tilespmem:$0x1C800] =	vst v63  }
0x7f: {  	_ =	swait.ge [sflag:s11], $0x4000  }
0x80: {  	[sflag:s11] =	ssyncset.done $0x0  }
0x81: {  	[sflag:s11] =	ssyncadd.s32 $0xFFFFC000  }
0x82: {  	[tilespmem:s15], [sflag:$0x2] =	stream.indirect.gather [hbm4b:s4+s13], $0x80, s20, s13, $0xb8;
	[tilespmem:$0x1C800] =	vst v63  }
0x83: {  	_ =	swait.ge [sflag:s16], $0x4000  }
0x84: {  	[sflag:s16] =	ssyncset.done $0x0  }
0x85: {  	[sflag:s16] =	ssyncadd.s32 $0xFFFFC000  }
0x86: {  	[spmem:s2] =	stream.indirect.scatter.add.f32 [tilespmem:s14], [sflag:$0x3], $0x80, s21, s13, $0xb8;
	[tilespmem:$0x1C800] =	vst v63  }
0x87: {  	_ =	swait.ge [sflag:s11], $0x4000  }
0x88: {  	[sflag:s11] =	ssyncset.done $0x0  }
0x89: {  	[sflag:s11] =	ssyncadd.s32 $0xFFFFC000  }
0x8a: {  	[tilespmem:s14], [sflag:$0x1] =	stream.indirect.gather [hbm4b:s4+s13], $0x80, s22, s13, $0xb8;
	[tilespmem:$0x1C800] =	vst v63  }
0x8b: {  	_ =	swait.ge [sflag:s18], $0x4000  }
0x8c: {  	[sflag:s18] =	ssyncset.done $0x0  }
0x8d: {  	[sflag:s18] =	ssyncadd.s32 $0xFFFFC000  }
0x8e: {  	[spmem:s2] =	stream.indirect.scatter.add.f32 [tilespmem:s15], [sflag:$0x3], $0x80, s23, s13, $0xb8;
	[tilespmem:$0x1C800] =	vst v63  }
0x8f: {  	_ =	swait.ge [sflag:s11], $0x4000  }
0x90: {  	[sflag:s11] =	ssyncset.done $0x0  }
0x91: {  	[sflag:s11] =	ssyncadd.s32 $0xFFFFC000  }
0x92: {  	[tilespmem:s15], [sflag:$0x2] =	stream.indirect.gather [hbm4b:s4+s13], $0x80, s24, s13, $0xb8;
	[tilespmem:$0x1C800] =	vst v63  }
0x93: {  	_ =	swait.ge [sflag:s16], $0x4000  }
0x94: {  	[sflag:s16] =	ssyncset.done $0x0  }
0x95: {  	[sflag:s16] =	ssyncadd.s32 $0xFFFFC000  }
0x96: {  	[spmem:s2] =	stream.indirect.scatter.add.f32 [tilespmem:s14], [sflag:$0x3], $0x80, s26, s13, $0xb8;
	[tilespmem:$0x1C800] =	vst v63  }
0x97: {  	_ =	swait.ge [sflag:s11], $0x4000  }
0x98: {  	[sflag:s11] =	ssyncset.done $0x0  }
0x99: {  	[sflag:s11] =	ssyncadd.s32 $0xFFFFC000  }
0x9a: {  	[tilespmem:s14], [sflag:$0x1] =	stream.indirect.gather [hbm4b:s4+s13], $0x80, s28, s13, $0xb8;
	[tilespmem:$0x1C800] =	vst v63  }
0x9b: {  	_ =	swait.ge [sflag:s18], $0x4000  }
0x9c: {  	[sflag:s18] =	ssyncset.done $0x0  }
0x9d: {  	[sflag:s18] =	ssyncadd.s32 $0xFFFFC000  }
0x9e: {  	[spmem:s2] =	stream.indirect.scatter.add.f32 [tilespmem:s15], [sflag:$0x3], $0x80, s29, s13, $0xb8;
	[tilespmem:$0x1C800] =	vst v63  }
0x9f: {  	_ =	swait.ge [sflag:s11], $0x4000  }
0xa0: {  	[sflag:s11] =	ssyncset.done $0x0  }
0xa1: {  	[sflag:s11] =	ssyncadd.s32 $0xFFFFC000  }
0xa2: {  	[tilespmem:s15], [sflag:$0x2] =	stream.indirect.gather [hbm4b:s4+s13], $0x80, s30, s13, $0xb8;
	[tilespmem:$0x1C800] =	vst v63  }
0xa3: {  	_ =	swait.ge [sflag:s16], $0x4000  }
0xa4: {  	[sflag:s16] =	ssyncset.done $0x0  }
0xa5: {  	[sflag:s16] =	ssyncadd.s32 $0xFFFFC000  }
0xa6: {  	[spmem:s2] =	stream.indirect.scatter.add.f32 [tilespmem:s14], [sflag:$0x3], $0x80, s31, s13, $0xb8;
	[tilespmem:$0x1C800] =	vst v63  }
0xa7: {  	_ =	swait.ge [sflag:s11], $0x4000  }
0xa8: {  	[sflag:s11] =	ssyncset.done $0x0  }
0xa9: {  	[sflag:s11] =	ssyncadd.s32 $0xFFFFC000  }
0xaa: {  	_ =	swait.ge [sflag:s18], $0x4000  }
.Ltmp0:
0xab: {  	[sflag:s18] =	ssyncset.done $0x0;
	(pc) =	sbr.rel @p1 .LBB2_2-.Ltmp0, $4  }
0xac: {  	[sflag:s18] =	ssyncadd.s32 $0xFFFFC000  }
0xad: {  	[spmem:s2] =	stream.indirect.scatter.add.f32 [tilespmem:s15], [sflag:$0x3], $0x80, s0, s13, $0xb8;
	[tilespmem:$0x1C800] =	vst v63  }
0xae: {  	_ =	swait.ge [sflag:s11], $0x4000  }
0xaf: {  	s6 =	smov.u32 s7;
	[sflag:s11] =	ssyncset.done $0x0  }
0xb0: {  	s6 =	sadd.s32 s5, s9;
	[sflag:s11] =	ssyncadd.s32 $0xFFFFC000  }
0xb1: {  	[tilespmem:s3], [sflag:$0x3] =	stream.linear.gather [hbm4b:s6+s3], $0x400, $0x38;
	[tilespmem:$0x1C800] =	vst v63  }
0xb2: {  	_ =	swait.ge [sflag:s11], $0x400  }
0xb3: {  	[sflag:s11] =	ssyncset.done $0x0  }
0xb4: {  	s6 =	sadd.s32 s5, s8;
	[sflag:s11] =	ssyncadd.s32 $0xFFFFFC00  }
0xb5: {  	[tilespmem:s12], [sflag:$0x3] =	stream.linear.gather [hbm4b:s6+s3], $0x400, $0x38;
	[tilespmem:$0x1C800] =	vst v63  }
0xb6: {  	_ =	swait.ge [sflag:s11], $0x400  }
0xb7: {  	[sflag:s11] =	ssyncset.done $0x0  }
0xb8: {  	[sflag:s11] =	ssyncadd.s32 $0xFFFFFC00  }
0xb9: {  	[tilespmem:s14], [sflag:$0x1] =	stream.indirect.gather [hbm4b:s4+s13], $0x80, s3, s13, $0xb8;
	[tilespmem:$0x1C800] =	vst v63  }
0xba: {  	_ = 	snop  }
0xbb: {  	[tilespmem:s15], [sflag:$0x2] =	stream.indirect.gather [hbm4b:s4+s13], $0x80, s13, s13, $0xb8;
	[tilespmem:$0x1C800] =	vst v63  }
0xbc: {  	_ =	swait.ge [sflag:s16], $0x4000  }
0xbd: {  	[sflag:s16] =	ssyncset.done $0x0  }
0xbe: {  	[sflag:s16] =	ssyncadd.s32 $0xFFFFC000  }
0xbf: {  	[spmem:s2] =	stream.indirect.scatter.add.f32 [tilespmem:s14], [sflag:$0x3], $0x80, s12, s13, $0xb8;
	[tilespmem:$0x1C800] =	vst v63  }
0xc0: {  	_ =	swait.ge [sflag:s11], $0x4000  }
0xc1: {  	[sflag:s11] =	ssyncset.done $0x0  }
0xc2: {  	[sflag:s11] =	ssyncadd.s32 $0xFFFFC000  }
0xc3: {  	[tilespmem:s14], [sflag:$0x1] =	stream.indirect.gather [hbm4b:s4+s13], $0x80, s17, s13, $0xb8;
	[tilespmem:$0x1C800] =	vst v63  }
0xc4: {  	_ =	swait.ge [sflag:s18], $0x4000  }
0xc5: {  	[sflag:s18] =	ssyncset.done $0x0  }
0xc6: {  	[sflag:s18] =	ssyncadd.s32 $0xFFFFC000  }
0xc7: {  	[spmem:s2] =	stream.indirect.scatter.add.f32 [tilespmem:s15], [sflag:$0x3], $0x80, s19, s13, $0xb8;
	[tilespmem:$0x1C800] =	vst v63  }
0xc8: {  	_ =	swait.ge [sflag:s11], $0x4000  }
0xc9: {  	[sflag:s11] =	ssyncset.done $0x0  }
0xca: {  	[sflag:s11] =	ssyncadd.s32 $0xFFFFC000  }
0xcb: {  	[tilespmem:s15], [sflag:$0x2] =	stream.indirect.gather [hbm4b:s4+s13], $0x80, s20, s13, $0xb8;
	[tilespmem:$0x1C800] =	vst v63  }
0xcc: {  	_ =	swait.ge [sflag:s16], $0x4000  }
0xcd: {  	[sflag:s16] =	ssyncset.done $0x0  }
0xce: {  	[sflag:s16] =	ssyncadd.s32 $0xFFFFC000  }
0xcf: {  	[spmem:s2] =	stream.indirect.scatter.add.f32 [tilespmem:s14], [sflag:$0x3], $0x80, s21, s13, $0xb8;
	[tilespmem:$0x1C800] =	vst v63  }
0xd0: {  	_ =	swait.ge [sflag:s11], $0x4000  }
0xd1: {  	[sflag:s11] =	ssyncset.done $0x0  }
0xd2: {  	[sflag:s11] =	ssyncadd.s32 $0xFFFFC000  }
0xd3: {  	[tilespmem:s14], [sflag:$0x1] =	stream.indirect.gather [hbm4b:s4+s13], $0x80, s22, s13, $0xb8;
	[tilespmem:$0x1C800] =	vst v63  }
0xd4: {  	_ =	swait.ge [sflag:s18], $0x4000  }
0xd5: {  	[sflag:s18] =	ssyncset.done $0x0  }
0xd6: {  	[sflag:s18] =	ssyncadd.s32 $0xFFFFC000  }
0xd7: {  	[spmem:s2] =	stream.indirect.scatter.add.f32 [tilespmem:s15], [sflag:$0x3], $0x80, s23, s13, $0xb8;
	[tilespmem:$0x1C800] =	vst v63  }
0xd8: {  	_ =	swait.ge [sflag:s11], $0x4000  }
0xd9: {  	[sflag:s11] =	ssyncset.done $0x0  }
0xda: {  	[sflag:s11] =	ssyncadd.s32 $0xFFFFC000  }
0xdb: {  	[tilespmem:s15], [sflag:$0x2] =	stream.indirect.gather [hbm4b:s4+s13], $0x80, s24, s13, $0xb8;
	[tilespmem:$0x1C800] =	vst v63  }
0xdc: {  	_ =	swait.ge [sflag:s16], $0x4000  }
0xdd: {  	[sflag:s16] =	ssyncset.done $0x0  }
0xde: {  	[sflag:s16] =	ssyncadd.s32 $0xFFFFC000  }
0xdf: {  	[spmem:s2] =	stream.indirect.scatter.add.f32 [tilespmem:s14], [sflag:$0x3], $0x80, s26, s13, $0xb8;
	[tilespmem:$0x1C800] =	vst v63  }
0xe0: {  	_ =	swait.ge [sflag:s11], $0x4000  }
0xe1: {  	[sflag:s11] =	ssyncset.done $0x0  }
0xe2: {  	[sflag:s11] =	ssyncadd.s32 $0xFFFFC000  }
0xe3: {  	[tilespmem:s14], [sflag:$0x1] =	stream.indirect.gather [hbm4b:s4+s13], $0x80, s28, s13, $0xb8;
	[tilespmem:$0x1C800] =	vst v63  }
0xe4: {  	_ =	swait.ge [sflag:s18], $0x4000  }
0xe5: {  	[sflag:s18] =	ssyncset.done $0x0  }
0xe6: {  	[sflag:s18] =	ssyncadd.s32 $0xFFFFC000  }
0xe7: {  	[spmem:s2] =	stream.indirect.scatter.add.f32 [tilespmem:s15], [sflag:$0x3], $0x80, s29, s13, $0xb8;
	[tilespmem:$0x1C800] =	vst v63  }
0xe8: {  	_ =	swait.ge [sflag:s11], $0x4000  }
0xe9: {  	[sflag:s11] =	ssyncset.done $0x0  }
0xea: {  	[sflag:s11] =	ssyncadd.s32 $0xFFFFC000  }
0xeb: {  	[tilespmem:s15], [sflag:$0x2] =	stream.indirect.gather [hbm4b:s4+s13], $0x80, s30, s13, $0xb8;
	[tilespmem:$0x1C800] =	vst v63  }
0xec: {  	_ =	swait.ge [sflag:s16], $0x4000  }
0xed: {  	[sflag:s16] =	ssyncset.done $0x0  }
0xee: {  	[sflag:s16] =	ssyncadd.s32 $0xFFFFC000  }
0xef: {  	[spmem:s2] =	stream.indirect.scatter.add.f32 [tilespmem:s14], [sflag:$0x3], $0x80, s31, s13, $0xb8;
	[tilespmem:$0x1C800] =	vst v63  }
0xf0: {  	_ =	swait.ge [sflag:s11], $0x4000  }
0xf1: {  	[sflag:s11] =	ssyncset.done $0x0  }
0xf2: {  	[sflag:s11] =	ssyncadd.s32 $0xFFFFC000  }
0xf3: {  	_ =	swait.ge [sflag:s18], $0x4000  }
0xf4: {  	[sflag:s18] =	ssyncset.done $0x0  }
0xf5: {  	[sflag:s18] =	ssyncadd.s32 $0xFFFFC000  }
0xf6: {  	[spmem:s2] =	stream.indirect.scatter.add.f32 [tilespmem:s15], [sflag:$0x3], $0x80, s0, s13, $0xb8;
	[tilespmem:$0x1C800] =	vst v63  }
0xf7: {  	_ =	swait.ge [sflag:s11], $0x4000  }
0xf8: {  	[sflag:s11] =	ssyncset.done $0x0  }
0xf9: {  	[sflag:s11] =	ssyncadd.s32 $0xFFFFC000  }
0xfa: {  	s7 =	stileid.u32;
	[bflag:$0x0] =	sbarrier.arrive $0xFFFF  }
0xfb: {  	s5 =	sshll.u32 s7, $0x6;
	s10 =	rddreg [dreg:$0x4]  }
0xfc: {  	s5 =	sor.u32 $0x1C03, s5;
	s7 =	rddreg [dreg:$0x7]  }
0xfd: {  	[hbm:s10], [sflag:s5] =	dma.local [spmem:s7], $0x2800  }
0xfe: {  	_ =	swait.ge [sflag:s11], $0x2800  }
0xff: {  	s1 =	sadd.s32 $0x1, s1;
	s25 =	rddreg [dreg:$0x5]  }
0x100: {  	p1 =	sne.s32 s1, s25  }
.Ltmp1:
0x101: {  	_ = 	snop;
	(pc) =	sbr.rel @p1 .LBB2_1-.Ltmp1, $3  }
0x102: {  	_ =	sdelay $0x1  }
0x103: {  	[sflag:s11] =	ssyncset.done $0x0  }
0x104: {  	[sflag:s11] =	ssyncadd.s32 $0xFFFFD800  }
0x105: {  	_ =	sfence.sel $0x180000  }
0x106: {  	[bflag:$0x0] =	sbarrier.arrive $0xFFFF  }
0x107: {  	_ =	strace $0x9000004A  }
0x108: {  	[bflag:$0x2] =	sbarrier.arrive $0xFFFF  }
0x109: {  	s0 =	rddreg [dreg:$0x2]  }
0x10a: {  	s0 =	sadd.s32 @!p0 $0x100000, s0  }
0x10b: {  	[sflag:s0] =	ssyncadd.tile.s32 @!p0 $0x1;
	_ =	shalt  }
.Lfunc_end2:
_tile_overlayer_lowered:
.L_overlay_start_2:
0x10c: {  	(tag) =	ssettag $0x2  }
0x10d: {  	s0 =	rddreg [dreg:$0x0];
	s2 =	stileid.u32  }
0x10e: {  	s1 =	rddreg [dreg:$0x1];
	p0 =	sne.s32 s2, $0x0  }
0x10f: {  	s3 =	rddreg [dreg:$0x2];
	[bflag:$0x3] =	sbarrier.arrive $0xFFFF;
	s2 =	simm.s32 @!p0 $0x1C03  }
0x110: {  	[timem:s3], [sflag:s2] =	dma.local @!p0 [hbm:s0], s1  }
0x111: {  	s0 =	simm.s32 @!p0 $0x3  }
0x112: {  	_ =	swait.ge @!p0 [sflag:s0], s1  }
0x113: {  	s1 =	ssub.s32 @!p0 $0x0, s1;
	[sflag:s0] =	ssyncset.done @!p0 $0x0  }
0x114: {  	[sflag:s0] =	ssyncadd.s32 @!p0 s1  }
0x115: {  	[bflag:$0x3] =	sbarrier.arrive $0xFFFF  }
0x116: {  	_ =	shalt  }

// kernel: kernel.18.cloned.1.call-start
scs
__scs_entry_jumppad:
0x0: {  	(pc) =	sbr.rel $0x88, $3  }
0x1: {  	(tag) =	ssettag $0x0;
	lr =	simm.s32 $0x1  }
0x2: {  	[smem:$0x3F99] =	sst lr;
	_ =	strace $0xD0000000  }
0x3: {  	_ = 	snop  }
0x4: {  	_ = 	snop  }
0x5: {  	_ = 	snop  }
0x6: {  	_ = 	snop  }
0x7: {  	_ = 	snop  }
__scs_overlays_trampoline_lowered:
0x8: {  	[smem:$0x3FA8] =	sst s0  }
0x9: {  	[smem:$0x3FA9] =	sst s1  }
0xa: {  	[smem:$0x3FAA] =	sst s2  }
0xb: {  	[smem:$0x3FAB] =	sst s3  }
0xc: {  	[smem:$0x3FAC] =	sst s4  }
0xd: {  	[smem:$0x3FAD] =	sst s5  }
0xe: {  	[smem:$0x3FAE] =	sst s6  }
0xf: {  	[smem:$0x3FAF] =	sst s7  }
0x10: {  	[smem:$0x3FB0] =	sst s8  }
0x11: {  	[smem:$0x3FB1] =	sst s9;
	s0 =	simm.s32 @!p0 $0x0  }
0x12: {  	s1 =	sld [smem:$0x3F97];
	s0 =	simm.s32 @p0 $0x1  }
0x13: {  	[smem:$0x3FB2] =	sst s0;
	s0 =	simm.s32 @!p1 $0x0  }
0x14: {  	s2 =	sld [smem:$0x3F96];
	s0 =	simm.s32 @p1 $0x1  }
0x15: {  	[smem:$0x3FB3] =	sst s0;
	s0 =	simm.s32 @!p2 $0x0  }
0x16: {  	s3 =	sld [smem:$0x3FDB];
	s0 =	simm.s32 @p2 $0x1  }
0x17: {  	s4 =	simm.s32 $0x1BF5;
	[smem:$0x3FB5] =	sst s0  }
0x18: {  	s0 =	sld [smem:$0x3F98];
	_ =	swait.ge [sflag:s4], $0x0  }
0x19: {  	s7 =	sld [smem:$0x3F99]  }
0x1a: {  	s8 =	sadd.s32 $0xFFFFE003, lr  }
0x1b: {  	s9 =	sadd.s32 $0xFFFFFEF7, lr;
	s5 =	simm.s32 $0xFFFFFFFF;
	p2 =	slt.u32 s8, $0xFFFFF086  }
0x1c: {  	p1 =	slt.u32 s9, $0xF7A;
	s5 =	simm.s32 @!p2 $0x0  }
0x1d: {  	s5 =	simm.s32 @p1 $0x1;
	p0 =	seq.s32 s7, s2  }
0x1e: {  	s7 =	smul.u32 @!p0 $0xF7A, s2;
	p2 =	seq.s32 @!p0 s5, $0x0  }
0x1f: {  	s9 =	smul.u32 $0xF7A, s1;
	s8 =	simm.s32 @!p0 $0x1BF5;
	p2 =	por !p2, p0  }
0x20: {  	[sflag:s8] =	ssyncset.s32 @!p0 $0xFFFFF086;
	s6 =	sadd.s32 @!p0 s3, s7;
	s7 =	simm.s32 @!p0 $0x108  }
0x21: {  	s3 =	sadd.s32 s3, s9;
	s6 =	sadd.s32 @!p0 $0x88, s6;
	s7 =	simm.s32 @p2 $0x1082  }
0x22: {  	[simem:s7], [sflag:s8] =	dma.local @!p0 [hbm:s6], $0xF7A  }
0x23: {  	s9 =	sor.u32 $0xD0000000, s2;
	s6 =	simm.s32 $0x108;
	_ =	swait.ge @!p0 [sflag:s8], $0x0  }
0x24: {  	s3 =	sadd.s32 $0x88, s3;
	s6 =	simm.s32 @!p1 $0x1082;
	[sflag:s4] =	ssyncset.s32 $0xFFFFF086  }
0x25: {  	[simem:s6], [sflag:s4] =	dma.local [hbm:s3], $0xF7A  }
0x26: {  	[smem:$0x3F99] =	sst s1;
	(tag) =	ssettag s2;
	_ =	strace s9  }
0x27: {  	s1 =	sld [smem:$0x3FA9]  }
0x28: {  	s2 =	sld [smem:$0x3FAA]  }
0x29: {  	s4 =	sld [smem:$0x3FAC]  }
0x2a: {  	p0 =	seq.s32 s5, $0x0;
	s5 =	sld [smem:$0x3FAD]  }
0x2b: {  	s6 =	sld [smem:$0x3FAE]  }
0x2c: {  	s7 =	sld [smem:$0x3FAF]  }
0x2d: {  	s3 =	simm.s32 $0x108;
	s8 =	sld [smem:$0x3FB0]  }
0x2e: {  	s3 =	simm.s32 @!p0 $0x1082;
	s9 =	sld [smem:$0x3FB1]  }
0x2f: {  	lr =	sadd.s32 s0, s3;
	s0 =	sld [smem:$0x3FA8]  }
0x30: {  	s3 =	sld [smem:$0x3FAB]  }
0x31: {  	[smem:$0x3FB4] =	sst s10  }
0x32: {  	s10 =	sld [smem:$0x3FB2];
	_ =	sdelay $0x3  }
0x33: {  	p0 =	seq.s32 s10, $0x1;
	s10 =	sld [smem:$0x3FB4];
	_ =	sdelay $0x3  }
0x34: {  	[smem:$0x3FB4] =	sst s10  }
0x35: {  	s10 =	sld [smem:$0x3FB3];
	_ =	sdelay $0x3  }
0x36: {  	p1 =	seq.s32 s10, $0x1;
	s10 =	sld [smem:$0x3FB4];
	_ =	sdelay $0x3  }
0x37: {  	[smem:$0x3FB4] =	sst s10  }
0x38: {  	s10 =	sld [smem:$0x3FB5]  }
0x39: {  	_ = 	snop;
	(pc) =	sbr.ind lr, $3  }
0x3a: {  	_ = 	snop  }
0x3b: {  	_ = 	snop  }
0x3c: {  	p2 =	seq.s32 s10, $0x1;
	s10 =	sld [smem:$0x3FB4]  }
0x3d: {  	_ =	shalt  }
0x3e: {  	_ =	shalt  }
0x3f: {  	_ =	shalt  }
0x40: {  	_ =	shalt  }
0x41: {  	_ =	shalt  }
0x42: {  	_ =	shalt  }
0x43: {  	_ =	shalt  }
0x44: {  	_ =	shalt  }
0x45: {  	_ =	shalt  }
0x46: {  	_ =	shalt  }
0x47: {  	_ =	shalt  }
0x48: {  	_ =	shalt  }
0x49: {  	_ =	shalt  }
0x4a: {  	_ =	shalt  }
0x4b: {  	_ =	shalt  }
0x4c: {  	_ =	shalt  }
0x4d: {  	_ =	shalt  }
0x4e: {  	_ =	shalt  }
0x4f: {  	_ =	shalt  }
0x50: {  	_ =	shalt  }
0x51: {  	_ =	shalt  }
0x52: {  	_ =	shalt  }
0x53: {  	_ =	shalt  }
0x54: {  	_ =	shalt  }
0x55: {  	_ =	shalt  }
0x56: {  	_ =	shalt  }
0x57: {  	_ =	shalt  }
0x58: {  	_ =	shalt  }
0x59: {  	_ =	shalt  }
0x5a: {  	_ =	shalt  }
0x5b: {  	_ =	shalt  }
0x5c: {  	_ =	shalt  }
0x5d: {  	_ =	shalt  }
0x5e: {  	_ =	shalt  }
0x5f: {  	_ =	shalt  }
0x60: {  	_ =	shalt  }
0x61: {  	_ =	shalt  }
0x62: {  	_ =	shalt  }
0x63: {  	_ =	shalt  }
0x64: {  	_ =	shalt  }
0x65: {  	_ =	shalt  }
0x66: {  	_ =	shalt  }
0x67: {  	_ =	shalt  }
0x68: {  	_ =	shalt  }
0x69: {  	_ =	shalt  }
0x6a: {  	_ =	shalt  }
0x6b: {  	_ =	shalt  }
0x6c: {  	_ =	shalt  }
0x6d: {  	_ =	shalt  }
0x6e: {  	_ =	shalt  }
0x6f: {  	_ =	shalt  }
0x70: {  	_ =	shalt  }
0x71: {  	_ =	shalt  }
0x72: {  	_ =	shalt  }
0x73: {  	_ =	shalt  }
0x74: {  	_ =	shalt  }
0x75: {  	_ =	shalt  }
0x76: {  	_ =	shalt  }
0x77: {  	_ =	shalt  }
0x78: {  	_ =	shalt  }
0x79: {  	_ =	shalt  }
0x7a: {  	_ =	shalt  }
0x7b: {  	_ =	shalt  }
0x7c: {  	_ =	shalt  }
0x7d: {  	_ =	shalt  }
0x7e: {  	_ =	shalt  }
0x7f: {  	_ =	shalt  }
0x80: {  	_ =	shalt  }
0x81: {  	_ =	shalt  }
0x82: {  	_ =	shalt  }
0x83: {  	_ =	shalt  }
0x84: {  	_ =	shalt  }
0x85: {  	_ =	shalt  }
0x86: {  	_ =	shalt  }
0x87: {  	_ =	shalt  }
.Lfunc_end0:
.L_simem_size_0:
called_computation.2_lowered:
.L_overlay_start_0:
0x88: {  	s2 =	sld [smem:$0x3FD9]  }
0x89: {  	s3 =	sld [smem:$0x3FFE];
	_ =	sdelay $0x1  }
0x8a: {  	s1 =	srdreg.scid  }
0x8b: {  	s0 =	sand.u32 $0x1, s1  }
0x8c: {  	s16 =	sshll.u32 s0, $0xA;
	s2 =	sadd.s32 s3, s2  }
0x8d: {  	s2 =	sadd.s32 s2, s16  }
0x8e: {  	[smem:$0x3FC0] =	sst s2  }
0x8f: {  	_ = 	snop  }
0x90: {  	(tm) =	ssettm $0x1  }
0x91: {  	s17 =	sld [smem:$0x3FFB];
	_ =	sdelay $0x3  }
0x92: {  	_ =	strace s17  }
0x93: {  	s2 =	sld [smem:$0x3FFC];
	_ =	sdelay $0x3  }
0x94: {  	_ =	strace s2  }
0x95: {  	s2 =	sld [smem:$0x3FFD];
	_ =	sdelay $0x3  }
0x96: {  	_ =	strace s2  }
0x97: {  	_ =	strace $0x8FFFFFFF  }
0x98: {  	s18 =	sld [smem:$0x3FDB];
	_ =	sdelay $0x1  }
0x99: {  	s19 =	simm.s32 $_scs_section_size  }
0x9a: {  	s4 =	simm.s32 $_size__tile_overlayer_lowered;
	s5 =	simm.s32 $_tile_overlayer_lowered  }
0x9b: {  	s22 =	simm.s32 $0x1BFF;
	s21 =	sshll.u32 s5, $0x1;
	s2 =	sadd.s32 s19, s18  }
0x9c: {  	s6 =	simm.s32 $0x0;
	s20 =	sshll.u32 s4, $0x1;
	s4 =	sadd.s32 s21, s2  }
0x9d: {  	[timem:s6], [sflag:s22] =	dma.local [hbm:s4], s20  }
0x9e: {  	_ =	swait.ge [sflag:s22], s20  }
0x9f: {  	s3 =	ssub.s32 $0x0, s20;
	[sflag:s22] =	ssyncset.done $0x0  }
0xa0: {  	[sflag:s22] =	ssyncadd.s32 s3;
	_ =	sdelay $0x1  }
0xa1: {  	s23 =	simm.s32 $0x1B8B  }
0xa2: {  	_ =	swait.ge [sflag:s23], $0x1  }
0xa3: {  	[sflag:s23] =	ssyncset.done $0x0  }
0xa4: {  	s25 =	simm.s32 $0x1B8E;
	s24 =	sld [smem:$0x3FFE];
	[sflag:s23] =	ssyncadd.s32 $0xFFFFFFFF  }
0xa5: {  	s26 =	simm.s32 $execute0_lowered;
	[smem:$0x3FD2] =	sst s25  }
0xa6: {  	s4 =	sshll.u32 s26, $0x1;
	_ =	strace $0x8000004C;
	[dreg:$0x1] =	wrdreg $0xFFFFFFFF  }
0xa7: {  	s28 =	simm.s32 $_size_execute0_lowered;
	s2 =	sadd.s32 s2, s4;
	[dreg:$0x0] =	wrdreg $0x0  }
0xa8: {  	s4 =	sshll.u32 s28, $0x1;
	[dreg:$0x2] =	wrdreg s2  }
0xa9: {  	[dreg:$0x3] =	wrdreg s4  }
0xaa: {  	[dreg:$0x4] =	wrdreg $0xC0  }
0xab: {  	_ =	task [dreg:s6], $0x5FFFF  }
0xac: {  	[dreg:$0x1] =	wrdreg $0xFFFFFFFF  }
0xad: {  	[dreg:$0x0] =	wrdreg $0x60  }
0xae: {  	[dreg:$0x2] =	wrdreg s24  }
0xaf: {  	[dreg:$0x3] =	wrdreg $0x88000  }
0xb0: {  	[dreg:$0x4] =	wrdreg $0x9  }
0xb1: {  	_ =	task.clear_ibuf [dreg:s6], $0x5FFFF;
	_ =	strace $0x9000004C  }
0xb2: {  	s29 =	simm.s32 $0x9;
	_ =	strace $0x8000004E  }
0xb3: {  	_ =	swait.ge [sflag:s29], $0x1  }
0xb4: {  	[sflag:s29] =	ssyncadd.s32 $0xFFFFFFFF  }
0xb5: {  	_ =	strace $0x9000004E  }
0xb6: {  	_ =	sfence  }
0xb7: {  	s30 =	sld [smem:$0x0];
	_ =	sdelay $0x2  }
0xb8: {  	s31 =	sshll.u32 s1, $0xD;
	s1 =	sshrl.u32 s1, $0x2  }
0xb9: {  	s3 =	sand.u32 $0x4000, s31;
	s1 =	sadd.s32 s1, s30  }
0xba: {  	s0 =	sor.u32 s3, s0;
	s1 =	sshll.u32 s1, $0x11  }
0xbb: {  	s0 =	sor.u32 s1, s0  }
0xbc: {  	s0 =	sadd.s32 $0x8F2B, s0  }
0xbd: {  	[sflag:s0] =	ssyncadd.remote.s32 $0x1  }
0xbe: {  	_ =	sfence.sel $0xFFFF  }
0xbf: {  	[dreg:$0x0] =	wrdreg $0xFFFFFFFF;
	(pc) =	sbr.abs _section_cstart, $3  }
0xc0: {  	[dreg:$0x1] =	wrdreg $0xFFFFFFFF  }
0xc1: {  	_ =	task.clear_ibuf [dreg:s6], $0x2FFFF;
	_ =	strace $0x9FFFFFFF  }
0xc2: {  	(tm) =	ssettm $0x7FFFFFFF  }
0xc3: {  	_ =	shalt  }
tec
execute0_lowered:
.L_overlay_start_1:
0x0: {  	(tag) =	ssettag $0x1  }
0x1: {  	s0 =	srdreg.scid;
	s1 =	rddreg [dreg:$0x0]  }
0x2: {  	s9 =	stileid.u32;
	s2 =	rddreg [dreg:$0x1]  }
0x3: {  	s3 =	simm.s32 $0x0;
	s11 =	simm.s32 $0x3;
	s12 =	simm.s32 $0x400  }
0x4: {  	s13 =	simm.s32 $0x80;
	s14 =	simm.s32 $0x800;
	s15 =	simm.s32 $0x4800  }
0x5: {  	s16 =	simm.s32 $0x1;
	s17 =	simm.s32 $0x100;
	s18 =	simm.s32 $0x2  }
0x6: {  	s19 =	simm.s32 $0x480;
	s20 =	simm.s32 $0x180;
	s5 =	smul.u32 $0x2800, s9  }
0x7: {  	s21 =	simm.s32 $0x500;
	s28 =	simm.s32 $0x300;
	s6 =	smul.u32 $0x500, s9  }
0x8: {  	s29 =	simm.s32 $0x680;
	s30 =	simm.s32 $0x380;
	s8 =	smul.u32 $0x14000, s9  }
0x9: {  	s31 =	simm.s32 $0x700;
	s0 =	sand.u32 $0x1, s0;
	s23 =	smul.u32 $0x50000, s9  }
0xa: {  	[smem:$0x7FF] =	sst s3;
	s10 =	sadd.s32 $0x8000, s1;
	s4 =	smul.u32 $0x28000, s0  }
0xb: {  	p0 =	sne.s32 s9, $0x0;
	s22 =	smul.u32 $0x140000, s0;
	_ =	strace $0x8000004D  }
0xc: {  	[dreg:$0x3] =	wrdreg s10;
	s0 =	ssub.s32 $0x2, s0;
	s6 =	sadd.s32 s6, s1  }
0xd: {  	s24 =	sshrl.u32 s0, $0x1;
	s4 =	sadd.s32 s5, s4;
	s5 =	sadd.s32 s8, s22  }
0xe: {  	s8 =	sshrl.u32 s23, $0x2;
	s0 =	ssub.s32 s0, s24;
	s22 =	simm.s32 $0x200  }
0xf: {  	s23 =	simm.s32 $0x580;
	s24 =	simm.s32 $0x280;
	s7 =	sshrl.u32 s4, $0x3  }
0x10: {  	s4 =	sadd.s32 $0x30000, s1;
	s5 =	sshrl.u32 s5, $0x3;
	s25 =	sadd.s32 s8, s2  }
0x11: {  	s0 =	smax.u32 s0, $0x1;
	s8 =	sadd.s32 $0x2800, s6;
	s7 =	sadd.s32 s7, s1  }
0x12: {  	s1 =	sadd.s32 s5, s1;
	[dreg:$0x5] =	wrdreg s0;
	s0 =	sshrl.u32 @!p0 s2, $0x3  }
0x13: {  	s26 =	sshrl.u32 s25, $0x3;
	s1 =	sadd.s32 $0x7E200, s1;
	[dreg:$0x6] =	wrdreg s0  }
0x14: {  	s9 =	sadd.s32 $0xCE200, s7;
	[dreg:$0x7] =	wrdreg s26;
	s26 =	simm.s32 $0x600  }
0x15: {  	s0 =	simm.s32 $0x780;
	[dreg:$0x4] =	wrdreg s1;
	s1 =	simm.s32 $0x0  }
.LBB2_1:
0x16: {  	s6 =	rddreg [dreg:$0x3]  }
0x17: {  	s5 =	simm.s32 @!p0 $0x1C03;
	s7 =	rddreg [dreg:$0x6]  }
0x18: {  	[spmem:s7], [sflag:s5] =	dma.local @!p0 [hbm:s6], $0x28000  }
0x19: {  	s5 =	simm.s32 @!p0 $0x3  }
0x1a: {  	_ =	swait.ge @!p0 [sflag:s5], $0x28000  }
0x1b: {  	[sflag:s5] =	ssyncset.done @!p0 $0x0  }
0x1c: {  	[sflag:s5] =	ssyncadd.s32 @!p0 $0xFFFD8000  }
0x1d: {  	s10 =	sadd.s32 $0x0, s9;
	[bflag:$0x0] =	sbarrier.arrive $0xFFFF  }
0x1e: {  	[tilespmem:s3], [sflag:$0x3] =	stream.linear.gather [hbm4b:s10+s3], $0x400, $0x38;
	[tilespmem:$0x1C800] =	vst v63  }
0x1f: {  	_ =	swait.ge [sflag:s11], $0x400  }
0x20: {  	[sflag:s11] =	ssyncset.done $0x0  }
0x21: {  	s25 =	sadd.s32 $0x0, s8;
	[sflag:s11] =	ssyncadd.s32 $0xFFFFFC00  }
0x22: {  	[tilespmem:s12], [sflag:$0x3] =	stream.linear.gather [hbm4b:s25+s3], $0x400, $0x38;
	[tilespmem:$0x1C800] =	vst v63  }
0x23: {  	_ =	swait.ge [sflag:s11], $0x400  }
0x24: {  	[sflag:s11] =	ssyncset.done $0x0  }
0x25: {  	[sflag:s11] =	ssyncadd.s32 $0xFFFFFC00  }
0x26: {  	[tilespmem:s14], [sflag:$0x1] =	stream.indirect.gather [hbm4b:s4+s13], $0x80, s3, s13, $0xb8;
	[tilespmem:$0x1C800] =	vst v63  }
0x27: {  	_ = 	snop  }
0x28: {  	[tilespmem:s15], [sflag:$0x2] =	stream.indirect.gather [hbm4b:s4+s13], $0x80, s13, s13, $0xb8;
	[tilespmem:$0x1C800] =	vst v63  }
0x29: {  	_ =	swait.ge [sflag:s16], $0x4000  }
0x2a: {  	[sflag:s16] =	ssyncset.done $0x0  }
0x2b: {  	[sflag:s16] =	ssyncadd.s32 $0xFFFFC000  }
0x2c: {  	[spmem:s2] =	stream.indirect.scatter.add.f32 [tilespmem:s14], [sflag:$0x3], $0x80, s12, s13, $0xb8;
	[tilespmem:$0x1C800] =	vst v63  }
0x2d: {  	_ =	swait.ge [sflag:s11], $0x4000  }
0x2e: {  	[sflag:s11] =	ssyncset.done $0x0  }
0x2f: {  	[sflag:s11] =	ssyncadd.s32 $0xFFFFC000  }
0x30: {  	[tilespmem:s14], [sflag:$0x1] =	stream.indirect.gather [hbm4b:s4+s13], $0x80, s17, s13, $0xb8;
	[tilespmem:$0x1C800] =	vst v63  }
0x31: {  	_ =	swait.ge [sflag:s18], $0x4000  }
0x32: {  	[sflag:s18] =	ssyncset.done $0x0  }
0x33: {  	[sflag:s18] =	ssyncadd.s32 $0xFFFFC000  }
0x34: {  	[spmem:s2] =	stream.indirect.scatter.add.f32 [tilespmem:s15], [sflag:$0x3], $0x80, s19, s13, $0xb8;
	[tilespmem:$0x1C800] =	vst v63  }
0x35: {  	_ =	swait.ge [sflag:s11], $0x4000  }
0x36: {  	[sflag:s11] =	ssyncset.done $0x0  }
0x37: {  	[sflag:s11] =	ssyncadd.s32 $0xFFFFC000  }
0x38: {  	[tilespmem:s15], [sflag:$0x2] =	stream.indirect.gather [hbm4b:s4+s13], $0x80, s20, s13, $0xb8;
	[tilespmem:$0x1C800] =	vst v63  }
0x39: {  	_ =	swait.ge [sflag:s16], $0x4000  }
0x3a: {  	[sflag:s16] =	ssyncset.done $0x0  }
0x3b: {  	[sflag:s16] =	ssyncadd.s32 $0xFFFFC000  }
0x3c: {  	[spmem:s2] =	stream.indirect.scatter.add.f32 [tilespmem:s14], [sflag:$0x3], $0x80, s21, s13, $0xb8;
	[tilespmem:$0x1C800] =	vst v63  }
0x3d: {  	_ =	swait.ge [sflag:s11], $0x4000  }
0x3e: {  	[sflag:s11] =	ssyncset.done $0x0  }
0x3f: {  	[sflag:s11] =	ssyncadd.s32 $0xFFFFC000  }
0x40: {  	[tilespmem:s14], [sflag:$0x1] =	stream.indirect.gather [hbm4b:s4+s13], $0x80, s22, s13, $0xb8;
	[tilespmem:$0x1C800] =	vst v63  }
0x41: {  	_ =	swait.ge [sflag:s18], $0x4000  }
0x42: {  	[sflag:s18] =	ssyncset.done $0x0  }
0x43: {  	[sflag:s18] =	ssyncadd.s32 $0xFFFFC000  }
0x44: {  	[spmem:s2] =	stream.indirect.scatter.add.f32 [tilespmem:s15], [sflag:$0x3], $0x80, s23, s13, $0xb8;
	[tilespmem:$0x1C800] =	vst v63  }
0x45: {  	_ =	swait.ge [sflag:s11], $0x4000  }
0x46: {  	[sflag:s11] =	ssyncset.done $0x0  }
0x47: {  	[sflag:s11] =	ssyncadd.s32 $0xFFFFC000  }
0x48: {  	[tilespmem:s15], [sflag:$0x2] =	stream.indirect.gather [hbm4b:s4+s13], $0x80, s24, s13, $0xb8;
	[tilespmem:$0x1C800] =	vst v63  }
0x49: {  	_ =	swait.ge [sflag:s16], $0x4000  }
0x4a: {  	[sflag:s16] =	ssyncset.done $0x0  }
0x4b: {  	[sflag:s16] =	ssyncadd.s32 $0xFFFFC000  }
0x4c: {  	[spmem:s2] =	stream.indirect.scatter.add.f32 [tilespmem:s14], [sflag:$0x3], $0x80, s26, s13, $0xb8;
	[tilespmem:$0x1C800] =	vst v63  }
0x4d: {  	_ =	swait.ge [sflag:s11], $0x4000  }
0x4e: {  	[sflag:s11] =	ssyncset.done $0x0  }
0x4f: {  	[sflag:s11] =	ssyncadd.s32 $0xFFFFC000  }
0x50: {  	[tilespmem:s14], [sflag:$0x1] =	stream.indirect.gather [hbm4b:s4+s13], $0x80, s28, s13, $0xb8;
	[tilespmem:$0x1C800] =	vst v63  }
0x51: {  	_ =	swait.ge [sflag:s18], $0x4000  }
0x52: {  	[sflag:s18] =	ssyncset.done $0x0  }
0x53: {  	[sflag:s18] =	ssyncadd.s32 $0xFFFFC000  }
0x54: {  	[spmem:s2] =	stream.indirect.scatter.add.f32 [tilespmem:s15], [sflag:$0x3], $0x80, s29, s13, $0xb8;
	[tilespmem:$0x1C800] =	vst v63  }
0x55: {  	_ =	swait.ge [sflag:s11], $0x4000  }
0x56: {  	[sflag:s11] =	ssyncset.done $0x0  }
0x57: {  	[sflag:s11] =	ssyncadd.s32 $0xFFFFC000  }
0x58: {  	[tilespmem:s15], [sflag:$0x2] =	stream.indirect.gather [hbm4b:s4+s13], $0x80, s30, s13, $0xb8;
	[tilespmem:$0x1C800] =	vst v63  }
0x59: {  	_ =	swait.ge [sflag:s16], $0x4000  }
0x5a: {  	[sflag:s16] =	ssyncset.done $0x0  }
0x5b: {  	[sflag:s16] =	ssyncadd.s32 $0xFFFFC000  }
0x5c: {  	[spmem:s2] =	stream.indirect.scatter.add.f32 [tilespmem:s14], [sflag:$0x3], $0x80, s31, s13, $0xb8;
	[tilespmem:$0x1C800] =	vst v63  }
0x5d: {  	_ =	swait.ge [sflag:s11], $0x4000  }
0x5e: {  	[sflag:s11] =	ssyncset.done $0x0  }
0x5f: {  	[sflag:s11] =	ssyncadd.s32 $0xFFFFC000  }
0x60: {  	_ =	swait.ge [sflag:s18], $0x4000  }
0x61: {  	[sflag:s18] =	ssyncset.done $0x0  }
0x62: {  	[sflag:s18] =	ssyncadd.s32 $0xFFFFC000  }
0x63: {  	[spmem:s2] =	stream.indirect.scatter.add.f32 [tilespmem:s15], [sflag:$0x3], $0x80, s0, s13, $0xb8;
	[tilespmem:$0x1C800] =	vst v63  }
0x64: {  	_ =	swait.ge [sflag:s11], $0x4000  }
0x65: {  	s6 =	simm.s32 $0x100;
	s5 =	simm.s32 $0x80;
	[sflag:s11] =	ssyncset.done $0x0  }
.LBB2_2:
0x66: {  	s10 =	sadd.s32 s5, s9  }
0x67: {  	[sflag:s11] =	ssyncadd.s32 $0xFFFFC000;
	s25 =	smov.u32 s6;
	s7 =	sadd.s32 $0x80, s6  }
0x68: {  	[tilespmem:s3], [sflag:$0x3] =	stream.linear.gather [hbm4b:s10+s3], $0x400, $0x38;
	[tilespmem:$0x1C800] =	vst v63  }
0x69: {  	p1 =	sne.s32 s6, $0x480;
	_ =	swait.ge [sflag:s11], $0x400  }
0x6a: {  	[sflag:s11] =	ssyncset.done $0x0  }
0x6b: {  	s6 =	sadd.s32 s5, s8;
	s5 =	smov.u32 s25;
	[sflag:s11] =	ssyncadd.s32 $0xFFFFFC00  }
0x6c: {  	[tilespmem:s12], [sflag:$0x3] =	stream.linear.gather [hbm4b:s6+s3], $0x400, $0x38;
	[tilespmem:$0x1C800] =	vst v63  }
0x6d: {  	_ =	swait.ge [sflag:s11], $0x400  }
0x6e: {  	[sflag:s11] =	ssyncset.done $0x0  }
0x6f: {  	[sflag:s11] =	ssyncadd.s32 $0xFFFFFC00  }
0x70: {  	[tilespmem:s14], [sflag:$0x1] =	stream.indirect.gather [hbm4b:s4+s13], $0x80, s3, s13, $0xb8;
	[tilespmem:$0x1C800] =	vst v63  }
0x71: {  	_ = 	snop  }
0x72: {  	[tilespmem:s15], [sflag:$0x2] =	stream.indirect.gather [hbm4b:s4+s13], $0x80, s13, s13, $0xb8;
	[tilespmem:$0x1C800] =	vst v63  }
0x73: {  	_ =	swait.ge [sflag:s16], $0x4000  }
0x74: {  	[sflag:s16] =	ssyncset.done $0x0  }
0x75: {  	[sflag:s16] =	ssyncadd.s32 $0xFFFFC000  }
0x76: {  	[spmem:s2] =	stream.indirect.scatter.add.f32 [tilespmem:s14], [sflag:$0x3], $0x80, s12, s13, $0xb8;
	[tilespmem:$0x1C800] =	vst v63  }
0x77: {  	_ =	swait.ge [sflag:s11], $0x4000  }
0x78: {  	[sflag:s11] =	ssyncset.done $0x0  }
0x79: {  	[sflag:s11] =	ssyncadd.s32 $0xFFFFC000  }
0x7a: {  	[tilespmem:s14], [sflag:$0x1] =	stream.indirect.gather [hbm4b:s4+s13], $0x80, s17, s13, $0xb8;
	[tilespmem:$0x1C800] =	vst v63  }
0x7b: {  	_ =	swait.ge [sflag:s18], $0x4000  }
0x7c: {  	[sflag:s18] =	ssyncset.done $0x0  }
0x7d: {  	[sflag:s18] =	ssyncadd.s32 $0xFFFFC000  }
0x7e: {  	[spmem:s2] =	stream.indirect.scatter.add.f32 [tilespmem:s15], [sflag:$0x3], $0x80, s19, s13, $0xb8;
	[tilespmem:$0x1C800] =	vst v63  }
0x7f: {  	_ =	swait.ge [sflag:s11], $0x4000  }
0x80: {  	[sflag:s11] =	ssyncset.done $0x0  }
0x81: {  	[sflag:s11] =	ssyncadd.s32 $0xFFFFC000  }
0x82: {  	[tilespmem:s15], [sflag:$0x2] =	stream.indirect.gather [hbm4b:s4+s13], $0x80, s20, s13, $0xb8;
	[tilespmem:$0x1C800] =	vst v63  }
0x83: {  	_ =	swait.ge [sflag:s16], $0x4000  }
0x84: {  	[sflag:s16] =	ssyncset.done $0x0  }
0x85: {  	[sflag:s16] =	ssyncadd.s32 $0xFFFFC000  }
0x86: {  	[spmem:s2] =	stream.indirect.scatter.add.f32 [tilespmem:s14], [sflag:$0x3], $0x80, s21, s13, $0xb8;
	[tilespmem:$0x1C800] =	vst v63  }
0x87: {  	_ =	swait.ge [sflag:s11], $0x4000  }
0x88: {  	[sflag:s11] =	ssyncset.done $0x0  }
0x89: {  	[sflag:s11] =	ssyncadd.s32 $0xFFFFC000  }
0x8a: {  	[tilespmem:s14], [sflag:$0x1] =	stream.indirect.gather [hbm4b:s4+s13], $0x80, s22, s13, $0xb8;
	[tilespmem:$0x1C800] =	vst v63  }
0x8b: {  	_ =	swait.ge [sflag:s18], $0x4000  }
0x8c: {  	[sflag:s18] =	ssyncset.done $0x0  }
0x8d: {  	[sflag:s18] =	ssyncadd.s32 $0xFFFFC000  }
0x8e: {  	[spmem:s2] =	stream.indirect.scatter.add.f32 [tilespmem:s15], [sflag:$0x3], $0x80, s23, s13, $0xb8;
	[tilespmem:$0x1C800] =	vst v63  }
0x8f: {  	_ =	swait.ge [sflag:s11], $0x4000  }
0x90: {  	[sflag:s11] =	ssyncset.done $0x0  }
0x91: {  	[sflag:s11] =	ssyncadd.s32 $0xFFFFC000  }
0x92: {  	[tilespmem:s15], [sflag:$0x2] =	stream.indirect.gather [hbm4b:s4+s13], $0x80, s24, s13, $0xb8;
	[tilespmem:$0x1C800] =	vst v63  }
0x93: {  	_ =	swait.ge [sflag:s16], $0x4000  }
0x94: {  	[sflag:s16] =	ssyncset.done $0x0  }
0x95: {  	[sflag:s16] =	ssyncadd.s32 $0xFFFFC000  }
0x96: {  	[spmem:s2] =	stream.indirect.scatter.add.f32 [tilespmem:s14], [sflag:$0x3], $0x80, s26, s13, $0xb8;
	[tilespmem:$0x1C800] =	vst v63  }
0x97: {  	_ =	swait.ge [sflag:s11], $0x4000  }
0x98: {  	[sflag:s11] =	ssyncset.done $0x0  }
0x99: {  	[sflag:s11] =	ssyncadd.s32 $0xFFFFC000  }
0x9a: {  	[tilespmem:s14], [sflag:$0x1] =	stream.indirect.gather [hbm4b:s4+s13], $0x80, s28, s13, $0xb8;
	[tilespmem:$0x1C800] =	vst v63  }
0x9b: {  	_ =	swait.ge [sflag:s18], $0x4000  }
0x9c: {  	[sflag:s18] =	ssyncset.done $0x0  }
0x9d: {  	[sflag:s18] =	ssyncadd.s32 $0xFFFFC000  }
0x9e: {  	[spmem:s2] =	stream.indirect.scatter.add.f32 [tilespmem:s15], [sflag:$0x3], $0x80, s29, s13, $0xb8;
	[tilespmem:$0x1C800] =	vst v63  }
0x9f: {  	_ =	swait.ge [sflag:s11], $0x4000  }
0xa0: {  	[sflag:s11] =	ssyncset.done $0x0  }
0xa1: {  	[sflag:s11] =	ssyncadd.s32 $0xFFFFC000  }
0xa2: {  	[tilespmem:s15], [sflag:$0x2] =	stream.indirect.gather [hbm4b:s4+s13], $0x80, s30, s13, $0xb8;
	[tilespmem:$0x1C800] =	vst v63  }
0xa3: {  	_ =	swait.ge [sflag:s16], $0x4000  }
0xa4: {  	[sflag:s16] =	ssyncset.done $0x0  }
0xa5: {  	[sflag:s16] =	ssyncadd.s32 $0xFFFFC000  }
0xa6: {  	[spmem:s2] =	stream.indirect.scatter.add.f32 [tilespmem:s14], [sflag:$0x3], $0x80, s31, s13, $0xb8;
	[tilespmem:$0x1C800] =	vst v63  }
0xa7: {  	_ =	swait.ge [sflag:s11], $0x4000  }
0xa8: {  	[sflag:s11] =	ssyncset.done $0x0  }
0xa9: {  	[sflag:s11] =	ssyncadd.s32 $0xFFFFC000  }
0xaa: {  	_ =	swait.ge [sflag:s18], $0x4000  }
.Ltmp0:
0xab: {  	[sflag:s18] =	ssyncset.done $0x0;
	(pc) =	sbr.rel @p1 .LBB2_2-.Ltmp0, $4  }
0xac: {  	[sflag:s18] =	ssyncadd.s32 $0xFFFFC000  }
0xad: {  	[spmem:s2] =	stream.indirect.scatter.add.f32 [tilespmem:s15], [sflag:$0x3], $0x80, s0, s13, $0xb8;
	[tilespmem:$0x1C800] =	vst v63  }
0xae: {  	_ =	swait.ge [sflag:s11], $0x4000  }
0xaf: {  	s6 =	smov.u32 s7;
	[sflag:s11] =	ssyncset.done $0x0  }
0xb0: {  	s6 =	sadd.s32 s5, s9;
	[sflag:s11] =	ssyncadd.s32 $0xFFFFC000  }
0xb1: {  	[tilespmem:s3], [sflag:$0x3] =	stream.linear.gather [hbm4b:s6+s3], $0x400, $0x38;
	[tilespmem:$0x1C800] =	vst v63  }
0xb2: {  	_ =	swait.ge [sflag:s11], $0x400  }
0xb3: {  	[sflag:s11] =	ssyncset.done $0x0  }
0xb4: {  	s6 =	sadd.s32 s5, s8;
	[sflag:s11] =	ssyncadd.s32 $0xFFFFFC00  }
0xb5: {  	[tilespmem:s12], [sflag:$0x3] =	stream.linear.gather [hbm4b:s6+s3], $0x400, $0x38;
	[tilespmem:$0x1C800] =	vst v63  }
0xb6: {  	_ =	swait.ge [sflag:s11], $0x400  }
0xb7: {  	[sflag:s11] =	ssyncset.done $0x0  }
0xb8: {  	[sflag:s11] =	ssyncadd.s32 $0xFFFFFC00  }
0xb9: {  	[tilespmem:s14], [sflag:$0x1] =	stream.indirect.gather [hbm4b:s4+s13], $0x80, s3, s13, $0xb8;
	[tilespmem:$0x1C800] =	vst v63  }
0xba: {  	_ = 	snop  }
0xbb: {  	[tilespmem:s15], [sflag:$0x2] =	stream.indirect.gather [hbm4b:s4+s13], $0x80, s13, s13, $0xb8;
	[tilespmem:$0x1C800] =	vst v63  }
0xbc: {  	_ =	swait.ge [sflag:s16], $0x4000  }
0xbd: {  	[sflag:s16] =	ssyncset.done $0x0  }
0xbe: {  	[sflag:s16] =	ssyncadd.s32 $0xFFFFC000  }
0xbf: {  	[spmem:s2] =	stream.indirect.scatter.add.f32 [tilespmem:s14], [sflag:$0x3], $0x80, s12, s13, $0xb8;
	[tilespmem:$0x1C800] =	vst v63  }
0xc0: {  	_ =	swait.ge [sflag:s11], $0x4000  }
0xc1: {  	[sflag:s11] =	ssyncset.done $0x0  }
0xc2: {  	[sflag:s11] =	ssyncadd.s32 $0xFFFFC000  }
0xc3: {  	[tilespmem:s14], [sflag:$0x1] =	stream.indirect.gather [hbm4b:s4+s13], $0x80, s17, s13, $0xb8;
	[tilespmem:$0x1C800] =	vst v63  }
0xc4: {  	_ =	swait.ge [sflag:s18], $0x4000  }
0xc5: {  	[sflag:s18] =	ssyncset.done $0x0  }
0xc6: {  	[sflag:s18] =	ssyncadd.s32 $0xFFFFC000  }
0xc7: {  	[spmem:s2] =	stream.indirect.scatter.add.f32 [tilespmem:s15], [sflag:$0x3], $0x80, s19, s13, $0xb8;
	[tilespmem:$0x1C800] =	vst v63  }
0xc8: {  	_ =	swait.ge [sflag:s11], $0x4000  }
0xc9: {  	[sflag:s11] =	ssyncset.done $0x0  }
0xca: {  	[sflag:s11] =	ssyncadd.s32 $0xFFFFC000  }
0xcb: {  	[tilespmem:s15], [sflag:$0x2] =	stream.indirect.gather [hbm4b:s4+s13], $0x80, s20, s13, $0xb8;
	[tilespmem:$0x1C800] =	vst v63  }
0xcc: {  	_ =	swait.ge [sflag:s16], $0x4000  }
0xcd: {  	[sflag:s16] =	ssyncset.done $0x0  }
0xce: {  	[sflag:s16] =	ssyncadd.s32 $0xFFFFC000  }
0xcf: {  	[spmem:s2] =	stream.indirect.scatter.add.f32 [tilespmem:s14], [sflag:$0x3], $0x80, s21, s13, $0xb8;
	[tilespmem:$0x1C800] =	vst v63  }
0xd0: {  	_ =	swait.ge [sflag:s11], $0x4000  }
0xd1: {  	[sflag:s11] =	ssyncset.done $0x0  }
0xd2: {  	[sflag:s11] =	ssyncadd.s32 $0xFFFFC000  }
0xd3: {  	[tilespmem:s14], [sflag:$0x1] =	stream.indirect.gather [hbm4b:s4+s13], $0x80, s22, s13, $0xb8;
	[tilespmem:$0x1C800] =	vst v63  }
0xd4: {  	_ =	swait.ge [sflag:s18], $0x4000  }
0xd5: {  	[sflag:s18] =	ssyncset.done $0x0  }
0xd6: {  	[sflag:s18] =	ssyncadd.s32 $0xFFFFC000  }
0xd7: {  	[spmem:s2] =	stream.indirect.scatter.add.f32 [tilespmem:s15], [sflag:$0x3], $0x80, s23, s13, $0xb8;
	[tilespmem:$0x1C800] =	vst v63  }
0xd8: {  	_ =	swait.ge [sflag:s11], $0x4000  }
0xd9: {  	[sflag:s11] =	ssyncset.done $0x0  }
0xda: {  	[sflag:s11] =	ssyncadd.s32 $0xFFFFC000  }
0xdb: {  	[tilespmem:s15], [sflag:$0x2] =	stream.indirect.gather [hbm4b:s4+s13], $0x80, s24, s13, $0xb8;
	[tilespmem:$0x1C800] =	vst v63  }
0xdc: {  	_ =	swait.ge [sflag:s16], $0x4000  }
0xdd: {  	[sflag:s16] =	ssyncset.done $0x0  }
0xde: {  	[sflag:s16] =	ssyncadd.s32 $0xFFFFC000  }
0xdf: {  	[spmem:s2] =	stream.indirect.scatter.add.f32 [tilespmem:s14], [sflag:$0x3], $0x80, s26, s13, $0xb8;
	[tilespmem:$0x1C800] =	vst v63  }
0xe0: {  	_ =	swait.ge [sflag:s11], $0x4000  }
0xe1: {  	[sflag:s11] =	ssyncset.done $0x0  }
0xe2: {  	[sflag:s11] =	ssyncadd.s32 $0xFFFFC000  }
0xe3: {  	[tilespmem:s14], [sflag:$0x1] =	stream.indirect.gather [hbm4b:s4+s13], $0x80, s28, s13, $0xb8;
	[tilespmem:$0x1C800] =	vst v63  }
0xe4: {  	_ =	swait.ge [sflag:s18], $0x4000  }
0xe5: {  	[sflag:s18] =	ssyncset.done $0x0  }
0xe6: {  	[sflag:s18] =	ssyncadd.s32 $0xFFFFC000  }
0xe7: {  	[spmem:s2] =	stream.indirect.scatter.add.f32 [tilespmem:s15], [sflag:$0x3], $0x80, s29, s13, $0xb8;
	[tilespmem:$0x1C800] =	vst v63  }
0xe8: {  	_ =	swait.ge [sflag:s11], $0x4000  }
0xe9: {  	[sflag:s11] =	ssyncset.done $0x0  }
0xea: {  	[sflag:s11] =	ssyncadd.s32 $0xFFFFC000  }
0xeb: {  	[tilespmem:s15], [sflag:$0x2] =	stream.indirect.gather [hbm4b:s4+s13], $0x80, s30, s13, $0xb8;
	[tilespmem:$0x1C800] =	vst v63  }
0xec: {  	_ =	swait.ge [sflag:s16], $0x4000  }
0xed: {  	[sflag:s16] =	ssyncset.done $0x0  }
0xee: {  	[sflag:s16] =	ssyncadd.s32 $0xFFFFC000  }
0xef: {  	[spmem:s2] =	stream.indirect.scatter.add.f32 [tilespmem:s14], [sflag:$0x3], $0x80, s31, s13, $0xb8;
	[tilespmem:$0x1C800] =	vst v63  }
0xf0: {  	_ =	swait.ge [sflag:s11], $0x4000  }
0xf1: {  	[sflag:s11] =	ssyncset.done $0x0  }
0xf2: {  	[sflag:s11] =	ssyncadd.s32 $0xFFFFC000  }
0xf3: {  	_ =	swait.ge [sflag:s18], $0x4000  }
0xf4: {  	[sflag:s18] =	ssyncset.done $0x0  }
0xf5: {  	[sflag:s18] =	ssyncadd.s32 $0xFFFFC000  }
0xf6: {  	[spmem:s2] =	stream.indirect.scatter.add.f32 [tilespmem:s15], [sflag:$0x3], $0x80, s0, s13, $0xb8;
	[tilespmem:$0x1C800] =	vst v63  }
0xf7: {  	_ =	swait.ge [sflag:s11], $0x4000  }
0xf8: {  	[sflag:s11] =	ssyncset.done $0x0  }
0xf9: {  	[sflag:s11] =	ssyncadd.s32 $0xFFFFC000  }
0xfa: {  	s7 =	stileid.u32;
	[bflag:$0x0] =	sbarrier.arrive $0xFFFF  }
0xfb: {  	s5 =	sshll.u32 s7, $0x6;
	s10 =	rddreg [dreg:$0x4]  }
0xfc: {  	s5 =	sor.u32 $0x1C03, s5;
	s7 =	rddreg [dreg:$0x7]  }
0xfd: {  	[hbm:s10], [sflag:s5] =	dma.local [spmem:s7], $0x2800  }
0xfe: {  	_ =	swait.ge [sflag:s11], $0x2800  }
0xff: {  	s1 =	sadd.s32 $0x1, s1;
	s25 =	rddreg [dreg:$0x5]  }
0x100: {  	p1 =	sne.s32 s1, s25  }
.Ltmp1:
0x101: {  	_ = 	snop;
	(pc) =	sbr.rel @p1 .LBB2_1-.Ltmp1, $3  }
0x102: {  	_ =	sdelay $0x1  }
0x103: {  	[sflag:s11] =	ssyncset.done $0x0  }
0x104: {  	[sflag:s11] =	ssyncadd.s32 $0xFFFFD800  }
0x105: {  	_ =	sfence.sel $0x180000  }
0x106: {  	[bflag:$0x0] =	sbarrier.arrive $0xFFFF  }
0x107: {  	_ =	strace $0x9000004D  }
0x108: {  	[bflag:$0x2] =	sbarrier.arrive $0xFFFF  }
0x109: {  	s0 =	rddreg [dreg:$0x2]  }
0x10a: {  	s0 =	sadd.s32 @!p0 $0x100000, s0  }
0x10b: {  	[sflag:s0] =	ssyncadd.tile.s32 @!p0 $0x1;
	_ =	shalt  }
.Lfunc_end2:
_tile_overlayer_lowered:
.L_overlay_start_2:
0x10c: {  	(tag) =	ssettag $0x2  }
0x10d: {  	s0 =	rddreg [dreg:$0x0];
	s2 =	stileid.u32  }
0x10e: {  	s1 =	rddreg [dreg:$0x1];
	p0 =	sne.s32 s2, $0x0  }
0x10f: {  	s3 =	rddreg [dreg:$0x2];
	[bflag:$0x3] =	sbarrier.arrive $0xFFFF;
	s2 =	simm.s32 @!p0 $0x1C03  }
0x110: {  	[timem:s3], [sflag:s2] =	dma.local @!p0 [hbm:s0], s1  }
0x111: {  	s0 =	simm.s32 @!p0 $0x3  }
0x112: {  	_ =	swait.ge @!p0 [sflag:s0], s1  }
0x113: {  	s1 =	ssub.s32 @!p0 $0x0, s1;
	[sflag:s0] =	ssyncset.done @!p0 $0x0  }
0x114: {  	[sflag:s0] =	ssyncadd.s32 @!p0 s1  }
0x115: {  	[bflag:$0x3] =	sbarrier.arrive $0xFFFF  }
0x116: {  	_ =	shalt  }

// kernel: kernel.21.cloned.1.call-start
scs
__scs_entry_jumppad:
0x0: {  	(pc) =	sbr.rel $0x88, $3  }
0x1: {  	(tag) =	ssettag $0x0;
	lr =	simm.s32 $0x1  }
0x2: {  	[smem:$0x3F99] =	sst lr;
	_ =	strace $0xD0000000  }
0x3: {  	_ = 	snop  }
0x4: {  	_ = 	snop  }
0x5: {  	_ = 	snop  }
0x6: {  	_ = 	snop  }
0x7: {  	_ = 	snop  }
__scs_overlays_trampoline_lowered:
0x8: {  	[smem:$0x3FA8] =	sst s0  }
0x9: {  	[smem:$0x3FA9] =	sst s1  }
0xa: {  	[smem:$0x3FAA] =	sst s2  }
0xb: {  	[smem:$0x3FAB] =	sst s3  }
0xc: {  	[smem:$0x3FAC] =	sst s4  }
0xd: {  	[smem:$0x3FAD] =	sst s5  }
0xe: {  	[smem:$0x3FAE] =	sst s6  }
0xf: {  	[smem:$0x3FAF] =	sst s7  }
0x10: {  	[smem:$0x3FB0] =	sst s8  }
0x11: {  	[smem:$0x3FB1] =	sst s9;
	s0 =	simm.s32 @!p0 $0x0  }
0x12: {  	s1 =	sld [smem:$0x3F97];
	s0 =	simm.s32 @p0 $0x1  }
0x13: {  	[smem:$0x3FB2] =	sst s0;
	s0 =	simm.s32 @!p1 $0x0  }
0x14: {  	s2 =	sld [smem:$0x3F96];
	s0 =	simm.s32 @p1 $0x1  }
0x15: {  	[smem:$0x3FB3] =	sst s0;
	s0 =	simm.s32 @!p2 $0x0  }
0x16: {  	s3 =	sld [smem:$0x3FDB];
	s0 =	simm.s32 @p2 $0x1  }
0x17: {  	s4 =	simm.s32 $0x1BF5;
	[smem:$0x3FB5] =	sst s0  }
0x18: {  	s0 =	sld [smem:$0x3F98];
	_ =	swait.ge [sflag:s4], $0x0  }
0x19: {  	s7 =	sld [smem:$0x3F99]  }
0x1a: {  	s8 =	sadd.s32 $0xFFFFE003, lr  }
0x1b: {  	s9 =	sadd.s32 $0xFFFFFEF7, lr;
	s5 =	simm.s32 $0xFFFFFFFF;
	p2 =	slt.u32 s8, $0xFFFFF086  }
0x1c: {  	p1 =	slt.u32 s9, $0xF7A;
	s5 =	simm.s32 @!p2 $0x0  }
0x1d: {  	s5 =	simm.s32 @p1 $0x1;
	p0 =	seq.s32 s7, s2  }
0x1e: {  	s7 =	smul.u32 @!p0 $0xF7A, s2;
	p2 =	seq.s32 @!p0 s5, $0x0  }
0x1f: {  	s9 =	smul.u32 $0xF7A, s1;
	s8 =	simm.s32 @!p0 $0x1BF5;
	p2 =	por !p2, p0  }
0x20: {  	[sflag:s8] =	ssyncset.s32 @!p0 $0xFFFFF086;
	s6 =	sadd.s32 @!p0 s3, s7;
	s7 =	simm.s32 @!p0 $0x108  }
0x21: {  	s3 =	sadd.s32 s3, s9;
	s6 =	sadd.s32 @!p0 $0x88, s6;
	s7 =	simm.s32 @p2 $0x1082  }
0x22: {  	[simem:s7], [sflag:s8] =	dma.local @!p0 [hbm:s6], $0xF7A  }
0x23: {  	s9 =	sor.u32 $0xD0000000, s2;
	s6 =	simm.s32 $0x108;
	_ =	swait.ge @!p0 [sflag:s8], $0x0  }
0x24: {  	s3 =	sadd.s32 $0x88, s3;
	s6 =	simm.s32 @!p1 $0x1082;
	[sflag:s4] =	ssyncset.s32 $0xFFFFF086  }
0x25: {  	[simem:s6], [sflag:s4] =	dma.local [hbm:s3], $0xF7A  }
0x26: {  	[smem:$0x3F99] =	sst s1;
	(tag) =	ssettag s2;
	_ =	strace s9  }
0x27: {  	s1 =	sld [smem:$0x3FA9]  }
0x28: {  	s2 =	sld [smem:$0x3FAA]  }
0x29: {  	s4 =	sld [smem:$0x3FAC]  }
0x2a: {  	p0 =	seq.s32 s5, $0x0;
	s5 =	sld [smem:$0x3FAD]  }
0x2b: {  	s6 =	sld [smem:$0x3FAE]  }
0x2c: {  	s7 =	sld [smem:$0x3FAF]  }
0x2d: {  	s3 =	simm.s32 $0x108;
	s8 =	sld [smem:$0x3FB0]  }
0x2e: {  	s3 =	simm.s32 @!p0 $0x1082;
	s9 =	sld [smem:$0x3FB1]  }
0x2f: {  	lr =	sadd.s32 s0, s3;
	s0 =	sld [smem:$0x3FA8]  }
0x30: {  	s3 =	sld [smem:$0x3FAB]  }
0x31: {  	[smem:$0x3FB4] =	sst s10  }
0x32: {  	s10 =	sld [smem:$0x3FB2];
	_ =	sdelay $0x3  }
0x33: {  	p0 =	seq.s32 s10, $0x1;
	s10 =	sld [smem:$0x3FB4];
	_ =	sdelay $0x3  }
0x34: {  	[smem:$0x3FB4] =	sst s10  }
0x35: {  	s10 =	sld [smem:$0x3FB3];
	_ =	sdelay $0x3  }
0x36: {  	p1 =	seq.s32 s10, $0x1;
	s10 =	sld [smem:$0x3FB4];
	_ =	sdelay $0x3  }
0x37: {  	[smem:$0x3FB4] =	sst s10  }
0x38: {  	s10 =	sld [smem:$0x3FB5]  }
0x39: {  	_ = 	snop;
	(pc) =	sbr.ind lr, $3  }
0x3a: {  	_ = 	snop  }
0x3b: {  	_ = 	snop  }
0x3c: {  	p2 =	seq.s32 s10, $0x1;
	s10 =	sld [smem:$0x3FB4]  }
0x3d: {  	_ =	shalt  }
0x3e: {  	_ =	shalt  }
0x3f: {  	_ =	shalt  }
0x40: {  	_ =	shalt  }
0x41: {  	_ =	shalt  }
0x42: {  	_ =	shalt  }
0x43: {  	_ =	shalt  }
0x44: {  	_ =	shalt  }
0x45: {  	_ =	shalt  }
0x46: {  	_ =	shalt  }
0x47: {  	_ =	shalt  }
0x48: {  	_ =	shalt  }
0x49: {  	_ =	shalt  }
0x4a: {  	_ =	shalt  }
0x4b: {  	_ =	shalt  }
0x4c: {  	_ =	shalt  }
0x4d: {  	_ =	shalt  }
0x4e: {  	_ =	shalt  }
0x4f: {  	_ =	shalt  }
0x50: {  	_ =	shalt  }
0x51: {  	_ =	shalt  }
0x52: {  	_ =	shalt  }
0x53: {  	_ =	shalt  }
0x54: {  	_ =	shalt  }
0x55: {  	_ =	shalt  }
0x56: {  	_ =	shalt  }
0x57: {  	_ =	shalt  }
0x58: {  	_ =	shalt  }
0x59: {  	_ =	shalt  }
0x5a: {  	_ =	shalt  }
0x5b: {  	_ =	shalt  }
0x5c: {  	_ =	shalt  }
0x5d: {  	_ =	shalt  }
0x5e: {  	_ =	shalt  }
0x5f: {  	_ =	shalt  }
0x60: {  	_ =	shalt  }
0x61: {  	_ =	shalt  }
0x62: {  	_ =	shalt  }
0x63: {  	_ =	shalt  }
0x64: {  	_ =	shalt  }
0x65: {  	_ =	shalt  }
0x66: {  	_ =	shalt  }
0x67: {  	_ =	shalt  }
0x68: {  	_ =	shalt  }
0x69: {  	_ =	shalt  }
0x6a: {  	_ =	shalt  }
0x6b: {  	_ =	shalt  }
0x6c: {  	_ =	shalt  }
0x6d: {  	_ =	shalt  }
0x6e: {  	_ =	shalt  }
0x6f: {  	_ =	shalt  }
0x70: {  	_ =	shalt  }
0x71: {  	_ =	shalt  }
0x72: {  	_ =	shalt  }
0x73: {  	_ =	shalt  }
0x74: {  	_ =	shalt  }
0x75: {  	_ =	shalt  }
0x76: {  	_ =	shalt  }
0x77: {  	_ =	shalt  }
0x78: {  	_ =	shalt  }
0x79: {  	_ =	shalt  }
0x7a: {  	_ =	shalt  }
0x7b: {  	_ =	shalt  }
0x7c: {  	_ =	shalt  }
0x7d: {  	_ =	shalt  }
0x7e: {  	_ =	shalt  }
0x7f: {  	_ =	shalt  }
0x80: {  	_ =	shalt  }
0x81: {  	_ =	shalt  }
0x82: {  	_ =	shalt  }
0x83: {  	_ =	shalt  }
0x84: {  	_ =	shalt  }
0x85: {  	_ =	shalt  }
0x86: {  	_ =	shalt  }
0x87: {  	_ =	shalt  }
.Lfunc_end0:
.L_simem_size_0:
called_computation.3_lowered:
.L_overlay_start_0:
0x88: {  	s2 =	sld [smem:$0x3FD9]  }
0x89: {  	s3 =	sld [smem:$0x3FFE];
	_ =	sdelay $0x1  }
0x8a: {  	s1 =	srdreg.scid  }
0x8b: {  	s0 =	sand.u32 $0x1, s1  }
0x8c: {  	s16 =	sshll.u32 s0, $0xA;
	s2 =	sadd.s32 s3, s2  }
0x8d: {  	s2 =	sadd.s32 s2, s16  }
0x8e: {  	[smem:$0x3FC0] =	sst s2  }
0x8f: {  	_ = 	snop  }
0x90: {  	(tm) =	ssettm $0x1  }
0x91: {  	s17 =	sld [smem:$0x3FFB];
	_ =	sdelay $0x3  }
0x92: {  	_ =	strace s17  }
0x93: {  	s2 =	sld [smem:$0x3FFC];
	_ =	sdelay $0x3  }
0x94: {  	_ =	strace s2  }
0x95: {  	s2 =	sld [smem:$0x3FFD];
	_ =	sdelay $0x3  }
0x96: {  	_ =	strace s2  }
0x97: {  	_ =	strace $0x8FFFFFFF  }
0x98: {  	s18 =	sld [smem:$0x3FDB];
	_ =	sdelay $0x1  }
0x99: {  	s19 =	simm.s32 $_scs_section_size  }
0x9a: {  	s4 =	simm.s32 $_size__tile_overlayer_lowered;
	s5 =	simm.s32 $_tile_overlayer_lowered  }
0x9b: {  	s22 =	simm.s32 $0x1BFF;
	s21 =	sshll.u32 s5, $0x1;
	s2 =	sadd.s32 s19, s18  }
0x9c: {  	s6 =	simm.s32 $0x0;
	s20 =	sshll.u32 s4, $0x1;
	s4 =	sadd.s32 s21, s2  }
0x9d: {  	[timem:s6], [sflag:s22] =	dma.local [hbm:s4], s20  }
0x9e: {  	_ =	swait.ge [sflag:s22], s20  }
0x9f: {  	s3 =	ssub.s32 $0x0, s20;
	[sflag:s22] =	ssyncset.done $0x0  }
0xa0: {  	[sflag:s22] =	ssyncadd.s32 s3;
	_ =	sdelay $0x1  }
0xa1: {  	s23 =	simm.s32 $0x1B8B  }
0xa2: {  	_ =	swait.ge [sflag:s23], $0x1  }
0xa3: {  	[sflag:s23] =	ssyncset.done $0x0  }
0xa4: {  	s25 =	simm.s32 $0x1B8E;
	s24 =	sld [smem:$0x3FFE];
	[sflag:s23] =	ssyncadd.s32 $0xFFFFFFFF  }
0xa5: {  	s26 =	simm.s32 $execute0_lowered;
	[smem:$0x3FD2] =	sst s25  }
0xa6: {  	s4 =	sshll.u32 s26, $0x1;
	_ =	strace $0x8000004F;
	[dreg:$0x1] =	wrdreg $0xFFFFFFFF  }
0xa7: {  	s28 =	simm.s32 $_size_execute0_lowered;
	s2 =	sadd.s32 s2, s4;
	[dreg:$0x0] =	wrdreg $0x0  }
0xa8: {  	s4 =	sshll.u32 s28, $0x1;
	[dreg:$0x2] =	wrdreg s2  }
0xa9: {  	[dreg:$0x3] =	wrdreg s4  }
0xaa: {  	[dreg:$0x4] =	wrdreg $0xC0  }
0xab: {  	_ =	task [dreg:s6], $0x5FFFF  }
0xac: {  	[dreg:$0x1] =	wrdreg $0xFFFFFFFF  }
0xad: {  	[dreg:$0x0] =	wrdreg $0x60  }
0xae: {  	[dreg:$0x2] =	wrdreg s24  }
0xaf: {  	[dreg:$0x3] =	wrdreg $0x88000  }
0xb0: {  	[dreg:$0x4] =	wrdreg $0x9  }
0xb1: {  	_ =	task.clear_ibuf [dreg:s6], $0x5FFFF;
	_ =	strace $0x9000004F  }
0xb2: {  	s29 =	simm.s32 $0x9;
	_ =	strace $0x80000051  }
0xb3: {  	_ =	swait.ge [sflag:s29], $0x1  }
0xb4: {  	[sflag:s29] =	ssyncadd.s32 $0xFFFFFFFF  }
0xb5: {  	_ =	strace $0x90000051  }
0xb6: {  	_ =	sfence  }
0xb7: {  	s30 =	sld [smem:$0x0];
	_ =	sdelay $0x2  }
0xb8: {  	s31 =	sshll.u32 s1, $0xD;
	s1 =	sshrl.u32 s1, $0x2  }
0xb9: {  	s3 =	sand.u32 $0x4000, s31;
	s1 =	sadd.s32 s1, s30  }
0xba: {  	s0 =	sor.u32 s3, s0;
	s1 =	sshll.u32 s1, $0x11  }
0xbb: {  	s0 =	sor.u32 s1, s0  }
0xbc: {  	s0 =	sadd.s32 $0x8F2B, s0  }
0xbd: {  	[sflag:s0] =	ssyncadd.remote.s32 $0x1  }
0xbe: {  	_ =	sfence.sel $0xFFFF  }
0xbf: {  	[dreg:$0x0] =	wrdreg $0xFFFFFFFF;
	(pc) =	sbr.abs _section_cstart, $3  }
0xc0: {  	[dreg:$0x1] =	wrdreg $0xFFFFFFFF  }
0xc1: {  	_ =	task.clear_ibuf [dreg:s6], $0x2FFFF;
	_ =	strace $0x9FFFFFFF  }
0xc2: {  	(tm) =	ssettm $0x7FFFFFFF  }
0xc3: {  	_ =	shalt  }
tec
execute0_lowered:
.L_overlay_start_1:
0x0: {  	(tag) =	ssettag $0x1  }
0x1: {  	s0 =	srdreg.scid;
	s1 =	rddreg [dreg:$0x0]  }
0x2: {  	s9 =	stileid.u32;
	s2 =	rddreg [dreg:$0x1]  }
0x3: {  	s3 =	simm.s32 $0x0;
	s11 =	simm.s32 $0x3;
	s12 =	simm.s32 $0x400  }
0x4: {  	s13 =	simm.s32 $0x80;
	s14 =	simm.s32 $0x800;
	s15 =	simm.s32 $0x4800  }
0x5: {  	s16 =	simm.s32 $0x1;
	s17 =	simm.s32 $0x100;
	s18 =	simm.s32 $0x2  }
0x6: {  	s19 =	simm.s32 $0x480;
	s20 =	simm.s32 $0x180;
	s5 =	smul.u32 $0x2800, s9  }
0x7: {  	s21 =	simm.s32 $0x500;
	s28 =	simm.s32 $0x300;
	s6 =	smul.u32 $0x500, s9  }
0x8: {  	s29 =	simm.s32 $0x680;
	s30 =	simm.s32 $0x380;
	s8 =	smul.u32 $0x14000, s9  }
0x9: {  	s31 =	simm.s32 $0x700;
	s0 =	sand.u32 $0x1, s0;
	s23 =	smul.u32 $0x50000, s9  }
0xa: {  	[smem:$0x7FF] =	sst s3;
	s10 =	sadd.s32 $0x8000, s1;
	s4 =	smul.u32 $0x28000, s0  }
0xb: {  	p0 =	sne.s32 s9, $0x0;
	s22 =	smul.u32 $0x140000, s0;
	_ =	strace $0x80000050  }
0xc: {  	[dreg:$0x3] =	wrdreg s10;
	s0 =	ssub.s32 $0x2, s0;
	s6 =	sadd.s32 s6, s1  }
0xd: {  	s24 =	sshrl.u32 s0, $0x1;
	s4 =	sadd.s32 s5, s4;
	s5 =	sadd.s32 s8, s22  }
0xe: {  	s8 =	sshrl.u32 s23, $0x2;
	s0 =	ssub.s32 s0, s24;
	s22 =	simm.s32 $0x200  }
0xf: {  	s23 =	simm.s32 $0x580;
	s24 =	simm.s32 $0x280;
	s7 =	sshrl.u32 s4, $0x3  }
0x10: {  	s4 =	sadd.s32 $0x30000, s1;
	s5 =	sshrl.u32 s5, $0x3;
	s25 =	sadd.s32 s8, s2  }
0x11: {  	s0 =	smax.u32 s0, $0x1;
	s8 =	sadd.s32 $0x2800, s6;
	s7 =	sadd.s32 s7, s1  }
0x12: {  	s1 =	sadd.s32 s5, s1;
	[dreg:$0x5] =	wrdreg s0;
	s0 =	sshrl.u32 @!p0 s2, $0x3  }
0x13: {  	s26 =	sshrl.u32 s25, $0x3;
	s1 =	sadd.s32 $0x7E200, s1;
	[dreg:$0x6] =	wrdreg s0  }
0x14: {  	s9 =	sadd.s32 $0xCE200, s7;
	[dreg:$0x7] =	wrdreg s26;
	s26 =	simm.s32 $0x600  }
0x15: {  	s0 =	simm.s32 $0x780;
	[dreg:$0x4] =	wrdreg s1;
	s1 =	simm.s32 $0x0  }
.LBB2_1:
0x16: {  	s6 =	rddreg [dreg:$0x3]  }
0x17: {  	s5 =	simm.s32 @!p0 $0x1C03;
	s7 =	rddreg [dreg:$0x6]  }
0x18: {  	[spmem:s7], [sflag:s5] =	dma.local @!p0 [hbm:s6], $0x28000  }
0x19: {  	s5 =	simm.s32 @!p0 $0x3  }
0x1a: {  	_ =	swait.ge @!p0 [sflag:s5], $0x28000  }
0x1b: {  	[sflag:s5] =	ssyncset.done @!p0 $0x0  }
0x1c: {  	[sflag:s5] =	ssyncadd.s32 @!p0 $0xFFFD8000  }
0x1d: {  	s10 =	sadd.s32 $0x0, s9;
	[bflag:$0x0] =	sbarrier.arrive $0xFFFF  }
0x1e: {  	[tilespmem:s3], [sflag:$0x3] =	stream.linear.gather [hbm4b:s10+s3], $0x400, $0x38;
	[tilespmem:$0x1C800] =	vst v63  }
0x1f: {  	_ =	swait.ge [sflag:s11], $0x400  }
0x20: {  	[sflag:s11] =	ssyncset.done $0x0  }
0x21: {  	s25 =	sadd.s32 $0x0, s8;
	[sflag:s11] =	ssyncadd.s32 $0xFFFFFC00  }
0x22: {  	[tilespmem:s12], [sflag:$0x3] =	stream.linear.gather [hbm4b:s25+s3], $0x400, $0x38;
	[tilespmem:$0x1C800] =	vst v63  }
0x23: {  	_ =	swait.ge [sflag:s11], $0x400  }
0x24: {  	[sflag:s11] =	ssyncset.done $0x0  }
0x25: {  	[sflag:s11] =	ssyncadd.s32 $0xFFFFFC00  }
0x26: {  	[tilespmem:s14], [sflag:$0x1] =	stream.indirect.gather [hbm4b:s4+s13], $0x80, s3, s13, $0xb8;
	[tilespmem:$0x1C800] =	vst v63  }
0x27: {  	_ = 	snop  }
0x28: {  	[tilespmem:s15], [sflag:$0x2] =	stream.indirect.gather [hbm4b:s4+s13], $0x80, s13, s13, $0xb8;
	[tilespmem:$0x1C800] =	vst v63  }
0x29: {  	_ =	swait.ge [sflag:s16], $0x4000  }
0x2a: {  	[sflag:s16] =	ssyncset.done $0x0  }
0x2b: {  	[sflag:s16] =	ssyncadd.s32 $0xFFFFC000  }
0x2c: {  	[spmem:s2] =	stream.indirect.scatter.add.f32 [tilespmem:s14], [sflag:$0x3], $0x80, s12, s13, $0xb8;
	[tilespmem:$0x1C800] =	vst v63  }
0x2d: {  	_ =	swait.ge [sflag:s11], $0x4000  }
0x2e: {  	[sflag:s11] =	ssyncset.done $0x0  }
0x2f: {  	[sflag:s11] =	ssyncadd.s32 $0xFFFFC000  }
0x30: {  	[tilespmem:s14], [sflag:$0x1] =	stream.indirect.gather [hbm4b:s4+s13], $0x80, s17, s13, $0xb8;
	[tilespmem:$0x1C800] =	vst v63  }
0x31: {  	_ =	swait.ge [sflag:s18], $0x4000  }
0x32: {  	[sflag:s18] =	ssyncset.done $0x0  }
0x33: {  	[sflag:s18] =	ssyncadd.s32 $0xFFFFC000  }
0x34: {  	[spmem:s2] =	stream.indirect.scatter.add.f32 [tilespmem:s15], [sflag:$0x3], $0x80, s19, s13, $0xb8;
	[tilespmem:$0x1C800] =	vst v63  }
0x35: {  	_ =	swait.ge [sflag:s11], $0x4000  }
0x36: {  	[sflag:s11] =	ssyncset.done $0x0  }
0x37: {  	[sflag:s11] =	ssyncadd.s32 $0xFFFFC000  }
0x38: {  	[tilespmem:s15], [sflag:$0x2] =	stream.indirect.gather [hbm4b:s4+s13], $0x80, s20, s13, $0xb8;
	[tilespmem:$0x1C800] =	vst v63  }
0x39: {  	_ =	swait.ge [sflag:s16], $0x4000  }
0x3a: {  	[sflag:s16] =	ssyncset.done $0x0  }
0x3b: {  	[sflag:s16] =	ssyncadd.s32 $0xFFFFC000  }
0x3c: {  	[spmem:s2] =	stream.indirect.scatter.add.f32 [tilespmem:s14], [sflag:$0x3], $0x80, s21, s13, $0xb8;
	[tilespmem:$0x1C800] =	vst v63  }
0x3d: {  	_ =	swait.ge [sflag:s11], $0x4000  }
0x3e: {  	[sflag:s11] =	ssyncset.done $0x0  }
0x3f: {  	[sflag:s11] =	ssyncadd.s32 $0xFFFFC000  }
0x40: {  	[tilespmem:s14], [sflag:$0x1] =	stream.indirect.gather [hbm4b:s4+s13], $0x80, s22, s13, $0xb8;
	[tilespmem:$0x1C800] =	vst v63  }
0x41: {  	_ =	swait.ge [sflag:s18], $0x4000  }
0x42: {  	[sflag:s18] =	ssyncset.done $0x0  }
0x43: {  	[sflag:s18] =	ssyncadd.s32 $0xFFFFC000  }
0x44: {  	[spmem:s2] =	stream.indirect.scatter.add.f32 [tilespmem:s15], [sflag:$0x3], $0x80, s23, s13, $0xb8;
	[tilespmem:$0x1C800] =	vst v63  }
0x45: {  	_ =	swait.ge [sflag:s11], $0x4000  }
0x46: {  	[sflag:s11] =	ssyncset.done $0x0  }
0x47: {  	[sflag:s11] =	ssyncadd.s32 $0xFFFFC000  }
0x48: {  	[tilespmem:s15], [sflag:$0x2] =	stream.indirect.gather [hbm4b:s4+s13], $0x80, s24, s13, $0xb8;
	[tilespmem:$0x1C800] =	vst v63  }
0x49: {  	_ =	swait.ge [sflag:s16], $0x4000  }
0x4a: {  	[sflag:s16] =	ssyncset.done $0x0  }
0x4b: {  	[sflag:s16] =	ssyncadd.s32 $0xFFFFC000  }
0x4c: {  	[spmem:s2] =	stream.indirect.scatter.add.f32 [tilespmem:s14], [sflag:$0x3], $0x80, s26, s13, $0xb8;
	[tilespmem:$0x1C800] =	vst v63  }
0x4d: {  	_ =	swait.ge [sflag:s11], $0x4000  }
0x4e: {  	[sflag:s11] =	ssyncset.done $0x0  }
0x4f: {  	[sflag:s11] =	ssyncadd.s32 $0xFFFFC000  }
0x50: {  	[tilespmem:s14], [sflag:$0x1] =	stream.indirect.gather [hbm4b:s4+s13], $0x80, s28, s13, $0xb8;
	[tilespmem:$0x1C800] =	vst v63  }
0x51: {  	_ =	swait.ge [sflag:s18], $0x4000  }
0x52: {  	[sflag:s18] =	ssyncset.done $0x0  }
0x53: {  	[sflag:s18] =	ssyncadd.s32 $0xFFFFC000  }
0x54: {  	[spmem:s2] =	stream.indirect.scatter.add.f32 [tilespmem:s15], [sflag:$0x3], $0x80, s29, s13, $0xb8;
	[tilespmem:$0x1C800] =	vst v63  }
0x55: {  	_ =	swait.ge [sflag:s11], $0x4000  }
0x56: {  	[sflag:s11] =	ssyncset.done $0x0  }
0x57: {  	[sflag:s11] =	ssyncadd.s32 $0xFFFFC000  }
0x58: {  	[tilespmem:s15], [sflag:$0x2] =	stream.indirect.gather [hbm4b:s4+s13], $0x80, s30, s13, $0xb8;
	[tilespmem:$0x1C800] =	vst v63  }
0x59: {  	_ =	swait.ge [sflag:s16], $0x4000  }
0x5a: {  	[sflag:s16] =	ssyncset.done $0x0  }
0x5b: {  	[sflag:s16] =	ssyncadd.s32 $0xFFFFC000  }
0x5c: {  	[spmem:s2] =	stream.indirect.scatter.add.f32 [tilespmem:s14], [sflag:$0x3], $0x80, s31, s13, $0xb8;
	[tilespmem:$0x1C800] =	vst v63  }
0x5d: {  	_ =	swait.ge [sflag:s11], $0x4000  }
0x5e: {  	[sflag:s11] =	ssyncset.done $0x0  }
0x5f: {  	[sflag:s11] =	ssyncadd.s32 $0xFFFFC000  }
0x60: {  	_ =	swait.ge [sflag:s18], $0x4000  }
0x61: {  	[sflag:s18] =	ssyncset.done $0x0  }
0x62: {  	[sflag:s18] =	ssyncadd.s32 $0xFFFFC000  }
0x63: {  	[spmem:s2] =	stream.indirect.scatter.add.f32 [tilespmem:s15], [sflag:$0x3], $0x80, s0, s13, $0xb8;
	[tilespmem:$0x1C800] =	vst v63  }
0x64: {  	_ =	swait.ge [sflag:s11], $0x4000  }
0x65: {  	s6 =	simm.s32 $0x100;
	s5 =	simm.s32 $0x80;
	[sflag:s11] =	ssyncset.done $0x0  }
.LBB2_2:
0x66: {  	s10 =	sadd.s32 s5, s9  }
0x67: {  	[sflag:s11] =	ssyncadd.s32 $0xFFFFC000;
	s25 =	smov.u32 s6;
	s7 =	sadd.s32 $0x80, s6  }
0x68: {  	[tilespmem:s3], [sflag:$0x3] =	stream.linear.gather [hbm4b:s10+s3], $0x400, $0x38;
	[tilespmem:$0x1C800] =	vst v63  }
0x69: {  	p1 =	sne.s32 s6, $0x480;
	_ =	swait.ge [sflag:s11], $0x400  }
0x6a: {  	[sflag:s11] =	ssyncset.done $0x0  }
0x6b: {  	s6 =	sadd.s32 s5, s8;
	s5 =	smov.u32 s25;
	[sflag:s11] =	ssyncadd.s32 $0xFFFFFC00  }
0x6c: {  	[tilespmem:s12], [sflag:$0x3] =	stream.linear.gather [hbm4b:s6+s3], $0x400, $0x38;
	[tilespmem:$0x1C800] =	vst v63  }
0x6d: {  	_ =	swait.ge [sflag:s11], $0x400  }
0x6e: {  	[sflag:s11] =	ssyncset.done $0x0  }
0x6f: {  	[sflag:s11] =	ssyncadd.s32 $0xFFFFFC00  }
0x70: {  	[tilespmem:s14], [sflag:$0x1] =	stream.indirect.gather [hbm4b:s4+s13], $0x80, s3, s13, $0xb8;
	[tilespmem:$0x1C800] =	vst v63  }
0x71: {  	_ = 	snop  }
0x72: {  	[tilespmem:s15], [sflag:$0x2] =	stream.indirect.gather [hbm4b:s4+s13], $0x80, s13, s13, $0xb8;
	[tilespmem:$0x1C800] =	vst v63  }
0x73: {  	_ =	swait.ge [sflag:s16], $0x4000  }
0x74: {  	[sflag:s16] =	ssyncset.done $0x0  }
0x75: {  	[sflag:s16] =	ssyncadd.s32 $0xFFFFC000  }
0x76: {  	[spmem:s2] =	stream.indirect.scatter.add.f32 [tilespmem:s14], [sflag:$0x3], $0x80, s12, s13, $0xb8;
	[tilespmem:$0x1C800] =	vst v63  }
0x77: {  	_ =	swait.ge [sflag:s11], $0x4000  }
0x78: {  	[sflag:s11] =	ssyncset.done $0x0  }
0x79: {  	[sflag:s11] =	ssyncadd.s32 $0xFFFFC000  }
0x7a: {  	[tilespmem:s14], [sflag:$0x1] =	stream.indirect.gather [hbm4b:s4+s13], $0x80, s17, s13, $0xb8;
	[tilespmem:$0x1C800] =	vst v63  }
0x7b: {  	_ =	swait.ge [sflag:s18], $0x4000  }
0x7c: {  	[sflag:s18] =	ssyncset.done $0x0  }
0x7d: {  	[sflag:s18] =	ssyncadd.s32 $0xFFFFC000  }
0x7e: {  	[spmem:s2] =	stream.indirect.scatter.add.f32 [tilespmem:s15], [sflag:$0x3], $0x80, s19, s13, $0xb8;
	[tilespmem:$0x1C800] =	vst v63  }
0x7f: {  	_ =	swait.ge [sflag:s11], $0x4000  }
0x80: {  	[sflag:s11] =	ssyncset.done $0x0  }
0x81: {  	[sflag:s11] =	ssyncadd.s32 $0xFFFFC000  }
0x82: {  	[tilespmem:s15], [sflag:$0x2] =	stream.indirect.gather [hbm4b:s4+s13], $0x80, s20, s13, $0xb8;
	[tilespmem:$0x1C800] =	vst v63  }
0x83: {  	_ =	swait.ge [sflag:s16], $0x4000  }
0x84: {  	[sflag:s16] =	ssyncset.done $0x0  }
0x85: {  	[sflag:s16] =	ssyncadd.s32 $0xFFFFC000  }
0x86: {  	[spmem:s2] =	stream.indirect.scatter.add.f32 [tilespmem:s14], [sflag:$0x3], $0x80, s21, s13, $0xb8;
	[tilespmem:$0x1C800] =	vst v63  }
0x87: {  	_ =	swait.ge [sflag:s11], $0x4000  }
0x88: {  	[sflag:s11] =	ssyncset.done $0x0  }
0x89: {  	[sflag:s11] =	ssyncadd.s32 $0xFFFFC000  }
0x8a: {  	[tilespmem:s14], [sflag:$0x1] =	stream.indirect.gather [hbm4b:s4+s13], $0x80, s22, s13, $0xb8;
	[tilespmem:$0x1C800] =	vst v63  }
0x8b: {  	_ =	swait.ge [sflag:s18], $0x4000  }
0x8c: {  	[sflag:s18] =	ssyncset.done $0x0  }
0x8d: {  	[sflag:s18] =	ssyncadd.s32 $0xFFFFC000  }
0x8e: {  	[spmem:s2] =	stream.indirect.scatter.add.f32 [tilespmem:s15], [sflag:$0x3], $0x80, s23, s13, $0xb8;
	[tilespmem:$0x1C800] =	vst v63  }
0x8f: {  	_ =	swait.ge [sflag:s11], $0x4000  }
0x90: {  	[sflag:s11] =	ssyncset.done $0x0  }
0x91: {  	[sflag:s11] =	ssyncadd.s32 $0xFFFFC000  }
0x92: {  	[tilespmem:s15], [sflag:$0x2] =	stream.indirect.gather [hbm4b:s4+s13], $0x80, s24, s13, $0xb8;
	[tilespmem:$0x1C800] =	vst v63  }
0x93: {  	_ =	swait.ge [sflag:s16], $0x4000  }
0x94: {  	[sflag:s16] =	ssyncset.done $0x0  }
0x95: {  	[sflag:s16] =	ssyncadd.s32 $0xFFFFC000  }
0x96: {  	[spmem:s2] =	stream.indirect.scatter.add.f32 [tilespmem:s14], [sflag:$0x3], $0x80, s26, s13, $0xb8;
	[tilespmem:$0x1C800] =	vst v63  }
0x97: {  	_ =	swait.ge [sflag:s11], $0x4000  }
0x98: {  	[sflag:s11] =	ssyncset.done $0x0  }
0x99: {  	[sflag:s11] =	ssyncadd.s32 $0xFFFFC000  }
0x9a: {  	[tilespmem:s14], [sflag:$0x1] =	stream.indirect.gather [hbm4b:s4+s13], $0x80, s28, s13, $0xb8;
	[tilespmem:$0x1C800] =	vst v63  }
0x9b: {  	_ =	swait.ge [sflag:s18], $0x4000  }
0x9c: {  	[sflag:s18] =	ssyncset.done $0x0  }
0x9d: {  	[sflag:s18] =	ssyncadd.s32 $0xFFFFC000  }
0x9e: {  	[spmem:s2] =	stream.indirect.scatter.add.f32 [tilespmem:s15], [sflag:$0x3], $0x80, s29, s13, $0xb8;
	[tilespmem:$0x1C800] =	vst v63  }
0x9f: {  	_ =	swait.ge [sflag:s11], $0x4000  }
0xa0: {  	[sflag:s11] =	ssyncset.done $0x0  }
0xa1: {  	[sflag:s11] =	ssyncadd.s32 $0xFFFFC000  }
0xa2: {  	[tilespmem:s15], [sflag:$0x2] =	stream.indirect.gather [hbm4b:s4+s13], $0x80, s30, s13, $0xb8;
	[tilespmem:$0x1C800] =	vst v63  }
0xa3: {  	_ =	swait.ge [sflag:s16], $0x4000  }
0xa4: {  	[sflag:s16] =	ssyncset.done $0x0  }
0xa5: {  	[sflag:s16] =	ssyncadd.s32 $0xFFFFC000  }
0xa6: {  	[spmem:s2] =	stream.indirect.scatter.add.f32 [tilespmem:s14], [sflag:$0x3], $0x80, s31, s13, $0xb8;
	[tilespmem:$0x1C800] =	vst v63  }
0xa7: {  	_ =	swait.ge [sflag:s11], $0x4000  }
0xa8: {  	[sflag:s11] =	ssyncset.done $0x0  }
0xa9: {  	[sflag:s11] =	ssyncadd.s32 $0xFFFFC000  }
0xaa: {  	_ =	swait.ge [sflag:s18], $0x4000  }
.Ltmp0:
0xab: {  	[sflag:s18] =	ssyncset.done $0x0;
	(pc) =	sbr.rel @p1 .LBB2_2-.Ltmp0, $4  }
0xac: {  	[sflag:s18] =	ssyncadd.s32 $0xFFFFC000  }
0xad: {  	[spmem:s2] =	stream.indirect.scatter.add.f32 [tilespmem:s15], [sflag:$0x3], $0x80, s0, s13, $0xb8;
	[tilespmem:$0x1C800] =	vst v63  }
0xae: {  	_ =	swait.ge [sflag:s11], $0x4000  }
0xaf: {  	s6 =	smov.u32 s7;
	[sflag:s11] =	ssyncset.done $0x0  }
0xb0: {  	s6 =	sadd.s32 s5, s9;
	[sflag:s11] =	ssyncadd.s32 $0xFFFFC000  }
0xb1: {  	[tilespmem:s3], [sflag:$0x3] =	stream.linear.gather [hbm4b:s6+s3], $0x400, $0x38;
	[tilespmem:$0x1C800] =	vst v63  }
0xb2: {  	_ =	swait.ge [sflag:s11], $0x400  }
0xb3: {  	[sflag:s11] =	ssyncset.done $0x0  }
0xb4: {  	s6 =	sadd.s32 s5, s8;
	[sflag:s11] =	ssyncadd.s32 $0xFFFFFC00  }
0xb5: {  	[tilespmem:s12], [sflag:$0x3] =	stream.linear.gather [hbm4b:s6+s3], $0x400, $0x38;
	[tilespmem:$0x1C800] =	vst v63  }
0xb6: {  	_ =	swait.ge [sflag:s11], $0x400  }
0xb7: {  	[sflag:s11] =	ssyncset.done $0x0  }
0xb8: {  	[sflag:s11] =	ssyncadd.s32 $0xFFFFFC00  }
0xb9: {  	[tilespmem:s14], [sflag:$0x1] =	stream.indirect.gather [hbm4b:s4+s13], $0x80, s3, s13, $0xb8;
	[tilespmem:$0x1C800] =	vst v63  }
0xba: {  	_ = 	snop  }
0xbb: {  	[tilespmem:s15], [sflag:$0x2] =	stream.indirect.gather [hbm4b:s4+s13], $0x80, s13, s13, $0xb8;
	[tilespmem:$0x1C800] =	vst v63  }
0xbc: {  	_ =	swait.ge [sflag:s16], $0x4000  }
0xbd: {  	[sflag:s16] =	ssyncset.done $0x0  }
0xbe: {  	[sflag:s16] =	ssyncadd.s32 $0xFFFFC000  }
0xbf: {  	[spmem:s2] =	stream.indirect.scatter.add.f32 [tilespmem:s14], [sflag:$0x3], $0x80, s12, s13, $0xb8;
	[tilespmem:$0x1C800] =	vst v63  }
0xc0: {  	_ =	swait.ge [sflag:s11], $0x4000  }
0xc1: {  	[sflag:s11] =	ssyncset.done $0x0  }
0xc2: {  	[sflag:s11] =	ssyncadd.s32 $0xFFFFC000  }
0xc3: {  	[tilespmem:s14], [sflag:$0x1] =	stream.indirect.gather [hbm4b:s4+s13], $0x80, s17, s13, $0xb8;
	[tilespmem:$0x1C800] =	vst v63  }
0xc4: {  	_ =	swait.ge [sflag:s18], $0x4000  }
0xc5: {  	[sflag:s18] =	ssyncset.done $0x0  }
0xc6: {  	[sflag:s18] =	ssyncadd.s32 $0xFFFFC000  }
0xc7: {  	[spmem:s2] =	stream.indirect.scatter.add.f32 [tilespmem:s15], [sflag:$0x3], $0x80, s19, s13, $0xb8;
	[tilespmem:$0x1C800] =	vst v63  }
0xc8: {  	_ =	swait.ge [sflag:s11], $0x4000  }
0xc9: {  	[sflag:s11] =	ssyncset.done $0x0  }
0xca: {  	[sflag:s11] =	ssyncadd.s32 $0xFFFFC000  }
0xcb: {  	[tilespmem:s15], [sflag:$0x2] =	stream.indirect.gather [hbm4b:s4+s13], $0x80, s20, s13, $0xb8;
	[tilespmem:$0x1C800] =	vst v63  }
0xcc: {  	_ =	swait.ge [sflag:s16], $0x4000  }
0xcd: {  	[sflag:s16] =	ssyncset.done $0x0  }
0xce: {  	[sflag:s16] =	ssyncadd.s32 $0xFFFFC000  }
0xcf: {  	[spmem:s2] =	stream.indirect.scatter.add.f32 [tilespmem:s14], [sflag:$0x3], $0x80, s21, s13, $0xb8;
	[tilespmem:$0x1C800] =	vst v63  }
0xd0: {  	_ =	swait.ge [sflag:s11], $0x4000  }
0xd1: {  	[sflag:s11] =	ssyncset.done $0x0  }
0xd2: {  	[sflag:s11] =	ssyncadd.s32 $0xFFFFC000  }
0xd3: {  	[tilespmem:s14], [sflag:$0x1] =	stream.indirect.gather [hbm4b:s4+s13], $0x80, s22, s13, $0xb8;
	[tilespmem:$0x1C800] =	vst v63  }
0xd4: {  	_ =	swait.ge [sflag:s18], $0x4000  }
0xd5: {  	[sflag:s18] =	ssyncset.done $0x0  }
0xd6: {  	[sflag:s18] =	ssyncadd.s32 $0xFFFFC000  }
0xd7: {  	[spmem:s2] =	stream.indirect.scatter.add.f32 [tilespmem:s15], [sflag:$0x3], $0x80, s23, s13, $0xb8;
	[tilespmem:$0x1C800] =	vst v63  }
0xd8: {  	_ =	swait.ge [sflag:s11], $0x4000  }
0xd9: {  	[sflag:s11] =	ssyncset.done $0x0  }
0xda: {  	[sflag:s11] =	ssyncadd.s32 $0xFFFFC000  }
0xdb: {  	[tilespmem:s15], [sflag:$0x2] =	stream.indirect.gather [hbm4b:s4+s13], $0x80, s24, s13, $0xb8;
	[tilespmem:$0x1C800] =	vst v63  }
0xdc: {  	_ =	swait.ge [sflag:s16], $0x4000  }
0xdd: {  	[sflag:s16] =	ssyncset.done $0x0  }
0xde: {  	[sflag:s16] =	ssyncadd.s32 $0xFFFFC000  }
0xdf: {  	[spmem:s2] =	stream.indirect.scatter.add.f32 [tilespmem:s14], [sflag:$0x3], $0x80, s26, s13, $0xb8;
	[tilespmem:$0x1C800] =	vst v63  }
0xe0: {  	_ =	swait.ge [sflag:s11], $0x4000  }
0xe1: {  	[sflag:s11] =	ssyncset.done $0x0  }
0xe2: {  	[sflag:s11] =	ssyncadd.s32 $0xFFFFC000  }
0xe3: {  	[tilespmem:s14], [sflag:$0x1] =	stream.indirect.gather [hbm4b:s4+s13], $0x80, s28, s13, $0xb8;
	[tilespmem:$0x1C800] =	vst v63  }
0xe4: {  	_ =	swait.ge [sflag:s18], $0x4000  }
0xe5: {  	[sflag:s18] =	ssyncset.done $0x0  }
0xe6: {  	[sflag:s18] =	ssyncadd.s32 $0xFFFFC000  }
0xe7: {  	[spmem:s2] =	stream.indirect.scatter.add.f32 [tilespmem:s15], [sflag:$0x3], $0x80, s29, s13, $0xb8;
	[tilespmem:$0x1C800] =	vst v63  }
0xe8: {  	_ =	swait.ge [sflag:s11], $0x4000  }
0xe9: {  	[sflag:s11] =	ssyncset.done $0x0  }
0xea: {  	[sflag:s11] =	ssyncadd.s32 $0xFFFFC000  }
0xeb: {  	[tilespmem:s15], [sflag:$0x2] =	stream.indirect.gather [hbm4b:s4+s13], $0x80, s30, s13, $0xb8;
	[tilespmem:$0x1C800] =	vst v63  }
0xec: {  	_ =	swait.ge [sflag:s16], $0x4000  }
0xed: {  	[sflag:s16] =	ssyncset.done $0x0  }
0xee: {  	[sflag:s16] =	ssyncadd.s32 $0xFFFFC000  }
0xef: {  	[spmem:s2] =	stream.indirect.scatter.add.f32 [tilespmem:s14], [sflag:$0x3], $0x80, s31, s13, $0xb8;
	[tilespmem:$0x1C800] =	vst v63  }
0xf0: {  	_ =	swait.ge [sflag:s11], $0x4000  }
0xf1: {  	[sflag:s11] =	ssyncset.done $0x0  }
0xf2: {  	[sflag:s11] =	ssyncadd.s32 $0xFFFFC000  }
0xf3: {  	_ =	swait.ge [sflag:s18], $0x4000  }
0xf4: {  	[sflag:s18] =	ssyncset.done $0x0  }
0xf5: {  	[sflag:s18] =	ssyncadd.s32 $0xFFFFC000  }
0xf6: {  	[spmem:s2] =	stream.indirect.scatter.add.f32 [tilespmem:s15], [sflag:$0x3], $0x80, s0, s13, $0xb8;
	[tilespmem:$0x1C800] =	vst v63  }
0xf7: {  	_ =	swait.ge [sflag:s11], $0x4000  }
0xf8: {  	[sflag:s11] =	ssyncset.done $0x0  }
0xf9: {  	[sflag:s11] =	ssyncadd.s32 $0xFFFFC000  }
0xfa: {  	s7 =	stileid.u32;
	[bflag:$0x0] =	sbarrier.arrive $0xFFFF  }
0xfb: {  	s5 =	sshll.u32 s7, $0x6;
	s10 =	rddreg [dreg:$0x4]  }
0xfc: {  	s5 =	sor.u32 $0x1C03, s5;
	s7 =	rddreg [dreg:$0x7]  }
0xfd: {  	[hbm:s10], [sflag:s5] =	dma.local [spmem:s7], $0x2800  }
0xfe: {  	_ =	swait.ge [sflag:s11], $0x2800  }
0xff: {  	s1 =	sadd.s32 $0x1, s1;
	s25 =	rddreg [dreg:$0x5]  }
0x100: {  	p1 =	sne.s32 s1, s25  }
.Ltmp1:
0x101: {  	_ = 	snop;
	(pc) =	sbr.rel @p1 .LBB2_1-.Ltmp1, $3  }
0x102: {  	_ =	sdelay $0x1  }
0x103: {  	[sflag:s11] =	ssyncset.done $0x0  }
0x104: {  	[sflag:s11] =	ssyncadd.s32 $0xFFFFD800  }
0x105: {  	_ =	sfence.sel $0x180000  }
0x106: {  	[bflag:$0x0] =	sbarrier.arrive $0xFFFF  }
0x107: {  	_ =	strace $0x90000050  }
0x108: {  	[bflag:$0x2] =	sbarrier.arrive $0xFFFF  }
0x109: {  	s0 =	rddreg [dreg:$0x2]  }
0x10a: {  	s0 =	sadd.s32 @!p0 $0x100000, s0  }
0x10b: {  	[sflag:s0] =	ssyncadd.tile.s32 @!p0 $0x1;
	_ =	shalt  }
.Lfunc_end2:
_tile_overlayer_lowered:
.L_overlay_start_2:
0x10c: {  	(tag) =	ssettag $0x2  }
0x10d: {  	s0 =	rddreg [dreg:$0x0];
	s2 =	stileid.u32  }
0x10e: {  	s1 =	rddreg [dreg:$0x1];
	p0 =	sne.s32 s2, $0x0  }
0x10f: {  	s3 =	rddreg [dreg:$0x2];
	[bflag:$0x3] =	sbarrier.arrive $0xFFFF;
	s2 =	simm.s32 @!p0 $0x1C03  }
0x110: {  	[timem:s3], [sflag:s2] =	dma.local @!p0 [hbm:s0], s1  }
0x111: {  	s0 =	simm.s32 @!p0 $0x3  }
0x112: {  	_ =	swait.ge @!p0 [sflag:s0], s1  }
0x113: {  	s1 =	ssub.s32 @!p0 $0x0, s1;
	[sflag:s0] =	ssyncset.done @!p0 $0x0  }
0x114: {  	[sflag:s0] =	ssyncadd.s32 @!p0 s1  }
0x115: {  	[bflag:$0x3] =	sbarrier.arrive $0xFFFF  }
0x116: {  	_ =	shalt  }

// kernel: kernel.24.cloned.1.call-start
scs
__scs_entry_jumppad:
0x0: {  	(pc) =	sbr.rel $0x88, $3  }
0x1: {  	(tag) =	ssettag $0x0;
	lr =	simm.s32 $0x1  }
0x2: {  	[smem:$0x3F99] =	sst lr;
	_ =	strace $0xD0000000  }
0x3: {  	_ = 	snop  }
0x4: {  	_ = 	snop  }
0x5: {  	_ = 	snop  }
0x6: {  	_ = 	snop  }
0x7: {  	_ = 	snop  }
__scs_overlays_trampoline_lowered:
0x8: {  	[smem:$0x3FA8] =	sst s0  }
0x9: {  	[smem:$0x3FA9] =	sst s1  }
0xa: {  	[smem:$0x3FAA] =	sst s2  }
0xb: {  	[smem:$0x3FAB] =	sst s3  }
0xc: {  	[smem:$0x3FAC] =	sst s4  }
0xd: {  	[smem:$0x3FAD] =	sst s5  }
0xe: {  	[smem:$0x3FAE] =	sst s6  }
0xf: {  	[smem:$0x3FAF] =	sst s7  }
0x10: {  	[smem:$0x3FB0] =	sst s8  }
0x11: {  	[smem:$0x3FB1] =	sst s9;
	s0 =	simm.s32 @!p0 $0x0  }
0x12: {  	s1 =	sld [smem:$0x3F97];
	s0 =	simm.s32 @p0 $0x1  }
0x13: {  	[smem:$0x3FB2] =	sst s0;
	s0 =	simm.s32 @!p1 $0x0  }
0x14: {  	s2 =	sld [smem:$0x3F96];
	s0 =	simm.s32 @p1 $0x1  }
0x15: {  	[smem:$0x3FB3] =	sst s0;
	s0 =	simm.s32 @!p2 $0x0  }
0x16: {  	s3 =	sld [smem:$0x3FDB];
	s0 =	simm.s32 @p2 $0x1  }
0x17: {  	s4 =	simm.s32 $0x1BF5;
	[smem:$0x3FB5] =	sst s0  }
0x18: {  	s0 =	sld [smem:$0x3F98];
	_ =	swait.ge [sflag:s4], $0x0  }
0x19: {  	s7 =	sld [smem:$0x3F99]  }
0x1a: {  	s8 =	sadd.s32 $0xFFFFE003, lr  }
0x1b: {  	s9 =	sadd.s32 $0xFFFFFEF7, lr;
	s5 =	simm.s32 $0xFFFFFFFF;
	p2 =	slt.u32 s8, $0xFFFFF086  }
0x1c: {  	p1 =	slt.u32 s9, $0xF7A;
	s5 =	simm.s32 @!p2 $0x0  }
0x1d: {  	s5 =	simm.s32 @p1 $0x1;
	p0 =	seq.s32 s7, s2  }
0x1e: {  	s7 =	smul.u32 @!p0 $0xF7A, s2;
	p2 =	seq.s32 @!p0 s5, $0x0  }
0x1f: {  	s9 =	smul.u32 $0xF7A, s1;
	s8 =	simm.s32 @!p0 $0x1BF5;
	p2 =	por !p2, p0  }
0x20: {  	[sflag:s8] =	ssyncset.s32 @!p0 $0xFFFFF086;
	s6 =	sadd.s32 @!p0 s3, s7;
	s7 =	simm.s32 @!p0 $0x108  }
0x21: {  	s3 =	sadd.s32 s3, s9;
	s6 =	sadd.s32 @!p0 $0x88, s6;
	s7 =	simm.s32 @p2 $0x1082  }
0x22: {  	[simem:s7], [sflag:s8] =	dma.local @!p0 [hbm:s6], $0xF7A  }
0x23: {  	s9 =	sor.u32 $0xD0000000, s2;
	s6 =	simm.s32 $0x108;
	_ =	swait.ge @!p0 [sflag:s8], $0x0  }
0x24: {  	s3 =	sadd.s32 $0x88, s3;
	s6 =	simm.s32 @!p1 $0x1082;
	[sflag:s4] =	ssyncset.s32 $0xFFFFF086  }
0x25: {  	[simem:s6], [sflag:s4] =	dma.local [hbm:s3], $0xF7A  }
0x26: {  	[smem:$0x3F99] =	sst s1;
	(tag) =	ssettag s2;
	_ =	strace s9  }
0x27: {  	s1 =	sld [smem:$0x3FA9]  }
0x28: {  	s2 =	sld [smem:$0x3FAA]  }
0x29: {  	s4 =	sld [smem:$0x3FAC]  }
0x2a: {  	p0 =	seq.s32 s5, $0x0;
	s5 =	sld [smem:$0x3FAD]  }
0x2b: {  	s6 =	sld [smem:$0x3FAE]  }
0x2c: {  	s7 =	sld [smem:$0x3FAF]  }
0x2d: {  	s3 =	simm.s32 $0x108;
	s8 =	sld [smem:$0x3FB0]  }
0x2e: {  	s3 =	simm.s32 @!p0 $0x1082;
	s9 =	sld [smem:$0x3FB1]  }
0x2f: {  	lr =	sadd.s32 s0, s3;
	s0 =	sld [smem:$0x3FA8]  }
0x30: {  	s3 =	sld [smem:$0x3FAB]  }
0x31: {  	[smem:$0x3FB4] =	sst s10  }
0x32: {  	s10 =	sld [smem:$0x3FB2];
	_ =	sdelay $0x3  }
0x33: {  	p0 =	seq.s32 s10, $0x1;
	s10 =	sld [smem:$0x3FB4];
	_ =	sdelay $0x3  }
0x34: {  	[smem:$0x3FB4] =	sst s10  }
0x35: {  	s10 =	sld [smem:$0x3FB3];
	_ =	sdelay $0x3  }
0x36: {  	p1 =	seq.s32 s10, $0x1;
	s10 =	sld [smem:$0x3FB4];
	_ =	sdelay $0x3  }
0x37: {  	[smem:$0x3FB4] =	sst s10  }
0x38: {  	s10 =	sld [smem:$0x3FB5]  }
0x39: {  	_ = 	snop;
	(pc) =	sbr.ind lr, $3  }
0x3a: {  	_ = 	snop  }
0x3b: {  	_ = 	snop  }
0x3c: {  	p2 =	seq.s32 s10, $0x1;
	s10 =	sld [smem:$0x3FB4]  }
0x3d: {  	_ =	shalt  }
0x3e: {  	_ =	shalt  }
0x3f: {  	_ =	shalt  }
0x40: {  	_ =	shalt  }
0x41: {  	_ =	shalt  }
0x42: {  	_ =	shalt  }
0x43: {  	_ =	shalt  }
0x44: {  	_ =	shalt  }
0x45: {  	_ =	shalt  }
0x46: {  	_ =	shalt  }
0x47: {  	_ =	shalt  }
0x48: {  	_ =	shalt  }
0x49: {  	_ =	shalt  }
0x4a: {  	_ =	shalt  }
0x4b: {  	_ =	shalt  }
0x4c: {  	_ =	shalt  }
0x4d: {  	_ =	shalt  }
0x4e: {  	_ =	shalt  }
0x4f: {  	_ =	shalt  }
0x50: {  	_ =	shalt  }
0x51: {  	_ =	shalt  }
0x52: {  	_ =	shalt  }
0x53: {  	_ =	shalt  }
0x54: {  	_ =	shalt  }
0x55: {  	_ =	shalt  }
0x56: {  	_ =	shalt  }
0x57: {  	_ =	shalt  }
0x58: {  	_ =	shalt  }
0x59: {  	_ =	shalt  }
0x5a: {  	_ =	shalt  }
0x5b: {  	_ =	shalt  }
0x5c: {  	_ =	shalt  }
0x5d: {  	_ =	shalt  }
0x5e: {  	_ =	shalt  }
0x5f: {  	_ =	shalt  }
0x60: {  	_ =	shalt  }
0x61: {  	_ =	shalt  }
0x62: {  	_ =	shalt  }
0x63: {  	_ =	shalt  }
0x64: {  	_ =	shalt  }
0x65: {  	_ =	shalt  }
0x66: {  	_ =	shalt  }
0x67: {  	_ =	shalt  }
0x68: {  	_ =	shalt  }
0x69: {  	_ =	shalt  }
0x6a: {  	_ =	shalt  }
0x6b: {  	_ =	shalt  }
0x6c: {  	_ =	shalt  }
0x6d: {  	_ =	shalt  }
0x6e: {  	_ =	shalt  }
0x6f: {  	_ =	shalt  }
0x70: {  	_ =	shalt  }
0x71: {  	_ =	shalt  }
0x72: {  	_ =	shalt  }
0x73: {  	_ =	shalt  }
0x74: {  	_ =	shalt  }
0x75: {  	_ =	shalt  }
0x76: {  	_ =	shalt  }
0x77: {  	_ =	shalt  }
0x78: {  	_ =	shalt  }
0x79: {  	_ =	shalt  }
0x7a: {  	_ =	shalt  }
0x7b: {  	_ =	shalt  }
0x7c: {  	_ =	shalt  }
0x7d: {  	_ =	shalt  }
0x7e: {  	_ =	shalt  }
0x7f: {  	_ =	shalt  }
0x80: {  	_ =	shalt  }
0x81: {  	_ =	shalt  }
0x82: {  	_ =	shalt  }
0x83: {  	_ =	shalt  }
0x84: {  	_ =	shalt  }
0x85: {  	_ =	shalt  }
0x86: {  	_ =	shalt  }
0x87: {  	_ =	shalt  }
.Lfunc_end0:
.L_simem_size_0:
called_computation.4_lowered:
.L_overlay_start_0:
0x88: {  	s2 =	sld [smem:$0x3FD9]  }
0x89: {  	s3 =	sld [smem:$0x3FFE];
	_ =	sdelay $0x1  }
0x8a: {  	s1 =	srdreg.scid  }
0x8b: {  	s0 =	sand.u32 $0x1, s1  }
0x8c: {  	s16 =	sshll.u32 s0, $0xA;
	s2 =	sadd.s32 s3, s2  }
0x8d: {  	s2 =	sadd.s32 s2, s16  }
0x8e: {  	[smem:$0x3FC0] =	sst s2  }
0x8f: {  	_ = 	snop  }
0x90: {  	(tm) =	ssettm $0x1  }
0x91: {  	s17 =	sld [smem:$0x3FFB];
	_ =	sdelay $0x3  }
0x92: {  	_ =	strace s17  }
0x93: {  	s2 =	sld [smem:$0x3FFC];
	_ =	sdelay $0x3  }
0x94: {  	_ =	strace s2  }
0x95: {  	s2 =	sld [smem:$0x3FFD];
	_ =	sdelay $0x3  }
0x96: {  	_ =	strace s2  }
0x97: {  	_ =	strace $0x8FFFFFFF  }
0x98: {  	s18 =	sld [smem:$0x3FDB];
	_ =	sdelay $0x1  }
0x99: {  	s19 =	simm.s32 $_scs_section_size  }
0x9a: {  	s4 =	simm.s32 $_size__tile_overlayer_lowered;
	s5 =	simm.s32 $_tile_overlayer_lowered  }
0x9b: {  	s22 =	simm.s32 $0x1BFF;
	s21 =	sshll.u32 s5, $0x1;
	s2 =	sadd.s32 s19, s18  }
0x9c: {  	s6 =	simm.s32 $0x0;
	s20 =	sshll.u32 s4, $0x1;
	s4 =	sadd.s32 s21, s2  }
0x9d: {  	[timem:s6], [sflag:s22] =	dma.local [hbm:s4], s20  }
0x9e: {  	_ =	swait.ge [sflag:s22], s20  }
0x9f: {  	s3 =	ssub.s32 $0x0, s20;
	[sflag:s22] =	ssyncset.done $0x0  }
0xa0: {  	[sflag:s22] =	ssyncadd.s32 s3;
	_ =	sdelay $0x1  }
0xa1: {  	s23 =	simm.s32 $0x1B8B  }
0xa2: {  	_ =	swait.ge [sflag:s23], $0x1  }
0xa3: {  	[sflag:s23] =	ssyncset.done $0x0  }
0xa4: {  	s25 =	simm.s32 $0x1B8E;
	s24 =	sld [smem:$0x3FFE];
	[sflag:s23] =	ssyncadd.s32 $0xFFFFFFFF  }
0xa5: {  	s26 =	simm.s32 $execute0_lowered;
	[smem:$0x3FD2] =	sst s25  }
0xa6: {  	s4 =	sshll.u32 s26, $0x1;
	_ =	strace $0x80000052;
	[dreg:$0x1] =	wrdreg $0xFFFFFFFF  }
0xa7: {  	s28 =	simm.s32 $_size_execute0_lowered;
	s2 =	sadd.s32 s2, s4;
	[dreg:$0x0] =	wrdreg $0x0  }
0xa8: {  	s4 =	sshll.u32 s28, $0x1;
	[dreg:$0x2] =	wrdreg s2  }
0xa9: {  	[dreg:$0x3] =	wrdreg s4  }
0xaa: {  	[dreg:$0x4] =	wrdreg $0xC0  }
0xab: {  	_ =	task [dreg:s6], $0x5FFFF  }
0xac: {  	[dreg:$0x1] =	wrdreg $0xFFFFFFFF  }
0xad: {  	[dreg:$0x0] =	wrdreg $0x60  }
0xae: {  	[dreg:$0x2] =	wrdreg s24  }
0xaf: {  	[dreg:$0x3] =	wrdreg $0x88000  }
0xb0: {  	[dreg:$0x4] =	wrdreg $0x9  }
0xb1: {  	_ =	task.clear_ibuf [dreg:s6], $0x5FFFF;
	_ =	strace $0x90000052  }
0xb2: {  	s29 =	simm.s32 $0x9;
	_ =	strace $0x80000054  }
0xb3: {  	_ =	swait.ge [sflag:s29], $0x1  }
0xb4: {  	[sflag:s29] =	ssyncadd.s32 $0xFFFFFFFF  }
0xb5: {  	_ =	strace $0x90000054  }
0xb6: {  	_ =	sfence  }
0xb7: {  	s30 =	sld [smem:$0x0];
	_ =	sdelay $0x2  }
0xb8: {  	s31 =	sshll.u32 s1, $0xD;
	s1 =	sshrl.u32 s1, $0x2  }
0xb9: {  	s3 =	sand.u32 $0x4000, s31;
	s1 =	sadd.s32 s1, s30  }
0xba: {  	s0 =	sor.u32 s3, s0;
	s1 =	sshll.u32 s1, $0x11  }
0xbb: {  	s0 =	sor.u32 s1, s0  }
0xbc: {  	s0 =	sadd.s32 $0x8F2B, s0  }
0xbd: {  	[sflag:s0] =	ssyncadd.remote.s32 $0x1  }
0xbe: {  	_ =	sfence.sel $0xFFFF  }
0xbf: {  	[dreg:$0x0] =	wrdreg $0xFFFFFFFF;
	(pc) =	sbr.abs _section_cstart, $3  }
0xc0: {  	[dreg:$0x1] =	wrdreg $0xFFFFFFFF  }
0xc1: {  	_ =	task.clear_ibuf [dreg:s6], $0x2FFFF;
	_ =	strace $0x9FFFFFFF  }
0xc2: {  	(tm) =	ssettm $0x7FFFFFFF  }
0xc3: {  	_ =	shalt  }
tec
execute0_lowered:
.L_overlay_start_1:
0x0: {  	(tag) =	ssettag $0x1  }
0x1: {  	s0 =	srdreg.scid;
	s1 =	rddreg [dreg:$0x0]  }
0x2: {  	s9 =	stileid.u32;
	s2 =	rddreg [dreg:$0x1]  }
0x3: {  	s3 =	simm.s32 $0x0;
	s11 =	simm.s32 $0x3;
	s12 =	simm.s32 $0x400  }
0x4: {  	s13 =	simm.s32 $0x80;
	s14 =	simm.s32 $0x800;
	s15 =	simm.s32 $0x4800  }
0x5: {  	s16 =	simm.s32 $0x1;
	s17 =	simm.s32 $0x100;
	s18 =	simm.s32 $0x2  }
0x6: {  	s19 =	simm.s32 $0x480;
	s20 =	simm.s32 $0x180;
	s5 =	smul.u32 $0x2800, s9  }
0x7: {  	s21 =	simm.s32 $0x500;
	s28 =	simm.s32 $0x300;
	s6 =	smul.u32 $0x500, s9  }
0x8: {  	s29 =	simm.s32 $0x680;
	s30 =	simm.s32 $0x380;
	s8 =	smul.u32 $0x14000, s9  }
0x9: {  	s31 =	simm.s32 $0x700;
	s0 =	sand.u32 $0x1, s0;
	s23 =	smul.u32 $0x50000, s9  }
0xa: {  	[smem:$0x7FF] =	sst s3;
	s10 =	sadd.s32 $0x8000, s1;
	s4 =	smul.u32 $0x28000, s0  }
0xb: {  	p0 =	sne.s32 s9, $0x0;
	s22 =	smul.u32 $0x140000, s0;
	_ =	strace $0x80000053  }
0xc: {  	[dreg:$0x3] =	wrdreg s10;
	s0 =	ssub.s32 $0x2, s0;
	s6 =	sadd.s32 s6, s1  }
0xd: {  	s24 =	sshrl.u32 s0, $0x1;
	s4 =	sadd.s32 s5, s4;
	s5 =	sadd.s32 s8, s22  }
0xe: {  	s8 =	sshrl.u32 s23, $0x2;
	s0 =	ssub.s32 s0, s24;
	s22 =	simm.s32 $0x200  }
0xf: {  	s23 =	simm.s32 $0x580;
	s24 =	simm.s32 $0x280;
	s7 =	sshrl.u32 s4, $0x3  }
0x10: {  	s4 =	sadd.s32 $0x30000, s1;
	s5 =	sshrl.u32 s5, $0x3;
	s25 =	sadd.s32 s8, s2  }
0x11: {  	s0 =	smax.u32 s0, $0x1;
	s8 =	sadd.s32 $0x2800, s6;
	s7 =	sadd.s32 s7, s1  }
0x12: {  	s1 =	sadd.s32 s5, s1;
	[dreg:$0x5] =	wrdreg s0;
	s0 =	sshrl.u32 @!p0 s2, $0x3  }
0x13: {  	s26 =	sshrl.u32 s25, $0x3;
	s1 =	sadd.s32 $0x7E200, s1;
	[dreg:$0x6] =	wrdreg s0  }
0x14: {  	s9 =	sadd.s32 $0xCE200, s7;
	[dreg:$0x7] =	wrdreg s26;
	s26 =	simm.s32 $0x600  }
0x15: {  	s0 =	simm.s32 $0x780;
	[dreg:$0x4] =	wrdreg s1;
	s1 =	simm.s32 $0x0  }
.LBB2_1:
0x16: {  	s6 =	rddreg [dreg:$0x3]  }
0x17: {  	s5 =	simm.s32 @!p0 $0x1C03;
	s7 =	rddreg [dreg:$0x6]  }
0x18: {  	[spmem:s7], [sflag:s5] =	dma.local @!p0 [hbm:s6], $0x28000  }
0x19: {  	s5 =	simm.s32 @!p0 $0x3  }
0x1a: {  	_ =	swait.ge @!p0 [sflag:s5], $0x28000  }
0x1b: {  	[sflag:s5] =	ssyncset.done @!p0 $0x0  }
0x1c: {  	[sflag:s5] =	ssyncadd.s32 @!p0 $0xFFFD8000  }
0x1d: {  	s10 =	sadd.s32 $0x0, s9;
	[bflag:$0x0] =	sbarrier.arrive $0xFFFF  }
0x1e: {  	[tilespmem:s3], [sflag:$0x3] =	stream.linear.gather [hbm4b:s10+s3], $0x400, $0x38;
	[tilespmem:$0x1C800] =	vst v63  }
0x1f: {  	_ =	swait.ge [sflag:s11], $0x400  }
0x20: {  	[sflag:s11] =	ssyncset.done $0x0  }
0x21: {  	s25 =	sadd.s32 $0x0, s8;
	[sflag:s11] =	ssyncadd.s32 $0xFFFFFC00  }
0x22: {  	[tilespmem:s12], [sflag:$0x3] =	stream.linear.gather [hbm4b:s25+s3], $0x400, $0x38;
	[tilespmem:$0x1C800] =	vst v63  }
0x23: {  	_ =	swait.ge [sflag:s11], $0x400  }
0x24: {  	[sflag:s11] =	ssyncset.done $0x0  }
0x25: {  	[sflag:s11] =	ssyncadd.s32 $0xFFFFFC00  }
0x26: {  	[tilespmem:s14], [sflag:$0x1] =	stream.indirect.gather [hbm4b:s4+s13], $0x80, s3, s13, $0xb8;
	[tilespmem:$0x1C800] =	vst v63  }
0x27: {  	_ = 	snop  }
0x28: {  	[tilespmem:s15], [sflag:$0x2] =	stream.indirect.gather [hbm4b:s4+s13], $0x80, s13, s13, $0xb8;
	[tilespmem:$0x1C800] =	vst v63  }
0x29: {  	_ =	swait.ge [sflag:s16], $0x4000  }
0x2a: {  	[sflag:s16] =	ssyncset.done $0x0  }
0x2b: {  	[sflag:s16] =	ssyncadd.s32 $0xFFFFC000  }
0x2c: {  	[spmem:s2] =	stream.indirect.scatter.add.f32 [tilespmem:s14], [sflag:$0x3], $0x80, s12, s13, $0xb8;
	[tilespmem:$0x1C800] =	vst v63  }
0x2d: {  	_ =	swait.ge [sflag:s11], $0x4000  }
0x2e: {  	[sflag:s11] =	ssyncset.done $0x0  }
0x2f: {  	[sflag:s11] =	ssyncadd.s32 $0xFFFFC000  }
0x30: {  	[tilespmem:s14], [sflag:$0x1] =	stream.indirect.gather [hbm4b:s4+s13], $0x80, s17, s13, $0xb8;
	[tilespmem:$0x1C800] =	vst v63  }
0x31: {  	_ =	swait.ge [sflag:s18], $0x4000  }
0x32: {  	[sflag:s18] =	ssyncset.done $0x0  }
0x33: {  	[sflag:s18] =	ssyncadd.s32 $0xFFFFC000  }
0x34: {  	[spmem:s2] =	stream.indirect.scatter.add.f32 [tilespmem:s15], [sflag:$0x3], $0x80, s19, s13, $0xb8;
	[tilespmem:$0x1C800] =	vst v63  }
0x35: {  	_ =	swait.ge [sflag:s11], $0x4000  }
0x36: {  	[sflag:s11] =	ssyncset.done $0x0  }
0x37: {  	[sflag:s11] =	ssyncadd.s32 $0xFFFFC000  }
0x38: {  	[tilespmem:s15], [sflag:$0x2] =	stream.indirect.gather [hbm4b:s4+s13], $0x80, s20, s13, $0xb8;
	[tilespmem:$0x1C800] =	vst v63  }
0x39: {  	_ =	swait.ge [sflag:s16], $0x4000  }
0x3a: {  	[sflag:s16] =	ssyncset.done $0x0  }
0x3b: {  	[sflag:s16] =	ssyncadd.s32 $0xFFFFC000  }
0x3c: {  	[spmem:s2] =	stream.indirect.scatter.add.f32 [tilespmem:s14], [sflag:$0x3], $0x80, s21, s13, $0xb8;
	[tilespmem:$0x1C800] =	vst v63  }
0x3d: {  	_ =	swait.ge [sflag:s11], $0x4000  }
0x3e: {  	[sflag:s11] =	ssyncset.done $0x0  }
0x3f: {  	[sflag:s11] =	ssyncadd.s32 $0xFFFFC000  }
0x40: {  	[tilespmem:s14], [sflag:$0x1] =	stream.indirect.gather [hbm4b:s4+s13], $0x80, s22, s13, $0xb8;
	[tilespmem:$0x1C800] =	vst v63  }
0x41: {  	_ =	swait.ge [sflag:s18], $0x4000  }
0x42: {  	[sflag:s18] =	ssyncset.done $0x0  }
0x43: {  	[sflag:s18] =	ssyncadd.s32 $0xFFFFC000  }
0x44: {  	[spmem:s2] =	stream.indirect.scatter.add.f32 [tilespmem:s15], [sflag:$0x3], $0x80, s23, s13, $0xb8;
	[tilespmem:$0x1C800] =	vst v63  }
0x45: {  	_ =	swait.ge [sflag:s11], $0x4000  }
0x46: {  	[sflag:s11] =	ssyncset.done $0x0  }
0x47: {  	[sflag:s11] =	ssyncadd.s32 $0xFFFFC000  }
0x48: {  	[tilespmem:s15], [sflag:$0x2] =	stream.indirect.gather [hbm4b:s4+s13], $0x80, s24, s13, $0xb8;
	[tilespmem:$0x1C800] =	vst v63  }
0x49: {  	_ =	swait.ge [sflag:s16], $0x4000  }
0x4a: {  	[sflag:s16] =	ssyncset.done $0x0  }
0x4b: {  	[sflag:s16] =	ssyncadd.s32 $0xFFFFC000  }
0x4c: {  	[spmem:s2] =	stream.indirect.scatter.add.f32 [tilespmem:s14], [sflag:$0x3], $0x80, s26, s13, $0xb8;
	[tilespmem:$0x1C800] =	vst v63  }
0x4d: {  	_ =	swait.ge [sflag:s11], $0x4000  }
0x4e: {  	[sflag:s11] =	ssyncset.done $0x0  }
0x4f: {  	[sflag:s11] =	ssyncadd.s32 $0xFFFFC000  }
0x50: {  	[tilespmem:s14], [sflag:$0x1] =	stream.indirect.gather [hbm4b:s4+s13], $0x80, s28, s13, $0xb8;
	[tilespmem:$0x1C800] =	vst v63  }
0x51: {  	_ =	swait.ge [sflag:s18], $0x4000  }
0x52: {  	[sflag:s18] =	ssyncset.done $0x0  }
0x53: {  	[sflag:s18] =	ssyncadd.s32 $0xFFFFC000  }
0x54: {  	[spmem:s2] =	stream.indirect.scatter.add.f32 [tilespmem:s15], [sflag:$0x3], $0x80, s29, s13, $0xb8;
	[tilespmem:$0x1C800] =	vst v63  }
0x55: {  	_ =	swait.ge [sflag:s11], $0x4000  }
0x56: {  	[sflag:s11] =	ssyncset.done $0x0  }
0x57: {  	[sflag:s11] =	ssyncadd.s32 $0xFFFFC000  }
0x58: {  	[tilespmem:s15], [sflag:$0x2] =	stream.indirect.gather [hbm4b:s4+s13], $0x80, s30, s13, $0xb8;
	[tilespmem:$0x1C800] =	vst v63  }
0x59: {  	_ =	swait.ge [sflag:s16], $0x4000  }
0x5a: {  	[sflag:s16] =	ssyncset.done $0x0  }
0x5b: {  	[sflag:s16] =	ssyncadd.s32 $0xFFFFC000  }
0x5c: {  	[spmem:s2] =	stream.indirect.scatter.add.f32 [tilespmem:s14], [sflag:$0x3], $0x80, s31, s13, $0xb8;
	[tilespmem:$0x1C800] =	vst v63  }
0x5d: {  	_ =	swait.ge [sflag:s11], $0x4000  }
0x5e: {  	[sflag:s11] =	ssyncset.done $0x0  }
0x5f: {  	[sflag:s11] =	ssyncadd.s32 $0xFFFFC000  }
0x60: {  	_ =	swait.ge [sflag:s18], $0x4000  }
0x61: {  	[sflag:s18] =	ssyncset.done $0x0  }
0x62: {  	[sflag:s18] =	ssyncadd.s32 $0xFFFFC000  }
0x63: {  	[spmem:s2] =	stream.indirect.scatter.add.f32 [tilespmem:s15], [sflag:$0x3], $0x80, s0, s13, $0xb8;
	[tilespmem:$0x1C800] =	vst v63  }
0x64: {  	_ =	swait.ge [sflag:s11], $0x4000  }
0x65: {  	s6 =	simm.s32 $0x100;
	s5 =	simm.s32 $0x80;
	[sflag:s11] =	ssyncset.done $0x0  }
.LBB2_2:
0x66: {  	s10 =	sadd.s32 s5, s9  }
0x67: {  	[sflag:s11] =	ssyncadd.s32 $0xFFFFC000;
	s25 =	smov.u32 s6;
	s7 =	sadd.s32 $0x80, s6  }
0x68: {  	[tilespmem:s3], [sflag:$0x3] =	stream.linear.gather [hbm4b:s10+s3], $0x400, $0x38;
	[tilespmem:$0x1C800] =	vst v63  }
0x69: {  	p1 =	sne.s32 s6, $0x480;
	_ =	swait.ge [sflag:s11], $0x400  }
0x6a: {  	[sflag:s11] =	ssyncset.done $0x0  }
0x6b: {  	s6 =	sadd.s32 s5, s8;
	s5 =	smov.u32 s25;
	[sflag:s11] =	ssyncadd.s32 $0xFFFFFC00  }
0x6c: {  	[tilespmem:s12], [sflag:$0x3] =	stream.linear.gather [hbm4b:s6+s3], $0x400, $0x38;
	[tilespmem:$0x1C800] =	vst v63  }
0x6d: {  	_ =	swait.ge [sflag:s11], $0x400  }
0x6e: {  	[sflag:s11] =	ssyncset.done $0x0  }
0x6f: {  	[sflag:s11] =	ssyncadd.s32 $0xFFFFFC00  }
0x70: {  	[tilespmem:s14], [sflag:$0x1] =	stream.indirect.gather [hbm4b:s4+s13], $0x80, s3, s13, $0xb8;
	[tilespmem:$0x1C800] =	vst v63  }
0x71: {  	_ = 	snop  }
0x72: {  	[tilespmem:s15], [sflag:$0x2] =	stream.indirect.gather [hbm4b:s4+s13], $0x80, s13, s13, $0xb8;
	[tilespmem:$0x1C800] =	vst v63  }
0x73: {  	_ =	swait.ge [sflag:s16], $0x4000  }
0x74: {  	[sflag:s16] =	ssyncset.done $0x0  }
0x75: {  	[sflag:s16] =	ssyncadd.s32 $0xFFFFC000  }
0x76: {  	[spmem:s2] =	stream.indirect.scatter.add.f32 [tilespmem:s14], [sflag:$0x3], $0x80, s12, s13, $0xb8;
	[tilespmem:$0x1C800] =	vst v63  }
0x77: {  	_ =	swait.ge [sflag:s11], $0x4000  }
0x78: {  	[sflag:s11] =	ssyncset.done $0x0  }
0x79: {  	[sflag:s11] =	ssyncadd.s32 $0xFFFFC000  }
0x7a: {  	[tilespmem:s14], [sflag:$0x1] =	stream.indirect.gather [hbm4b:s4+s13], $0x80, s17, s13, $0xb8;
	[tilespmem:$0x1C800] =	vst v63  }
0x7b: {  	_ =	swait.ge [sflag:s18], $0x4000  }
0x7c: {  	[sflag:s18] =	ssyncset.done $0x0  }
0x7d: {  	[sflag:s18] =	ssyncadd.s32 $0xFFFFC000  }
0x7e: {  	[spmem:s2] =	stream.indirect.scatter.add.f32 [tilespmem:s15], [sflag:$0x3], $0x80, s19, s13, $0xb8;
	[tilespmem:$0x1C800] =	vst v63  }
0x7f: {  	_ =	swait.ge [sflag:s11], $0x4000  }
0x80: {  	[sflag:s11] =	ssyncset.done $0x0  }
0x81: {  	[sflag:s11] =	ssyncadd.s32 $0xFFFFC000  }
0x82: {  	[tilespmem:s15], [sflag:$0x2] =	stream.indirect.gather [hbm4b:s4+s13], $0x80, s20, s13, $0xb8;
	[tilespmem:$0x1C800] =	vst v63  }
0x83: {  	_ =	swait.ge [sflag:s16], $0x4000  }
0x84: {  	[sflag:s16] =	ssyncset.done $0x0  }
0x85: {  	[sflag:s16] =	ssyncadd.s32 $0xFFFFC000  }
0x86: {  	[spmem:s2] =	stream.indirect.scatter.add.f32 [tilespmem:s14], [sflag:$0x3], $0x80, s21, s13, $0xb8;
	[tilespmem:$0x1C800] =	vst v63  }
0x87: {  	_ =	swait.ge [sflag:s11], $0x4000  }
0x88: {  	[sflag:s11] =	ssyncset.done $0x0  }
0x89: {  	[sflag:s11] =	ssyncadd.s32 $0xFFFFC000  }
0x8a: {  	[tilespmem:s14], [sflag:$0x1] =	stream.indirect.gather [hbm4b:s4+s13], $0x80, s22, s13, $0xb8;
	[tilespmem:$0x1C800] =	vst v63  }
0x8b: {  	_ =	swait.ge [sflag:s18], $0x4000  }
0x8c: {  	[sflag:s18] =	ssyncset.done $0x0  }
0x8d: {  	[sflag:s18] =	ssyncadd.s32 $0xFFFFC000  }
0x8e: {  	[spmem:s2] =	stream.indirect.scatter.add.f32 [tilespmem:s15], [sflag:$0x3], $0x80, s23, s13, $0xb8;
	[tilespmem:$0x1C800] =	vst v63  }
0x8f: {  	_ =	swait.ge [sflag:s11], $0x4000  }
0x90: {  	[sflag:s11] =	ssyncset.done $0x0  }
0x91: {  	[sflag:s11] =	ssyncadd.s32 $0xFFFFC000  }
0x92: {  	[tilespmem:s15], [sflag:$0x2] =	stream.indirect.gather [hbm4b:s4+s13], $0x80, s24, s13, $0xb8;
	[tilespmem:$0x1C800] =	vst v63  }
0x93: {  	_ =	swait.ge [sflag:s16], $0x4000  }
0x94: {  	[sflag:s16] =	ssyncset.done $0x0  }
0x95: {  	[sflag:s16] =	ssyncadd.s32 $0xFFFFC000  }
0x96: {  	[spmem:s2] =	stream.indirect.scatter.add.f32 [tilespmem:s14], [sflag:$0x3], $0x80, s26, s13, $0xb8;
	[tilespmem:$0x1C800] =	vst v63  }
0x97: {  	_ =	swait.ge [sflag:s11], $0x4000  }
0x98: {  	[sflag:s11] =	ssyncset.done $0x0  }
0x99: {  	[sflag:s11] =	ssyncadd.s32 $0xFFFFC000  }
0x9a: {  	[tilespmem:s14], [sflag:$0x1] =	stream.indirect.gather [hbm4b:s4+s13], $0x80, s28, s13, $0xb8;
	[tilespmem:$0x1C800] =	vst v63  }
0x9b: {  	_ =	swait.ge [sflag:s18], $0x4000  }
0x9c: {  	[sflag:s18] =	ssyncset.done $0x0  }
0x9d: {  	[sflag:s18] =	ssyncadd.s32 $0xFFFFC000  }
0x9e: {  	[spmem:s2] =	stream.indirect.scatter.add.f32 [tilespmem:s15], [sflag:$0x3], $0x80, s29, s13, $0xb8;
	[tilespmem:$0x1C800] =	vst v63  }
0x9f: {  	_ =	swait.ge [sflag:s11], $0x4000  }
0xa0: {  	[sflag:s11] =	ssyncset.done $0x0  }
0xa1: {  	[sflag:s11] =	ssyncadd.s32 $0xFFFFC000  }
0xa2: {  	[tilespmem:s15], [sflag:$0x2] =	stream.indirect.gather [hbm4b:s4+s13], $0x80, s30, s13, $0xb8;
	[tilespmem:$0x1C800] =	vst v63  }
0xa3: {  	_ =	swait.ge [sflag:s16], $0x4000  }
0xa4: {  	[sflag:s16] =	ssyncset.done $0x0  }
0xa5: {  	[sflag:s16] =	ssyncadd.s32 $0xFFFFC000  }
0xa6: {  	[spmem:s2] =	stream.indirect.scatter.add.f32 [tilespmem:s14], [sflag:$0x3], $0x80, s31, s13, $0xb8;
	[tilespmem:$0x1C800] =	vst v63  }
0xa7: {  	_ =	swait.ge [sflag:s11], $0x4000  }
0xa8: {  	[sflag:s11] =	ssyncset.done $0x0  }
0xa9: {  	[sflag:s11] =	ssyncadd.s32 $0xFFFFC000  }
0xaa: {  	_ =	swait.ge [sflag:s18], $0x4000  }
.Ltmp0:
0xab: {  	[sflag:s18] =	ssyncset.done $0x0;
	(pc) =	sbr.rel @p1 .LBB2_2-.Ltmp0, $4  }
0xac: {  	[sflag:s18] =	ssyncadd.s32 $0xFFFFC000  }
0xad: {  	[spmem:s2] =	stream.indirect.scatter.add.f32 [tilespmem:s15], [sflag:$0x3], $0x80, s0, s13, $0xb8;
	[tilespmem:$0x1C800] =	vst v63  }
0xae: {  	_ =	swait.ge [sflag:s11], $0x4000  }
0xaf: {  	s6 =	smov.u32 s7;
	[sflag:s11] =	ssyncset.done $0x0  }
0xb0: {  	s6 =	sadd.s32 s5, s9;
	[sflag:s11] =	ssyncadd.s32 $0xFFFFC000  }
0xb1: {  	[tilespmem:s3], [sflag:$0x3] =	stream.linear.gather [hbm4b:s6+s3], $0x400, $0x38;
	[tilespmem:$0x1C800] =	vst v63  }
0xb2: {  	_ =	swait.ge [sflag:s11], $0x400  }
0xb3: {  	[sflag:s11] =	ssyncset.done $0x0  }
0xb4: {  	s6 =	sadd.s32 s5, s8;
	[sflag:s11] =	ssyncadd.s32 $0xFFFFFC00  }
0xb5: {  	[tilespmem:s12], [sflag:$0x3] =	stream.linear.gather [hbm4b:s6+s3], $0x400, $0x38;
	[tilespmem:$0x1C800] =	vst v63  }
0xb6: {  	_ =	swait.ge [sflag:s11], $0x400  }
0xb7: {  	[sflag:s11] =	ssyncset.done $0x0  }
0xb8: {  	[sflag:s11] =	ssyncadd.s32 $0xFFFFFC00  }
0xb9: {  	[tilespmem:s14], [sflag:$0x1] =	stream.indirect.gather [hbm4b:s4+s13], $0x80, s3, s13, $0xb8;
	[tilespmem:$0x1C800] =	vst v63  }
0xba: {  	_ = 	snop  }
0xbb: {  	[tilespmem:s15], [sflag:$0x2] =	stream.indirect.gather [hbm4b:s4+s13], $0x80, s13, s13, $0xb8;
	[tilespmem:$0x1C800] =	vst v63  }
0xbc: {  	_ =	swait.ge [sflag:s16], $0x4000  }
0xbd: {  	[sflag:s16] =	ssyncset.done $0x0  }
0xbe: {  	[sflag:s16] =	ssyncadd.s32 $0xFFFFC000  }
0xbf: {  	[spmem:s2] =	stream.indirect.scatter.add.f32 [tilespmem:s14], [sflag:$0x3], $0x80, s12, s13, $0xb8;
	[tilespmem:$0x1C800] =	vst v63  }
0xc0: {  	_ =	swait.ge [sflag:s11], $0x4000  }
0xc1: {  	[sflag:s11] =	ssyncset.done $0x0  }
0xc2: {  	[sflag:s11] =	ssyncadd.s32 $0xFFFFC000  }
0xc3: {  	[tilespmem:s14], [sflag:$0x1] =	stream.indirect.gather [hbm4b:s4+s13], $0x80, s17, s13, $0xb8;
	[tilespmem:$0x1C800] =	vst v63  }
0xc4: {  	_ =	swait.ge [sflag:s18], $0x4000  }
0xc5: {  	[sflag:s18] =	ssyncset.done $0x0  }
0xc6: {  	[sflag:s18] =	ssyncadd.s32 $0xFFFFC000  }
0xc7: {  	[spmem:s2] =	stream.indirect.scatter.add.f32 [tilespmem:s15], [sflag:$0x3], $0x80, s19, s13, $0xb8;
	[tilespmem:$0x1C800] =	vst v63  }
0xc8: {  	_ =	swait.ge [sflag:s11], $0x4000  }
0xc9: {  	[sflag:s11] =	ssyncset.done $0x0  }
0xca: {  	[sflag:s11] =	ssyncadd.s32 $0xFFFFC000  }
0xcb: {  	[tilespmem:s15], [sflag:$0x2] =	stream.indirect.gather [hbm4b:s4+s13], $0x80, s20, s13, $0xb8;
	[tilespmem:$0x1C800] =	vst v63  }
0xcc: {  	_ =	swait.ge [sflag:s16], $0x4000  }
0xcd: {  	[sflag:s16] =	ssyncset.done $0x0  }
0xce: {  	[sflag:s16] =	ssyncadd.s32 $0xFFFFC000  }
0xcf: {  	[spmem:s2] =	stream.indirect.scatter.add.f32 [tilespmem:s14], [sflag:$0x3], $0x80, s21, s13, $0xb8;
	[tilespmem:$0x1C800] =	vst v63  }
0xd0: {  	_ =	swait.ge [sflag:s11], $0x4000  }
0xd1: {  	[sflag:s11] =	ssyncset.done $0x0  }
0xd2: {  	[sflag:s11] =	ssyncadd.s32 $0xFFFFC000  }
0xd3: {  	[tilespmem:s14], [sflag:$0x1] =	stream.indirect.gather [hbm4b:s4+s13], $0x80, s22, s13, $0xb8;
	[tilespmem:$0x1C800] =	vst v63  }
0xd4: {  	_ =	swait.ge [sflag:s18], $0x4000  }
0xd5: {  	[sflag:s18] =	ssyncset.done $0x0  }
0xd6: {  	[sflag:s18] =	ssyncadd.s32 $0xFFFFC000  }
0xd7: {  	[spmem:s2] =	stream.indirect.scatter.add.f32 [tilespmem:s15], [sflag:$0x3], $0x80, s23, s13, $0xb8;
	[tilespmem:$0x1C800] =	vst v63  }
0xd8: {  	_ =	swait.ge [sflag:s11], $0x4000  }
0xd9: {  	[sflag:s11] =	ssyncset.done $0x0  }
0xda: {  	[sflag:s11] =	ssyncadd.s32 $0xFFFFC000  }
0xdb: {  	[tilespmem:s15], [sflag:$0x2] =	stream.indirect.gather [hbm4b:s4+s13], $0x80, s24, s13, $0xb8;
	[tilespmem:$0x1C800] =	vst v63  }
0xdc: {  	_ =	swait.ge [sflag:s16], $0x4000  }
0xdd: {  	[sflag:s16] =	ssyncset.done $0x0  }
0xde: {  	[sflag:s16] =	ssyncadd.s32 $0xFFFFC000  }
0xdf: {  	[spmem:s2] =	stream.indirect.scatter.add.f32 [tilespmem:s14], [sflag:$0x3], $0x80, s26, s13, $0xb8;
	[tilespmem:$0x1C800] =	vst v63  }
0xe0: {  	_ =	swait.ge [sflag:s11], $0x4000  }
0xe1: {  	[sflag:s11] =	ssyncset.done $0x0  }
0xe2: {  	[sflag:s11] =	ssyncadd.s32 $0xFFFFC000  }
0xe3: {  	[tilespmem:s14], [sflag:$0x1] =	stream.indirect.gather [hbm4b:s4+s13], $0x80, s28, s13, $0xb8;
	[tilespmem:$0x1C800] =	vst v63  }
0xe4: {  	_ =	swait.ge [sflag:s18], $0x4000  }
0xe5: {  	[sflag:s18] =	ssyncset.done $0x0  }
0xe6: {  	[sflag:s18] =	ssyncadd.s32 $0xFFFFC000  }
0xe7: {  	[spmem:s2] =	stream.indirect.scatter.add.f32 [tilespmem:s15], [sflag:$0x3], $0x80, s29, s13, $0xb8;
	[tilespmem:$0x1C800] =	vst v63  }
0xe8: {  	_ =	swait.ge [sflag:s11], $0x4000  }
0xe9: {  	[sflag:s11] =	ssyncset.done $0x0  }
0xea: {  	[sflag:s11] =	ssyncadd.s32 $0xFFFFC000  }
0xeb: {  	[tilespmem:s15], [sflag:$0x2] =	stream.indirect.gather [hbm4b:s4+s13], $0x80, s30, s13, $0xb8;
	[tilespmem:$0x1C800] =	vst v63  }
0xec: {  	_ =	swait.ge [sflag:s16], $0x4000  }
0xed: {  	[sflag:s16] =	ssyncset.done $0x0  }
0xee: {  	[sflag:s16] =	ssyncadd.s32 $0xFFFFC000  }
0xef: {  	[spmem:s2] =	stream.indirect.scatter.add.f32 [tilespmem:s14], [sflag:$0x3], $0x80, s31, s13, $0xb8;
	[tilespmem:$0x1C800] =	vst v63  }
0xf0: {  	_ =	swait.ge [sflag:s11], $0x4000  }
0xf1: {  	[sflag:s11] =	ssyncset.done $0x0  }
0xf2: {  	[sflag:s11] =	ssyncadd.s32 $0xFFFFC000  }
0xf3: {  	_ =	swait.ge [sflag:s18], $0x4000  }
0xf4: {  	[sflag:s18] =	ssyncset.done $0x0  }
0xf5: {  	[sflag:s18] =	ssyncadd.s32 $0xFFFFC000  }
0xf6: {  	[spmem:s2] =	stream.indirect.scatter.add.f32 [tilespmem:s15], [sflag:$0x3], $0x80, s0, s13, $0xb8;
	[tilespmem:$0x1C800] =	vst v63  }
0xf7: {  	_ =	swait.ge [sflag:s11], $0x4000  }
0xf8: {  	[sflag:s11] =	ssyncset.done $0x0  }
0xf9: {  	[sflag:s11] =	ssyncadd.s32 $0xFFFFC000  }
0xfa: {  	s7 =	stileid.u32;
	[bflag:$0x0] =	sbarrier.arrive $0xFFFF  }
0xfb: {  	s5 =	sshll.u32 s7, $0x6;
	s10 =	rddreg [dreg:$0x4]  }
0xfc: {  	s5 =	sor.u32 $0x1C03, s5;
	s7 =	rddreg [dreg:$0x7]  }
0xfd: {  	[hbm:s10], [sflag:s5] =	dma.local [spmem:s7], $0x2800  }
0xfe: {  	_ =	swait.ge [sflag:s11], $0x2800  }
0xff: {  	s1 =	sadd.s32 $0x1, s1;
	s25 =	rddreg [dreg:$0x5]  }
0x100: {  	p1 =	sne.s32 s1, s25  }
.Ltmp1:
0x101: {  	_ = 	snop;
	(pc) =	sbr.rel @p1 .LBB2_1-.Ltmp1, $3  }
0x102: {  	_ =	sdelay $0x1  }
0x103: {  	[sflag:s11] =	ssyncset.done $0x0  }
0x104: {  	[sflag:s11] =	ssyncadd.s32 $0xFFFFD800  }
0x105: {  	_ =	sfence.sel $0x180000  }
0x106: {  	[bflag:$0x0] =	sbarrier.arrive $0xFFFF  }
0x107: {  	_ =	strace $0x90000053  }
0x108: {  	[bflag:$0x2] =	sbarrier.arrive $0xFFFF  }
0x109: {  	s0 =	rddreg [dreg:$0x2]  }
0x10a: {  	s0 =	sadd.s32 @!p0 $0x100000, s0  }
0x10b: {  	[sflag:s0] =	ssyncadd.tile.s32 @!p0 $0x1;
	_ =	shalt  }
.Lfunc_end2:
_tile_overlayer_lowered:
.L_overlay_start_2:
0x10c: {  	(tag) =	ssettag $0x2  }
0x10d: {  	s0 =	rddreg [dreg:$0x0];
	s2 =	stileid.u32  }
0x10e: {  	s1 =	rddreg [dreg:$0x1];
	p0 =	sne.s32 s2, $0x0  }
0x10f: {  	s3 =	rddreg [dreg:$0x2];
	[bflag:$0x3] =	sbarrier.arrive $0xFFFF;
	s2 =	simm.s32 @!p0 $0x1C03  }
0x110: {  	[timem:s3], [sflag:s2] =	dma.local @!p0 [hbm:s0], s1  }
0x111: {  	s0 =	simm.s32 @!p0 $0x3  }
0x112: {  	_ =	swait.ge @!p0 [sflag:s0], s1  }
0x113: {  	s1 =	ssub.s32 @!p0 $0x0, s1;
	[sflag:s0] =	ssyncset.done @!p0 $0x0  }
0x114: {  	[sflag:s0] =	ssyncadd.s32 @!p0 s1  }
0x115: {  	[bflag:$0x3] =	sbarrier.arrive $0xFFFF  }
0x116: {  	_ =	shalt  }

</sc_bundles>
